<compile_context>
chip_gen: v7x
topology: tpu7x:2x2x1
jax: 0.10.2.dev20260603
libtpu: 0.0.44.dev20260713+nightly
codegen_flags: <defaults>
</compile_context>

<pallas_src>
import jax
import jax.numpy as jnp
from jax import lax
from jax.experimental import pallas as pl
from jax.experimental.pallas import tpu as pltpu
from jax.experimental.pallas import tpu_sc as plsc

B, C_IN, L = 1024, 32, 50
N_CAT, VOCAB, EMB = 26, 100000, 32
N_CONT = C_IN - N_CAT
C_OUT = N_CAT * EMB + N_CONT

NC, NS = 2, 16
LB = 2
NBLK = L // LB


def _sc_body(xT, tT, outT, trow, xb0, xb1, ob0, ob1, st, sx0, sx1, so0, so1):
    w = lax.axis_index("s") * NC + lax.axis_index("c")
    xb = (xb0, xb1)
    ob = (ob0, ob1)
    sx = (sx0, sx1)
    so = (so0, so1)

    @pl.when(w < N_CONT)
    def _cont():
        @pl.loop(0, NBLK)
        def _t(t):
            l0 = t * LB
            pltpu.sync_copy(xT.at[pl.ds(l0, LB), N_CAT + w], xb0)
            pltpu.sync_copy(xb0, outT.at[pl.ds(l0, LB), N_CAT * EMB + w])

    @pl.loop(0, N_CAT)
    def _chan(i):
        ch = i * EMB + w

        def block(l0, c, wait_ob, fetch_next):
            xbc, obc = xb[c], ob[c]
            pltpu.make_async_copy(xT.at[pl.ds(l0, LB), i], xbc, sx[c]).wait()
            if wait_ob:
                pltpu.make_async_copy(obc, outT.at[pl.ds(0, LB), ch], so[c]).wait()

            for dl in range(LB):
                @pl.loop(0, B // 16, unroll=8)
                def _k(k, dl=dl):
                    v = xbc[dl, pl.ds(k * 16, 16)]
                    obc[dl, pl.ds(k * 16, 16)] = plsc.load_gather(
                        trow, [v.astype(jnp.int32)]
                    )

            pltpu.make_async_copy(obc, outT.at[pl.ds(l0, LB), ch], so[c]).start()
            if fetch_next:
                pltpu.make_async_copy(
                    xT.at[pl.ds(l0 + 2 * LB, LB), i], xbc, sx[c]
                ).start()

        tcp = pltpu.make_async_copy(tT.at[i, w], trow, st)
        tcp.start()
        pltpu.make_async_copy(xT.at[pl.ds(0, LB), i], xb[0], sx[0]).start()
        pltpu.make_async_copy(xT.at[pl.ds(LB, LB), i], xb[1], sx[1]).start()
        tcp.wait()

        block(0, 0, wait_ob=False, fetch_next=True)
        block(LB, 1, wait_ob=False, fetch_next=True)

        @pl.loop(0, (NBLK - 3) // 2)
        def _pair(p):
            l0 = (2 * p + 2) * LB
            block(l0, 0, wait_ob=True, fetch_next=True)

            xbc, obc = xb[1], ob[1]
            pltpu.make_async_copy(xT.at[pl.ds(l0 + LB, LB), i], xbc, sx[1]).wait()
            pltpu.make_async_copy(obc, outT.at[pl.ds(0, LB), ch], so[1]).wait()
            for dl in range(LB):
                @pl.loop(0, B // 16, unroll=8)
                def _k2(k, dl=dl):
                    v = xbc[dl, pl.ds(k * 16, 16)]
                    obc[dl, pl.ds(k * 16, 16)] = plsc.load_gather(
                        trow, [v.astype(jnp.int32)]
                    )
            pltpu.make_async_copy(obc, outT.at[pl.ds(l0 + LB, LB), ch], so[1]).start()

            @pl.when(p < (NBLK - 3) // 2 - 1)
            def _prefetch():
                pltpu.make_async_copy(
                    xT.at[pl.ds(l0 + 3 * LB, LB), i], xb[1], sx[1]
                ).start()

        block((NBLK - 1) * LB, 0, wait_ob=True, fetch_next=False)

        pltpu.make_async_copy(ob[0], outT.at[pl.ds(0, LB), ch], so[0]).wait()
        pltpu.make_async_copy(ob[1], outT.at[pl.ds(0, LB), ch], so[1]).wait()


@jax.jit
def _multi_embedding(xT, tT):
    mesh = plsc.VectorSubcoreMesh(
        core_axis_name="c", subcore_axis_name="s", num_cores=NC, num_subcores=NS
    )
    return pl.kernel(
        _sc_body,
        out_type=jax.ShapeDtypeStruct((L, C_OUT, B), jnp.float32),
        mesh=mesh,
        scratch_types=[
            pltpu.VMEM((VOCAB,), jnp.float32),
            pltpu.VMEM((LB, B), jnp.float32),
            pltpu.VMEM((LB, B), jnp.float32),
            pltpu.VMEM((LB, B), jnp.float32),
            pltpu.VMEM((LB, B), jnp.float32),
            pltpu.SemaphoreType.DMA,
            pltpu.SemaphoreType.DMA,
            pltpu.SemaphoreType.DMA,
            pltpu.SemaphoreType.DMA,
            pltpu.SemaphoreType.DMA,
        ],
        compiler_params=pltpu.CompilerParams(
            needs_layout_passes=False, use_tc_tiling_on_sc=True
        ),
    )(xT, tT)


def kernel(x, tables):
    xT = jnp.transpose(x, (2, 1, 0))
    tT = jnp.transpose(tables, (0, 2, 1))
    outT = _multi_embedding(xT, tT)
    return jnp.transpose(outT, (2, 1, 0))

# --- scband reference (transcript-rebuilt; emitter-appended) ---
"""Pipeline reference for scband-multi-embedding-24919400251763 (READ-ONLY COPY).

The authoritative reference and input builder live on the scoring server;
editing this copy changes nothing except your own understanding.
"""

import jax, jax.numpy as jnp
import numpy as np

B, C_IN, L = 1024, 32, 50
N_CAT, VOCAB, EMB = 26, 100000, 32


def setup_inputs(seed: int = 0) -> dict:
    key = jax.random.key(seed)
    kx, kt = jax.random.split(key)
    # x holds integer-valued categorical codes (channels 0..25) and continuous
    # values (channels 26..31); original module stores both as float and rounds.
    x = jax.random.randint(kx, (B, C_IN, L), 0, VOCAB).astype(jnp.float32)
    # 26 embedding tables, each [VOCAB, EMB], trunc-normal(std=0.01) init approximated by normal*0.01
    tables = jax.random.normal(kt, (N_CAT, VOCAB, EMB), dtype=jnp.float32) * 0.01
    return {"x": x, "tables": tables}


def reference(x, tables):
    # cat_pos = arange(26), cont_pos = arange(26, 32) per module defaults
    x_cat = x[:, :N_CAT, :]   # [B, N_CAT, L]
    x_cont = x[:, N_CAT:, :]  # [B, C_IN - N_CAT, L]
    idx = jax.lax.stop_gradient(jnp.round(x_cat)).astype(jnp.int32)  # [B, N_CAT, L]
    outs = []
    for i in range(N_CAT):
        e = jnp.take(tables[i], idx[:, i, :], axis=0)  # [B, L, EMB]
        outs.append(jnp.transpose(e, (0, 2, 1)))       # [B, EMB, L]
    x_cat_emb = jnp.concatenate(outs, axis=1)          # [B, N_CAT*EMB, L]
    return jnp.concatenate([x_cat_emb, x_cont], axis=1)  # [B, N_CAT*EMB + 6, L]

if __name__ == "__main__":
    import jax
    _d = setup_inputs()
    print(jax.jit(kernel)(*tuple(_d.values())))

</pallas_src>

<mosaic_0001>
#map = affine_map<(d0, d1) -> (0, 0, 0)>
module attributes {stable_mosaic.version = 14 : i64} {
  func.func @_sc_body(%arg0: i32, %arg1: i32, %arg2: memref<50x32x1024xf32, #tpu.memory_space<hbm>>, %arg3: memref<26x32x100000xf32, #tpu.memory_space<hbm>>, %arg4: memref<50x838x1024xf32, #tpu.memory_space<hbm>>, %arg5: memref<100000xf32, #tpu.memory_space<vmem>>, %arg6: memref<2x1024xf32, #tpu.memory_space<vmem>>, %arg7: memref<2x1024xf32, #tpu.memory_space<vmem>>, %arg8: memref<2x1024xf32, #tpu.memory_space<vmem>>, %arg9: memref<2x1024xf32, #tpu.memory_space<vmem>>, %arg10: memref<!tpu.dma_semaphore, #tpu.memory_space<semaphore_mem>>, %arg11: memref<!tpu.dma_semaphore, #tpu.memory_space<semaphore_mem>>, %arg12: memref<!tpu.dma_semaphore, #tpu.memory_space<semaphore_mem>>, %arg13: memref<!tpu.dma_semaphore, #tpu.memory_space<semaphore_mem>>, %arg14: memref<!tpu.dma_semaphore, #tpu.memory_space<semaphore_mem>>) attributes {dimension_semantics = [#tpu.dimension_semantics<core_parallel>, #tpu.dimension_semantics<subcore_parallel>], iteration_bounds = array<i64: 2, 16>, scalar_prefetch = 0 : i64, scratch_operands = 10 : i64, tpu.core_type = #tpu.core_type<sc_vector_subcore>, window_params = [{transform_indices = #map}, {transform_indices = #map}, {transform_indices = #map}]} {
    %mul3A = arith.constant 2 : i32
    %mul3A_0 = arith.muli %arg1, %mul3A : i32
    %add3A = arith.addi %mul3A_0, %arg0 : i32
    %lt3A = arith.constant 6 : i32
    %lt3A_1 = arith.cmpi slt, %add3A, %lt3A : i32
    %convert_element_type3A = arith.extui %lt3A_1 : i1 to i32
    %cond3A = arith.constant 0 : i32
    %cond3A_2 = arith.cmpi ne, %convert_element_type3A, %cond3A : i32
    scf.if %cond3A_2 {
      %scan3A_7 = arith.constant 0 : i32
      %scan3A_8 = arith.constant 25 : i32
      %scan3A_9 = arith.addi %scan3A_7, %scan3A_8 : i32
      %scan3A_10 = arith.constant 1 : i32
      scf.for %scan3A_12 = %scan3A_7 to %scan3A_9 step %scan3A_10  : i32 {
        %mul3A_13 = arith.constant 1 : i32
        %mul3A_14 = arith.muli %scan3A_12, %mul3A_13 : i32
        %add3A_15 = arith.constant 0 : i32
        %add3A_16 = arith.addi %add3A_15, %mul3A_14 : i32
        %mul3A_17 = arith.constant 2 : i32
        %mul3A_18 = arith.muli %add3A_16, %mul3A_17 : i32
        %add3A_19 = arith.constant 26 : i32
        %add3A_20 = arith.addi %add3A_19, %add3A : i32
        "tpu.region"() ({
          %run_scoped3A = tpu.sem_alloc : memref<!tpu.dma_semaphore, #tpu.memory_space<semaphore_mem>>
          %dma_start3A = arith.constant 0 : i32
          %dma_start3A_23 = tpu.memref_slice %arg2[%mul3A_18, %add3A_20, %dma_start3A] : memref<50x32x1024xf32, #tpu.memory_space<hbm>> -> memref<2x1x1024xf32, #tpu.memory_space<hbm>>
          %dma_start3A_24 = tpu.memref_squeeze %dma_start3A_23 : memref<2x1x1024xf32, #tpu.memory_space<hbm>> -> memref<2x1024xf32, #tpu.memory_space<hbm>>
          %dma_start3A_25 = arith.constant 0 : i32
          %dma_start3A_26 = tpu.memref_slice %arg2[%mul3A_18, %add3A_20, %dma_start3A_25] : memref<50x32x1024xf32, #tpu.memory_space<hbm>> -> memref<2x1x1024xf32, #tpu.memory_space<hbm>>
          %dma_start3A_27 = tpu.memref_squeeze %dma_start3A_26 : memref<2x1x1024xf32, #tpu.memory_space<hbm>> -> memref<2x1024xf32, #tpu.memory_space<hbm>>
          tpu.enqueue_dma source(%dma_start3A_27 : memref<2x1024xf32, #tpu.memory_space<hbm>>) target(%arg6 : memref<2x1024xf32, #tpu.memory_space<vmem>>) target_semaphore(%run_scoped3A : memref<!tpu.dma_semaphore, #tpu.memory_space<semaphore_mem>>)
          %dma_wait3A = arith.constant 0 : i32
          %dma_wait3A_28 = tpu.memref_slice %arg2[%mul3A_18, %add3A_20, %dma_wait3A] : memref<50x32x1024xf32, #tpu.memory_space<hbm>> -> memref<2x1x1024xf32, #tpu.memory_space<hbm>>
          %dma_wait3A_29 = tpu.memref_squeeze %dma_wait3A_28 : memref<2x1x1024xf32, #tpu.memory_space<hbm>> -> memref<2x1024xf32, #tpu.memory_space<hbm>>
          %dma_wait3A_30 = arith.constant 0 : i32
          %dma_wait3A_31 = tpu.memref_slice %arg2[%mul3A_18, %add3A_20, %dma_wait3A_30] : memref<50x32x1024xf32, #tpu.memory_space<hbm>> -> memref<2x1x1024xf32, #tpu.memory_space<hbm>>
          %dma_wait3A_32 = tpu.memref_squeeze %dma_wait3A_31 : memref<2x1x1024xf32, #tpu.memory_space<hbm>> -> memref<2x1024xf32, #tpu.memory_space<hbm>>
          tpu.wait_dma2 semaphore(%run_scoped3A : memref<!tpu.dma_semaphore, #tpu.memory_space<semaphore_mem>>) src(%dma_wait3A_32 : memref<2x1024xf32, #tpu.memory_space<hbm>>) dst(%arg6 : memref<2x1024xf32, #tpu.memory_space<vmem>>)
          tpu.yield
        }) : () -> ()
        %add3A_21 = arith.constant 832 : i32
        %add3A_22 = arith.addi %add3A_21, %add3A : i32
        "tpu.region"() ({
          %run_scoped3A = tpu.sem_alloc : memref<!tpu.dma_semaphore, #tpu.memory_space<semaphore_mem>>
          %dma_start3A = arith.constant 0 : i32
          %dma_start3A_23 = tpu.memref_slice %arg4[%mul3A_18, %add3A_22, %dma_start3A] : memref<50x838x1024xf32, #tpu.memory_space<hbm>> -> memref<2x1x1024xf32, #tpu.memory_space<hbm>>
          %dma_start3A_24 = tpu.memref_squeeze %dma_start3A_23 : memref<2x1x1024xf32, #tpu.memory_space<hbm>> -> memref<2x1024xf32, #tpu.memory_space<hbm>>
          %dma_start3A_25 = arith.constant 0 : i32
          %dma_start3A_26 = tpu.memref_slice %arg4[%mul3A_18, %add3A_22, %dma_start3A_25] : memref<50x838x1024xf32, #tpu.memory_space<hbm>> -> memref<2x1x1024xf32, #tpu.memory_space<hbm>>
          %dma_start3A_27 = tpu.memref_squeeze %dma_start3A_26 : memref<2x1x1024xf32, #tpu.memory_space<hbm>> -> memref<2x1024xf32, #tpu.memory_space<hbm>>
          tpu.enqueue_dma source(%arg6 : memref<2x1024xf32, #tpu.memory_space<vmem>>) target(%dma_start3A_27 : memref<2x1024xf32, #tpu.memory_space<hbm>>) target_semaphore(%run_scoped3A : memref<!tpu.dma_semaphore, #tpu.memory_space<semaphore_mem>>)
          %dma_wait3A = arith.constant 0 : i32
          %dma_wait3A_28 = tpu.memref_slice %arg4[%mul3A_18, %add3A_22, %dma_wait3A] : memref<50x838x1024xf32, #tpu.memory_space<hbm>> -> memref<2x1x1024xf32, #tpu.memory_space<hbm>>
          %dma_wait3A_29 = tpu.memref_squeeze %dma_wait3A_28 : memref<2x1x1024xf32, #tpu.memory_space<hbm>> -> memref<2x1024xf32, #tpu.memory_space<hbm>>
          %dma_wait3A_30 = arith.constant 0 : i32
          %dma_wait3A_31 = tpu.memref_slice %arg4[%mul3A_18, %add3A_22, %dma_wait3A_30] : memref<50x838x1024xf32, #tpu.memory_space<hbm>> -> memref<2x1x1024xf32, #tpu.memory_space<hbm>>
          %dma_wait3A_32 = tpu.memref_squeeze %dma_wait3A_31 : memref<2x1x1024xf32, #tpu.memory_space<hbm>> -> memref<2x1024xf32, #tpu.memory_space<hbm>>
          tpu.wait_dma2 semaphore(%run_scoped3A : memref<!tpu.dma_semaphore, #tpu.memory_space<semaphore_mem>>) src(%arg6 : memref<2x1024xf32, #tpu.memory_space<vmem>>) dst(%dma_wait3A_32 : memref<2x1024xf32, #tpu.memory_space<hbm>>)
          tpu.yield
        }) : () -> ()
      }
      %scan3A_11 = arith.constant 25 : i32
    } else {
    }
    %scan3A = arith.constant 0 : i32
    %scan3A_3 = arith.constant 26 : i32
    %scan3A_4 = arith.addi %scan3A, %scan3A_3 : i32
    %scan3A_5 = arith.constant 1 : i32
    scf.for %scan3A_7 = %scan3A to %scan3A_4 step %scan3A_5  : i32 {
      %mul3A_8 = arith.constant 1 : i32
      %mul3A_9 = arith.muli %scan3A_7, %mul3A_8 : i32
      %add3A_10 = arith.constant 0 : i32
      %add3A_11 = arith.addi %add3A_10, %mul3A_9 : i32
      %mul3A_12 = arith.constant 32 : i32
      %mul3A_13 = arith.muli %add3A_11, %mul3A_12 : i32
      %add3A_14 = arith.addi %mul3A_13, %add3A : i32
      %dma_start3A = arith.constant 0 : i32
      %dma_start3A_15 = tpu.memref_slice %arg3[%add3A_11, %add3A, %dma_start3A] : memref<26x32x100000xf32, #tpu.memory_space<hbm>> -> memref<1x1x100000xf32, #tpu.memory_space<hbm>>
      %dma_start3A_16 = tpu.memref_squeeze %dma_start3A_15 : memref<1x1x100000xf32, #tpu.memory_space<hbm>> -> memref<100000xf32, #tpu.memory_space<hbm>>
      %dma_start3A_17 = arith.constant 0 : i32
      %dma_start3A_18 = tpu.memref_slice %arg3[%add3A_11, %add3A, %dma_start3A_17] : memref<26x32x100000xf32, #tpu.memory_space<hbm>> -> memref<1x1x100000xf32, #tpu.memory_space<hbm>>
      %dma_start3A_19 = tpu.memref_squeeze %dma_start3A_18 : memref<1x1x100000xf32, #tpu.memory_space<hbm>> -> memref<100000xf32, #tpu.memory_space<hbm>>
      tpu.enqueue_dma source(%dma_start3A_19 : memref<100000xf32, #tpu.memory_space<hbm>>) target(%arg5 : memref<100000xf32, #tpu.memory_space<vmem>>) target_semaphore(%arg10 : memref<!tpu.dma_semaphore, #tpu.memory_space<semaphore_mem>>)
      %dma_start3A_20 = arith.constant 0 : i32
      %dma_start3A_21 = arith.constant 0 : i32
      %dma_start3A_22 = tpu.memref_slice %arg2[%dma_start3A_20, %add3A_11, %dma_start3A_21] : memref<50x32x1024xf32, #tpu.memory_space<hbm>> -> memref<2x1x1024xf32, #tpu.memory_space<hbm>>
      %dma_start3A_23 = tpu.memref_squeeze %dma_start3A_22 : memref<2x1x1024xf32, #tpu.memory_space<hbm>> -> memref<2x1024xf32, #tpu.memory_space<hbm>>
      %dma_start3A_24 = arith.constant 0 : i32
      %dma_start3A_25 = arith.constant 0 : i32
      %dma_start3A_26 = tpu.memref_slice %arg2[%dma_start3A_24, %add3A_11, %dma_start3A_25] : memref<50x32x1024xf32, #tpu.memory_space<hbm>> -> memref<2x1x1024xf32, #tpu.memory_space<hbm>>
      %dma_start3A_27 = tpu.memref_squeeze %dma_start3A_26 : memref<2x1x1024xf32, #tpu.memory_space<hbm>> -> memref<2x1024xf32, #tpu.memory_space<hbm>>
      tpu.enqueue_dma source(%dma_start3A_27 : memref<2x1024xf32, #tpu.memory_space<hbm>>) target(%arg6 : memref<2x1024xf32, #tpu.memory_space<vmem>>) target_semaphore(%arg11 : memref<!tpu.dma_semaphore, #tpu.memory_space<semaphore_mem>>)
      %dma_start3A_28 = arith.constant 2 : i32
      %dma_start3A_29 = arith.constant 0 : i32
      %dma_start3A_30 = tpu.memref_slice %arg2[%dma_start3A_28, %add3A_11, %dma_start3A_29] : memref<50x32x1024xf32, #tpu.memory_space<hbm>> -> memref<2x1x1024xf32, #tpu.memory_space<hbm>>
      %dma_start3A_31 = tpu.memref_squeeze %dma_start3A_30 : memref<2x1x1024xf32, #tpu.memory_space<hbm>> -> memref<2x1024xf32, #tpu.memory_space<hbm>>
      %dma_start3A_32 = arith.constant 2 : i32
      %dma_start3A_33 = arith.constant 0 : i32
      %dma_start3A_34 = tpu.memref_slice %arg2[%dma_start3A_32, %add3A_11, %dma_start3A_33] : memref<50x32x1024xf32, #tpu.memory_space<hbm>> -> memref<2x1x1024xf32, #tpu.memory_space<hbm>>
      %dma_start3A_35 = tpu.memref_squeeze %dma_start3A_34 : memref<2x1x1024xf32, #tpu.memory_space<hbm>> -> memref<2x1024xf32, #tpu.memory_space<hbm>>
      tpu.enqueue_dma source(%dma_start3A_35 : memref<2x1024xf32, #tpu.memory_space<hbm>>) target(%arg7 : memref<2x1024xf32, #tpu.memory_space<vmem>>) target_semaphore(%arg12 : memref<!tpu.dma_semaphore, #tpu.memory_space<semaphore_mem>>)
      %dma_wait3A = arith.constant 0 : i32
      %dma_wait3A_36 = tpu.memref_slice %arg3[%add3A_11, %add3A, %dma_wait3A] : memref<26x32x100000xf32, #tpu.memory_space<hbm>> -> memref<1x1x100000xf32, #tpu.memory_space<hbm>>
      %dma_wait3A_37 = tpu.memref_squeeze %dma_wait3A_36 : memref<1x1x100000xf32, #tpu.memory_space<hbm>> -> memref<100000xf32, #tpu.memory_space<hbm>>
      %dma_wait3A_38 = arith.constant 0 : i32
      %dma_wait3A_39 = tpu.memref_slice %arg3[%add3A_11, %add3A, %dma_wait3A_38] : memref<26x32x100000xf32, #tpu.memory_space<hbm>> -> memref<1x1x100000xf32, #tpu.memory_space<hbm>>
      %dma_wait3A_40 = tpu.memref_squeeze %dma_wait3A_39 : memref<1x1x100000xf32, #tpu.memory_space<hbm>> -> memref<100000xf32, #tpu.memory_space<hbm>>
      tpu.wait_dma2 semaphore(%arg10 : memref<!tpu.dma_semaphore, #tpu.memory_space<semaphore_mem>>) src(%dma_wait3A_40 : memref<100000xf32, #tpu.memory_space<hbm>>) dst(%arg5 : memref<100000xf32, #tpu.memory_space<vmem>>)
      %dma_wait3A_41 = arith.constant 0 : i32
      %dma_wait3A_42 = arith.constant 0 : i32
      %dma_wait3A_43 = tpu.memref_slice %arg2[%dma_wait3A_41, %add3A_11, %dma_wait3A_42] : memref<50x32x1024xf32, #tpu.memory_space<hbm>> -> memref<2x1x1024xf32, #tpu.memory_space<hbm>>
      %dma_wait3A_44 = tpu.memref_squeeze %dma_wait3A_43 : memref<2x1x1024xf32, #tpu.memory_space<hbm>> -> memref<2x1024xf32, #tpu.memory_space<hbm>>
      %dma_wait3A_45 = arith.constant 0 : i32
      %dma_wait3A_46 = arith.constant 0 : i32
      %dma_wait3A_47 = tpu.memref_slice %arg2[%dma_wait3A_45, %add3A_11, %dma_wait3A_46] : memref<50x32x1024xf32, #tpu.memory_space<hbm>> -> memref<2x1x1024xf32, #tpu.memory_space<hbm>>
      %dma_wait3A_48 = tpu.memref_squeeze %dma_wait3A_47 : memref<2x1x1024xf32, #tpu.memory_space<hbm>> -> memref<2x1024xf32, #tpu.memory_space<hbm>>
      tpu.wait_dma2 semaphore(%arg11 : memref<!tpu.dma_semaphore, #tpu.memory_space<semaphore_mem>>) src(%dma_wait3A_48 : memref<2x1024xf32, #tpu.memory_space<hbm>>) dst(%arg6 : memref<2x1024xf32, #tpu.memory_space<vmem>>)
      %scan3A_49 = arith.constant 0 : i32
      %scan3A_50 = arith.constant 64 : i32
      %scan3A_51 = arith.addi %scan3A_49, %scan3A_50 : i32
      %scan3A_52 = arith.constant 8 : i32
      scf.for %scan3A_164 = %scan3A_49 to %scan3A_51 step %scan3A_52  : i32 {
        %mul3A_165 = arith.constant 1 : i32
        %mul3A_166 = arith.muli %scan3A_164, %mul3A_165 : i32
        %add3A_167 = arith.constant 0 : i32
        %add3A_168 = arith.addi %add3A_167, %mul3A_166 : i32
        %mul3A_169 = arith.constant 16 : i32
        %mul3A_170 = arith.muli %add3A_168, %mul3A_169 : i32
        %get3A = arith.constant 0 : i32
        %get3A_171 = arith.index_cast %get3A : i32 to index
        %get3A_172 = arith.index_cast %mul3A_170 : i32 to index
        %get3A_173 = tpu.vector_load %arg6[%get3A_171, %get3A_172] {strides = array<i32>} : memref<2x1024xf32, #tpu.memory_space<vmem>>, vector<16xf32>,
        %convert_element_type3A_174 = arith.fptosi %get3A_173 : vector<16xf32> to vector<16xi32>
        %gather3A = tpu.vector_load_idx %arg5[%convert_element_type3A_174] : memref<100000xf32, #tpu.memory_space<vmem>>[vector<16xi32>], vector<16xf32>,
        %mul3A_175 = arith.constant 16 : i32
        %mul3A_176 = arith.muli %add3A_168, %mul3A_175 : i32
        %swap3A = arith.constant 0 : i32
        %swap3A_177 = arith.index_cast %swap3A : i32 to index
        %swap3A_178 = arith.index_cast %mul3A_176 : i32 to index
        %swap3A_179 = tpu.vector_load %arg8[%swap3A_177, %swap3A_178] {strides = array<i32>} : memref<2x1024xf32, #tpu.memory_space<vmem>>, vector<16xf32>,
        tpu.vector_store %arg8[%swap3A_177, %swap3A_178], %gather3A {strides = array<i32>} : memref<2x1024xf32, #tpu.memory_space<vmem>>, vector<16xf32>,
        %scan3A_180 = arith.constant 1 : i32
        %scan3A_181 = arith.addi %scan3A_164, %scan3A_180 : i32
        %mul3A_182 = arith.constant 1 : i32
        %mul3A_183 = arith.muli %scan3A_181, %mul3A_182 : i32
        %add3A_184 = arith.constant 0 : i32
        %add3A_185 = arith.addi %add3A_184, %mul3A_183 : i32
        %mul3A_186 = arith.constant 16 : i32
        %mul3A_187 = arith.muli %add3A_185, %mul3A_186 : i32
        %get3A_188 = arith.constant 0 : i32
        %get3A_189 = arith.index_cast %get3A_188 : i32 to index
        %get3A_190 = arith.index_cast %mul3A_187 : i32 to index
        %get3A_191 = tpu.vector_load %arg6[%get3A_189, %get3A_190] {strides = array<i32>} : memref<2x1024xf32, #tpu.memory_space<vmem>>, vector<16xf32>,
        %convert_element_type3A_192 = arith.fptosi %get3A_191 : vector<16xf32> to vector<16xi32>
        %gather3A_193 = tpu.vector_load_idx %arg5[%convert_element_type3A_192] : memref<100000xf32, #tpu.memory_space<vmem>>[vector<16xi32>], vector<16xf32>,
        %mul3A_194 = arith.constant 16 : i32
        %mul3A_195 = arith.muli %add3A_185, %mul3A_194 : i32
        %swap3A_196 = arith.constant 0 : i32
        %swap3A_197 = arith.index_cast %swap3A_196 : i32 to index
        %swap3A_198 = arith.index_cast %mul3A_195 : i32 to index
        %swap3A_199 = tpu.vector_load %arg8[%swap3A_197, %swap3A_198] {strides = array<i32>} : memref<2x1024xf32, #tpu.memory_space<vmem>>, vector<16xf32>,
        tpu.vector_store %arg8[%swap3A_197, %swap3A_198], %gather3A_193 {strides = array<i32>} : memref<2x1024xf32, #tpu.memory_space<vmem>>, vector<16xf32>,
        %scan3A_200 = arith.constant 2 : i32
        %scan3A_201 = arith.addi %scan3A_164, %scan3A_200 : i32
        %mul3A_202 = arith.constant 1 : i32
        %mul3A_203 = arith.muli %scan3A_201, %mul3A_202 : i32
        %add3A_204 = arith.constant 0 : i32
        %add3A_205 = arith.addi %add3A_204, %mul3A_203 : i32
        %mul3A_206 = arith.constant 16 : i32
        %mul3A_207 = arith.muli %add3A_205, %mul3A_206 : i32
        %get3A_208 = arith.constant 0 : i32
        %get3A_209 = arith.index_cast %get3A_208 : i32 to index
        %get3A_210 = arith.index_cast %mul3A_207 : i32 to index
        %get3A_211 = tpu.vector_load %arg6[%get3A_209, %get3A_210] {strides = array<i32>} : memref<2x1024xf32, #tpu.memory_space<vmem>>, vector<16xf32>,
        %convert_element_type3A_212 = arith.fptosi %get3A_211 : vector<16xf32> to vector<16xi32>
        %gather3A_213 = tpu.vector_load_idx %arg5[%convert_element_type3A_212] : memref<100000xf32, #tpu.memory_space<vmem>>[vector<16xi32>], vector<16xf32>,
        %mul3A_214 = arith.constant 16 : i32
        %mul3A_215 = arith.muli %add3A_205, %mul3A_214 : i32
        %swap3A_216 = arith.constant 0 : i32
        %swap3A_217 = arith.index_cast %swap3A_216 : i32 to index
        %swap3A_218 = arith.index_cast %mul3A_215 : i32 to index
        %swap3A_219 = tpu.vector_load %arg8[%swap3A_217, %swap3A_218] {strides = array<i32>} : memref<2x1024xf32, #tpu.memory_space<vmem>>, vector<16xf32>,
        tpu.vector_store %arg8[%swap3A_217, %swap3A_218], %gather3A_213 {strides = array<i32>} : memref<2x1024xf32, #tpu.memory_space<vmem>>, vector<16xf32>,
        %scan3A_220 = arith.constant 3 : i32
        %scan3A_221 = arith.addi %scan3A_164, %scan3A_220 : i32
        %mul3A_222 = arith.constant 1 : i32
        %mul3A_223 = arith.muli %scan3A_221, %mul3A_222 : i32
        %add3A_224 = arith.constant 0 : i32
        %add3A_225 = arith.addi %add3A_224, %mul3A_223 : i32
        %mul3A_226 = arith.constant 16 : i32
        %mul3A_227 = arith.muli %add3A_225, %mul3A_226 : i32
        %get3A_228 = arith.constant 0 : i32
        %get3A_229 = arith.index_cast %get3A_228 : i32 to index
        %get3A_230 = arith.index_cast %mul3A_227 : i32 to index
        %get3A_231 = tpu.vector_load %arg6[%get3A_229, %get3A_230] {strides = array<i32>} : memref<2x1024xf32, #tpu.memory_space<vmem>>, vector<16xf32>,
        %convert_element_type3A_232 = arith.fptosi %get3A_231 : vector<16xf32> to vector<16xi32>
        %gather3A_233 = tpu.vector_load_idx %arg5[%convert_element_type3A_232] : memref<100000xf32, #tpu.memory_space<vmem>>[vector<16xi32>], vector<16xf32>,
        %mul3A_234 = arith.constant 16 : i32
        %mul3A_235 = arith.muli %add3A_225, %mul3A_234 : i32
        %swap3A_236 = arith.constant 0 : i32
        %swap3A_237 = arith.index_cast %swap3A_236 : i32 to index
        %swap3A_238 = arith.index_cast %mul3A_235 : i32 to index
        %swap3A_239 = tpu.vector_load %arg8[%swap3A_237, %swap3A_238] {strides = array<i32>} : memref<2x1024xf32, #tpu.memory_space<vmem>>, vector<16xf32>,
        tpu.vector_store %arg8[%swap3A_237, %swap3A_238], %gather3A_233 {strides = array<i32>} : memref<2x1024xf32, #tpu.memory_space<vmem>>, vector<16xf32>,
        %scan3A_240 = arith.constant 4 : i32
        %scan3A_241 = arith.addi %scan3A_164, %scan3A_240 : i32
        %mul3A_242 = arith.constant 1 : i32
        %mul3A_243 = arith.muli %scan3A_241, %mul3A_242 : i32
        %add3A_244 = arith.constant 0 : i32
        %add3A_245 = arith.addi %add3A_244, %mul3A_243 : i32
        %mul3A_246 = arith.constant 16 : i32
        %mul3A_247 = arith.muli %add3A_245, %mul3A_246 : i32
        %get3A_248 = arith.constant 0 : i32
        %get3A_249 = arith.index_cast %get3A_248 : i32 to index
        %get3A_250 = arith.index_cast %mul3A_247 : i32 to index
        %get3A_251 = tpu.vector_load %arg6[%get3A_249, %get3A_250] {strides = array<i32>} : memref<2x1024xf32, #tpu.memory_space<vmem>>, vector<16xf32>,
        %convert_element_type3A_252 = arith.fptosi %get3A_251 : vector<16xf32> to vector<16xi32>
        %gather3A_253 = tpu.vector_load_idx %arg5[%convert_element_type3A_252] : memref<100000xf32, #tpu.memory_space<vmem>>[vector<16xi32>], vector<16xf32>,
        %mul3A_254 = arith.constant 16 : i32
        %mul3A_255 = arith.muli %add3A_245, %mul3A_254 : i32
        %swap3A_256 = arith.constant 0 : i32
        %swap3A_257 = arith.index_cast %swap3A_256 : i32 to index
        %swap3A_258 = arith.index_cast %mul3A_255 : i32 to index
        %swap3A_259 = tpu.vector_load %arg8[%swap3A_257, %swap3A_258] {strides = array<i32>} : memref<2x1024xf32, #tpu.memory_space<vmem>>, vector<16xf32>,
        tpu.vector_store %arg8[%swap3A_257, %swap3A_258], %gather3A_253 {strides = array<i32>} : memref<2x1024xf32, #tpu.memory_space<vmem>>, vector<16xf32>,
        %scan3A_260 = arith.constant 5 : i32
        %scan3A_261 = arith.addi %scan3A_164, %scan3A_260 : i32
        %mul3A_262 = arith.constant 1 : i32
        %mul3A_263 = arith.muli %scan3A_261, %mul3A_262 : i32
        %add3A_264 = arith.constant 0 : i32
        %add3A_265 = arith.addi %add3A_264, %mul3A_263 : i32
        %mul3A_266 = arith.constant 16 : i32
        %mul3A_267 = arith.muli %add3A_265, %mul3A_266 : i32
        %get3A_268 = arith.constant 0 : i32
        %get3A_269 = arith.index_cast %get3A_268 : i32 to index
        %get3A_270 = arith.index_cast %mul3A_267 : i32 to index
        %get3A_271 = tpu.vector_load %arg6[%get3A_269, %get3A_270] {strides = array<i32>} : memref<2x1024xf32, #tpu.memory_space<vmem>>, vector<16xf32>,
        %convert_element_type3A_272 = arith.fptosi %get3A_271 : vector<16xf32> to vector<16xi32>
        %gather3A_273 = tpu.vector_load_idx %arg5[%convert_element_type3A_272] : memref<100000xf32, #tpu.memory_space<vmem>>[vector<16xi32>], vector<16xf32>,
        %mul3A_274 = arith.constant 16 : i32
        %mul3A_275 = arith.muli %add3A_265, %mul3A_274 : i32
        %swap3A_276 = arith.constant 0 : i32
        %swap3A_277 = arith.index_cast %swap3A_276 : i32 to index
        %swap3A_278 = arith.index_cast %mul3A_275 : i32 to index
        %swap3A_279 = tpu.vector_load %arg8[%swap3A_277, %swap3A_278] {strides = array<i32>} : memref<2x1024xf32, #tpu.memory_space<vmem>>, vector<16xf32>,
        tpu.vector_store %arg8[%swap3A_277, %swap3A_278], %gather3A_273 {strides = array<i32>} : memref<2x1024xf32, #tpu.memory_space<vmem>>, vector<16xf32>,
        %scan3A_280 = arith.constant 6 : i32
        %scan3A_281 = arith.addi %scan3A_164, %scan3A_280 : i32
        %mul3A_282 = arith.constant 1 : i32
        %mul3A_283 = arith.muli %scan3A_281, %mul3A_282 : i32
        %add3A_284 = arith.constant 0 : i32
        %add3A_285 = arith.addi %add3A_284, %mul3A_283 : i32
        %mul3A_286 = arith.constant 16 : i32
        %mul3A_287 = arith.muli %add3A_285, %mul3A_286 : i32
        %get3A_288 = arith.constant 0 : i32
        %get3A_289 = arith.index_cast %get3A_288 : i32 to index
        %get3A_290 = arith.index_cast %mul3A_287 : i32 to index
        %get3A_291 = tpu.vector_load %arg6[%get3A_289, %get3A_290] {strides = array<i32>} : memref<2x1024xf32, #tpu.memory_space<vmem>>, vector<16xf32>,
        %convert_element_type3A_292 = arith.fptosi %get3A_291 : vector<16xf32> to vector<16xi32>
        %gather3A_293 = tpu.vector_load_idx %arg5[%convert_element_type3A_292] : memref<100000xf32, #tpu.memory_space<vmem>>[vector<16xi32>], vector<16xf32>,
        %mul3A_294 = arith.constant 16 : i32
        %mul3A_295 = arith.muli %add3A_285, %mul3A_294 : i32
        %swap3A_296 = arith.constant 0 : i32
        %swap3A_297 = arith.index_cast %swap3A_296 : i32 to index
        %swap3A_298 = arith.index_cast %mul3A_295 : i32 to index
        %swap3A_299 = tpu.vector_load %arg8[%swap3A_297, %swap3A_298] {strides = array<i32>} : memref<2x1024xf32, #tpu.memory_space<vmem>>, vector<16xf32>,
        tpu.vector_store %arg8[%swap3A_297, %swap3A_298], %gather3A_293 {strides = array<i32>} : memref<2x1024xf32, #tpu.memory_space<vmem>>, vector<16xf32>,
        %scan3A_300 = arith.constant 7 : i32
        %scan3A_301 = arith.addi %scan3A_164, %scan3A_300 : i32
        %mul3A_302 = arith.constant 1 : i32
        %mul3A_303 = arith.muli %scan3A_301, %mul3A_302 : i32
        %add3A_304 = arith.constant 0 : i32
        %add3A_305 = arith.addi %add3A_304, %mul3A_303 : i32
        %mul3A_306 = arith.constant 16 : i32
        %mul3A_307 = arith.muli %add3A_305, %mul3A_306 : i32
        %get3A_308 = arith.constant 0 : i32
        %get3A_309 = arith.index_cast %get3A_308 : i32 to index
        %get3A_310 = arith.index_cast %mul3A_307 : i32 to index
        %get3A_311 = tpu.vector_load %arg6[%get3A_309, %get3A_310] {strides = array<i32>} : memref<2x1024xf32, #tpu.memory_space<vmem>>, vector<16xf32>,
        %convert_element_type3A_312 = arith.fptosi %get3A_311 : vector<16xf32> to vector<16xi32>
        %gather3A_313 = tpu.vector_load_idx %arg5[%convert_element_type3A_312] : memref<100000xf32, #tpu.memory_space<vmem>>[vector<16xi32>], vector<16xf32>,
        %mul3A_314 = arith.constant 16 : i32
        %mul3A_315 = arith.muli %add3A_305, %mul3A_314 : i32
        %swap3A_316 = arith.constant 0 : i32
        %swap3A_317 = arith.index_cast %swap3A_316 : i32 to index
        %swap3A_318 = arith.index_cast %mul3A_315 : i32 to index
        %swap3A_319 = tpu.vector_load %arg8[%swap3A_317, %swap3A_318] {strides = array<i32>} : memref<2x1024xf32, #tpu.memory_space<vmem>>, vector<16xf32>,
        tpu.vector_store %arg8[%swap3A_317, %swap3A_318], %gather3A_313 {strides = array<i32>} : memref<2x1024xf32, #tpu.memory_space<vmem>>, vector<16xf32>,
      }
      %scan3A_53 = arith.constant 64 : i32
      %scan3A_54 = arith.constant 0 : i32
      %scan3A_55 = arith.constant 64 : i32
      %scan3A_56 = arith.addi %scan3A_54, %scan3A_55 : i32
      %scan3A_57 = arith.constant 8 : i32
      scf.for %scan3A_164 = %scan3A_54 to %scan3A_56 step %scan3A_57  : i32 {
        %mul3A_165 = arith.constant 1 : i32
        %mul3A_166 = arith.muli %scan3A_164, %mul3A_165 : i32
        %add3A_167 = arith.constant 0 : i32
        %add3A_168 = arith.addi %add3A_167, %mul3A_166 : i32
        %mul3A_169 = arith.constant 16 : i32
        %mul3A_170 = arith.muli %add3A_168, %mul3A_169 : i32
        %get3A = arith.constant 1 : i32
        %get3A_171 = arith.index_cast %get3A : i32 to index
        %get3A_172 = arith.index_cast %mul3A_170 : i32 to index
        %get3A_173 = tpu.vector_load %arg6[%get3A_171, %get3A_172] {strides = array<i32>} : memref<2x1024xf32, #tpu.memory_space<vmem>>, vector<16xf32>,
        %convert_element_type3A_174 = arith.fptosi %get3A_173 : vector<16xf32> to vector<16xi32>
        %gather3A = tpu.vector_load_idx %arg5[%convert_element_type3A_174] : memref<100000xf32, #tpu.memory_space<vmem>>[vector<16xi32>], vector<16xf32>,
        %mul3A_175 = arith.constant 16 : i32
        %mul3A_176 = arith.muli %add3A_168, %mul3A_175 : i32
        %swap3A = arith.constant 1 : i32
        %swap3A_177 = arith.index_cast %swap3A : i32 to index
        %swap3A_178 = arith.index_cast %mul3A_176 : i32 to index
        %swap3A_179 = tpu.vector_load %arg8[%swap3A_177, %swap3A_178] {strides = array<i32>} : memref<2x1024xf32, #tpu.memory_space<vmem>>, vector<16xf32>,
        tpu.vector_store %arg8[%swap3A_177, %swap3A_178], %gather3A {strides = array<i32>} : memref<2x1024xf32, #tpu.memory_space<vmem>>, vector<16xf32>,
        %scan3A_180 = arith.constant 1 : i32
        %scan3A_181 = arith.addi %scan3A_164, %scan3A_180 : i32
        %mul3A_182 = arith.constant 1 : i32
        %mul3A_183 = arith.muli %scan3A_181, %mul3A_182 : i32
        %add3A_184 = arith.constant 0 : i32
        %add3A_185 = arith.addi %add3A_184, %mul3A_183 : i32
        %mul3A_186 = arith.constant 16 : i32
        %mul3A_187 = arith.muli %add3A_185, %mul3A_186 : i32
        %get3A_188 = arith.constant 1 : i32
        %get3A_189 = arith.index_cast %get3A_188 : i32 to index
        %get3A_190 = arith.index_cast %mul3A_187 : i32 to index
        %get3A_191 = tpu.vector_load %arg6[%get3A_189, %get3A_190] {strides = array<i32>} : memref<2x1024xf32, #tpu.memory_space<vmem>>, vector<16xf32>,
        %convert_element_type3A_192 = arith.fptosi %get3A_191 : vector<16xf32> to vector<16xi32>
        %gather3A_193 = tpu.vector_load_idx %arg5[%convert_element_type3A_192] : memref<100000xf32, #tpu.memory_space<vmem>>[vector<16xi32>], vector<16xf32>,
        %mul3A_194 = arith.constant 16 : i32
        %mul3A_195 = arith.muli %add3A_185, %mul3A_194 : i32
        %swap3A_196 = arith.constant 1 : i32
        %swap3A_197 = arith.index_cast %swap3A_196 : i32 to index
        %swap3A_198 = arith.index_cast %mul3A_195 : i32 to index
        %swap3A_199 = tpu.vector_load %arg8[%swap3A_197, %swap3A_198] {strides = array<i32>} : memref<2x1024xf32, #tpu.memory_space<vmem>>, vector<16xf32>,
        tpu.vector_store %arg8[%swap3A_197, %swap3A_198], %gather3A_193 {strides = array<i32>} : memref<2x1024xf32, #tpu.memory_space<vmem>>, vector<16xf32>,
        %scan3A_200 = arith.constant 2 : i32
        %scan3A_201 = arith.addi %scan3A_164, %scan3A_200 : i32
        %mul3A_202 = arith.constant 1 : i32
        %mul3A_203 = arith.muli %scan3A_201, %mul3A_202 : i32
        %add3A_204 = arith.constant 0 : i32
        %add3A_205 = arith.addi %add3A_204, %mul3A_203 : i32
        %mul3A_206 = arith.constant 16 : i32
        %mul3A_207 = arith.muli %add3A_205, %mul3A_206 : i32
        %get3A_208 = arith.constant 1 : i32
        %get3A_209 = arith.index_cast %get3A_208 : i32 to index
        %get3A_210 = arith.index_cast %mul3A_207 : i32 to index
        %get3A_211 = tpu.vector_load %arg6[%get3A_209, %get3A_210] {strides = array<i32>} : memref<2x1024xf32, #tpu.memory_space<vmem>>, vector<16xf32>,
        %convert_element_type3A_212 = arith.fptosi %get3A_211 : vector<16xf32> to vector<16xi32>
        %gather3A_213 = tpu.vector_load_idx %arg5[%convert_element_type3A_212] : memref<100000xf32, #tpu.memory_space<vmem>>[vector<16xi32>], vector<16xf32>,
        %mul3A_214 = arith.constant 16 : i32
        %mul3A_215 = arith.muli %add3A_205, %mul3A_214 : i32
        %swap3A_216 = arith.constant 1 : i32
        %swap3A_217 = arith.index_cast %swap3A_216 : i32 to index
        %swap3A_218 = arith.index_cast %mul3A_215 : i32 to index
        %swap3A_219 = tpu.vector_load %arg8[%swap3A_217, %swap3A_218] {strides = array<i32>} : memref<2x1024xf32, #tpu.memory_space<vmem>>, vector<16xf32>,
        tpu.vector_store %arg8[%swap3A_217, %swap3A_218], %gather3A_213 {strides = array<i32>} : memref<2x1024xf32, #tpu.memory_space<vmem>>, vector<16xf32>,
        %scan3A_220 = arith.constant 3 : i32
        %scan3A_221 = arith.addi %scan3A_164, %scan3A_220 : i32
        %mul3A_222 = arith.constant 1 : i32
        %mul3A_223 = arith.muli %scan3A_221, %mul3A_222 : i32
        %add3A_224 = arith.constant 0 : i32
        %add3A_225 = arith.addi %add3A_224, %mul3A_223 : i32
        %mul3A_226 = arith.constant 16 : i32
        %mul3A_227 = arith.muli %add3A_225, %mul3A_226 : i32
        %get3A_228 = arith.constant 1 : i32
        %get3A_229 = arith.index_cast %get3A_228 : i32 to index
        %get3A_230 = arith.index_cast %mul3A_227 : i32 to index
        %get3A_231 = tpu.vector_load %arg6[%get3A_229, %get3A_230] {strides = array<i32>} : memref<2x1024xf32, #tpu.memory_space<vmem>>, vector<16xf32>,
        %convert_element_type3A_232 = arith.fptosi %get3A_231 : vector<16xf32> to vector<16xi32>
        %gather3A_233 = tpu.vector_load_idx %arg5[%convert_element_type3A_232] : memref<100000xf32, #tpu.memory_space<vmem>>[vector<16xi32>], vector<16xf32>,
        %mul3A_234 = arith.constant 16 : i32
        %mul3A_235 = arith.muli %add3A_225, %mul3A_234 : i32
        %swap3A_236 = arith.constant 1 : i32
        %swap3A_237 = arith.index_cast %swap3A_236 : i32 to index
        %swap3A_238 = arith.index_cast %mul3A_235 : i32 to index
        %swap3A_239 = tpu.vector_load %arg8[%swap3A_237, %swap3A_238] {strides = array<i32>} : memref<2x1024xf32, #tpu.memory_space<vmem>>, vector<16xf32>,
        tpu.vector_store %arg8[%swap3A_237, %swap3A_238], %gather3A_233 {strides = array<i32>} : memref<2x1024xf32, #tpu.memory_space<vmem>>, vector<16xf32>,
        %scan3A_240 = arith.constant 4 : i32
        %scan3A_241 = arith.addi %scan3A_164, %scan3A_240 : i32
        %mul3A_242 = arith.constant 1 : i32
        %mul3A_243 = arith.muli %scan3A_241, %mul3A_242 : i32
        %add3A_244 = arith.constant 0 : i32
        %add3A_245 = arith.addi %add3A_244, %mul3A_243 : i32
        %mul3A_246 = arith.constant 16 : i32
        %mul3A_247 = arith.muli %add3A_245, %mul3A_246 : i32
        %get3A_248 = arith.constant 1 : i32
        %get3A_249 = arith.index_cast %get3A_248 : i32 to index
        %get3A_250 = arith.index_cast %mul3A_247 : i32 to index
        %get3A_251 = tpu.vector_load %arg6[%get3A_249, %get3A_250] {strides = array<i32>} : memref<2x1024xf32, #tpu.memory_space<vmem>>, vector<16xf32>,
        %convert_element_type3A_252 = arith.fptosi %get3A_251 : vector<16xf32> to vector<16xi32>
        %gather3A_253 = tpu.vector_load_idx %arg5[%convert_element_type3A_252] : memref<100000xf32, #tpu.memory_space<vmem>>[vector<16xi32>], vector<16xf32>,
        %mul3A_254 = arith.constant 16 : i32
        %mul3A_255 = arith.muli %add3A_245, %mul3A_254 : i32
        %swap3A_256 = arith.constant 1 : i32
        %swap3A_257 = arith.index_cast %swap3A_256 : i32 to index
        %swap3A_258 = arith.index_cast %mul3A_255 : i32 to index
        %swap3A_259 = tpu.vector_load %arg8[%swap3A_257, %swap3A_258] {strides = array<i32>} : memref<2x1024xf32, #tpu.memory_space<vmem>>, vector<16xf32>,
        tpu.vector_store %arg8[%swap3A_257, %swap3A_258], %gather3A_253 {strides = array<i32>} : memref<2x1024xf32, #tpu.memory_space<vmem>>, vector<16xf32>,
        %scan3A_260 = arith.constant 5 : i32
        %scan3A_261 = arith.addi %scan3A_164, %scan3A_260 : i32
        %mul3A_262 = arith.constant 1 : i32
        %mul3A_263 = arith.muli %scan3A_261, %mul3A_262 : i32
        %add3A_264 = arith.constant 0 : i32
        %add3A_265 = arith.addi %add3A_264, %mul3A_263 : i32
        %mul3A_266 = arith.constant 16 : i32
        %mul3A_267 = arith.muli %add3A_265, %mul3A_266 : i32
        %get3A_268 = arith.constant 1 : i32
        %get3A_269 = arith.index_cast %get3A_268 : i32 to index
        %get3A_270 = arith.index_cast %mul3A_267 : i32 to index
        %get3A_271 = tpu.vector_load %arg6[%get3A_269, %get3A_270] {strides = array<i32>} : memref<2x1024xf32, #tpu.memory_space<vmem>>, vector<16xf32>,
        %convert_element_type3A_272 = arith.fptosi %get3A_271 : vector<16xf32> to vector<16xi32>
        %gather3A_273 = tpu.vector_load_idx %arg5[%convert_element_type3A_272] : memref<100000xf32, #tpu.memory_space<vmem>>[vector<16xi32>], vector<16xf32>,
        %mul3A_274 = arith.constant 16 : i32
        %mul3A_275 = arith.muli %add3A_265, %mul3A_274 : i32
        %swap3A_276 = arith.constant 1 : i32
        %swap3A_277 = arith.index_cast %swap3A_276 : i32 to index
        %swap3A_278 = arith.index_cast %mul3A_275 : i32 to index
        %swap3A_279 = tpu.vector_load %arg8[%swap3A_277, %swap3A_278] {strides = array<i32>} : memref<2x1024xf32, #tpu.memory_space<vmem>>, vector<16xf32>,
        tpu.vector_store %arg8[%swap3A_277, %swap3A_278], %gather3A_273 {strides = array<i32>} : memref<2x1024xf32, #tpu.memory_space<vmem>>, vector<16xf32>,
        %scan3A_280 = arith.constant 6 : i32
        %scan3A_281 = arith.addi %scan3A_164, %scan3A_280 : i32
        %mul3A_282 = arith.constant 1 : i32
        %mul3A_283 = arith.muli %scan3A_281, %mul3A_282 : i32
        %add3A_284 = arith.constant 0 : i32
        %add3A_285 = arith.addi %add3A_284, %mul3A_283 : i32
        %mul3A_286 = arith.constant 16 : i32
        %mul3A_287 = arith.muli %add3A_285, %mul3A_286 : i32
        %get3A_288 = arith.constant 1 : i32
        %get3A_289 = arith.index_cast %get3A_288 : i32 to index
        %get3A_290 = arith.index_cast %mul3A_287 : i32 to index
        %get3A_291 = tpu.vector_load %arg6[%get3A_289, %get3A_290] {strides = array<i32>} : memref<2x1024xf32, #tpu.memory_space<vmem>>, vector<16xf32>,
        %convert_element_type3A_292 = arith.fptosi %get3A_291 : vector<16xf32> to vector<16xi32>
        %gather3A_293 = tpu.vector_load_idx %arg5[%convert_element_type3A_292] : memref<100000xf32, #tpu.memory_space<vmem>>[vector<16xi32>], vector<16xf32>,
        %mul3A_294 = arith.constant 16 : i32
        %mul3A_295 = arith.muli %add3A_285, %mul3A_294 : i32
        %swap3A_296 = arith.constant 1 : i32
        %swap3A_297 = arith.index_cast %swap3A_296 : i32 to index
        %swap3A_298 = arith.index_cast %mul3A_295 : i32 to index
        %swap3A_299 = tpu.vector_load %arg8[%swap3A_297, %swap3A_298] {strides = array<i32>} : memref<2x1024xf32, #tpu.memory_space<vmem>>, vector<16xf32>,
        tpu.vector_store %arg8[%swap3A_297, %swap3A_298], %gather3A_293 {strides = array<i32>} : memref<2x1024xf32, #tpu.memory_space<vmem>>, vector<16xf32>,
        %scan3A_300 = arith.constant 7 : i32
        %scan3A_301 = arith.addi %scan3A_164, %scan3A_300 : i32
        %mul3A_302 = arith.constant 1 : i32
        %mul3A_303 = arith.muli %scan3A_301, %mul3A_302 : i32
        %add3A_304 = arith.constant 0 : i32
        %add3A_305 = arith.addi %add3A_304, %mul3A_303 : i32
        %mul3A_306 = arith.constant 16 : i32
        %mul3A_307 = arith.muli %add3A_305, %mul3A_306 : i32
        %get3A_308 = arith.constant 1 : i32
        %get3A_309 = arith.index_cast %get3A_308 : i32 to index
        %get3A_310 = arith.index_cast %mul3A_307 : i32 to index
        %get3A_311 = tpu.vector_load %arg6[%get3A_309, %get3A_310] {strides = array<i32>} : memref<2x1024xf32, #tpu.memory_space<vmem>>, vector<16xf32>,
        %convert_element_type3A_312 = arith.fptosi %get3A_311 : vector<16xf32> to vector<16xi32>
        %gather3A_313 = tpu.vector_load_idx %arg5[%convert_element_type3A_312] : memref<100000xf32, #tpu.memory_space<vmem>>[vector<16xi32>], vector<16xf32>,
        %mul3A_314 = arith.constant 16 : i32
        %mul3A_315 = arith.muli %add3A_305, %mul3A_314 : i32
        %swap3A_316 = arith.constant 1 : i32
        %swap3A_317 = arith.index_cast %swap3A_316 : i32 to index
        %swap3A_318 = arith.index_cast %mul3A_315 : i32 to index
        %swap3A_319 = tpu.vector_load %arg8[%swap3A_317, %swap3A_318] {strides = array<i32>} : memref<2x1024xf32, #tpu.memory_space<vmem>>, vector<16xf32>,
        tpu.vector_store %arg8[%swap3A_317, %swap3A_318], %gather3A_313 {strides = array<i32>} : memref<2x1024xf32, #tpu.memory_space<vmem>>, vector<16xf32>,
      }
      %scan3A_58 = arith.constant 64 : i32
      %dma_start3A_59 = arith.constant 0 : i32
      %dma_start3A_60 = arith.constant 0 : i32
      %dma_start3A_61 = tpu.memref_slice %arg4[%dma_start3A_59, %add3A_14, %dma_start3A_60] : memref<50x838x1024xf32, #tpu.memory_space<hbm>> -> memref<2x1x1024xf32, #tpu.memory_space<hbm>>
      %dma_start3A_62 = tpu.memref_squeeze %dma_start3A_61 : memref<2x1x1024xf32, #tpu.memory_space<hbm>> -> memref<2x1024xf32, #tpu.memory_space<hbm>>
      %dma_start3A_63 = arith.constant 0 : i32
      %dma_start3A_64 = arith.constant 0 : i32
      %dma_start3A_65 = tpu.memref_slice %arg4[%dma_start3A_63, %add3A_14, %dma_start3A_64] : memref<50x838x1024xf32, #tpu.memory_space<hbm>> -> memref<2x1x1024xf32, #tpu.memory_space<hbm>>
      %dma_start3A_66 = tpu.memref_squeeze %dma_start3A_65 : memref<2x1x1024xf32, #tpu.memory_space<hbm>> -> memref<2x1024xf32, #tpu.memory_space<hbm>>
      tpu.enqueue_dma source(%arg8 : memref<2x1024xf32, #tpu.memory_space<vmem>>) target(%dma_start3A_66 : memref<2x1024xf32, #tpu.memory_space<hbm>>) target_semaphore(%arg13 : memref<!tpu.dma_semaphore, #tpu.memory_space<semaphore_mem>>)
      %dma_start3A_67 = arith.constant 4 : i32
      %dma_start3A_68 = arith.constant 0 : i32
      %dma_start3A_69 = tpu.memref_slice %arg2[%dma_start3A_67, %add3A_11, %dma_start3A_68] : memref<50x32x1024xf32, #tpu.memory_space<hbm>> -> memref<2x1x1024xf32, #tpu.memory_space<hbm>>
      %dma_start3A_70 = tpu.memref_squeeze %dma_start3A_69 : memref<2x1x1024xf32, #tpu.memory_space<hbm>> -> memref<2x1024xf32, #tpu.memory_space<hbm>>
      %dma_start3A_71 = arith.constant 4 : i32
      %dma_start3A_72 = arith.constant 0 : i32
      %dma_start3A_73 = tpu.memref_slice %arg2[%dma_start3A_71, %add3A_11, %dma_start3A_72] : memref<50x32x1024xf32, #tpu.memory_space<hbm>> -> memref<2x1x1024xf32, #tpu.memory_space<hbm>>
      %dma_start3A_74 = tpu.memref_squeeze %dma_start3A_73 : memref<2x1x1024xf32, #tpu.memory_space<hbm>> -> memref<2x1024xf32, #tpu.memory_space<hbm>>
      tpu.enqueue_dma source(%dma_start3A_74 : memref<2x1024xf32, #tpu.memory_space<hbm>>) target(%arg6 : memref<2x1024xf32, #tpu.memory_space<vmem>>) target_semaphore(%arg11 : memref<!tpu.dma_semaphore, #tpu.memory_space<semaphore_mem>>)
      %dma_wait3A_75 = arith.constant 2 : i32
      %dma_wait3A_76 = arith.constant 0 : i32
      %dma_wait3A_77 = tpu.memref_slice %arg2[%dma_wait3A_75, %add3A_11, %dma_wait3A_76] : memref<50x32x1024xf32, #tpu.memory_space<hbm>> -> memref<2x1x1024xf32, #tpu.memory_space<hbm>>
      %dma_wait3A_78 = tpu.memref_squeeze %dma_wait3A_77 : memref<2x1x1024xf32, #tpu.memory_space<hbm>> -> memref<2x1024xf32, #tpu.memory_space<hbm>>
      %dma_wait3A_79 = arith.constant 2 : i32
      %dma_wait3A_80 = arith.constant 0 : i32
      %dma_wait3A_81 = tpu.memref_slice %arg2[%dma_wait3A_79, %add3A_11, %dma_wait3A_80] : memref<50x32x1024xf32, #tpu.memory_space<hbm>> -> memref<2x1x1024xf32, #tpu.memory_space<hbm>>
      %dma_wait3A_82 = tpu.memref_squeeze %dma_wait3A_81 : memref<2x1x1024xf32, #tpu.memory_space<hbm>> -> memref<2x1024xf32, #tpu.memory_space<hbm>>
      tpu.wait_dma2 semaphore(%arg12 : memref<!tpu.dma_semaphore, #tpu.memory_space<semaphore_mem>>) src(%dma_wait3A_82 : memref<2x1024xf32, #tpu.memory_space<hbm>>) dst(%arg7 : memref<2x1024xf32, #tpu.memory_space<vmem>>)
      %scan3A_83 = arith.constant 0 : i32
      %scan3A_84 = arith.constant 64 : i32
      %scan3A_85 = arith.addi %scan3A_83, %scan3A_84 : i32
      %scan3A_86 = arith.constant 8 : i32
      scf.for %scan3A_164 = %scan3A_83 to %scan3A_85 step %scan3A_86  : i32 {
        %mul3A_165 = arith.constant 1 : i32
        %mul3A_166 = arith.muli %scan3A_164, %mul3A_165 : i32
        %add3A_167 = arith.constant 0 : i32
        %add3A_168 = arith.addi %add3A_167, %mul3A_166 : i32
        %mul3A_169 = arith.constant 16 : i32
        %mul3A_170 = arith.muli %add3A_168, %mul3A_169 : i32
        %get3A = arith.constant 0 : i32
        %get3A_171 = arith.index_cast %get3A : i32 to index
        %get3A_172 = arith.index_cast %mul3A_170 : i32 to index
        %get3A_173 = tpu.vector_load %arg7[%get3A_171, %get3A_172] {strides = array<i32>} : memref<2x1024xf32, #tpu.memory_space<vmem>>, vector<16xf32>,
        %convert_element_type3A_174 = arith.fptosi %get3A_173 : vector<16xf32> to vector<16xi32>
        %gather3A = tpu.vector_load_idx %arg5[%convert_element_type3A_174] : memref<100000xf32, #tpu.memory_space<vmem>>[vector<16xi32>], vector<16xf32>,
        %mul3A_175 = arith.constant 16 : i32
        %mul3A_176 = arith.muli %add3A_168, %mul3A_175 : i32
        %swap3A = arith.constant 0 : i32
        %swap3A_177 = arith.index_cast %swap3A : i32 to index
        %swap3A_178 = arith.index_cast %mul3A_176 : i32 to index
        %swap3A_179 = tpu.vector_load %arg9[%swap3A_177, %swap3A_178] {strides = array<i32>} : memref<2x1024xf32, #tpu.memory_space<vmem>>, vector<16xf32>,
        tpu.vector_store %arg9[%swap3A_177, %swap3A_178], %gather3A {strides = array<i32>} : memref<2x1024xf32, #tpu.memory_space<vmem>>, vector<16xf32>,
        %scan3A_180 = arith.constant 1 : i32
        %scan3A_181 = arith.addi %scan3A_164, %scan3A_180 : i32
        %mul3A_182 = arith.constant 1 : i32
        %mul3A_183 = arith.muli %scan3A_181, %mul3A_182 : i32
        %add3A_184 = arith.constant 0 : i32
        %add3A_185 = arith.addi %add3A_184, %mul3A_183 : i32
        %mul3A_186 = arith.constant 16 : i32
        %mul3A_187 = arith.muli %add3A_185, %mul3A_186 : i32
        %get3A_188 = arith.constant 0 : i32
        %get3A_189 = arith.index_cast %get3A_188 : i32 to index
        %get3A_190 = arith.index_cast %mul3A_187 : i32 to index
        %get3A_191 = tpu.vector_load %arg7[%get3A_189, %get3A_190] {strides = array<i32>} : memref<2x1024xf32, #tpu.memory_space<vmem>>, vector<16xf32>,
        %convert_element_type3A_192 = arith.fptosi %get3A_191 : vector<16xf32> to vector<16xi32>
        %gather3A_193 = tpu.vector_load_idx %arg5[%convert_element_type3A_192] : memref<100000xf32, #tpu.memory_space<vmem>>[vector<16xi32>], vector<16xf32>,
        %mul3A_194 = arith.constant 16 : i32
        %mul3A_195 = arith.muli %add3A_185, %mul3A_194 : i32
        %swap3A_196 = arith.constant 0 : i32
        %swap3A_197 = arith.index_cast %swap3A_196 : i32 to index
        %swap3A_198 = arith.index_cast %mul3A_195 : i32 to index
        %swap3A_199 = tpu.vector_load %arg9[%swap3A_197, %swap3A_198] {strides = array<i32>} : memref<2x1024xf32, #tpu.memory_space<vmem>>, vector<16xf32>,
        tpu.vector_store %arg9[%swap3A_197, %swap3A_198], %gather3A_193 {strides = array<i32>} : memref<2x1024xf32, #tpu.memory_space<vmem>>, vector<16xf32>,
        %scan3A_200 = arith.constant 2 : i32
        %scan3A_201 = arith.addi %scan3A_164, %scan3A_200 : i32
        %mul3A_202 = arith.constant 1 : i32
        %mul3A_203 = arith.muli %scan3A_201, %mul3A_202 : i32
        %add3A_204 = arith.constant 0 : i32
        %add3A_205 = arith.addi %add3A_204, %mul3A_203 : i32
        %mul3A_206 = arith.constant 16 : i32
        %mul3A_207 = arith.muli %add3A_205, %mul3A_206 : i32
        %get3A_208 = arith.constant 0 : i32
        %get3A_209 = arith.index_cast %get3A_208 : i32 to index
        %get3A_210 = arith.index_cast %mul3A_207 : i32 to index
        %get3A_211 = tpu.vector_load %arg7[%get3A_209, %get3A_210] {strides = array<i32>} : memref<2x1024xf32, #tpu.memory_space<vmem>>, vector<16xf32>,
        %convert_element_type3A_212 = arith.fptosi %get3A_211 : vector<16xf32> to vector<16xi32>
        %gather3A_213 = tpu.vector_load_idx %arg5[%convert_element_type3A_212] : memref<100000xf32, #tpu.memory_space<vmem>>[vector<16xi32>], vector<16xf32>,
        %mul3A_214 = arith.constant 16 : i32
        %mul3A_215 = arith.muli %add3A_205, %mul3A_214 : i32
        %swap3A_216 = arith.constant 0 : i32
        %swap3A_217 = arith.index_cast %swap3A_216 : i32 to index
        %swap3A_218 = arith.index_cast %mul3A_215 : i32 to index
        %swap3A_219 = tpu.vector_load %arg9[%swap3A_217, %swap3A_218] {strides = array<i32>} : memref<2x1024xf32, #tpu.memory_space<vmem>>, vector<16xf32>,
        tpu.vector_store %arg9[%swap3A_217, %swap3A_218], %gather3A_213 {strides = array<i32>} : memref<2x1024xf32, #tpu.memory_space<vmem>>, vector<16xf32>,
        %scan3A_220 = arith.constant 3 : i32
        %scan3A_221 = arith.addi %scan3A_164, %scan3A_220 : i32
        %mul3A_222 = arith.constant 1 : i32
        %mul3A_223 = arith.muli %scan3A_221, %mul3A_222 : i32
        %add3A_224 = arith.constant 0 : i32
        %add3A_225 = arith.addi %add3A_224, %mul3A_223 : i32
        %mul3A_226 = arith.constant 16 : i32
        %mul3A_227 = arith.muli %add3A_225, %mul3A_226 : i32
        %get3A_228 = arith.constant 0 : i32
        %get3A_229 = arith.index_cast %get3A_228 : i32 to index
        %get3A_230 = arith.index_cast %mul3A_227 : i32 to index
        %get3A_231 = tpu.vector_load %arg7[%get3A_229, %get3A_230] {strides = array<i32>} : memref<2x1024xf32, #tpu.memory_space<vmem>>, vector<16xf32>,
        %convert_element_type3A_232 = arith.fptosi %get3A_231 : vector<16xf32> to vector<16xi32>
        %gather3A_233 = tpu.vector_load_idx %arg5[%convert_element_type3A_232] : memref<100000xf32, #tpu.memory_space<vmem>>[vector<16xi32>], vector<16xf32>,
        %mul3A_234 = arith.constant 16 : i32
        %mul3A_235 = arith.muli %add3A_225, %mul3A_234 : i32
        %swap3A_236 = arith.constant 0 : i32
        %swap3A_237 = arith.index_cast %swap3A_236 : i32 to index
        %swap3A_238 = arith.index_cast %mul3A_235 : i32 to index
        %swap3A_239 = tpu.vector_load %arg9[%swap3A_237, %swap3A_238] {strides = array<i32>} : memref<2x1024xf32, #tpu.memory_space<vmem>>, vector<16xf32>,
        tpu.vector_store %arg9[%swap3A_237, %swap3A_238], %gather3A_233 {strides = array<i32>} : memref<2x1024xf32, #tpu.memory_space<vmem>>, vector<16xf32>,
        %scan3A_240 = arith.constant 4 : i32
        %scan3A_241 = arith.addi %scan3A_164, %scan3A_240 : i32
        %mul3A_242 = arith.constant 1 : i32
        %mul3A_243 = arith.muli %scan3A_241, %mul3A_242 : i32
        %add3A_244 = arith.constant 0 : i32
        %add3A_245 = arith.addi %add3A_244, %mul3A_243 : i32
        %mul3A_246 = arith.constant 16 : i32
        %mul3A_247 = arith.muli %add3A_245, %mul3A_246 : i32
        %get3A_248 = arith.constant 0 : i32
        %get3A_249 = arith.index_cast %get3A_248 : i32 to index
        %get3A_250 = arith.index_cast %mul3A_247 : i32 to index
        %get3A_251 = tpu.vector_load %arg7[%get3A_249, %get3A_250] {strides = array<i32>} : memref<2x1024xf32, #tpu.memory_space<vmem>>, vector<16xf32>,
        %convert_element_type3A_252 = arith.fptosi %get3A_251 : vector<16xf32> to vector<16xi32>
        %gather3A_253 = tpu.vector_load_idx %arg5[%convert_element_type3A_252] : memref<100000xf32, #tpu.memory_space<vmem>>[vector<16xi32>], vector<16xf32>,
        %mul3A_254 = arith.constant 16 : i32
        %mul3A_255 = arith.muli %add3A_245, %mul3A_254 : i32
        %swap3A_256 = arith.constant 0 : i32
        %swap3A_257 = arith.index_cast %swap3A_256 : i32 to index
        %swap3A_258 = arith.index_cast %mul3A_255 : i32 to index
        %swap3A_259 = tpu.vector_load %arg9[%swap3A_257, %swap3A_258] {strides = array<i32>} : memref<2x1024xf32, #tpu.memory_space<vmem>>, vector<16xf32>,
        tpu.vector_store %arg9[%swap3A_257, %swap3A_258], %gather3A_253 {strides = array<i32>} : memref<2x1024xf32, #tpu.memory_space<vmem>>, vector<16xf32>,
        %scan3A_260 = arith.constant 5 : i32
        %scan3A_261 = arith.addi %scan3A_164, %scan3A_260 : i32
        %mul3A_262 = arith.constant 1 : i32
        %mul3A_263 = arith.muli %scan3A_261, %mul3A_262 : i32
        %add3A_264 = arith.constant 0 : i32
        %add3A_265 = arith.addi %add3A_264, %mul3A_263 : i32
        %mul3A_266 = arith.constant 16 : i32
        %mul3A_267 = arith.muli %add3A_265, %mul3A_266 : i32
        %get3A_268 = arith.constant 0 : i32
        %get3A_269 = arith.index_cast %get3A_268 : i32 to index
        %get3A_270 = arith.index_cast %mul3A_267 : i32 to index
        %get3A_271 = tpu.vector_load %arg7[%get3A_269, %get3A_270] {strides = array<i32>} : memref<2x1024xf32, #tpu.memory_space<vmem>>, vector<16xf32>,
        %convert_element_type3A_272 = arith.fptosi %get3A_271 : vector<16xf32> to vector<16xi32>
        %gather3A_273 = tpu.vector_load_idx %arg5[%convert_element_type3A_272] : memref<100000xf32, #tpu.memory_space<vmem>>[vector<16xi32>], vector<16xf32>,
        %mul3A_274 = arith.constant 16 : i32
        %mul3A_275 = arith.muli %add3A_265, %mul3A_274 : i32
        %swap3A_276 = arith.constant 0 : i32
        %swap3A_277 = arith.index_cast %swap3A_276 : i32 to index
        %swap3A_278 = arith.index_cast %mul3A_275 : i32 to index
        %swap3A_279 = tpu.vector_load %arg9[%swap3A_277, %swap3A_278] {strides = array<i32>} : memref<2x1024xf32, #tpu.memory_space<vmem>>, vector<16xf32>,
        tpu.vector_store %arg9[%swap3A_277, %swap3A_278], %gather3A_273 {strides = array<i32>} : memref<2x1024xf32, #tpu.memory_space<vmem>>, vector<16xf32>,
        %scan3A_280 = arith.constant 6 : i32
        %scan3A_281 = arith.addi %scan3A_164, %scan3A_280 : i32
        %mul3A_282 = arith.constant 1 : i32
        %mul3A_283 = arith.muli %scan3A_281, %mul3A_282 : i32
        %add3A_284 = arith.constant 0 : i32
        %add3A_285 = arith.addi %add3A_284, %mul3A_283 : i32
        %mul3A_286 = arith.constant 16 : i32
        %mul3A_287 = arith.muli %add3A_285, %mul3A_286 : i32
        %get3A_288 = arith.constant 0 : i32
        %get3A_289 = arith.index_cast %get3A_288 : i32 to index
        %get3A_290 = arith.index_cast %mul3A_287 : i32 to index
        %get3A_291 = tpu.vector_load %arg7[%get3A_289, %get3A_290] {strides = array<i32>} : memref<2x1024xf32, #tpu.memory_space<vmem>>, vector<16xf32>,
        %convert_element_type3A_292 = arith.fptosi %get3A_291 : vector<16xf32> to vector<16xi32>
        %gather3A_293 = tpu.vector_load_idx %arg5[%convert_element_type3A_292] : memref<100000xf32, #tpu.memory_space<vmem>>[vector<16xi32>], vector<16xf32>,
        %mul3A_294 = arith.constant 16 : i32
        %mul3A_295 = arith.muli %add3A_285, %mul3A_294 : i32
        %swap3A_296 = arith.constant 0 : i32
        %swap3A_297 = arith.index_cast %swap3A_296 : i32 to index
        %swap3A_298 = arith.index_cast %mul3A_295 : i32 to index
        %swap3A_299 = tpu.vector_load %arg9[%swap3A_297, %swap3A_298] {strides = array<i32>} : memref<2x1024xf32, #tpu.memory_space<vmem>>, vector<16xf32>,
        tpu.vector_store %arg9[%swap3A_297, %swap3A_298], %gather3A_293 {strides = array<i32>} : memref<2x1024xf32, #tpu.memory_space<vmem>>, vector<16xf32>,
        %scan3A_300 = arith.constant 7 : i32
        %scan3A_301 = arith.addi %scan3A_164, %scan3A_300 : i32
        %mul3A_302 = arith.constant 1 : i32
        %mul3A_303 = arith.muli %scan3A_301, %mul3A_302 : i32
        %add3A_304 = arith.constant 0 : i32
        %add3A_305 = arith.addi %add3A_304, %mul3A_303 : i32
        %mul3A_306 = arith.constant 16 : i32
        %mul3A_307 = arith.muli %add3A_305, %mul3A_306 : i32
        %get3A_308 = arith.constant 0 : i32
        %get3A_309 = arith.index_cast %get3A_308 : i32 to index
        %get3A_310 = arith.index_cast %mul3A_307 : i32 to index
        %get3A_311 = tpu.vector_load %arg7[%get3A_309, %get3A_310] {strides = array<i32>} : memref<2x1024xf32, #tpu.memory_space<vmem>>, vector<16xf32>,
        %convert_element_type3A_312 = arith.fptosi %get3A_311 : vector<16xf32> to vector<16xi32>
        %gather3A_313 = tpu.vector_load_idx %arg5[%convert_element_type3A_312] : memref<100000xf32, #tpu.memory_space<vmem>>[vector<16xi32>], vector<16xf32>,
        %mul3A_314 = arith.constant 16 : i32
        %mul3A_315 = arith.muli %add3A_305, %mul3A_314 : i32
        %swap3A_316 = arith.constant 0 : i32
        %swap3A_317 = arith.index_cast %swap3A_316 : i32 to index
        %swap3A_318 = arith.index_cast %mul3A_315 : i32 to index
        %swap3A_319 = tpu.vector_load %arg9[%swap3A_317, %swap3A_318] {strides = array<i32>} : memref<2x1024xf32, #tpu.memory_space<vmem>>, vector<16xf32>,
        tpu.vector_store %arg9[%swap3A_317, %swap3A_318], %gather3A_313 {strides = array<i32>} : memref<2x1024xf32, #tpu.memory_space<vmem>>, vector<16xf32>,
      }
      %scan3A_87 = arith.constant 64 : i32
      %scan3A_88 = arith.constant 0 : i32
      %scan3A_89 = arith.constant 64 : i32
      %scan3A_90 = arith.addi %scan3A_88, %scan3A_89 : i32
      %scan3A_91 = arith.constant 8 : i32
      scf.for %scan3A_164 = %scan3A_88 to %scan3A_90 step %scan3A_91  : i32 {
        %mul3A_165 = arith.constant 1 : i32
        %mul3A_166 = arith.muli %scan3A_164, %mul3A_165 : i32
        %add3A_167 = arith.constant 0 : i32
        %add3A_168 = arith.addi %add3A_167, %mul3A_166 : i32
        %mul3A_169 = arith.constant 16 : i32
        %mul3A_170 = arith.muli %add3A_168, %mul3A_169 : i32
        %get3A = arith.constant 1 : i32
        %get3A_171 = arith.index_cast %get3A : i32 to index
        %get3A_172 = arith.index_cast %mul3A_170 : i32 to index
        %get3A_173 = tpu.vector_load %arg7[%get3A_171, %get3A_172] {strides = array<i32>} : memref<2x1024xf32, #tpu.memory_space<vmem>>, vector<16xf32>,
        %convert_element_type3A_174 = arith.fptosi %get3A_173 : vector<16xf32> to vector<16xi32>
        %gather3A = tpu.vector_load_idx %arg5[%convert_element_type3A_174] : memref<100000xf32, #tpu.memory_space<vmem>>[vector<16xi32>], vector<16xf32>,
        %mul3A_175 = arith.constant 16 : i32
        %mul3A_176 = arith.muli %add3A_168, %mul3A_175 : i32
        %swap3A = arith.constant 1 : i32
        %swap3A_177 = arith.index_cast %swap3A : i32 to index
        %swap3A_178 = arith.index_cast %mul3A_176 : i32 to index
        %swap3A_179 = tpu.vector_load %arg9[%swap3A_177, %swap3A_178] {strides = array<i32>} : memref<2x1024xf32, #tpu.memory_space<vmem>>, vector<16xf32>,
        tpu.vector_store %arg9[%swap3A_177, %swap3A_178], %gather3A {strides = array<i32>} : memref<2x1024xf32, #tpu.memory_space<vmem>>, vector<16xf32>,
        %scan3A_180 = arith.constant 1 : i32
        %scan3A_181 = arith.addi %scan3A_164, %scan3A_180 : i32
        %mul3A_182 = arith.constant 1 : i32
        %mul3A_183 = arith.muli %scan3A_181, %mul3A_182 : i32
        %add3A_184 = arith.constant 0 : i32
        %add3A_185 = arith.addi %add3A_184, %mul3A_183 : i32
        %mul3A_186 = arith.constant 16 : i32
        %mul3A_187 = arith.muli %add3A_185, %mul3A_186 : i32
        %get3A_188 = arith.constant 1 : i32
        %get3A_189 = arith.index_cast %get3A_188 : i32 to index
        %get3A_190 = arith.index_cast %mul3A_187 : i32 to index
        %get3A_191 = tpu.vector_load %arg7[%get3A_189, %get3A_190] {strides = array<i32>} : memref<2x1024xf32, #tpu.memory_space<vmem>>, vector<16xf32>,
        %convert_element_type3A_192 = arith.fptosi %get3A_191 : vector<16xf32> to vector<16xi32>
        %gather3A_193 = tpu.vector_load_idx %arg5[%convert_element_type3A_192] : memref<100000xf32, #tpu.memory_space<vmem>>[vector<16xi32>], vector<16xf32>,
        %mul3A_194 = arith.constant 16 : i32
        %mul3A_195 = arith.muli %add3A_185, %mul3A_194 : i32
        %swap3A_196 = arith.constant 1 : i32
        %swap3A_197 = arith.index_cast %swap3A_196 : i32 to index
        %swap3A_198 = arith.index_cast %mul3A_195 : i32 to index
        %swap3A_199 = tpu.vector_load %arg9[%swap3A_197, %swap3A_198] {strides = array<i32>} : memref<2x1024xf32, #tpu.memory_space<vmem>>, vector<16xf32>,
        tpu.vector_store %arg9[%swap3A_197, %swap3A_198], %gather3A_193 {strides = array<i32>} : memref<2x1024xf32, #tpu.memory_space<vmem>>, vector<16xf32>,
        %scan3A_200 = arith.constant 2 : i32
        %scan3A_201 = arith.addi %scan3A_164, %scan3A_200 : i32
        %mul3A_202 = arith.constant 1 : i32
        %mul3A_203 = arith.muli %scan3A_201, %mul3A_202 : i32
        %add3A_204 = arith.constant 0 : i32
        %add3A_205 = arith.addi %add3A_204, %mul3A_203 : i32
        %mul3A_206 = arith.constant 16 : i32
        %mul3A_207 = arith.muli %add3A_205, %mul3A_206 : i32
        %get3A_208 = arith.constant 1 : i32
        %get3A_209 = arith.index_cast %get3A_208 : i32 to index
        %get3A_210 = arith.index_cast %mul3A_207 : i32 to index
        %get3A_211 = tpu.vector_load %arg7[%get3A_209, %get3A_210] {strides = array<i32>} : memref<2x1024xf32, #tpu.memory_space<vmem>>, vector<16xf32>,
        %convert_element_type3A_212 = arith.fptosi %get3A_211 : vector<16xf32> to vector<16xi32>
        %gather3A_213 = tpu.vector_load_idx %arg5[%convert_element_type3A_212] : memref<100000xf32, #tpu.memory_space<vmem>>[vector<16xi32>], vector<16xf32>,
        %mul3A_214 = arith.constant 16 : i32
        %mul3A_215 = arith.muli %add3A_205, %mul3A_214 : i32
        %swap3A_216 = arith.constant 1 : i32
        %swap3A_217 = arith.index_cast %swap3A_216 : i32 to index
        %swap3A_218 = arith.index_cast %mul3A_215 : i32 to index
        %swap3A_219 = tpu.vector_load %arg9[%swap3A_217, %swap3A_218] {strides = array<i32>} : memref<2x1024xf32, #tpu.memory_space<vmem>>, vector<16xf32>,
        tpu.vector_store %arg9[%swap3A_217, %swap3A_218], %gather3A_213 {strides = array<i32>} : memref<2x1024xf32, #tpu.memory_space<vmem>>, vector<16xf32>,
        %scan3A_220 = arith.constant 3 : i32
        %scan3A_221 = arith.addi %scan3A_164, %scan3A_220 : i32
        %mul3A_222 = arith.constant 1 : i32
        %mul3A_223 = arith.muli %scan3A_221, %mul3A_222 : i32
        %add3A_224 = arith.constant 0 : i32
        %add3A_225 = arith.addi %add3A_224, %mul3A_223 : i32
        %mul3A_226 = arith.constant 16 : i32
        %mul3A_227 = arith.muli %add3A_225, %mul3A_226 : i32
        %get3A_228 = arith.constant 1 : i32
        %get3A_229 = arith.index_cast %get3A_228 : i32 to index
        %get3A_230 = arith.index_cast %mul3A_227 : i32 to index
        %get3A_231 = tpu.vector_load %arg7[%get3A_229, %get3A_230] {strides = array<i32>} : memref<2x1024xf32, #tpu.memory_space<vmem>>, vector<16xf32>,
        %convert_element_type3A_232 = arith.fptosi %get3A_231 : vector<16xf32> to vector<16xi32>
        %gather3A_233 = tpu.vector_load_idx %arg5[%convert_element_type3A_232] : memref<100000xf32, #tpu.memory_space<vmem>>[vector<16xi32>], vector<16xf32>,
        %mul3A_234 = arith.constant 16 : i32
        %mul3A_235 = arith.muli %add3A_225, %mul3A_234 : i32
        %swap3A_236 = arith.constant 1 : i32
        %swap3A_237 = arith.index_cast %swap3A_236 : i32 to index
        %swap3A_238 = arith.index_cast %mul3A_235 : i32 to index
        %swap3A_239 = tpu.vector_load %arg9[%swap3A_237, %swap3A_238] {strides = array<i32>} : memref<2x1024xf32, #tpu.memory_space<vmem>>, vector<16xf32>,
        tpu.vector_store %arg9[%swap3A_237, %swap3A_238], %gather3A_233 {strides = array<i32>} : memref<2x1024xf32, #tpu.memory_space<vmem>>, vector<16xf32>,
        %scan3A_240 = arith.constant 4 : i32
        %scan3A_241 = arith.addi %scan3A_164, %scan3A_240 : i32
        %mul3A_242 = arith.constant 1 : i32
        %mul3A_243 = arith.muli %scan3A_241, %mul3A_242 : i32
        %add3A_244 = arith.constant 0 : i32
        %add3A_245 = arith.addi %add3A_244, %mul3A_243 : i32
        %mul3A_246 = arith.constant 16 : i32
        %mul3A_247 = arith.muli %add3A_245, %mul3A_246 : i32
        %get3A_248 = arith.constant 1 : i32
        %get3A_249 = arith.index_cast %get3A_248 : i32 to index
        %get3A_250 = arith.index_cast %mul3A_247 : i32 to index
        %get3A_251 = tpu.vector_load %arg7[%get3A_249, %get3A_250] {strides = array<i32>} : memref<2x1024xf32, #tpu.memory_space<vmem>>, vector<16xf32>,
        %convert_element_type3A_252 = arith.fptosi %get3A_251 : vector<16xf32> to vector<16xi32>
        %gather3A_253 = tpu.vector_load_idx %arg5[%convert_element_type3A_252] : memref<100000xf32, #tpu.memory_space<vmem>>[vector<16xi32>], vector<16xf32>,
        %mul3A_254 = arith.constant 16 : i32
        %mul3A_255 = arith.muli %add3A_245, %mul3A_254 : i32
        %swap3A_256 = arith.constant 1 : i32
        %swap3A_257 = arith.index_cast %swap3A_256 : i32 to index
        %swap3A_258 = arith.index_cast %mul3A_255 : i32 to index
        %swap3A_259 = tpu.vector_load %arg9[%swap3A_257, %swap3A_258] {strides = array<i32>} : memref<2x1024xf32, #tpu.memory_space<vmem>>, vector<16xf32>,
        tpu.vector_store %arg9[%swap3A_257, %swap3A_258], %gather3A_253 {strides = array<i32>} : memref<2x1024xf32, #tpu.memory_space<vmem>>, vector<16xf32>,
        %scan3A_260 = arith.constant 5 : i32
        %scan3A_261 = arith.addi %scan3A_164, %scan3A_260 : i32
        %mul3A_262 = arith.constant 1 : i32
        %mul3A_263 = arith.muli %scan3A_261, %mul3A_262 : i32
        %add3A_264 = arith.constant 0 : i32
        %add3A_265 = arith.addi %add3A_264, %mul3A_263 : i32
        %mul3A_266 = arith.constant 16 : i32
        %mul3A_267 = arith.muli %add3A_265, %mul3A_266 : i32
        %get3A_268 = arith.constant 1 : i32
        %get3A_269 = arith.index_cast %get3A_268 : i32 to index
        %get3A_270 = arith.index_cast %mul3A_267 : i32 to index
        %get3A_271 = tpu.vector_load %arg7[%get3A_269, %get3A_270] {strides = array<i32>} : memref<2x1024xf32, #tpu.memory_space<vmem>>, vector<16xf32>,
        %convert_element_type3A_272 = arith.fptosi %get3A_271 : vector<16xf32> to vector<16xi32>
        %gather3A_273 = tpu.vector_load_idx %arg5[%convert_element_type3A_272] : memref<100000xf32, #tpu.memory_space<vmem>>[vector<16xi32>], vector<16xf32>,
        %mul3A_274 = arith.constant 16 : i32
        %mul3A_275 = arith.muli %add3A_265, %mul3A_274 : i32
        %swap3A_276 = arith.constant 1 : i32
        %swap3A_277 = arith.index_cast %swap3A_276 : i32 to index
        %swap3A_278 = arith.index_cast %mul3A_275 : i32 to index
        %swap3A_279 = tpu.vector_load %arg9[%swap3A_277, %swap3A_278] {strides = array<i32>} : memref<2x1024xf32, #tpu.memory_space<vmem>>, vector<16xf32>,
        tpu.vector_store %arg9[%swap3A_277, %swap3A_278], %gather3A_273 {strides = array<i32>} : memref<2x1024xf32, #tpu.memory_space<vmem>>, vector<16xf32>,
        %scan3A_280 = arith.constant 6 : i32
        %scan3A_281 = arith.addi %scan3A_164, %scan3A_280 : i32
        %mul3A_282 = arith.constant 1 : i32
        %mul3A_283 = arith.muli %scan3A_281, %mul3A_282 : i32
        %add3A_284 = arith.constant 0 : i32
        %add3A_285 = arith.addi %add3A_284, %mul3A_283 : i32
        %mul3A_286 = arith.constant 16 : i32
        %mul3A_287 = arith.muli %add3A_285, %mul3A_286 : i32
        %get3A_288 = arith.constant 1 : i32
        %get3A_289 = arith.index_cast %get3A_288 : i32 to index
        %get3A_290 = arith.index_cast %mul3A_287 : i32 to index
        %get3A_291 = tpu.vector_load %arg7[%get3A_289, %get3A_290] {strides = array<i32>} : memref<2x1024xf32, #tpu.memory_space<vmem>>, vector<16xf32>,
        %convert_element_type3A_292 = arith.fptosi %get3A_291 : vector<16xf32> to vector<16xi32>
        %gather3A_293 = tpu.vector_load_idx %arg5[%convert_element_type3A_292] : memref<100000xf32, #tpu.memory_space<vmem>>[vector<16xi32>], vector<16xf32>,
        %mul3A_294 = arith.constant 16 : i32
        %mul3A_295 = arith.muli %add3A_285, %mul3A_294 : i32
        %swap3A_296 = arith.constant 1 : i32
        %swap3A_297 = arith.index_cast %swap3A_296 : i32 to index
        %swap3A_298 = arith.index_cast %mul3A_295 : i32 to index
        %swap3A_299 = tpu.vector_load %arg9[%swap3A_297, %swap3A_298] {strides = array<i32>} : memref<2x1024xf32, #tpu.memory_space<vmem>>, vector<16xf32>,
        tpu.vector_store %arg9[%swap3A_297, %swap3A_298], %gather3A_293 {strides = array<i32>} : memref<2x1024xf32, #tpu.memory_space<vmem>>, vector<16xf32>,
        %scan3A_300 = arith.constant 7 : i32
        %scan3A_301 = arith.addi %scan3A_164, %scan3A_300 : i32
        %mul3A_302 = arith.constant 1 : i32
        %mul3A_303 = arith.muli %scan3A_301, %mul3A_302 : i32
        %add3A_304 = arith.constant 0 : i32
        %add3A_305 = arith.addi %add3A_304, %mul3A_303 : i32
        %mul3A_306 = arith.constant 16 : i32
        %mul3A_307 = arith.muli %add3A_305, %mul3A_306 : i32
        %get3A_308 = arith.constant 1 : i32
        %get3A_309 = arith.index_cast %get3A_308 : i32 to index
        %get3A_310 = arith.index_cast %mul3A_307 : i32 to index
        %get3A_311 = tpu.vector_load %arg7[%get3A_309, %get3A_310] {strides = array<i32>} : memref<2x1024xf32, #tpu.memory_space<vmem>>, vector<16xf32>,
        %convert_element_type3A_312 = arith.fptosi %get3A_311 : vector<16xf32> to vector<16xi32>
        %gather3A_313 = tpu.vector_load_idx %arg5[%convert_element_type3A_312] : memref<100000xf32, #tpu.memory_space<vmem>>[vector<16xi32>], vector<16xf32>,
        %mul3A_314 = arith.constant 16 : i32
        %mul3A_315 = arith.muli %add3A_305, %mul3A_314 : i32
        %swap3A_316 = arith.constant 1 : i32
        %swap3A_317 = arith.index_cast %swap3A_316 : i32 to index
        %swap3A_318 = arith.index_cast %mul3A_315 : i32 to index
        %swap3A_319 = tpu.vector_load %arg9[%swap3A_317, %swap3A_318] {strides = array<i32>} : memref<2x1024xf32, #tpu.memory_space<vmem>>, vector<16xf32>,
        tpu.vector_store %arg9[%swap3A_317, %swap3A_318], %gather3A_313 {strides = array<i32>} : memref<2x1024xf32, #tpu.memory_space<vmem>>, vector<16xf32>,
      }
      %scan3A_92 = arith.constant 64 : i32
      %dma_start3A_93 = arith.constant 2 : i32
      %dma_start3A_94 = arith.constant 0 : i32
      %dma_start3A_95 = tpu.memref_slice %arg4[%dma_start3A_93, %add3A_14, %dma_start3A_94] : memref<50x838x1024xf32, #tpu.memory_space<hbm>> -> memref<2x1x1024xf32, #tpu.memory_space<hbm>>
      %dma_start3A_96 = tpu.memref_squeeze %dma_start3A_95 : memref<2x1x1024xf32, #tpu.memory_space<hbm>> -> memref<2x1024xf32, #tpu.memory_space<hbm>>
      %dma_start3A_97 = arith.constant 2 : i32
      %dma_start3A_98 = arith.constant 0 : i32
      %dma_start3A_99 = tpu.memref_slice %arg4[%dma_start3A_97, %add3A_14, %dma_start3A_98] : memref<50x838x1024xf32, #tpu.memory_space<hbm>> -> memref<2x1x1024xf32, #tpu.memory_space<hbm>>
      %dma_start3A_100 = tpu.memref_squeeze %dma_start3A_99 : memref<2x1x1024xf32, #tpu.memory_space<hbm>> -> memref<2x1024xf32, #tpu.memory_space<hbm>>
      tpu.enqueue_dma source(%arg9 : memref<2x1024xf32, #tpu.memory_space<vmem>>) target(%dma_start3A_100 : memref<2x1024xf32, #tpu.memory_space<hbm>>) target_semaphore(%arg14 : memref<!tpu.dma_semaphore, #tpu.memory_space<semaphore_mem>>)
      %dma_start3A_101 = arith.constant 6 : i32
      %dma_start3A_102 = arith.constant 0 : i32
      %dma_start3A_103 = tpu.memref_slice %arg2[%dma_start3A_101, %add3A_11, %dma_start3A_102] : memref<50x32x1024xf32, #tpu.memory_space<hbm>> -> memref<2x1x1024xf32, #tpu.memory_space<hbm>>
      %dma_start3A_104 = tpu.memref_squeeze %dma_start3A_103 : memref<2x1x1024xf32, #tpu.memory_space<hbm>> -> memref<2x1024xf32, #tpu.memory_space<hbm>>
      %dma_start3A_105 = arith.constant 6 : i32
      %dma_start3A_106 = arith.constant 0 : i32
      %dma_start3A_107 = tpu.memref_slice %arg2[%dma_start3A_105, %add3A_11, %dma_start3A_106] : memref<50x32x1024xf32, #tpu.memory_space<hbm>> -> memref<2x1x1024xf32, #tpu.memory_space<hbm>>
      %dma_start3A_108 = tpu.memref_squeeze %dma_start3A_107 : memref<2x1x1024xf32, #tpu.memory_space<hbm>> -> memref<2x1024xf32, #tpu.memory_space<hbm>>
      tpu.enqueue_dma source(%dma_start3A_108 : memref<2x1024xf32, #tpu.memory_space<hbm>>) target(%arg7 : memref<2x1024xf32, #tpu.memory_space<vmem>>) target_semaphore(%arg12 : memref<!tpu.dma_semaphore, #tpu.memory_space<semaphore_mem>>)
      %scan3A_109 = arith.constant 0 : i32
      %scan3A_110 = arith.constant 11 : i32
      %scan3A_111 = arith.addi %scan3A_109, %scan3A_110 : i32
      %scan3A_112 = arith.constant 1 : i32
      scf.for %scan3A_164 = %scan3A_109 to %scan3A_111 step %scan3A_112  : i32 {
        %mul3A_165 = arith.constant 1 : i32
        %mul3A_166 = arith.muli %scan3A_164, %mul3A_165 : i32
        %add3A_167 = arith.constant 0 : i32
        %add3A_168 = arith.addi %add3A_167, %mul3A_166 : i32
        %mul3A_169 = arith.constant 2 : i32
        %mul3A_170 = arith.muli %mul3A_169, %add3A_168 : i32
        %add3A_171 = arith.constant 2 : i32
        %add3A_172 = arith.addi %mul3A_170, %add3A_171 : i32
        %mul3A_173 = arith.constant 2 : i32
        %mul3A_174 = arith.muli %add3A_172, %mul3A_173 : i32
        %dma_wait3A_175 = arith.constant 0 : i32
        %dma_wait3A_176 = tpu.memref_slice %arg2[%mul3A_174, %add3A_11, %dma_wait3A_175] : memref<50x32x1024xf32, #tpu.memory_space<hbm>> -> memref<2x1x1024xf32, #tpu.memory_space<hbm>>
        %dma_wait3A_177 = tpu.memref_squeeze %dma_wait3A_176 : memref<2x1x1024xf32, #tpu.memory_space<hbm>> -> memref<2x1024xf32, #tpu.memory_space<hbm>>
        %dma_wait3A_178 = arith.constant 0 : i32
        %dma_wait3A_179 = tpu.memref_slice %arg2[%mul3A_174, %add3A_11, %dma_wait3A_178] : memref<50x32x1024xf32, #tpu.memory_space<hbm>> -> memref<2x1x1024xf32, #tpu.memory_space<hbm>>
        %dma_wait3A_180 = tpu.memref_squeeze %dma_wait3A_179 : memref<2x1x1024xf32, #tpu.memory_space<hbm>> -> memref<2x1024xf32, #tpu.memory_space<hbm>>
        tpu.wait_dma2 semaphore(%arg11 : memref<!tpu.dma_semaphore, #tpu.memory_space<semaphore_mem>>) src(%dma_wait3A_180 : memref<2x1024xf32, #tpu.memory_space<hbm>>) dst(%arg6 : memref<2x1024xf32, #tpu.memory_space<vmem>>)
        %dma_wait3A_181 = arith.constant 0 : i32
        %dma_wait3A_182 = arith.constant 0 : i32
        %dma_wait3A_183 = tpu.memref_slice %arg4[%dma_wait3A_181, %add3A_14, %dma_wait3A_182] : memref<50x838x1024xf32, #tpu.memory_space<hbm>> -> memref<2x1x1024xf32, #tpu.memory_space<hbm>>
        %dma_wait3A_184 = tpu.memref_squeeze %dma_wait3A_183 : memref<2x1x1024xf32, #tpu.memory_space<hbm>> -> memref<2x1024xf32, #tpu.memory_space<hbm>>
        %dma_wait3A_185 = arith.constant 0 : i32
        %dma_wait3A_186 = arith.constant 0 : i32
        %dma_wait3A_187 = tpu.memref_slice %arg4[%dma_wait3A_185, %add3A_14, %dma_wait3A_186] : memref<50x838x1024xf32, #tpu.memory_space<hbm>> -> memref<2x1x1024xf32, #tpu.memory_space<hbm>>
        %dma_wait3A_188 = tpu.memref_squeeze %dma_wait3A_187 : memref<2x1x1024xf32, #tpu.memory_space<hbm>> -> memref<2x1024xf32, #tpu.memory_space<hbm>>
        tpu.wait_dma2 semaphore(%arg13 : memref<!tpu.dma_semaphore, #tpu.memory_space<semaphore_mem>>) src(%arg8 : memref<2x1024xf32, #tpu.memory_space<vmem>>) dst(%dma_wait3A_188 : memref<2x1024xf32, #tpu.memory_space<hbm>>)
        %scan3A_189 = arith.constant 0 : i32
        %scan3A_190 = arith.constant 64 : i32
        %scan3A_191 = arith.addi %scan3A_189, %scan3A_190 : i32
        %scan3A_192 = arith.constant 8 : i32
        scf.for %scan3A_252 = %scan3A_189 to %scan3A_191 step %scan3A_192  : i32 {
          %mul3A_253 = arith.constant 1 : i32
          %mul3A_254 = arith.muli %scan3A_252, %mul3A_253 : i32
          %add3A_255 = arith.constant 0 : i32
          %add3A_256 = arith.addi %add3A_255, %mul3A_254 : i32
          %mul3A_257 = arith.constant 16 : i32
          %mul3A_258 = arith.muli %add3A_256, %mul3A_257 : i32
          %get3A = arith.constant 0 : i32
          %get3A_259 = arith.index_cast %get3A : i32 to index
          %get3A_260 = arith.index_cast %mul3A_258 : i32 to index
          %get3A_261 = tpu.vector_load %arg6[%get3A_259, %get3A_260] {strides = array<i32>} : memref<2x1024xf32, #tpu.memory_space<vmem>>, vector<16xf32>,
          %convert_element_type3A_262 = arith.fptosi %get3A_261 : vector<16xf32> to vector<16xi32>
          %gather3A = tpu.vector_load_idx %arg5[%convert_element_type3A_262] : memref<100000xf32, #tpu.memory_space<vmem>>[vector<16xi32>], vector<16xf32>,
          %mul3A_263 = arith.constant 16 : i32
          %mul3A_264 = arith.muli %add3A_256, %mul3A_263 : i32
          %swap3A = arith.constant 0 : i32
          %swap3A_265 = arith.index_cast %swap3A : i32 to index
          %swap3A_266 = arith.index_cast %mul3A_264 : i32 to index
          %swap3A_267 = tpu.vector_load %arg8[%swap3A_265, %swap3A_266] {strides = array<i32>} : memref<2x1024xf32, #tpu.memory_space<vmem>>, vector<16xf32>,
          tpu.vector_store %arg8[%swap3A_265, %swap3A_266], %gather3A {strides = array<i32>} : memref<2x1024xf32, #tpu.memory_space<vmem>>, vector<16xf32>,
          %scan3A_268 = arith.constant 1 : i32
          %scan3A_269 = arith.addi %scan3A_252, %scan3A_268 : i32
          %mul3A_270 = arith.constant 1 : i32
          %mul3A_271 = arith.muli %scan3A_269, %mul3A_270 : i32
          %add3A_272 = arith.constant 0 : i32
          %add3A_273 = arith.addi %add3A_272, %mul3A_271 : i32
          %mul3A_274 = arith.constant 16 : i32
          %mul3A_275 = arith.muli %add3A_273, %mul3A_274 : i32
          %get3A_276 = arith.constant 0 : i32
          %get3A_277 = arith.index_cast %get3A_276 : i32 to index
          %get3A_278 = arith.index_cast %mul3A_275 : i32 to index
          %get3A_279 = tpu.vector_load %arg6[%get3A_277, %get3A_278] {strides = array<i32>} : memref<2x1024xf32, #tpu.memory_space<vmem>>, vector<16xf32>,
          %convert_element_type3A_280 = arith.fptosi %get3A_279 : vector<16xf32> to vector<16xi32>
          %gather3A_281 = tpu.vector_load_idx %arg5[%convert_element_type3A_280] : memref<100000xf32, #tpu.memory_space<vmem>>[vector<16xi32>], vector<16xf32>,
          %mul3A_282 = arith.constant 16 : i32
          %mul3A_283 = arith.muli %add3A_273, %mul3A_282 : i32
          %swap3A_284 = arith.constant 0 : i32
          %swap3A_285 = arith.index_cast %swap3A_284 : i32 to index
          %swap3A_286 = arith.index_cast %mul3A_283 : i32 to index
          %swap3A_287 = tpu.vector_load %arg8[%swap3A_285, %swap3A_286] {strides = array<i32>} : memref<2x1024xf32, #tpu.memory_space<vmem>>, vector<16xf32>,
          tpu.vector_store %arg8[%swap3A_285, %swap3A_286], %gather3A_281 {strides = array<i32>} : memref<2x1024xf32, #tpu.memory_space<vmem>>, vector<16xf32>,
          %scan3A_288 = arith.constant 2 : i32
          %scan3A_289 = arith.addi %scan3A_252, %scan3A_288 : i32
          %mul3A_290 = arith.constant 1 : i32
          %mul3A_291 = arith.muli %scan3A_289, %mul3A_290 : i32
          %add3A_292 = arith.constant 0 : i32
          %add3A_293 = arith.addi %add3A_292, %mul3A_291 : i32
          %mul3A_294 = arith.constant 16 : i32
          %mul3A_295 = arith.muli %add3A_293, %mul3A_294 : i32
          %get3A_296 = arith.constant 0 : i32
          %get3A_297 = arith.index_cast %get3A_296 : i32 to index
          %get3A_298 = arith.index_cast %mul3A_295 : i32 to index
          %get3A_299 = tpu.vector_load %arg6[%get3A_297, %get3A_298] {strides = array<i32>} : memref<2x1024xf32, #tpu.memory_space<vmem>>, vector<16xf32>,
          %convert_element_type3A_300 = arith.fptosi %get3A_299 : vector<16xf32> to vector<16xi32>
          %gather3A_301 = tpu.vector_load_idx %arg5[%convert_element_type3A_300] : memref<100000xf32, #tpu.memory_space<vmem>>[vector<16xi32>], vector<16xf32>,
          %mul3A_302 = arith.constant 16 : i32
          %mul3A_303 = arith.muli %add3A_293, %mul3A_302 : i32
          %swap3A_304 = arith.constant 0 : i32
          %swap3A_305 = arith.index_cast %swap3A_304 : i32 to index
          %swap3A_306 = arith.index_cast %mul3A_303 : i32 to index
          %swap3A_307 = tpu.vector_load %arg8[%swap3A_305, %swap3A_306] {strides = array<i32>} : memref<2x1024xf32, #tpu.memory_space<vmem>>, vector<16xf32>,
          tpu.vector_store %arg8[%swap3A_305, %swap3A_306], %gather3A_301 {strides = array<i32>} : memref<2x1024xf32, #tpu.memory_space<vmem>>, vector<16xf32>,
          %scan3A_308 = arith.constant 3 : i32
          %scan3A_309 = arith.addi %scan3A_252, %scan3A_308 : i32
          %mul3A_310 = arith.constant 1 : i32
          %mul3A_311 = arith.muli %scan3A_309, %mul3A_310 : i32
          %add3A_312 = arith.constant 0 : i32
          %add3A_313 = arith.addi %add3A_312, %mul3A_311 : i32
          %mul3A_314 = arith.constant 16 : i32
          %mul3A_315 = arith.muli %add3A_313, %mul3A_314 : i32
          %get3A_316 = arith.constant 0 : i32
          %get3A_317 = arith.index_cast %get3A_316 : i32 to index
          %get3A_318 = arith.index_cast %mul3A_315 : i32 to index
          %get3A_319 = tpu.vector_load %arg6[%get3A_317, %get3A_318] {strides = array<i32>} : memref<2x1024xf32, #tpu.memory_space<vmem>>, vector<16xf32>,
          %convert_element_type3A_320 = arith.fptosi %get3A_319 : vector<16xf32> to vector<16xi32>
          %gather3A_321 = tpu.vector_load_idx %arg5[%convert_element_type3A_320] : memref<100000xf32, #tpu.memory_space<vmem>>[vector<16xi32>], vector<16xf32>,
          %mul3A_322 = arith.constant 16 : i32
          %mul3A_323 = arith.muli %add3A_313, %mul3A_322 : i32
          %swap3A_324 = arith.constant 0 : i32
          %swap3A_325 = arith.index_cast %swap3A_324 : i32 to index
          %swap3A_326 = arith.index_cast %mul3A_323 : i32 to index
          %swap3A_327 = tpu.vector_load %arg8[%swap3A_325, %swap3A_326] {strides = array<i32>} : memref<2x1024xf32, #tpu.memory_space<vmem>>, vector<16xf32>,
          tpu.vector_store %arg8[%swap3A_325, %swap3A_326], %gather3A_321 {strides = array<i32>} : memref<2x1024xf32, #tpu.memory_space<vmem>>, vector<16xf32>,
          %scan3A_328 = arith.constant 4 : i32
          %scan3A_329 = arith.addi %scan3A_252, %scan3A_328 : i32
          %mul3A_330 = arith.constant 1 : i32
          %mul3A_331 = arith.muli %scan3A_329, %mul3A_330 : i32
          %add3A_332 = arith.constant 0 : i32
          %add3A_333 = arith.addi %add3A_332, %mul3A_331 : i32
          %mul3A_334 = arith.constant 16 : i32
          %mul3A_335 = arith.muli %add3A_333, %mul3A_334 : i32
          %get3A_336 = arith.constant 0 : i32
          %get3A_337 = arith.index_cast %get3A_336 : i32 to index
          %get3A_338 = arith.index_cast %mul3A_335 : i32 to index
          %get3A_339 = tpu.vector_load %arg6[%get3A_337, %get3A_338] {strides = array<i32>} : memref<2x1024xf32, #tpu.memory_space<vmem>>, vector<16xf32>,
          %convert_element_type3A_340 = arith.fptosi %get3A_339 : vector<16xf32> to vector<16xi32>
          %gather3A_341 = tpu.vector_load_idx %arg5[%convert_element_type3A_340] : memref<100000xf32, #tpu.memory_space<vmem>>[vector<16xi32>], vector<16xf32>,
          %mul3A_342 = arith.constant 16 : i32
          %mul3A_343 = arith.muli %add3A_333, %mul3A_342 : i32
          %swap3A_344 = arith.constant 0 : i32
          %swap3A_345 = arith.index_cast %swap3A_344 : i32 to index
          %swap3A_346 = arith.index_cast %mul3A_343 : i32 to index
          %swap3A_347 = tpu.vector_load %arg8[%swap3A_345, %swap3A_346] {strides = array<i32>} : memref<2x1024xf32, #tpu.memory_space<vmem>>, vector<16xf32>,
          tpu.vector_store %arg8[%swap3A_345, %swap3A_346], %gather3A_341 {strides = array<i32>} : memref<2x1024xf32, #tpu.memory_space<vmem>>, vector<16xf32>,
          %scan3A_348 = arith.constant 5 : i32
          %scan3A_349 = arith.addi %scan3A_252, %scan3A_348 : i32
          %mul3A_350 = arith.constant 1 : i32
          %mul3A_351 = arith.muli %scan3A_349, %mul3A_350 : i32
          %add3A_352 = arith.constant 0 : i32
          %add3A_353 = arith.addi %add3A_352, %mul3A_351 : i32
          %mul3A_354 = arith.constant 16 : i32
          %mul3A_355 = arith.muli %add3A_353, %mul3A_354 : i32
          %get3A_356 = arith.constant 0 : i32
          %get3A_357 = arith.index_cast %get3A_356 : i32 to index
          %get3A_358 = arith.index_cast %mul3A_355 : i32 to index
          %get3A_359 = tpu.vector_load %arg6[%get3A_357, %get3A_358] {strides = array<i32>} : memref<2x1024xf32, #tpu.memory_space<vmem>>, vector<16xf32>,
          %convert_element_type3A_360 = arith.fptosi %get3A_359 : vector<16xf32> to vector<16xi32>
          %gather3A_361 = tpu.vector_load_idx %arg5[%convert_element_type3A_360] : memref<100000xf32, #tpu.memory_space<vmem>>[vector<16xi32>], vector<16xf32>,
          %mul3A_362 = arith.constant 16 : i32
          %mul3A_363 = arith.muli %add3A_353, %mul3A_362 : i32
          %swap3A_364 = arith.constant 0 : i32
          %swap3A_365 = arith.index_cast %swap3A_364 : i32 to index
          %swap3A_366 = arith.index_cast %mul3A_363 : i32 to index
          %swap3A_367 = tpu.vector_load %arg8[%swap3A_365, %swap3A_366] {strides = array<i32>} : memref<2x1024xf32, #tpu.memory_space<vmem>>, vector<16xf32>,
          tpu.vector_store %arg8[%swap3A_365, %swap3A_366], %gather3A_361 {strides = array<i32>} : memref<2x1024xf32, #tpu.memory_space<vmem>>, vector<16xf32>,
          %scan3A_368 = arith.constant 6 : i32
          %scan3A_369 = arith.addi %scan3A_252, %scan3A_368 : i32
          %mul3A_370 = arith.constant 1 : i32
          %mul3A_371 = arith.muli %scan3A_369, %mul3A_370 : i32
          %add3A_372 = arith.constant 0 : i32
          %add3A_373 = arith.addi %add3A_372, %mul3A_371 : i32
          %mul3A_374 = arith.constant 16 : i32
          %mul3A_375 = arith.muli %add3A_373, %mul3A_374 : i32
          %get3A_376 = arith.constant 0 : i32
          %get3A_377 = arith.index_cast %get3A_376 : i32 to index
          %get3A_378 = arith.index_cast %mul3A_375 : i32 to index
          %get3A_379 = tpu.vector_load %arg6[%get3A_377, %get3A_378] {strides = array<i32>} : memref<2x1024xf32, #tpu.memory_space<vmem>>, vector<16xf32>,
          %convert_element_type3A_380 = arith.fptosi %get3A_379 : vector<16xf32> to vector<16xi32>
          %gather3A_381 = tpu.vector_load_idx %arg5[%convert_element_type3A_380] : memref<100000xf32, #tpu.memory_space<vmem>>[vector<16xi32>], vector<16xf32>,
          %mul3A_382 = arith.constant 16 : i32
          %mul3A_383 = arith.muli %add3A_373, %mul3A_382 : i32
          %swap3A_384 = arith.constant 0 : i32
          %swap3A_385 = arith.index_cast %swap3A_384 : i32 to index
          %swap3A_386 = arith.index_cast %mul3A_383 : i32 to index
          %swap3A_387 = tpu.vector_load %arg8[%swap3A_385, %swap3A_386] {strides = array<i32>} : memref<2x1024xf32, #tpu.memory_space<vmem>>, vector<16xf32>,
          tpu.vector_store %arg8[%swap3A_385, %swap3A_386], %gather3A_381 {strides = array<i32>} : memref<2x1024xf32, #tpu.memory_space<vmem>>, vector<16xf32>,
          %scan3A_388 = arith.constant 7 : i32
          %scan3A_389 = arith.addi %scan3A_252, %scan3A_388 : i32
          %mul3A_390 = arith.constant 1 : i32
          %mul3A_391 = arith.muli %scan3A_389, %mul3A_390 : i32
          %add3A_392 = arith.constant 0 : i32
          %add3A_393 = arith.addi %add3A_392, %mul3A_391 : i32
          %mul3A_394 = arith.constant 16 : i32
          %mul3A_395 = arith.muli %add3A_393, %mul3A_394 : i32
          %get3A_396 = arith.constant 0 : i32
          %get3A_397 = arith.index_cast %get3A_396 : i32 to index
          %get3A_398 = arith.index_cast %mul3A_395 : i32 to index
          %get3A_399 = tpu.vector_load %arg6[%get3A_397, %get3A_398] {strides = array<i32>} : memref<2x1024xf32, #tpu.memory_space<vmem>>, vector<16xf32>,
          %convert_element_type3A_400 = arith.fptosi %get3A_399 : vector<16xf32> to vector<16xi32>
          %gather3A_401 = tpu.vector_load_idx %arg5[%convert_element_type3A_400] : memref<100000xf32, #tpu.memory_space<vmem>>[vector<16xi32>], vector<16xf32>,
          %mul3A_402 = arith.constant 16 : i32
          %mul3A_403 = arith.muli %add3A_393, %mul3A_402 : i32
          %swap3A_404 = arith.constant 0 : i32
          %swap3A_405 = arith.index_cast %swap3A_404 : i32 to index
          %swap3A_406 = arith.index_cast %mul3A_403 : i32 to index
          %swap3A_407 = tpu.vector_load %arg8[%swap3A_405, %swap3A_406] {strides = array<i32>} : memref<2x1024xf32, #tpu.memory_space<vmem>>, vector<16xf32>,
          tpu.vector_store %arg8[%swap3A_405, %swap3A_406], %gather3A_401 {strides = array<i32>} : memref<2x1024xf32, #tpu.memory_space<vmem>>, vector<16xf32>,
        }
        %scan3A_193 = arith.constant 64 : i32
        %scan3A_194 = arith.constant 0 : i32
        %scan3A_195 = arith.constant 64 : i32
        %scan3A_196 = arith.addi %scan3A_194, %scan3A_195 : i32
        %scan3A_197 = arith.constant 8 : i32
        scf.for %scan3A_252 = %scan3A_194 to %scan3A_196 step %scan3A_197  : i32 {
          %mul3A_253 = arith.constant 1 : i32
          %mul3A_254 = arith.muli %scan3A_252, %mul3A_253 : i32
          %add3A_255 = arith.constant 0 : i32
          %add3A_256 = arith.addi %add3A_255, %mul3A_254 : i32
          %mul3A_257 = arith.constant 16 : i32
          %mul3A_258 = arith.muli %add3A_256, %mul3A_257 : i32
          %get3A = arith.constant 1 : i32
          %get3A_259 = arith.index_cast %get3A : i32 to index
          %get3A_260 = arith.index_cast %mul3A_258 : i32 to index
          %get3A_261 = tpu.vector_load %arg6[%get3A_259, %get3A_260] {strides = array<i32>} : memref<2x1024xf32, #tpu.memory_space<vmem>>, vector<16xf32>,
          %convert_element_type3A_262 = arith.fptosi %get3A_261 : vector<16xf32> to vector<16xi32>
          %gather3A = tpu.vector_load_idx %arg5[%convert_element_type3A_262] : memref<100000xf32, #tpu.memory_space<vmem>>[vector<16xi32>], vector<16xf32>,
          %mul3A_263 = arith.constant 16 : i32
          %mul3A_264 = arith.muli %add3A_256, %mul3A_263 : i32
          %swap3A = arith.constant 1 : i32
          %swap3A_265 = arith.index_cast %swap3A : i32 to index
          %swap3A_266 = arith.index_cast %mul3A_264 : i32 to index
          %swap3A_267 = tpu.vector_load %arg8[%swap3A_265, %swap3A_266] {strides = array<i32>} : memref<2x1024xf32, #tpu.memory_space<vmem>>, vector<16xf32>,
          tpu.vector_store %arg8[%swap3A_265, %swap3A_266], %gather3A {strides = array<i32>} : memref<2x1024xf32, #tpu.memory_space<vmem>>, vector<16xf32>,
          %scan3A_268 = arith.constant 1 : i32
          %scan3A_269 = arith.addi %scan3A_252, %scan3A_268 : i32
          %mul3A_270 = arith.constant 1 : i32
          %mul3A_271 = arith.muli %scan3A_269, %mul3A_270 : i32
          %add3A_272 = arith.constant 0 : i32
          %add3A_273 = arith.addi %add3A_272, %mul3A_271 : i32
          %mul3A_274 = arith.constant 16 : i32
          %mul3A_275 = arith.muli %add3A_273, %mul3A_274 : i32
          %get3A_276 = arith.constant 1 : i32
          %get3A_277 = arith.index_cast %get3A_276 : i32 to index
          %get3A_278 = arith.index_cast %mul3A_275 : i32 to index
          %get3A_279 = tpu.vector_load %arg6[%get3A_277, %get3A_278] {strides = array<i32>} : memref<2x1024xf32, #tpu.memory_space<vmem>>, vector<16xf32>,
          %convert_element_type3A_280 = arith.fptosi %get3A_279 : vector<16xf32> to vector<16xi32>
          %gather3A_281 = tpu.vector_load_idx %arg5[%convert_element_type3A_280] : memref<100000xf32, #tpu.memory_space<vmem>>[vector<16xi32>], vector<16xf32>,
          %mul3A_282 = arith.constant 16 : i32
          %mul3A_283 = arith.muli %add3A_273, %mul3A_282 : i32
          %swap3A_284 = arith.constant 1 : i32
          %swap3A_285 = arith.index_cast %swap3A_284 : i32 to index
          %swap3A_286 = arith.index_cast %mul3A_283 : i32 to index
          %swap3A_287 = tpu.vector_load %arg8[%swap3A_285, %swap3A_286] {strides = array<i32>} : memref<2x1024xf32, #tpu.memory_space<vmem>>, vector<16xf32>,
          tpu.vector_store %arg8[%swap3A_285, %swap3A_286], %gather3A_281 {strides = array<i32>} : memref<2x1024xf32, #tpu.memory_space<vmem>>, vector<16xf32>,
          %scan3A_288 = arith.constant 2 : i32
          %scan3A_289 = arith.addi %scan3A_252, %scan3A_288 : i32
          %mul3A_290 = arith.constant 1 : i32
          %mul3A_291 = arith.muli %scan3A_289, %mul3A_290 : i32
          %add3A_292 = arith.constant 0 : i32
          %add3A_293 = arith.addi %add3A_292, %mul3A_291 : i32
          %mul3A_294 = arith.constant 16 : i32
          %mul3A_295 = arith.muli %add3A_293, %mul3A_294 : i32
          %get3A_296 = arith.constant 1 : i32
          %get3A_297 = arith.index_cast %get3A_296 : i32 to index
          %get3A_298 = arith.index_cast %mul3A_295 : i32 to index
          %get3A_299 = tpu.vector_load %arg6[%get3A_297, %get3A_298] {strides = array<i32>} : memref<2x1024xf32, #tpu.memory_space<vmem>>, vector<16xf32>,
          %convert_element_type3A_300 = arith.fptosi %get3A_299 : vector<16xf32> to vector<16xi32>
          %gather3A_301 = tpu.vector_load_idx %arg5[%convert_element_type3A_300] : memref<100000xf32, #tpu.memory_space<vmem>>[vector<16xi32>], vector<16xf32>,
          %mul3A_302 = arith.constant 16 : i32
          %mul3A_303 = arith.muli %add3A_293, %mul3A_302 : i32
          %swap3A_304 = arith.constant 1 : i32
          %swap3A_305 = arith.index_cast %swap3A_304 : i32 to index
          %swap3A_306 = arith.index_cast %mul3A_303 : i32 to index
          %swap3A_307 = tpu.vector_load %arg8[%swap3A_305, %swap3A_306] {strides = array<i32>} : memref<2x1024xf32, #tpu.memory_space<vmem>>, vector<16xf32>,
          tpu.vector_store %arg8[%swap3A_305, %swap3A_306], %gather3A_301 {strides = array<i32>} : memref<2x1024xf32, #tpu.memory_space<vmem>>, vector<16xf32>,
          %scan3A_308 = arith.constant 3 : i32
          %scan3A_309 = arith.addi %scan3A_252, %scan3A_308 : i32
          %mul3A_310 = arith.constant 1 : i32
          %mul3A_311 = arith.muli %scan3A_309, %mul3A_310 : i32
          %add3A_312 = arith.constant 0 : i32
          %add3A_313 = arith.addi %add3A_312, %mul3A_311 : i32
          %mul3A_314 = arith.constant 16 : i32
          %mul3A_315 = arith.muli %add3A_313, %mul3A_314 : i32
          %get3A_316 = arith.constant 1 : i32
          %get3A_317 = arith.index_cast %get3A_316 : i32 to index
          %get3A_318 = arith.index_cast %mul3A_315 : i32 to index
          %get3A_319 = tpu.vector_load %arg6[%get3A_317, %get3A_318] {strides = array<i32>} : memref<2x1024xf32, #tpu.memory_space<vmem>>, vector<16xf32>,
          %convert_element_type3A_320 = arith.fptosi %get3A_319 : vector<16xf32> to vector<16xi32>
          %gather3A_321 = tpu.vector_load_idx %arg5[%convert_element_type3A_320] : memref<100000xf32, #tpu.memory_space<vmem>>[vector<16xi32>], vector<16xf32>,
          %mul3A_322 = arith.constant 16 : i32
          %mul3A_323 = arith.muli %add3A_313, %mul3A_322 : i32
          %swap3A_324 = arith.constant 1 : i32
          %swap3A_325 = arith.index_cast %swap3A_324 : i32 to index
          %swap3A_326 = arith.index_cast %mul3A_323 : i32 to index
          %swap3A_327 = tpu.vector_load %arg8[%swap3A_325, %swap3A_326] {strides = array<i32>} : memref<2x1024xf32, #tpu.memory_space<vmem>>, vector<16xf32>,
          tpu.vector_store %arg8[%swap3A_325, %swap3A_326], %gather3A_321 {strides = array<i32>} : memref<2x1024xf32, #tpu.memory_space<vmem>>, vector<16xf32>,
          %scan3A_328 = arith.constant 4 : i32
          %scan3A_329 = arith.addi %scan3A_252, %scan3A_328 : i32
          %mul3A_330 = arith.constant 1 : i32
          %mul3A_331 = arith.muli %scan3A_329, %mul3A_330 : i32
          %add3A_332 = arith.constant 0 : i32
          %add3A_333 = arith.addi %add3A_332, %mul3A_331 : i32
          %mul3A_334 = arith.constant 16 : i32
          %mul3A_335 = arith.muli %add3A_333, %mul3A_334 : i32
          %get3A_336 = arith.constant 1 : i32
          %get3A_337 = arith.index_cast %get3A_336 : i32 to index
          %get3A_338 = arith.index_cast %mul3A_335 : i32 to index
          %get3A_339 = tpu.vector_load %arg6[%get3A_337, %get3A_338] {strides = array<i32>} : memref<2x1024xf32, #tpu.memory_space<vmem>>, vector<16xf32>,
          %convert_element_type3A_340 = arith.fptosi %get3A_339 : vector<16xf32> to vector<16xi32>
          %gather3A_341 = tpu.vector_load_idx %arg5[%convert_element_type3A_340] : memref<100000xf32, #tpu.memory_space<vmem>>[vector<16xi32>], vector<16xf32>,
          %mul3A_342 = arith.constant 16 : i32
          %mul3A_343 = arith.muli %add3A_333, %mul3A_342 : i32
          %swap3A_344 = arith.constant 1 : i32
          %swap3A_345 = arith.index_cast %swap3A_344 : i32 to index
          %swap3A_346 = arith.index_cast %mul3A_343 : i32 to index
          %swap3A_347 = tpu.vector_load %arg8[%swap3A_345, %swap3A_346] {strides = array<i32>} : memref<2x1024xf32, #tpu.memory_space<vmem>>, vector<16xf32>,
          tpu.vector_store %arg8[%swap3A_345, %swap3A_346], %gather3A_341 {strides = array<i32>} : memref<2x1024xf32, #tpu.memory_space<vmem>>, vector<16xf32>,
          %scan3A_348 = arith.constant 5 : i32
          %scan3A_349 = arith.addi %scan3A_252, %scan3A_348 : i32
          %mul3A_350 = arith.constant 1 : i32
          %mul3A_351 = arith.muli %scan3A_349, %mul3A_350 : i32
          %add3A_352 = arith.constant 0 : i32
          %add3A_353 = arith.addi %add3A_352, %mul3A_351 : i32
          %mul3A_354 = arith.constant 16 : i32
          %mul3A_355 = arith.muli %add3A_353, %mul3A_354 : i32
          %get3A_356 = arith.constant 1 : i32
          %get3A_357 = arith.index_cast %get3A_356 : i32 to index
          %get3A_358 = arith.index_cast %mul3A_355 : i32 to index
          %get3A_359 = tpu.vector_load %arg6[%get3A_357, %get3A_358] {strides = array<i32>} : memref<2x1024xf32, #tpu.memory_space<vmem>>, vector<16xf32>,
          %convert_element_type3A_360 = arith.fptosi %get3A_359 : vector<16xf32> to vector<16xi32>
          %gather3A_361 = tpu.vector_load_idx %arg5[%convert_element_type3A_360] : memref<100000xf32, #tpu.memory_space<vmem>>[vector<16xi32>], vector<16xf32>,
          %mul3A_362 = arith.constant 16 : i32
          %mul3A_363 = arith.muli %add3A_353, %mul3A_362 : i32
          %swap3A_364 = arith.constant 1 : i32
          %swap3A_365 = arith.index_cast %swap3A_364 : i32 to index
          %swap3A_366 = arith.index_cast %mul3A_363 : i32 to index
          %swap3A_367 = tpu.vector_load %arg8[%swap3A_365, %swap3A_366] {strides = array<i32>} : memref<2x1024xf32, #tpu.memory_space<vmem>>, vector<16xf32>,
          tpu.vector_store %arg8[%swap3A_365, %swap3A_366], %gather3A_361 {strides = array<i32>} : memref<2x1024xf32, #tpu.memory_space<vmem>>, vector<16xf32>,
          %scan3A_368 = arith.constant 6 : i32
          %scan3A_369 = arith.addi %scan3A_252, %scan3A_368 : i32
          %mul3A_370 = arith.constant 1 : i32
          %mul3A_371 = arith.muli %scan3A_369, %mul3A_370 : i32
          %add3A_372 = arith.constant 0 : i32
          %add3A_373 = arith.addi %add3A_372, %mul3A_371 : i32
          %mul3A_374 = arith.constant 16 : i32
          %mul3A_375 = arith.muli %add3A_373, %mul3A_374 : i32
          %get3A_376 = arith.constant 1 : i32
          %get3A_377 = arith.index_cast %get3A_376 : i32 to index
          %get3A_378 = arith.index_cast %mul3A_375 : i32 to index
          %get3A_379 = tpu.vector_load %arg6[%get3A_377, %get3A_378] {strides = array<i32>} : memref<2x1024xf32, #tpu.memory_space<vmem>>, vector<16xf32>,
          %convert_element_type3A_380 = arith.fptosi %get3A_379 : vector<16xf32> to vector<16xi32>
          %gather3A_381 = tpu.vector_load_idx %arg5[%convert_element_type3A_380] : memref<100000xf32, #tpu.memory_space<vmem>>[vector<16xi32>], vector<16xf32>,
          %mul3A_382 = arith.constant 16 : i32
          %mul3A_383 = arith.muli %add3A_373, %mul3A_382 : i32
          %swap3A_384 = arith.constant 1 : i32
          %swap3A_385 = arith.index_cast %swap3A_384 : i32 to index
          %swap3A_386 = arith.index_cast %mul3A_383 : i32 to index
          %swap3A_387 = tpu.vector_load %arg8[%swap3A_385, %swap3A_386] {strides = array<i32>} : memref<2x1024xf32, #tpu.memory_space<vmem>>, vector<16xf32>,
          tpu.vector_store %arg8[%swap3A_385, %swap3A_386], %gather3A_381 {strides = array<i32>} : memref<2x1024xf32, #tpu.memory_space<vmem>>, vector<16xf32>,
          %scan3A_388 = arith.constant 7 : i32
          %scan3A_389 = arith.addi %scan3A_252, %scan3A_388 : i32
          %mul3A_390 = arith.constant 1 : i32
          %mul3A_391 = arith.muli %scan3A_389, %mul3A_390 : i32
          %add3A_392 = arith.constant 0 : i32
          %add3A_393 = arith.addi %add3A_392, %mul3A_391 : i32
          %mul3A_394 = arith.constant 16 : i32
          %mul3A_395 = arith.muli %add3A_393, %mul3A_394 : i32
          %get3A_396 = arith.constant 1 : i32
          %get3A_397 = arith.index_cast %get3A_396 : i32 to index
          %get3A_398 = arith.index_cast %mul3A_395 : i32 to index
          %get3A_399 = tpu.vector_load %arg6[%get3A_397, %get3A_398] {strides = array<i32>} : memref<2x1024xf32, #tpu.memory_space<vmem>>, vector<16xf32>,
          %convert_element_type3A_400 = arith.fptosi %get3A_399 : vector<16xf32> to vector<16xi32>
          %gather3A_401 = tpu.vector_load_idx %arg5[%convert_element_type3A_400] : memref<100000xf32, #tpu.memory_space<vmem>>[vector<16xi32>], vector<16xf32>,
          %mul3A_402 = arith.constant 16 : i32
          %mul3A_403 = arith.muli %add3A_393, %mul3A_402 : i32
          %swap3A_404 = arith.constant 1 : i32
          %swap3A_405 = arith.index_cast %swap3A_404 : i32 to index
          %swap3A_406 = arith.index_cast %mul3A_403 : i32 to index
          %swap3A_407 = tpu.vector_load %arg8[%swap3A_405, %swap3A_406] {strides = array<i32>} : memref<2x1024xf32, #tpu.memory_space<vmem>>, vector<16xf32>,
          tpu.vector_store %arg8[%swap3A_405, %swap3A_406], %gather3A_401 {strides = array<i32>} : memref<2x1024xf32, #tpu.memory_space<vmem>>, vector<16xf32>,
        }
        %scan3A_198 = arith.constant 64 : i32
        %dma_start3A_199 = arith.constant 0 : i32
        %dma_start3A_200 = tpu.memref_slice %arg4[%mul3A_174, %add3A_14, %dma_start3A_199] : memref<50x838x1024xf32, #tpu.memory_space<hbm>> -> memref<2x1x1024xf32, #tpu.memory_space<hbm>>
        %dma_start3A_201 = tpu.memref_squeeze %dma_start3A_200 : memref<2x1x1024xf32, #tpu.memory_space<hbm>> -> memref<2x1024xf32, #tpu.memory_space<hbm>>
        %dma_start3A_202 = arith.constant 0 : i32
        %dma_start3A_203 = tpu.memref_slice %arg4[%mul3A_174, %add3A_14, %dma_start3A_202] : memref<50x838x1024xf32, #tpu.memory_space<hbm>> -> memref<2x1x1024xf32, #tpu.memory_space<hbm>>
        %dma_start3A_204 = tpu.memref_squeeze %dma_start3A_203 : memref<2x1x1024xf32, #tpu.memory_space<hbm>> -> memref<2x1024xf32, #tpu.memory_space<hbm>>
        tpu.enqueue_dma source(%arg8 : memref<2x1024xf32, #tpu.memory_space<vmem>>) target(%dma_start3A_204 : memref<2x1024xf32, #tpu.memory_space<hbm>>) target_semaphore(%arg13 : memref<!tpu.dma_semaphore, #tpu.memory_space<semaphore_mem>>)
        %add3A_205 = arith.constant 4 : i32
        %add3A_206 = arith.addi %mul3A_174, %add3A_205 : i32
        %dma_start3A_207 = arith.constant 0 : i32
        %dma_start3A_208 = tpu.memref_slice %arg2[%add3A_206, %add3A_11, %dma_start3A_207] : memref<50x32x1024xf32, #tpu.memory_space<hbm>> -> memref<2x1x1024xf32, #tpu.memory_space<hbm>>
        %dma_start3A_209 = tpu.memref_squeeze %dma_start3A_208 : memref<2x1x1024xf32, #tpu.memory_space<hbm>> -> memref<2x1024xf32, #tpu.memory_space<hbm>>
        %dma_start3A_210 = arith.constant 0 : i32
        %dma_start3A_211 = tpu.memref_slice %arg2[%add3A_206, %add3A_11, %dma_start3A_210] : memref<50x32x1024xf32, #tpu.memory_space<hbm>> -> memref<2x1x1024xf32, #tpu.memory_space<hbm>>
        %dma_start3A_212 = tpu.memref_squeeze %dma_start3A_211 : memref<2x1x1024xf32, #tpu.memory_space<hbm>> -> memref<2x1024xf32, #tpu.memory_space<hbm>>
        tpu.enqueue_dma source(%dma_start3A_212 : memref<2x1024xf32, #tpu.memory_space<hbm>>) target(%arg6 : memref<2x1024xf32, #tpu.memory_space<vmem>>) target_semaphore(%arg11 : memref<!tpu.dma_semaphore, #tpu.memory_space<semaphore_mem>>)
        %add3A_213 = arith.constant 2 : i32
        %add3A_214 = arith.addi %mul3A_174, %add3A_213 : i32
        %dma_wait3A_215 = arith.constant 0 : i32
        %dma_wait3A_216 = tpu.memref_slice %arg2[%add3A_214, %add3A_11, %dma_wait3A_215] : memref<50x32x1024xf32, #tpu.memory_space<hbm>> -> memref<2x1x1024xf32, #tpu.memory_space<hbm>>
        %dma_wait3A_217 = tpu.memref_squeeze %dma_wait3A_216 : memref<2x1x1024xf32, #tpu.memory_space<hbm>> -> memref<2x1024xf32, #tpu.memory_space<hbm>>
        %dma_wait3A_218 = arith.constant 0 : i32
        %dma_wait3A_219 = tpu.memref_slice %arg2[%add3A_214, %add3A_11, %dma_wait3A_218] : memref<50x32x1024xf32, #tpu.memory_space<hbm>> -> memref<2x1x1024xf32, #tpu.memory_space<hbm>>
        %dma_wait3A_220 = tpu.memref_squeeze %dma_wait3A_219 : memref<2x1x1024xf32, #tpu.memory_space<hbm>> -> memref<2x1024xf32, #tpu.memory_space<hbm>>
        tpu.wait_dma2 semaphore(%arg12 : memref<!tpu.dma_semaphore, #tpu.memory_space<semaphore_mem>>) src(%dma_wait3A_220 : memref<2x1024xf32, #tpu.memory_space<hbm>>) dst(%arg7 : memref<2x1024xf32, #tpu.memory_space<vmem>>)
        %dma_wait3A_221 = arith.constant 0 : i32
        %dma_wait3A_222 = arith.constant 0 : i32
        %dma_wait3A_223 = tpu.memref_slice %arg4[%dma_wait3A_221, %add3A_14, %dma_wait3A_222] : memref<50x838x1024xf32, #tpu.memory_space<hbm>> -> memref<2x1x1024xf32, #tpu.memory_space<hbm>>
        %dma_wait3A_224 = tpu.memref_squeeze %dma_wait3A_223 : memref<2x1x1024xf32, #tpu.memory_space<hbm>> -> memref<2x1024xf32, #tpu.memory_space<hbm>>
        %dma_wait3A_225 = arith.constant 0 : i32
        %dma_wait3A_226 = arith.constant 0 : i32
        %dma_wait3A_227 = tpu.memref_slice %arg4[%dma_wait3A_225, %add3A_14, %dma_wait3A_226] : memref<50x838x1024xf32, #tpu.memory_space<hbm>> -> memref<2x1x1024xf32, #tpu.memory_space<hbm>>
        %dma_wait3A_228 = tpu.memref_squeeze %dma_wait3A_227 : memref<2x1x1024xf32, #tpu.memory_space<hbm>> -> memref<2x1024xf32, #tpu.memory_space<hbm>>
        tpu.wait_dma2 semaphore(%arg14 : memref<!tpu.dma_semaphore, #tpu.memory_space<semaphore_mem>>) src(%arg9 : memref<2x1024xf32, #tpu.memory_space<vmem>>) dst(%dma_wait3A_228 : memref<2x1024xf32, #tpu.memory_space<hbm>>)
        %scan3A_229 = arith.constant 0 : i32
        %scan3A_230 = arith.constant 64 : i32
        %scan3A_231 = arith.addi %scan3A_229, %scan3A_230 : i32
        %scan3A_232 = arith.constant 8 : i32
        scf.for %scan3A_252 = %scan3A_229 to %scan3A_231 step %scan3A_232  : i32 {
          %mul3A_253 = arith.constant 1 : i32
          %mul3A_254 = arith.muli %scan3A_252, %mul3A_253 : i32
          %add3A_255 = arith.constant 0 : i32
          %add3A_256 = arith.addi %add3A_255, %mul3A_254 : i32
          %mul3A_257 = arith.constant 16 : i32
          %mul3A_258 = arith.muli %add3A_256, %mul3A_257 : i32
          %get3A = arith.constant 0 : i32
          %get3A_259 = arith.index_cast %get3A : i32 to index
          %get3A_260 = arith.index_cast %mul3A_258 : i32 to index
          %get3A_261 = tpu.vector_load %arg7[%get3A_259, %get3A_260] {strides = array<i32>} : memref<2x1024xf32, #tpu.memory_space<vmem>>, vector<16xf32>,
          %convert_element_type3A_262 = arith.fptosi %get3A_261 : vector<16xf32> to vector<16xi32>
          %gather3A = tpu.vector_load_idx %arg5[%convert_element_type3A_262] : memref<100000xf32, #tpu.memory_space<vmem>>[vector<16xi32>], vector<16xf32>,
          %mul3A_263 = arith.constant 16 : i32
          %mul3A_264 = arith.muli %add3A_256, %mul3A_263 : i32
          %swap3A = arith.constant 0 : i32
          %swap3A_265 = arith.index_cast %swap3A : i32 to index
          %swap3A_266 = arith.index_cast %mul3A_264 : i32 to index
          %swap3A_267 = tpu.vector_load %arg9[%swap3A_265, %swap3A_266] {strides = array<i32>} : memref<2x1024xf32, #tpu.memory_space<vmem>>, vector<16xf32>,
          tpu.vector_store %arg9[%swap3A_265, %swap3A_266], %gather3A {strides = array<i32>} : memref<2x1024xf32, #tpu.memory_space<vmem>>, vector<16xf32>,
          %scan3A_268 = arith.constant 1 : i32
          %scan3A_269 = arith.addi %scan3A_252, %scan3A_268 : i32
          %mul3A_270 = arith.constant 1 : i32
          %mul3A_271 = arith.muli %scan3A_269, %mul3A_270 : i32
          %add3A_272 = arith.constant 0 : i32
          %add3A_273 = arith.addi %add3A_272, %mul3A_271 : i32
          %mul3A_274 = arith.constant 16 : i32
          %mul3A_275 = arith.muli %add3A_273, %mul3A_274 : i32
          %get3A_276 = arith.constant 0 : i32
          %get3A_277 = arith.index_cast %get3A_276 : i32 to index
          %get3A_278 = arith.index_cast %mul3A_275 : i32 to index
          %get3A_279 = tpu.vector_load %arg7[%get3A_277, %get3A_278] {strides = array<i32>} : memref<2x1024xf32, #tpu.memory_space<vmem>>, vector<16xf32>,
          %convert_element_type3A_280 = arith.fptosi %get3A_279 : vector<16xf32> to vector<16xi32>
          %gather3A_281 = tpu.vector_load_idx %arg5[%convert_element_type3A_280] : memref<100000xf32, #tpu.memory_space<vmem>>[vector<16xi32>], vector<16xf32>,
          %mul3A_282 = arith.constant 16 : i32
          %mul3A_283 = arith.muli %add3A_273, %mul3A_282 : i32
          %swap3A_284 = arith.constant 0 : i32
          %swap3A_285 = arith.index_cast %swap3A_284 : i32 to index
          %swap3A_286 = arith.index_cast %mul3A_283 : i32 to index
          %swap3A_287 = tpu.vector_load %arg9[%swap3A_285, %swap3A_286] {strides = array<i32>} : memref<2x1024xf32, #tpu.memory_space<vmem>>, vector<16xf32>,
          tpu.vector_store %arg9[%swap3A_285, %swap3A_286], %gather3A_281 {strides = array<i32>} : memref<2x1024xf32, #tpu.memory_space<vmem>>, vector<16xf32>,
          %scan3A_288 = arith.constant 2 : i32
          %scan3A_289 = arith.addi %scan3A_252, %scan3A_288 : i32
          %mul3A_290 = arith.constant 1 : i32
          %mul3A_291 = arith.muli %scan3A_289, %mul3A_290 : i32
          %add3A_292 = arith.constant 0 : i32
          %add3A_293 = arith.addi %add3A_292, %mul3A_291 : i32
          %mul3A_294 = arith.constant 16 : i32
          %mul3A_295 = arith.muli %add3A_293, %mul3A_294 : i32
          %get3A_296 = arith.constant 0 : i32
          %get3A_297 = arith.index_cast %get3A_296 : i32 to index
          %get3A_298 = arith.index_cast %mul3A_295 : i32 to index
          %get3A_299 = tpu.vector_load %arg7[%get3A_297, %get3A_298] {strides = array<i32>} : memref<2x1024xf32, #tpu.memory_space<vmem>>, vector<16xf32>,
          %convert_element_type3A_300 = arith.fptosi %get3A_299 : vector<16xf32> to vector<16xi32>
          %gather3A_301 = tpu.vector_load_idx %arg5[%convert_element_type3A_300] : memref<100000xf32, #tpu.memory_space<vmem>>[vector<16xi32>], vector<16xf32>,
          %mul3A_302 = arith.constant 16 : i32
          %mul3A_303 = arith.muli %add3A_293, %mul3A_302 : i32
          %swap3A_304 = arith.constant 0 : i32
          %swap3A_305 = arith.index_cast %swap3A_304 : i32 to index
          %swap3A_306 = arith.index_cast %mul3A_303 : i32 to index
          %swap3A_307 = tpu.vector_load %arg9[%swap3A_305, %swap3A_306] {strides = array<i32>} : memref<2x1024xf32, #tpu.memory_space<vmem>>, vector<16xf32>,
          tpu.vector_store %arg9[%swap3A_305, %swap3A_306], %gather3A_301 {strides = array<i32>} : memref<2x1024xf32, #tpu.memory_space<vmem>>, vector<16xf32>,
          %scan3A_308 = arith.constant 3 : i32
          %scan3A_309 = arith.addi %scan3A_252, %scan3A_308 : i32
          %mul3A_310 = arith.constant 1 : i32
          %mul3A_311 = arith.muli %scan3A_309, %mul3A_310 : i32
          %add3A_312 = arith.constant 0 : i32
          %add3A_313 = arith.addi %add3A_312, %mul3A_311 : i32
          %mul3A_314 = arith.constant 16 : i32
          %mul3A_315 = arith.muli %add3A_313, %mul3A_314 : i32
          %get3A_316 = arith.constant 0 : i32
          %get3A_317 = arith.index_cast %get3A_316 : i32 to index
          %get3A_318 = arith.index_cast %mul3A_315 : i32 to index
          %get3A_319 = tpu.vector_load %arg7[%get3A_317, %get3A_318] {strides = array<i32>} : memref<2x1024xf32, #tpu.memory_space<vmem>>, vector<16xf32>,
          %convert_element_type3A_320 = arith.fptosi %get3A_319 : vector<16xf32> to vector<16xi32>
          %gather3A_321 = tpu.vector_load_idx %arg5[%convert_element_type3A_320] : memref<100000xf32, #tpu.memory_space<vmem>>[vector<16xi32>], vector<16xf32>,
          %mul3A_322 = arith.constant 16 : i32
          %mul3A_323 = arith.muli %add3A_313, %mul3A_322 : i32
          %swap3A_324 = arith.constant 0 : i32
          %swap3A_325 = arith.index_cast %swap3A_324 : i32 to index
          %swap3A_326 = arith.index_cast %mul3A_323 : i32 to index
          %swap3A_327 = tpu.vector_load %arg9[%swap3A_325, %swap3A_326] {strides = array<i32>} : memref<2x1024xf32, #tpu.memory_space<vmem>>, vector<16xf32>,
          tpu.vector_store %arg9[%swap3A_325, %swap3A_326], %gather3A_321 {strides = array<i32>} : memref<2x1024xf32, #tpu.memory_space<vmem>>, vector<16xf32>,
          %scan3A_328 = arith.constant 4 : i32
          %scan3A_329 = arith.addi %scan3A_252, %scan3A_328 : i32
          %mul3A_330 = arith.constant 1 : i32
          %mul3A_331 = arith.muli %scan3A_329, %mul3A_330 : i32
          %add3A_332 = arith.constant 0 : i32
          %add3A_333 = arith.addi %add3A_332, %mul3A_331 : i32
          %mul3A_334 = arith.constant 16 : i32
          %mul3A_335 = arith.muli %add3A_333, %mul3A_334 : i32
          %get3A_336 = arith.constant 0 : i32
          %get3A_337 = arith.index_cast %get3A_336 : i32 to index
          %get3A_338 = arith.index_cast %mul3A_335 : i32 to index
          %get3A_339 = tpu.vector_load %arg7[%get3A_337, %get3A_338] {strides = array<i32>} : memref<2x1024xf32, #tpu.memory_space<vmem>>, vector<16xf32>,
          %convert_element_type3A_340 = arith.fptosi %get3A_339 : vector<16xf32> to vector<16xi32>
          %gather3A_341 = tpu.vector_load_idx %arg5[%convert_element_type3A_340] : memref<100000xf32, #tpu.memory_space<vmem>>[vector<16xi32>], vector<16xf32>,
          %mul3A_342 = arith.constant 16 : i32
          %mul3A_343 = arith.muli %add3A_333, %mul3A_342 : i32
          %swap3A_344 = arith.constant 0 : i32
          %swap3A_345 = arith.index_cast %swap3A_344 : i32 to index
          %swap3A_346 = arith.index_cast %mul3A_343 : i32 to index
          %swap3A_347 = tpu.vector_load %arg9[%swap3A_345, %swap3A_346] {strides = array<i32>} : memref<2x1024xf32, #tpu.memory_space<vmem>>, vector<16xf32>,
          tpu.vector_store %arg9[%swap3A_345, %swap3A_346], %gather3A_341 {strides = array<i32>} : memref<2x1024xf32, #tpu.memory_space<vmem>>, vector<16xf32>,
          %scan3A_348 = arith.constant 5 : i32
          %scan3A_349 = arith.addi %scan3A_252, %scan3A_348 : i32
          %mul3A_350 = arith.constant 1 : i32
          %mul3A_351 = arith.muli %scan3A_349, %mul3A_350 : i32
          %add3A_352 = arith.constant 0 : i32
          %add3A_353 = arith.addi %add3A_352, %mul3A_351 : i32
          %mul3A_354 = arith.constant 16 : i32
          %mul3A_355 = arith.muli %add3A_353, %mul3A_354 : i32
          %get3A_356 = arith.constant 0 : i32
          %get3A_357 = arith.index_cast %get3A_356 : i32 to index
          %get3A_358 = arith.index_cast %mul3A_355 : i32 to index
          %get3A_359 = tpu.vector_load %arg7[%get3A_357, %get3A_358] {strides = array<i32>} : memref<2x1024xf32, #tpu.memory_space<vmem>>, vector<16xf32>,
          %convert_element_type3A_360 = arith.fptosi %get3A_359 : vector<16xf32> to vector<16xi32>
          %gather3A_361 = tpu.vector_load_idx %arg5[%convert_element_type3A_360] : memref<100000xf32, #tpu.memory_space<vmem>>[vector<16xi32>], vector<16xf32>,
          %mul3A_362 = arith.constant 16 : i32
          %mul3A_363 = arith.muli %add3A_353, %mul3A_362 : i32
          %swap3A_364 = arith.constant 0 : i32
          %swap3A_365 = arith.index_cast %swap3A_364 : i32 to index
          %swap3A_366 = arith.index_cast %mul3A_363 : i32 to index
          %swap3A_367 = tpu.vector_load %arg9[%swap3A_365, %swap3A_366] {strides = array<i32>} : memref<2x1024xf32, #tpu.memory_space<vmem>>, vector<16xf32>,
          tpu.vector_store %arg9[%swap3A_365, %swap3A_366], %gather3A_361 {strides = array<i32>} : memref<2x1024xf32, #tpu.memory_space<vmem>>, vector<16xf32>,
          %scan3A_368 = arith.constant 6 : i32
          %scan3A_369 = arith.addi %scan3A_252, %scan3A_368 : i32
          %mul3A_370 = arith.constant 1 : i32
          %mul3A_371 = arith.muli %scan3A_369, %mul3A_370 : i32
          %add3A_372 = arith.constant 0 : i32
          %add3A_373 = arith.addi %add3A_372, %mul3A_371 : i32
          %mul3A_374 = arith.constant 16 : i32
          %mul3A_375 = arith.muli %add3A_373, %mul3A_374 : i32
          %get3A_376 = arith.constant 0 : i32
          %get3A_377 = arith.index_cast %get3A_376 : i32 to index
          %get3A_378 = arith.index_cast %mul3A_375 : i32 to index
          %get3A_379 = tpu.vector_load %arg7[%get3A_377, %get3A_378] {strides = array<i32>} : memref<2x1024xf32, #tpu.memory_space<vmem>>, vector<16xf32>,
          %convert_element_type3A_380 = arith.fptosi %get3A_379 : vector<16xf32> to vector<16xi32>
          %gather3A_381 = tpu.vector_load_idx %arg5[%convert_element_type3A_380] : memref<100000xf32, #tpu.memory_space<vmem>>[vector<16xi32>], vector<16xf32>,
          %mul3A_382 = arith.constant 16 : i32
          %mul3A_383 = arith.muli %add3A_373, %mul3A_382 : i32
          %swap3A_384 = arith.constant 0 : i32
          %swap3A_385 = arith.index_cast %swap3A_384 : i32 to index
          %swap3A_386 = arith.index_cast %mul3A_383 : i32 to index
          %swap3A_387 = tpu.vector_load %arg9[%swap3A_385, %swap3A_386] {strides = array<i32>} : memref<2x1024xf32, #tpu.memory_space<vmem>>, vector<16xf32>,
          tpu.vector_store %arg9[%swap3A_385, %swap3A_386], %gather3A_381 {strides = array<i32>} : memref<2x1024xf32, #tpu.memory_space<vmem>>, vector<16xf32>,
          %scan3A_388 = arith.constant 7 : i32
          %scan3A_389 = arith.addi %scan3A_252, %scan3A_388 : i32
          %mul3A_390 = arith.constant 1 : i32
          %mul3A_391 = arith.muli %scan3A_389, %mul3A_390 : i32
          %add3A_392 = arith.constant 0 : i32
          %add3A_393 = arith.addi %add3A_392, %mul3A_391 : i32
          %mul3A_394 = arith.constant 16 : i32
          %mul3A_395 = arith.muli %add3A_393, %mul3A_394 : i32
          %get3A_396 = arith.constant 0 : i32
          %get3A_397 = arith.index_cast %get3A_396 : i32 to index
          %get3A_398 = arith.index_cast %mul3A_395 : i32 to index
          %get3A_399 = tpu.vector_load %arg7[%get3A_397, %get3A_398] {strides = array<i32>} : memref<2x1024xf32, #tpu.memory_space<vmem>>, vector<16xf32>,
          %convert_element_type3A_400 = arith.fptosi %get3A_399 : vector<16xf32> to vector<16xi32>
          %gather3A_401 = tpu.vector_load_idx %arg5[%convert_element_type3A_400] : memref<100000xf32, #tpu.memory_space<vmem>>[vector<16xi32>], vector<16xf32>,
          %mul3A_402 = arith.constant 16 : i32
          %mul3A_403 = arith.muli %add3A_393, %mul3A_402 : i32
          %swap3A_404 = arith.constant 0 : i32
          %swap3A_405 = arith.index_cast %swap3A_404 : i32 to index
          %swap3A_406 = arith.index_cast %mul3A_403 : i32 to index
          %swap3A_407 = tpu.vector_load %arg9[%swap3A_405, %swap3A_406] {strides = array<i32>} : memref<2x1024xf32, #tpu.memory_space<vmem>>, vector<16xf32>,
          tpu.vector_store %arg9[%swap3A_405, %swap3A_406], %gather3A_401 {strides = array<i32>} : memref<2x1024xf32, #tpu.memory_space<vmem>>, vector<16xf32>,
        }
        %scan3A_233 = arith.constant 64 : i32
        %scan3A_234 = arith.constant 0 : i32
        %scan3A_235 = arith.constant 64 : i32
        %scan3A_236 = arith.addi %scan3A_234, %scan3A_235 : i32
        %scan3A_237 = arith.constant 8 : i32
        scf.for %scan3A_252 = %scan3A_234 to %scan3A_236 step %scan3A_237  : i32 {
          %mul3A_253 = arith.constant 1 : i32
          %mul3A_254 = arith.muli %scan3A_252, %mul3A_253 : i32
          %add3A_255 = arith.constant 0 : i32
          %add3A_256 = arith.addi %add3A_255, %mul3A_254 : i32
          %mul3A_257 = arith.constant 16 : i32
          %mul3A_258 = arith.muli %add3A_256, %mul3A_257 : i32
          %get3A = arith.constant 1 : i32
          %get3A_259 = arith.index_cast %get3A : i32 to index
          %get3A_260 = arith.index_cast %mul3A_258 : i32 to index
          %get3A_261 = tpu.vector_load %arg7[%get3A_259, %get3A_260] {strides = array<i32>} : memref<2x1024xf32, #tpu.memory_space<vmem>>, vector<16xf32>,
          %convert_element_type3A_262 = arith.fptosi %get3A_261 : vector<16xf32> to vector<16xi32>
          %gather3A = tpu.vector_load_idx %arg5[%convert_element_type3A_262] : memref<100000xf32, #tpu.memory_space<vmem>>[vector<16xi32>], vector<16xf32>,
          %mul3A_263 = arith.constant 16 : i32
          %mul3A_264 = arith.muli %add3A_256, %mul3A_263 : i32
          %swap3A = arith.constant 1 : i32
          %swap3A_265 = arith.index_cast %swap3A : i32 to index
          %swap3A_266 = arith.index_cast %mul3A_264 : i32 to index
          %swap3A_267 = tpu.vector_load %arg9[%swap3A_265, %swap3A_266] {strides = array<i32>} : memref<2x1024xf32, #tpu.memory_space<vmem>>, vector<16xf32>,
          tpu.vector_store %arg9[%swap3A_265, %swap3A_266], %gather3A {strides = array<i32>} : memref<2x1024xf32, #tpu.memory_space<vmem>>, vector<16xf32>,
          %scan3A_268 = arith.constant 1 : i32
          %scan3A_269 = arith.addi %scan3A_252, %scan3A_268 : i32
          %mul3A_270 = arith.constant 1 : i32
          %mul3A_271 = arith.muli %scan3A_269, %mul3A_270 : i32
          %add3A_272 = arith.constant 0 : i32
          %add3A_273 = arith.addi %add3A_272, %mul3A_271 : i32
          %mul3A_274 = arith.constant 16 : i32
          %mul3A_275 = arith.muli %add3A_273, %mul3A_274 : i32
          %get3A_276 = arith.constant 1 : i32
          %get3A_277 = arith.index_cast %get3A_276 : i32 to index
          %get3A_278 = arith.index_cast %mul3A_275 : i32 to index
          %get3A_279 = tpu.vector_load %arg7[%get3A_277, %get3A_278] {strides = array<i32>} : memref<2x1024xf32, #tpu.memory_space<vmem>>, vector<16xf32>,
          %convert_element_type3A_280 = arith.fptosi %get3A_279 : vector<16xf32> to vector<16xi32>
          %gather3A_281 = tpu.vector_load_idx %arg5[%convert_element_type3A_280] : memref<100000xf32, #tpu.memory_space<vmem>>[vector<16xi32>], vector<16xf32>,
          %mul3A_282 = arith.constant 16 : i32
          %mul3A_283 = arith.muli %add3A_273, %mul3A_282 : i32
          %swap3A_284 = arith.constant 1 : i32
          %swap3A_285 = arith.index_cast %swap3A_284 : i32 to index
          %swap3A_286 = arith.index_cast %mul3A_283 : i32 to index
          %swap3A_287 = tpu.vector_load %arg9[%swap3A_285, %swap3A_286] {strides = array<i32>} : memref<2x1024xf32, #tpu.memory_space<vmem>>, vector<16xf32>,
          tpu.vector_store %arg9[%swap3A_285, %swap3A_286], %gather3A_281 {strides = array<i32>} : memref<2x1024xf32, #tpu.memory_space<vmem>>, vector<16xf32>,
          %scan3A_288 = arith.constant 2 : i32
          %scan3A_289 = arith.addi %scan3A_252, %scan3A_288 : i32
          %mul3A_290 = arith.constant 1 : i32
          %mul3A_291 = arith.muli %scan3A_289, %mul3A_290 : i32
          %add3A_292 = arith.constant 0 : i32
          %add3A_293 = arith.addi %add3A_292, %mul3A_291 : i32
          %mul3A_294 = arith.constant 16 : i32
          %mul3A_295 = arith.muli %add3A_293, %mul3A_294 : i32
          %get3A_296 = arith.constant 1 : i32
          %get3A_297 = arith.index_cast %get3A_296 : i32 to index
          %get3A_298 = arith.index_cast %mul3A_295 : i32 to index
          %get3A_299 = tpu.vector_load %arg7[%get3A_297, %get3A_298] {strides = array<i32>} : memref<2x1024xf32, #tpu.memory_space<vmem>>, vector<16xf32>,
          %convert_element_type3A_300 = arith.fptosi %get3A_299 : vector<16xf32> to vector<16xi32>
          %gather3A_301 = tpu.vector_load_idx %arg5[%convert_element_type3A_300] : memref<100000xf32, #tpu.memory_space<vmem>>[vector<16xi32>], vector<16xf32>,
          %mul3A_302 = arith.constant 16 : i32
          %mul3A_303 = arith.muli %add3A_293, %mul3A_302 : i32
          %swap3A_304 = arith.constant 1 : i32
          %swap3A_305 = arith.index_cast %swap3A_304 : i32 to index
          %swap3A_306 = arith.index_cast %mul3A_303 : i32 to index
          %swap3A_307 = tpu.vector_load %arg9[%swap3A_305, %swap3A_306] {strides = array<i32>} : memref<2x1024xf32, #tpu.memory_space<vmem>>, vector<16xf32>,
          tpu.vector_store %arg9[%swap3A_305, %swap3A_306], %gather3A_301 {strides = array<i32>} : memref<2x1024xf32, #tpu.memory_space<vmem>>, vector<16xf32>,
          %scan3A_308 = arith.constant 3 : i32
          %scan3A_309 = arith.addi %scan3A_252, %scan3A_308 : i32
          %mul3A_310 = arith.constant 1 : i32
          %mul3A_311 = arith.muli %scan3A_309, %mul3A_310 : i32
          %add3A_312 = arith.constant 0 : i32
          %add3A_313 = arith.addi %add3A_312, %mul3A_311 : i32
          %mul3A_314 = arith.constant 16 : i32
          %mul3A_315 = arith.muli %add3A_313, %mul3A_314 : i32
          %get3A_316 = arith.constant 1 : i32
          %get3A_317 = arith.index_cast %get3A_316 : i32 to index
          %get3A_318 = arith.index_cast %mul3A_315 : i32 to index
          %get3A_319 = tpu.vector_load %arg7[%get3A_317, %get3A_318] {strides = array<i32>} : memref<2x1024xf32, #tpu.memory_space<vmem>>, vector<16xf32>,
          %convert_element_type3A_320 = arith.fptosi %get3A_319 : vector<16xf32> to vector<16xi32>
          %gather3A_321 = tpu.vector_load_idx %arg5[%convert_element_type3A_320] : memref<100000xf32, #tpu.memory_space<vmem>>[vector<16xi32>], vector<16xf32>,
          %mul3A_322 = arith.constant 16 : i32
          %mul3A_323 = arith.muli %add3A_313, %mul3A_322 : i32
          %swap3A_324 = arith.constant 1 : i32
          %swap3A_325 = arith.index_cast %swap3A_324 : i32 to index
          %swap3A_326 = arith.index_cast %mul3A_323 : i32 to index
          %swap3A_327 = tpu.vector_load %arg9[%swap3A_325, %swap3A_326] {strides = array<i32>} : memref<2x1024xf32, #tpu.memory_space<vmem>>, vector<16xf32>,
          tpu.vector_store %arg9[%swap3A_325, %swap3A_326], %gather3A_321 {strides = array<i32>} : memref<2x1024xf32, #tpu.memory_space<vmem>>, vector<16xf32>,
          %scan3A_328 = arith.constant 4 : i32
          %scan3A_329 = arith.addi %scan3A_252, %scan3A_328 : i32
          %mul3A_330 = arith.constant 1 : i32
          %mul3A_331 = arith.muli %scan3A_329, %mul3A_330 : i32
          %add3A_332 = arith.constant 0 : i32
          %add3A_333 = arith.addi %add3A_332, %mul3A_331 : i32
          %mul3A_334 = arith.constant 16 : i32
          %mul3A_335 = arith.muli %add3A_333, %mul3A_334 : i32
          %get3A_336 = arith.constant 1 : i32
          %get3A_337 = arith.index_cast %get3A_336 : i32 to index
          %get3A_338 = arith.index_cast %mul3A_335 : i32 to index
          %get3A_339 = tpu.vector_load %arg7[%get3A_337, %get3A_338] {strides = array<i32>} : memref<2x1024xf32, #tpu.memory_space<vmem>>, vector<16xf32>,
          %convert_element_type3A_340 = arith.fptosi %get3A_339 : vector<16xf32> to vector<16xi32>
          %gather3A_341 = tpu.vector_load_idx %arg5[%convert_element_type3A_340] : memref<100000xf32, #tpu.memory_space<vmem>>[vector<16xi32>], vector<16xf32>,
          %mul3A_342 = arith.constant 16 : i32
          %mul3A_343 = arith.muli %add3A_333, %mul3A_342 : i32
          %swap3A_344 = arith.constant 1 : i32
          %swap3A_345 = arith.index_cast %swap3A_344 : i32 to index
          %swap3A_346 = arith.index_cast %mul3A_343 : i32 to index
          %swap3A_347 = tpu.vector_load %arg9[%swap3A_345, %swap3A_346] {strides = array<i32>} : memref<2x1024xf32, #tpu.memory_space<vmem>>, vector<16xf32>,
          tpu.vector_store %arg9[%swap3A_345, %swap3A_346], %gather3A_341 {strides = array<i32>} : memref<2x1024xf32, #tpu.memory_space<vmem>>, vector<16xf32>,
          %scan3A_348 = arith.constant 5 : i32
          %scan3A_349 = arith.addi %scan3A_252, %scan3A_348 : i32
          %mul3A_350 = arith.constant 1 : i32
          %mul3A_351 = arith.muli %scan3A_349, %mul3A_350 : i32
          %add3A_352 = arith.constant 0 : i32
          %add3A_353 = arith.addi %add3A_352, %mul3A_351 : i32
          %mul3A_354 = arith.constant 16 : i32
          %mul3A_355 = arith.muli %add3A_353, %mul3A_354 : i32
          %get3A_356 = arith.constant 1 : i32
          %get3A_357 = arith.index_cast %get3A_356 : i32 to index
          %get3A_358 = arith.index_cast %mul3A_355 : i32 to index
          %get3A_359 = tpu.vector_load %arg7[%get3A_357, %get3A_358] {strides = array<i32>} : memref<2x1024xf32, #tpu.memory_space<vmem>>, vector<16xf32>,
          %convert_element_type3A_360 = arith.fptosi %get3A_359 : vector<16xf32> to vector<16xi32>
          %gather3A_361 = tpu.vector_load_idx %arg5[%convert_element_type3A_360] : memref<100000xf32, #tpu.memory_space<vmem>>[vector<16xi32>], vector<16xf32>,
          %mul3A_362 = arith.constant 16 : i32
          %mul3A_363 = arith.muli %add3A_353, %mul3A_362 : i32
          %swap3A_364 = arith.constant 1 : i32
          %swap3A_365 = arith.index_cast %swap3A_364 : i32 to index
          %swap3A_366 = arith.index_cast %mul3A_363 : i32 to index
          %swap3A_367 = tpu.vector_load %arg9[%swap3A_365, %swap3A_366] {strides = array<i32>} : memref<2x1024xf32, #tpu.memory_space<vmem>>, vector<16xf32>,
          tpu.vector_store %arg9[%swap3A_365, %swap3A_366], %gather3A_361 {strides = array<i32>} : memref<2x1024xf32, #tpu.memory_space<vmem>>, vector<16xf32>,
          %scan3A_368 = arith.constant 6 : i32
          %scan3A_369 = arith.addi %scan3A_252, %scan3A_368 : i32
          %mul3A_370 = arith.constant 1 : i32
          %mul3A_371 = arith.muli %scan3A_369, %mul3A_370 : i32
          %add3A_372 = arith.constant 0 : i32
          %add3A_373 = arith.addi %add3A_372, %mul3A_371 : i32
          %mul3A_374 = arith.constant 16 : i32
          %mul3A_375 = arith.muli %add3A_373, %mul3A_374 : i32
          %get3A_376 = arith.constant 1 : i32
          %get3A_377 = arith.index_cast %get3A_376 : i32 to index
          %get3A_378 = arith.index_cast %mul3A_375 : i32 to index
          %get3A_379 = tpu.vector_load %arg7[%get3A_377, %get3A_378] {strides = array<i32>} : memref<2x1024xf32, #tpu.memory_space<vmem>>, vector<16xf32>,
          %convert_element_type3A_380 = arith.fptosi %get3A_379 : vector<16xf32> to vector<16xi32>
          %gather3A_381 = tpu.vector_load_idx %arg5[%convert_element_type3A_380] : memref<100000xf32, #tpu.memory_space<vmem>>[vector<16xi32>], vector<16xf32>,
          %mul3A_382 = arith.constant 16 : i32
          %mul3A_383 = arith.muli %add3A_373, %mul3A_382 : i32
          %swap3A_384 = arith.constant 1 : i32
          %swap3A_385 = arith.index_cast %swap3A_384 : i32 to index
          %swap3A_386 = arith.index_cast %mul3A_383 : i32 to index
          %swap3A_387 = tpu.vector_load %arg9[%swap3A_385, %swap3A_386] {strides = array<i32>} : memref<2x1024xf32, #tpu.memory_space<vmem>>, vector<16xf32>,
          tpu.vector_store %arg9[%swap3A_385, %swap3A_386], %gather3A_381 {strides = array<i32>} : memref<2x1024xf32, #tpu.memory_space<vmem>>, vector<16xf32>,
          %scan3A_388 = arith.constant 7 : i32
          %scan3A_389 = arith.addi %scan3A_252, %scan3A_388 : i32
          %mul3A_390 = arith.constant 1 : i32
          %mul3A_391 = arith.muli %scan3A_389, %mul3A_390 : i32
          %add3A_392 = arith.constant 0 : i32
          %add3A_393 = arith.addi %add3A_392, %mul3A_391 : i32
          %mul3A_394 = arith.constant 16 : i32
          %mul3A_395 = arith.muli %add3A_393, %mul3A_394 : i32
          %get3A_396 = arith.constant 1 : i32
          %get3A_397 = arith.index_cast %get3A_396 : i32 to index
          %get3A_398 = arith.index_cast %mul3A_395 : i32 to index
          %get3A_399 = tpu.vector_load %arg7[%get3A_397, %get3A_398] {strides = array<i32>} : memref<2x1024xf32, #tpu.memory_space<vmem>>, vector<16xf32>,
          %convert_element_type3A_400 = arith.fptosi %get3A_399 : vector<16xf32> to vector<16xi32>
          %gather3A_401 = tpu.vector_load_idx %arg5[%convert_element_type3A_400] : memref<100000xf32, #tpu.memory_space<vmem>>[vector<16xi32>], vector<16xf32>,
          %mul3A_402 = arith.constant 16 : i32
          %mul3A_403 = arith.muli %add3A_393, %mul3A_402 : i32
          %swap3A_404 = arith.constant 1 : i32
          %swap3A_405 = arith.index_cast %swap3A_404 : i32 to index
          %swap3A_406 = arith.index_cast %mul3A_403 : i32 to index
          %swap3A_407 = tpu.vector_load %arg9[%swap3A_405, %swap3A_406] {strides = array<i32>} : memref<2x1024xf32, #tpu.memory_space<vmem>>, vector<16xf32>,
          tpu.vector_store %arg9[%swap3A_405, %swap3A_406], %gather3A_401 {strides = array<i32>} : memref<2x1024xf32, #tpu.memory_space<vmem>>, vector<16xf32>,
        }
        %scan3A_238 = arith.constant 64 : i32
        %add3A_239 = arith.constant 2 : i32
        %add3A_240 = arith.addi %mul3A_174, %add3A_239 : i32
        %dma_start3A_241 = arith.constant 0 : i32
        %dma_start3A_242 = tpu.memref_slice %arg4[%add3A_240, %add3A_14, %dma_start3A_241] : memref<50x838x1024xf32, #tpu.memory_space<hbm>> -> memref<2x1x1024xf32, #tpu.memory_space<hbm>>
        %dma_start3A_243 = tpu.memref_squeeze %dma_start3A_242 : memref<2x1x1024xf32, #tpu.memory_space<hbm>> -> memref<2x1024xf32, #tpu.memory_space<hbm>>
        %dma_start3A_244 = arith.constant 0 : i32
        %dma_start3A_245 = tpu.memref_slice %arg4[%add3A_240, %add3A_14, %dma_start3A_244] : memref<50x838x1024xf32, #tpu.memory_space<hbm>> -> memref<2x1x1024xf32, #tpu.memory_space<hbm>>
        %dma_start3A_246 = tpu.memref_squeeze %dma_start3A_245 : memref<2x1x1024xf32, #tpu.memory_space<hbm>> -> memref<2x1024xf32, #tpu.memory_space<hbm>>
        tpu.enqueue_dma source(%arg9 : memref<2x1024xf32, #tpu.memory_space<vmem>>) target(%dma_start3A_246 : memref<2x1024xf32, #tpu.memory_space<hbm>>) target_semaphore(%arg14 : memref<!tpu.dma_semaphore, #tpu.memory_space<semaphore_mem>>)
        %lt3A_247 = arith.constant 10 : i32
        %lt3A_248 = arith.cmpi slt, %add3A_168, %lt3A_247 : i32
        %convert_element_type3A_249 = arith.extui %lt3A_248 : i1 to i32
        %cond3A_250 = arith.constant 0 : i32
        %cond3A_251 = arith.cmpi ne, %convert_element_type3A_249, %cond3A_250 : i32
        scf.if %cond3A_251 {
          %add3A_252 = arith.constant 6 : i32
          %add3A_253 = arith.addi %mul3A_174, %add3A_252 : i32
          %dma_start3A_254 = arith.constant 0 : i32
          %dma_start3A_255 = tpu.memref_slice %arg2[%add3A_253, %add3A_11, %dma_start3A_254] : memref<50x32x1024xf32, #tpu.memory_space<hbm>> -> memref<2x1x1024xf32, #tpu.memory_space<hbm>>
          %dma_start3A_256 = tpu.memref_squeeze %dma_start3A_255 : memref<2x1x1024xf32, #tpu.memory_space<hbm>> -> memref<2x1024xf32, #tpu.memory_space<hbm>>
          %dma_start3A_257 = arith.constant 0 : i32
          %dma_start3A_258 = tpu.memref_slice %arg2[%add3A_253, %add3A_11, %dma_start3A_257] : memref<50x32x1024xf32, #tpu.memory_space<hbm>> -> memref<2x1x1024xf32, #tpu.memory_space<hbm>>
          %dma_start3A_259 = tpu.memref_squeeze %dma_start3A_258 : memref<2x1x1024xf32, #tpu.memory_space<hbm>> -> memref<2x1024xf32, #tpu.memory_space<hbm>>
          tpu.enqueue_dma source(%dma_start3A_259 : memref<2x1024xf32, #tpu.memory_space<hbm>>) target(%arg7 : memref<2x1024xf32, #tpu.memory_space<vmem>>) target_semaphore(%arg12 : memref<!tpu.dma_semaphore, #tpu.memory_space<semaphore_mem>>)
        } else {
        }
      }
      %scan3A_113 = arith.constant 11 : i32
      %dma_wait3A_114 = arith.constant 48 : i32
      %dma_wait3A_115 = arith.constant 0 : i32
      %dma_wait3A_116 = tpu.memref_slice %arg2[%dma_wait3A_114, %add3A_11, %dma_wait3A_115] : memref<50x32x1024xf32, #tpu.memory_space<hbm>> -> memref<2x1x1024xf32, #tpu.memory_space<hbm>>
      %dma_wait3A_117 = tpu.memref_squeeze %dma_wait3A_116 : memref<2x1x1024xf32, #tpu.memory_space<hbm>> -> memref<2x1024xf32, #tpu.memory_space<hbm>>
      %dma_wait3A_118 = arith.constant 48 : i32
      %dma_wait3A_119 = arith.constant 0 : i32
      %dma_wait3A_120 = tpu.memref_slice %arg2[%dma_wait3A_118, %add3A_11, %dma_wait3A_119] : memref<50x32x1024xf32, #tpu.memory_space<hbm>> -> memref<2x1x1024xf32, #tpu.memory_space<hbm>>
      %dma_wait3A_121 = tpu.memref_squeeze %dma_wait3A_120 : memref<2x1x1024xf32, #tpu.memory_space<hbm>> -> memref<2x1024xf32, #tpu.memory_space<hbm>>
      tpu.wait_dma2 semaphore(%arg11 : memref<!tpu.dma_semaphore, #tpu.memory_space<semaphore_mem>>) src(%dma_wait3A_121 : memref<2x1024xf32, #tpu.memory_space<hbm>>) dst(%arg6 : memref<2x1024xf32, #tpu.memory_space<vmem>>)
      %dma_wait3A_122 = arith.constant 0 : i32
      %dma_wait3A_123 = arith.constant 0 : i32
      %dma_wait3A_124 = tpu.memref_slice %arg4[%dma_wait3A_122, %add3A_14, %dma_wait3A_123] : memref<50x838x1024xf32, #tpu.memory_space<hbm>> -> memref<2x1x1024xf32, #tpu.memory_space<hbm>>
      %dma_wait3A_125 = tpu.memref_squeeze %dma_wait3A_124 : memref<2x1x1024xf32, #tpu.memory_space<hbm>> -> memref<2x1024xf32, #tpu.memory_space<hbm>>
      %dma_wait3A_126 = arith.constant 0 : i32
      %dma_wait3A_127 = arith.constant 0 : i32
      %dma_wait3A_128 = tpu.memref_slice %arg4[%dma_wait3A_126, %add3A_14, %dma_wait3A_127] : memref<50x838x1024xf32, #tpu.memory_space<hbm>> -> memref<2x1x1024xf32, #tpu.memory_space<hbm>>
      %dma_wait3A_129 = tpu.memref_squeeze %dma_wait3A_128 : memref<2x1x1024xf32, #tpu.memory_space<hbm>> -> memref<2x1024xf32, #tpu.memory_space<hbm>>
      tpu.wait_dma2 semaphore(%arg13 : memref<!tpu.dma_semaphore, #tpu.memory_space<semaphore_mem>>) src(%arg8 : memref<2x1024xf32, #tpu.memory_space<vmem>>) dst(%dma_wait3A_129 : memref<2x1024xf32, #tpu.memory_space<hbm>>)
      %scan3A_130 = arith.constant 0 : i32
      %scan3A_131 = arith.constant 64 : i32
      %scan3A_132 = arith.addi %scan3A_130, %scan3A_131 : i32
      %scan3A_133 = arith.constant 8 : i32
      scf.for %scan3A_164 = %scan3A_130 to %scan3A_132 step %scan3A_133  : i32 {
        %mul3A_165 = arith.constant 1 : i32
        %mul3A_166 = arith.muli %scan3A_164, %mul3A_165 : i32
        %add3A_167 = arith.constant 0 : i32
        %add3A_168 = arith.addi %add3A_167, %mul3A_166 : i32
        %mul3A_169 = arith.constant 16 : i32
        %mul3A_170 = arith.muli %add3A_168, %mul3A_169 : i32
        %get3A = arith.constant 0 : i32
        %get3A_171 = arith.index_cast %get3A : i32 to index
        %get3A_172 = arith.index_cast %mul3A_170 : i32 to index
        %get3A_173 = tpu.vector_load %arg6[%get3A_171, %get3A_172] {strides = array<i32>} : memref<2x1024xf32, #tpu.memory_space<vmem>>, vector<16xf32>,
        %convert_element_type3A_174 = arith.fptosi %get3A_173 : vector<16xf32> to vector<16xi32>
        %gather3A = tpu.vector_load_idx %arg5[%convert_element_type3A_174] : memref<100000xf32, #tpu.memory_space<vmem>>[vector<16xi32>], vector<16xf32>,
        %mul3A_175 = arith.constant 16 : i32
        %mul3A_176 = arith.muli %add3A_168, %mul3A_175 : i32
        %swap3A = arith.constant 0 : i32
        %swap3A_177 = arith.index_cast %swap3A : i32 to index
        %swap3A_178 = arith.index_cast %mul3A_176 : i32 to index
        %swap3A_179 = tpu.vector_load %arg8[%swap3A_177, %swap3A_178] {strides = array<i32>} : memref<2x1024xf32, #tpu.memory_space<vmem>>, vector<16xf32>,
        tpu.vector_store %arg8[%swap3A_177, %swap3A_178], %gather3A {strides = array<i32>} : memref<2x1024xf32, #tpu.memory_space<vmem>>, vector<16xf32>,
        %scan3A_180 = arith.constant 1 : i32
        %scan3A_181 = arith.addi %scan3A_164, %scan3A_180 : i32
        %mul3A_182 = arith.constant 1 : i32
        %mul3A_183 = arith.muli %scan3A_181, %mul3A_182 : i32
        %add3A_184 = arith.constant 0 : i32
        %add3A_185 = arith.addi %add3A_184, %mul3A_183 : i32
        %mul3A_186 = arith.constant 16 : i32
        %mul3A_187 = arith.muli %add3A_185, %mul3A_186 : i32
        %get3A_188 = arith.constant 0 : i32
        %get3A_189 = arith.index_cast %get3A_188 : i32 to index
        %get3A_190 = arith.index_cast %mul3A_187 : i32 to index
        %get3A_191 = tpu.vector_load %arg6[%get3A_189, %get3A_190] {strides = array<i32>} : memref<2x1024xf32, #tpu.memory_space<vmem>>, vector<16xf32>,
        %convert_element_type3A_192 = arith.fptosi %get3A_191 : vector<16xf32> to vector<16xi32>
        %gather3A_193 = tpu.vector_load_idx %arg5[%convert_element_type3A_192] : memref<100000xf32, #tpu.memory_space<vmem>>[vector<16xi32>], vector<16xf32>,
        %mul3A_194 = arith.constant 16 : i32
        %mul3A_195 = arith.muli %add3A_185, %mul3A_194 : i32
        %swap3A_196 = arith.constant 0 : i32
        %swap3A_197 = arith.index_cast %swap3A_196 : i32 to index
        %swap3A_198 = arith.index_cast %mul3A_195 : i32 to index
        %swap3A_199 = tpu.vector_load %arg8[%swap3A_197, %swap3A_198] {strides = array<i32>} : memref<2x1024xf32, #tpu.memory_space<vmem>>, vector<16xf32>,
        tpu.vector_store %arg8[%swap3A_197, %swap3A_198], %gather3A_193 {strides = array<i32>} : memref<2x1024xf32, #tpu.memory_space<vmem>>, vector<16xf32>,
        %scan3A_200 = arith.constant 2 : i32
        %scan3A_201 = arith.addi %scan3A_164, %scan3A_200 : i32
        %mul3A_202 = arith.constant 1 : i32
        %mul3A_203 = arith.muli %scan3A_201, %mul3A_202 : i32
        %add3A_204 = arith.constant 0 : i32
        %add3A_205 = arith.addi %add3A_204, %mul3A_203 : i32
        %mul3A_206 = arith.constant 16 : i32
        %mul3A_207 = arith.muli %add3A_205, %mul3A_206 : i32
        %get3A_208 = arith.constant 0 : i32
        %get3A_209 = arith.index_cast %get3A_208 : i32 to index
        %get3A_210 = arith.index_cast %mul3A_207 : i32 to index
        %get3A_211 = tpu.vector_load %arg6[%get3A_209, %get3A_210] {strides = array<i32>} : memref<2x1024xf32, #tpu.memory_space<vmem>>, vector<16xf32>,
        %convert_element_type3A_212 = arith.fptosi %get3A_211 : vector<16xf32> to vector<16xi32>
        %gather3A_213 = tpu.vector_load_idx %arg5[%convert_element_type3A_212] : memref<100000xf32, #tpu.memory_space<vmem>>[vector<16xi32>], vector<16xf32>,
        %mul3A_214 = arith.constant 16 : i32
        %mul3A_215 = arith.muli %add3A_205, %mul3A_214 : i32
        %swap3A_216 = arith.constant 0 : i32
        %swap3A_217 = arith.index_cast %swap3A_216 : i32 to index
        %swap3A_218 = arith.index_cast %mul3A_215 : i32 to index
        %swap3A_219 = tpu.vector_load %arg8[%swap3A_217, %swap3A_218] {strides = array<i32>} : memref<2x1024xf32, #tpu.memory_space<vmem>>, vector<16xf32>,
        tpu.vector_store %arg8[%swap3A_217, %swap3A_218], %gather3A_213 {strides = array<i32>} : memref<2x1024xf32, #tpu.memory_space<vmem>>, vector<16xf32>,
        %scan3A_220 = arith.constant 3 : i32
        %scan3A_221 = arith.addi %scan3A_164, %scan3A_220 : i32
        %mul3A_222 = arith.constant 1 : i32
        %mul3A_223 = arith.muli %scan3A_221, %mul3A_222 : i32
        %add3A_224 = arith.constant 0 : i32
        %add3A_225 = arith.addi %add3A_224, %mul3A_223 : i32
        %mul3A_226 = arith.constant 16 : i32
        %mul3A_227 = arith.muli %add3A_225, %mul3A_226 : i32
        %get3A_228 = arith.constant 0 : i32
        %get3A_229 = arith.index_cast %get3A_228 : i32 to index
        %get3A_230 = arith.index_cast %mul3A_227 : i32 to index
        %get3A_231 = tpu.vector_load %arg6[%get3A_229, %get3A_230] {strides = array<i32>} : memref<2x1024xf32, #tpu.memory_space<vmem>>, vector<16xf32>,
        %convert_element_type3A_232 = arith.fptosi %get3A_231 : vector<16xf32> to vector<16xi32>
        %gather3A_233 = tpu.vector_load_idx %arg5[%convert_element_type3A_232] : memref<100000xf32, #tpu.memory_space<vmem>>[vector<16xi32>], vector<16xf32>,
        %mul3A_234 = arith.constant 16 : i32
        %mul3A_235 = arith.muli %add3A_225, %mul3A_234 : i32
        %swap3A_236 = arith.constant 0 : i32
        %swap3A_237 = arith.index_cast %swap3A_236 : i32 to index
        %swap3A_238 = arith.index_cast %mul3A_235 : i32 to index
        %swap3A_239 = tpu.vector_load %arg8[%swap3A_237, %swap3A_238] {strides = array<i32>} : memref<2x1024xf32, #tpu.memory_space<vmem>>, vector<16xf32>,
        tpu.vector_store %arg8[%swap3A_237, %swap3A_238], %gather3A_233 {strides = array<i32>} : memref<2x1024xf32, #tpu.memory_space<vmem>>, vector<16xf32>,
        %scan3A_240 = arith.constant 4 : i32
        %scan3A_241 = arith.addi %scan3A_164, %scan3A_240 : i32
        %mul3A_242 = arith.constant 1 : i32
        %mul3A_243 = arith.muli %scan3A_241, %mul3A_242 : i32
        %add3A_244 = arith.constant 0 : i32
        %add3A_245 = arith.addi %add3A_244, %mul3A_243 : i32
        %mul3A_246 = arith.constant 16 : i32
        %mul3A_247 = arith.muli %add3A_245, %mul3A_246 : i32
        %get3A_248 = arith.constant 0 : i32
        %get3A_249 = arith.index_cast %get3A_248 : i32 to index
        %get3A_250 = arith.index_cast %mul3A_247 : i32 to index
        %get3A_251 = tpu.vector_load %arg6[%get3A_249, %get3A_250] {strides = array<i32>} : memref<2x1024xf32, #tpu.memory_space<vmem>>, vector<16xf32>,
        %convert_element_type3A_252 = arith.fptosi %get3A_251 : vector<16xf32> to vector<16xi32>
        %gather3A_253 = tpu.vector_load_idx %arg5[%convert_element_type3A_252] : memref<100000xf32, #tpu.memory_space<vmem>>[vector<16xi32>], vector<16xf32>,
        %mul3A_254 = arith.constant 16 : i32
        %mul3A_255 = arith.muli %add3A_245, %mul3A_254 : i32
        %swap3A_256 = arith.constant 0 : i32
        %swap3A_257 = arith.index_cast %swap3A_256 : i32 to index
        %swap3A_258 = arith.index_cast %mul3A_255 : i32 to index
        %swap3A_259 = tpu.vector_load %arg8[%swap3A_257, %swap3A_258] {strides = array<i32>} : memref<2x1024xf32, #tpu.memory_space<vmem>>, vector<16xf32>,
        tpu.vector_store %arg8[%swap3A_257, %swap3A_258], %gather3A_253 {strides = array<i32>} : memref<2x1024xf32, #tpu.memory_space<vmem>>, vector<16xf32>,
        %scan3A_260 = arith.constant 5 : i32
        %scan3A_261 = arith.addi %scan3A_164, %scan3A_260 : i32
        %mul3A_262 = arith.constant 1 : i32
        %mul3A_263 = arith.muli %scan3A_261, %mul3A_262 : i32
        %add3A_264 = arith.constant 0 : i32
        %add3A_265 = arith.addi %add3A_264, %mul3A_263 : i32
        %mul3A_266 = arith.constant 16 : i32
        %mul3A_267 = arith.muli %add3A_265, %mul3A_266 : i32
        %get3A_268 = arith.constant 0 : i32
        %get3A_269 = arith.index_cast %get3A_268 : i32 to index
        %get3A_270 = arith.index_cast %mul3A_267 : i32 to index
        %get3A_271 = tpu.vector_load %arg6[%get3A_269, %get3A_270] {strides = array<i32>} : memref<2x1024xf32, #tpu.memory_space<vmem>>, vector<16xf32>,
        %convert_element_type3A_272 = arith.fptosi %get3A_271 : vector<16xf32> to vector<16xi32>
        %gather3A_273 = tpu.vector_load_idx %arg5[%convert_element_type3A_272] : memref<100000xf32, #tpu.memory_space<vmem>>[vector<16xi32>], vector<16xf32>,
        %mul3A_274 = arith.constant 16 : i32
        %mul3A_275 = arith.muli %add3A_265, %mul3A_274 : i32
        %swap3A_276 = arith.constant 0 : i32
        %swap3A_277 = arith.index_cast %swap3A_276 : i32 to index
        %swap3A_278 = arith.index_cast %mul3A_275 : i32 to index
        %swap3A_279 = tpu.vector_load %arg8[%swap3A_277, %swap3A_278] {strides = array<i32>} : memref<2x1024xf32, #tpu.memory_space<vmem>>, vector<16xf32>,
        tpu.vector_store %arg8[%swap3A_277, %swap3A_278], %gather3A_273 {strides = array<i32>} : memref<2x1024xf32, #tpu.memory_space<vmem>>, vector<16xf32>,
        %scan3A_280 = arith.constant 6 : i32
        %scan3A_281 = arith.addi %scan3A_164, %scan3A_280 : i32
        %mul3A_282 = arith.constant 1 : i32
        %mul3A_283 = arith.muli %scan3A_281, %mul3A_282 : i32
        %add3A_284 = arith.constant 0 : i32
        %add3A_285 = arith.addi %add3A_284, %mul3A_283 : i32
        %mul3A_286 = arith.constant 16 : i32
        %mul3A_287 = arith.muli %add3A_285, %mul3A_286 : i32
        %get3A_288 = arith.constant 0 : i32
        %get3A_289 = arith.index_cast %get3A_288 : i32 to index
        %get3A_290 = arith.index_cast %mul3A_287 : i32 to index
        %get3A_291 = tpu.vector_load %arg6[%get3A_289, %get3A_290] {strides = array<i32>} : memref<2x1024xf32, #tpu.memory_space<vmem>>, vector<16xf32>,
        %convert_element_type3A_292 = arith.fptosi %get3A_291 : vector<16xf32> to vector<16xi32>
        %gather3A_293 = tpu.vector_load_idx %arg5[%convert_element_type3A_292] : memref<100000xf32, #tpu.memory_space<vmem>>[vector<16xi32>], vector<16xf32>,
        %mul3A_294 = arith.constant 16 : i32
        %mul3A_295 = arith.muli %add3A_285, %mul3A_294 : i32
        %swap3A_296 = arith.constant 0 : i32
        %swap3A_297 = arith.index_cast %swap3A_296 : i32 to index
        %swap3A_298 = arith.index_cast %mul3A_295 : i32 to index
        %swap3A_299 = tpu.vector_load %arg8[%swap3A_297, %swap3A_298] {strides = array<i32>} : memref<2x1024xf32, #tpu.memory_space<vmem>>, vector<16xf32>,
        tpu.vector_store %arg8[%swap3A_297, %swap3A_298], %gather3A_293 {strides = array<i32>} : memref<2x1024xf32, #tpu.memory_space<vmem>>, vector<16xf32>,
        %scan3A_300 = arith.constant 7 : i32
        %scan3A_301 = arith.addi %scan3A_164, %scan3A_300 : i32
        %mul3A_302 = arith.constant 1 : i32
        %mul3A_303 = arith.muli %scan3A_301, %mul3A_302 : i32
        %add3A_304 = arith.constant 0 : i32
        %add3A_305 = arith.addi %add3A_304, %mul3A_303 : i32
        %mul3A_306 = arith.constant 16 : i32
        %mul3A_307 = arith.muli %add3A_305, %mul3A_306 : i32
        %get3A_308 = arith.constant 0 : i32
        %get3A_309 = arith.index_cast %get3A_308 : i32 to index
        %get3A_310 = arith.index_cast %mul3A_307 : i32 to index
        %get3A_311 = tpu.vector_load %arg6[%get3A_309, %get3A_310] {strides = array<i32>} : memref<2x1024xf32, #tpu.memory_space<vmem>>, vector<16xf32>,
        %convert_element_type3A_312 = arith.fptosi %get3A_311 : vector<16xf32> to vector<16xi32>
        %gather3A_313 = tpu.vector_load_idx %arg5[%convert_element_type3A_312] : memref<100000xf32, #tpu.memory_space<vmem>>[vector<16xi32>], vector<16xf32>,
        %mul3A_314 = arith.constant 16 : i32
        %mul3A_315 = arith.muli %add3A_305, %mul3A_314 : i32
        %swap3A_316 = arith.constant 0 : i32
        %swap3A_317 = arith.index_cast %swap3A_316 : i32 to index
        %swap3A_318 = arith.index_cast %mul3A_315 : i32 to index
        %swap3A_319 = tpu.vector_load %arg8[%swap3A_317, %swap3A_318] {strides = array<i32>} : memref<2x1024xf32, #tpu.memory_space<vmem>>, vector<16xf32>,
        tpu.vector_store %arg8[%swap3A_317, %swap3A_318], %gather3A_313 {strides = array<i32>} : memref<2x1024xf32, #tpu.memory_space<vmem>>, vector<16xf32>,
      }
      %scan3A_134 = arith.constant 64 : i32
      %scan3A_135 = arith.constant 0 : i32
      %scan3A_136 = arith.constant 64 : i32
      %scan3A_137 = arith.addi %scan3A_135, %scan3A_136 : i32
      %scan3A_138 = arith.constant 8 : i32
      scf.for %scan3A_164 = %scan3A_135 to %scan3A_137 step %scan3A_138  : i32 {
        %mul3A_165 = arith.constant 1 : i32
        %mul3A_166 = arith.muli %scan3A_164, %mul3A_165 : i32
        %add3A_167 = arith.constant 0 : i32
        %add3A_168 = arith.addi %add3A_167, %mul3A_166 : i32
        %mul3A_169 = arith.constant 16 : i32
        %mul3A_170 = arith.muli %add3A_168, %mul3A_169 : i32
        %get3A = arith.constant 1 : i32
        %get3A_171 = arith.index_cast %get3A : i32 to index
        %get3A_172 = arith.index_cast %mul3A_170 : i32 to index
        %get3A_173 = tpu.vector_load %arg6[%get3A_171, %get3A_172] {strides = array<i32>} : memref<2x1024xf32, #tpu.memory_space<vmem>>, vector<16xf32>,
        %convert_element_type3A_174 = arith.fptosi %get3A_173 : vector<16xf32> to vector<16xi32>
        %gather3A = tpu.vector_load_idx %arg5[%convert_element_type3A_174] : memref<100000xf32, #tpu.memory_space<vmem>>[vector<16xi32>], vector<16xf32>,
        %mul3A_175 = arith.constant 16 : i32
        %mul3A_176 = arith.muli %add3A_168, %mul3A_175 : i32
        %swap3A = arith.constant 1 : i32
        %swap3A_177 = arith.index_cast %swap3A : i32 to index
        %swap3A_178 = arith.index_cast %mul3A_176 : i32 to index
        %swap3A_179 = tpu.vector_load %arg8[%swap3A_177, %swap3A_178] {strides = array<i32>} : memref<2x1024xf32, #tpu.memory_space<vmem>>, vector<16xf32>,
        tpu.vector_store %arg8[%swap3A_177, %swap3A_178], %gather3A {strides = array<i32>} : memref<2x1024xf32, #tpu.memory_space<vmem>>, vector<16xf32>,
        %scan3A_180 = arith.constant 1 : i32
        %scan3A_181 = arith.addi %scan3A_164, %scan3A_180 : i32
        %mul3A_182 = arith.constant 1 : i32
        %mul3A_183 = arith.muli %scan3A_181, %mul3A_182 : i32
        %add3A_184 = arith.constant 0 : i32
        %add3A_185 = arith.addi %add3A_184, %mul3A_183 : i32
        %mul3A_186 = arith.constant 16 : i32
        %mul3A_187 = arith.muli %add3A_185, %mul3A_186 : i32
        %get3A_188 = arith.constant 1 : i32
        %get3A_189 = arith.index_cast %get3A_188 : i32 to index
        %get3A_190 = arith.index_cast %mul3A_187 : i32 to index
        %get3A_191 = tpu.vector_load %arg6[%get3A_189, %get3A_190] {strides = array<i32>} : memref<2x1024xf32, #tpu.memory_space<vmem>>, vector<16xf32>,
        %convert_element_type3A_192 = arith.fptosi %get3A_191 : vector<16xf32> to vector<16xi32>
        %gather3A_193 = tpu.vector_load_idx %arg5[%convert_element_type3A_192] : memref<100000xf32, #tpu.memory_space<vmem>>[vector<16xi32>], vector<16xf32>,
        %mul3A_194 = arith.constant 16 : i32
        %mul3A_195 = arith.muli %add3A_185, %mul3A_194 : i32
        %swap3A_196 = arith.constant 1 : i32
        %swap3A_197 = arith.index_cast %swap3A_196 : i32 to index
        %swap3A_198 = arith.index_cast %mul3A_195 : i32 to index
        %swap3A_199 = tpu.vector_load %arg8[%swap3A_197, %swap3A_198] {strides = array<i32>} : memref<2x1024xf32, #tpu.memory_space<vmem>>, vector<16xf32>,
        tpu.vector_store %arg8[%swap3A_197, %swap3A_198], %gather3A_193 {strides = array<i32>} : memref<2x1024xf32, #tpu.memory_space<vmem>>, vector<16xf32>,
        %scan3A_200 = arith.constant 2 : i32
        %scan3A_201 = arith.addi %scan3A_164, %scan3A_200 : i32
        %mul3A_202 = arith.constant 1 : i32
        %mul3A_203 = arith.muli %scan3A_201, %mul3A_202 : i32
        %add3A_204 = arith.constant 0 : i32
        %add3A_205 = arith.addi %add3A_204, %mul3A_203 : i32
        %mul3A_206 = arith.constant 16 : i32
        %mul3A_207 = arith.muli %add3A_205, %mul3A_206 : i32
        %get3A_208 = arith.constant 1 : i32
        %get3A_209 = arith.index_cast %get3A_208 : i32 to index
        %get3A_210 = arith.index_cast %mul3A_207 : i32 to index
        %get3A_211 = tpu.vector_load %arg6[%get3A_209, %get3A_210] {strides = array<i32>} : memref<2x1024xf32, #tpu.memory_space<vmem>>, vector<16xf32>,
        %convert_element_type3A_212 = arith.fptosi %get3A_211 : vector<16xf32> to vector<16xi32>
        %gather3A_213 = tpu.vector_load_idx %arg5[%convert_element_type3A_212] : memref<100000xf32, #tpu.memory_space<vmem>>[vector<16xi32>], vector<16xf32>,
        %mul3A_214 = arith.constant 16 : i32
        %mul3A_215 = arith.muli %add3A_205, %mul3A_214 : i32
        %swap3A_216 = arith.constant 1 : i32
        %swap3A_217 = arith.index_cast %swap3A_216 : i32 to index
        %swap3A_218 = arith.index_cast %mul3A_215 : i32 to index
        %swap3A_219 = tpu.vector_load %arg8[%swap3A_217, %swap3A_218] {strides = array<i32>} : memref<2x1024xf32, #tpu.memory_space<vmem>>, vector<16xf32>,
        tpu.vector_store %arg8[%swap3A_217, %swap3A_218], %gather3A_213 {strides = array<i32>} : memref<2x1024xf32, #tpu.memory_space<vmem>>, vector<16xf32>,
        %scan3A_220 = arith.constant 3 : i32
        %scan3A_221 = arith.addi %scan3A_164, %scan3A_220 : i32
        %mul3A_222 = arith.constant 1 : i32
        %mul3A_223 = arith.muli %scan3A_221, %mul3A_222 : i32
        %add3A_224 = arith.constant 0 : i32
        %add3A_225 = arith.addi %add3A_224, %mul3A_223 : i32
        %mul3A_226 = arith.constant 16 : i32
        %mul3A_227 = arith.muli %add3A_225, %mul3A_226 : i32
        %get3A_228 = arith.constant 1 : i32
        %get3A_229 = arith.index_cast %get3A_228 : i32 to index
        %get3A_230 = arith.index_cast %mul3A_227 : i32 to index
        %get3A_231 = tpu.vector_load %arg6[%get3A_229, %get3A_230] {strides = array<i32>} : memref<2x1024xf32, #tpu.memory_space<vmem>>, vector<16xf32>,
        %convert_element_type3A_232 = arith.fptosi %get3A_231 : vector<16xf32> to vector<16xi32>
        %gather3A_233 = tpu.vector_load_idx %arg5[%convert_element_type3A_232] : memref<100000xf32, #tpu.memory_space<vmem>>[vector<16xi32>], vector<16xf32>,
        %mul3A_234 = arith.constant 16 : i32
        %mul3A_235 = arith.muli %add3A_225, %mul3A_234 : i32
        %swap3A_236 = arith.constant 1 : i32
        %swap3A_237 = arith.index_cast %swap3A_236 : i32 to index
        %swap3A_238 = arith.index_cast %mul3A_235 : i32 to index
        %swap3A_239 = tpu.vector_load %arg8[%swap3A_237, %swap3A_238] {strides = array<i32>} : memref<2x1024xf32, #tpu.memory_space<vmem>>, vector<16xf32>,
        tpu.vector_store %arg8[%swap3A_237, %swap3A_238], %gather3A_233 {strides = array<i32>} : memref<2x1024xf32, #tpu.memory_space<vmem>>, vector<16xf32>,
        %scan3A_240 = arith.constant 4 : i32
        %scan3A_241 = arith.addi %scan3A_164, %scan3A_240 : i32
        %mul3A_242 = arith.constant 1 : i32
        %mul3A_243 = arith.muli %scan3A_241, %mul3A_242 : i32
        %add3A_244 = arith.constant 0 : i32
        %add3A_245 = arith.addi %add3A_244, %mul3A_243 : i32
        %mul3A_246 = arith.constant 16 : i32
        %mul3A_247 = arith.muli %add3A_245, %mul3A_246 : i32
        %get3A_248 = arith.constant 1 : i32
        %get3A_249 = arith.index_cast %get3A_248 : i32 to index
        %get3A_250 = arith.index_cast %mul3A_247 : i32 to index
        %get3A_251 = tpu.vector_load %arg6[%get3A_249, %get3A_250] {strides = array<i32>} : memref<2x1024xf32, #tpu.memory_space<vmem>>, vector<16xf32>,
        %convert_element_type3A_252 = arith.fptosi %get3A_251 : vector<16xf32> to vector<16xi32>
        %gather3A_253 = tpu.vector_load_idx %arg5[%convert_element_type3A_252] : memref<100000xf32, #tpu.memory_space<vmem>>[vector<16xi32>], vector<16xf32>,
        %mul3A_254 = arith.constant 16 : i32
        %mul3A_255 = arith.muli %add3A_245, %mul3A_254 : i32
        %swap3A_256 = arith.constant 1 : i32
        %swap3A_257 = arith.index_cast %swap3A_256 : i32 to index
        %swap3A_258 = arith.index_cast %mul3A_255 : i32 to index
        %swap3A_259 = tpu.vector_load %arg8[%swap3A_257, %swap3A_258] {strides = array<i32>} : memref<2x1024xf32, #tpu.memory_space<vmem>>, vector<16xf32>,
        tpu.vector_store %arg8[%swap3A_257, %swap3A_258], %gather3A_253 {strides = array<i32>} : memref<2x1024xf32, #tpu.memory_space<vmem>>, vector<16xf32>,
        %scan3A_260 = arith.constant 5 : i32
        %scan3A_261 = arith.addi %scan3A_164, %scan3A_260 : i32
        %mul3A_262 = arith.constant 1 : i32
        %mul3A_263 = arith.muli %scan3A_261, %mul3A_262 : i32
        %add3A_264 = arith.constant 0 : i32
        %add3A_265 = arith.addi %add3A_264, %mul3A_263 : i32
        %mul3A_266 = arith.constant 16 : i32
        %mul3A_267 = arith.muli %add3A_265, %mul3A_266 : i32
        %get3A_268 = arith.constant 1 : i32
        %get3A_269 = arith.index_cast %get3A_268 : i32 to index
        %get3A_270 = arith.index_cast %mul3A_267 : i32 to index
        %get3A_271 = tpu.vector_load %arg6[%get3A_269, %get3A_270] {strides = array<i32>} : memref<2x1024xf32, #tpu.memory_space<vmem>>, vector<16xf32>,
        %convert_element_type3A_272 = arith.fptosi %get3A_271 : vector<16xf32> to vector<16xi32>
        %gather3A_273 = tpu.vector_load_idx %arg5[%convert_element_type3A_272] : memref<100000xf32, #tpu.memory_space<vmem>>[vector<16xi32>], vector<16xf32>,
        %mul3A_274 = arith.constant 16 : i32
        %mul3A_275 = arith.muli %add3A_265, %mul3A_274 : i32
        %swap3A_276 = arith.constant 1 : i32
        %swap3A_277 = arith.index_cast %swap3A_276 : i32 to index
        %swap3A_278 = arith.index_cast %mul3A_275 : i32 to index
        %swap3A_279 = tpu.vector_load %arg8[%swap3A_277, %swap3A_278] {strides = array<i32>} : memref<2x1024xf32, #tpu.memory_space<vmem>>, vector<16xf32>,
        tpu.vector_store %arg8[%swap3A_277, %swap3A_278], %gather3A_273 {strides = array<i32>} : memref<2x1024xf32, #tpu.memory_space<vmem>>, vector<16xf32>,
        %scan3A_280 = arith.constant 6 : i32
        %scan3A_281 = arith.addi %scan3A_164, %scan3A_280 : i32
        %mul3A_282 = arith.constant 1 : i32
        %mul3A_283 = arith.muli %scan3A_281, %mul3A_282 : i32
        %add3A_284 = arith.constant 0 : i32
        %add3A_285 = arith.addi %add3A_284, %mul3A_283 : i32
        %mul3A_286 = arith.constant 16 : i32
        %mul3A_287 = arith.muli %add3A_285, %mul3A_286 : i32
        %get3A_288 = arith.constant 1 : i32
        %get3A_289 = arith.index_cast %get3A_288 : i32 to index
        %get3A_290 = arith.index_cast %mul3A_287 : i32 to index
        %get3A_291 = tpu.vector_load %arg6[%get3A_289, %get3A_290] {strides = array<i32>} : memref<2x1024xf32, #tpu.memory_space<vmem>>, vector<16xf32>,
        %convert_element_type3A_292 = arith.fptosi %get3A_291 : vector<16xf32> to vector<16xi32>
        %gather3A_293 = tpu.vector_load_idx %arg5[%convert_element_type3A_292] : memref<100000xf32, #tpu.memory_space<vmem>>[vector<16xi32>], vector<16xf32>,
        %mul3A_294 = arith.constant 16 : i32
        %mul3A_295 = arith.muli %add3A_285, %mul3A_294 : i32
        %swap3A_296 = arith.constant 1 : i32
        %swap3A_297 = arith.index_cast %swap3A_296 : i32 to index
        %swap3A_298 = arith.index_cast %mul3A_295 : i32 to index
        %swap3A_299 = tpu.vector_load %arg8[%swap3A_297, %swap3A_298] {strides = array<i32>} : memref<2x1024xf32, #tpu.memory_space<vmem>>, vector<16xf32>,
        tpu.vector_store %arg8[%swap3A_297, %swap3A_298], %gather3A_293 {strides = array<i32>} : memref<2x1024xf32, #tpu.memory_space<vmem>>, vector<16xf32>,
        %scan3A_300 = arith.constant 7 : i32
        %scan3A_301 = arith.addi %scan3A_164, %scan3A_300 : i32
        %mul3A_302 = arith.constant 1 : i32
        %mul3A_303 = arith.muli %scan3A_301, %mul3A_302 : i32
        %add3A_304 = arith.constant 0 : i32
        %add3A_305 = arith.addi %add3A_304, %mul3A_303 : i32
        %mul3A_306 = arith.constant 16 : i32
        %mul3A_307 = arith.muli %add3A_305, %mul3A_306 : i32
        %get3A_308 = arith.constant 1 : i32
        %get3A_309 = arith.index_cast %get3A_308 : i32 to index
        %get3A_310 = arith.index_cast %mul3A_307 : i32 to index
        %get3A_311 = tpu.vector_load %arg6[%get3A_309, %get3A_310] {strides = array<i32>} : memref<2x1024xf32, #tpu.memory_space<vmem>>, vector<16xf32>,
        %convert_element_type3A_312 = arith.fptosi %get3A_311 : vector<16xf32> to vector<16xi32>
        %gather3A_313 = tpu.vector_load_idx %arg5[%convert_element_type3A_312] : memref<100000xf32, #tpu.memory_space<vmem>>[vector<16xi32>], vector<16xf32>,
        %mul3A_314 = arith.constant 16 : i32
        %mul3A_315 = arith.muli %add3A_305, %mul3A_314 : i32
        %swap3A_316 = arith.constant 1 : i32
        %swap3A_317 = arith.index_cast %swap3A_316 : i32 to index
        %swap3A_318 = arith.index_cast %mul3A_315 : i32 to index
        %swap3A_319 = tpu.vector_load %arg8[%swap3A_317, %swap3A_318] {strides = array<i32>} : memref<2x1024xf32, #tpu.memory_space<vmem>>, vector<16xf32>,
        tpu.vector_store %arg8[%swap3A_317, %swap3A_318], %gather3A_313 {strides = array<i32>} : memref<2x1024xf32, #tpu.memory_space<vmem>>, vector<16xf32>,
      }
      %scan3A_139 = arith.constant 64 : i32
      %dma_start3A_140 = arith.constant 48 : i32
      %dma_start3A_141 = arith.constant 0 : i32
      %dma_start3A_142 = tpu.memref_slice %arg4[%dma_start3A_140, %add3A_14, %dma_start3A_141] : memref<50x838x1024xf32, #tpu.memory_space<hbm>> -> memref<2x1x1024xf32, #tpu.memory_space<hbm>>
      %dma_start3A_143 = tpu.memref_squeeze %dma_start3A_142 : memref<2x1x1024xf32, #tpu.memory_space<hbm>> -> memref<2x1024xf32, #tpu.memory_space<hbm>>
      %dma_start3A_144 = arith.constant 48 : i32
      %dma_start3A_145 = arith.constant 0 : i32
      %dma_start3A_146 = tpu.memref_slice %arg4[%dma_start3A_144, %add3A_14, %dma_start3A_145] : memref<50x838x1024xf32, #tpu.memory_space<hbm>> -> memref<2x1x1024xf32, #tpu.memory_space<hbm>>
      %dma_start3A_147 = tpu.memref_squeeze %dma_start3A_146 : memref<2x1x1024xf32, #tpu.memory_space<hbm>> -> memref<2x1024xf32, #tpu.memory_space<hbm>>
      tpu.enqueue_dma source(%arg8 : memref<2x1024xf32, #tpu.memory_space<vmem>>) target(%dma_start3A_147 : memref<2x1024xf32, #tpu.memory_space<hbm>>) target_semaphore(%arg13 : memref<!tpu.dma_semaphore, #tpu.memory_space<semaphore_mem>>)
      %dma_wait3A_148 = arith.constant 0 : i32
      %dma_wait3A_149 = arith.constant 0 : i32
      %dma_wait3A_150 = tpu.memref_slice %arg4[%dma_wait3A_148, %add3A_14, %dma_wait3A_149] : memref<50x838x1024xf32, #tpu.memory_space<hbm>> -> memref<2x1x1024xf32, #tpu.memory_space<hbm>>
      %dma_wait3A_151 = tpu.memref_squeeze %dma_wait3A_150 : memref<2x1x1024xf32, #tpu.memory_space<hbm>> -> memref<2x1024xf32, #tpu.memory_space<hbm>>
      %dma_wait3A_152 = arith.constant 0 : i32
      %dma_wait3A_153 = arith.constant 0 : i32
      %dma_wait3A_154 = tpu.memref_slice %arg4[%dma_wait3A_152, %add3A_14, %dma_wait3A_153] : memref<50x838x1024xf32, #tpu.memory_space<hbm>> -> memref<2x1x1024xf32, #tpu.memory_space<hbm>>
      %dma_wait3A_155 = tpu.memref_squeeze %dma_wait3A_154 : memref<2x1x1024xf32, #tpu.memory_space<hbm>> -> memref<2x1024xf32, #tpu.memory_space<hbm>>
      tpu.wait_dma2 semaphore(%arg13 : memref<!tpu.dma_semaphore, #tpu.memory_space<semaphore_mem>>) src(%arg8 : memref<2x1024xf32, #tpu.memory_space<vmem>>) dst(%dma_wait3A_155 : memref<2x1024xf32, #tpu.memory_space<hbm>>)
      %dma_wait3A_156 = arith.constant 0 : i32
      %dma_wait3A_157 = arith.constant 0 : i32
      %dma_wait3A_158 = tpu.memref_slice %arg4[%dma_wait3A_156, %add3A_14, %dma_wait3A_157] : memref<50x838x1024xf32, #tpu.memory_space<hbm>> -> memref<2x1x1024xf32, #tpu.memory_space<hbm>>
      %dma_wait3A_159 = tpu.memref_squeeze %dma_wait3A_158 : memref<2x1x1024xf32, #tpu.memory_space<hbm>> -> memref<2x1024xf32, #tpu.memory_space<hbm>>
      %dma_wait3A_160 = arith.constant 0 : i32
      %dma_wait3A_161 = arith.constant 0 : i32
      %dma_wait3A_162 = tpu.memref_slice %arg4[%dma_wait3A_160, %add3A_14, %dma_wait3A_161] : memref<50x838x1024xf32, #tpu.memory_space<hbm>> -> memref<2x1x1024xf32, #tpu.memory_space<hbm>>
      %dma_wait3A_163 = tpu.memref_squeeze %dma_wait3A_162 : memref<2x1x1024xf32, #tpu.memory_space<hbm>> -> memref<2x1024xf32, #tpu.memory_space<hbm>>
      tpu.wait_dma2 semaphore(%arg14 : memref<!tpu.dma_semaphore, #tpu.memory_space<semaphore_mem>>) src(%arg9 : memref<2x1024xf32, #tpu.memory_space<vmem>>) dst(%dma_wait3A_163 : memref<2x1024xf32, #tpu.memory_space<hbm>>)
    }
    %scan3A_6 = arith.constant 26 : i32
    return
  }
}

</mosaic_0001>

<sc_bundles>
// kernel: _multi_embedding.3.cloned.1.call-start
scs
__scs_entry_jumppad:
0x0: {  	(pc) =	sbr.rel $0x88, $3  }
0x1: {  	(tag) =	ssettag $0x0;
	lr =	simm.s32 $0x1  }
0x2: {  	[smem:$0x3F9F] =	sst lr;
	_ =	strace $0xD0000000  }
0x3: {  	_ = 	snop  }
0x4: {  	_ = 	snop  }
0x5: {  	_ = 	snop  }
0x6: {  	_ = 	snop  }
0x7: {  	_ = 	snop  }
__scs_overlays_trampoline_lowered:
0x8: {  	[smem:$0x3FAE] =	sst s0  }
0x9: {  	[smem:$0x3FAF] =	sst s1  }
0xa: {  	[smem:$0x3FB0] =	sst s2  }
0xb: {  	[smem:$0x3FB1] =	sst s3  }
0xc: {  	[smem:$0x3FB2] =	sst s4  }
0xd: {  	[smem:$0x3FB3] =	sst s5  }
0xe: {  	[smem:$0x3FB4] =	sst s6  }
0xf: {  	[smem:$0x3FB5] =	sst s7  }
0x10: {  	[smem:$0x3FB6] =	sst s8  }
0x11: {  	[smem:$0x3FB7] =	sst s9;
	s0 =	simm.s32 @!p0 $0x0  }
0x12: {  	s1 =	sld [smem:$0x3F9D];
	s0 =	simm.s32 @p0 $0x1  }
0x13: {  	[smem:$0x3FB8] =	sst s0;
	s0 =	simm.s32 @!p1 $0x0  }
0x14: {  	s2 =	sld [smem:$0x3F9C];
	s0 =	simm.s32 @p1 $0x1  }
0x15: {  	[smem:$0x3FB9] =	sst s0;
	s0 =	simm.s32 @!p2 $0x0  }
0x16: {  	s3 =	sld [smem:$0x3FDB];
	s0 =	simm.s32 @p2 $0x1  }
0x17: {  	s4 =	simm.s32 $0x1BF5;
	[smem:$0x3FBB] =	sst s0  }
0x18: {  	s0 =	sld [smem:$0x3F9E];
	_ =	swait.ge [sflag:s4], $0x0  }
0x19: {  	s7 =	sld [smem:$0x3F9F]  }
0x1a: {  	s8 =	sadd.s32 $0xFFFFE003, lr  }
0x1b: {  	s9 =	sadd.s32 $0xFFFFFEF7, lr;
	s5 =	simm.s32 $0xFFFFFFFF;
	p2 =	slt.u32 s8, $0xFFFFF086  }
0x1c: {  	p1 =	slt.u32 s9, $0xF7A;
	s5 =	simm.s32 @!p2 $0x0  }
0x1d: {  	s5 =	simm.s32 @p1 $0x1;
	p0 =	seq.s32 s7, s2  }
0x1e: {  	s7 =	smul.u32 @!p0 $0xF7A, s2;
	p2 =	seq.s32 @!p0 s5, $0x0  }
0x1f: {  	s9 =	smul.u32 $0xF7A, s1;
	s8 =	simm.s32 @!p0 $0x1BF5;
	p2 =	por !p2, p0  }
0x20: {  	[sflag:s8] =	ssyncset.s32 @!p0 $0xFFFFF086;
	s6 =	sadd.s32 @!p0 s3, s7;
	s7 =	simm.s32 @!p0 $0x108  }
0x21: {  	s3 =	sadd.s32 s3, s9;
	s6 =	sadd.s32 @!p0 $0x88, s6;
	s7 =	simm.s32 @p2 $0x1082  }
0x22: {  	[simem:s7], [sflag:s8] =	dma.local @!p0 [hbm:s6], $0xF7A  }
0x23: {  	s9 =	sor.u32 $0xD0000000, s2;
	s6 =	simm.s32 $0x108;
	_ =	swait.ge @!p0 [sflag:s8], $0x0  }
0x24: {  	s3 =	sadd.s32 $0x88, s3;
	s6 =	simm.s32 @!p1 $0x1082;
	[sflag:s4] =	ssyncset.s32 $0xFFFFF086  }
0x25: {  	[simem:s6], [sflag:s4] =	dma.local [hbm:s3], $0xF7A  }
0x26: {  	[smem:$0x3F9F] =	sst s1;
	(tag) =	ssettag s2;
	_ =	strace s9  }
0x27: {  	s1 =	sld [smem:$0x3FAF]  }
0x28: {  	s2 =	sld [smem:$0x3FB0]  }
0x29: {  	s4 =	sld [smem:$0x3FB2]  }
0x2a: {  	p0 =	seq.s32 s5, $0x0;
	s5 =	sld [smem:$0x3FB3]  }
0x2b: {  	s6 =	sld [smem:$0x3FB4]  }
0x2c: {  	s7 =	sld [smem:$0x3FB5]  }
0x2d: {  	s3 =	simm.s32 $0x108;
	s8 =	sld [smem:$0x3FB6]  }
0x2e: {  	s3 =	simm.s32 @!p0 $0x1082;
	s9 =	sld [smem:$0x3FB7]  }
0x2f: {  	lr =	sadd.s32 s0, s3;
	s0 =	sld [smem:$0x3FAE]  }
0x30: {  	s3 =	sld [smem:$0x3FB1]  }
0x31: {  	[smem:$0x3FBA] =	sst s10  }
0x32: {  	s10 =	sld [smem:$0x3FB8];
	_ =	sdelay $0x3  }
0x33: {  	p0 =	seq.s32 s10, $0x1;
	s10 =	sld [smem:$0x3FBA];
	_ =	sdelay $0x3  }
0x34: {  	[smem:$0x3FBA] =	sst s10  }
0x35: {  	s10 =	sld [smem:$0x3FB9];
	_ =	sdelay $0x3  }
0x36: {  	p1 =	seq.s32 s10, $0x1;
	s10 =	sld [smem:$0x3FBA];
	_ =	sdelay $0x3  }
0x37: {  	[smem:$0x3FBA] =	sst s10  }
0x38: {  	s10 =	sld [smem:$0x3FBB]  }
0x39: {  	_ = 	snop;
	(pc) =	sbr.ind lr, $3  }
0x3a: {  	_ = 	snop  }
0x3b: {  	_ = 	snop  }
0x3c: {  	p2 =	seq.s32 s10, $0x1;
	s10 =	sld [smem:$0x3FBA]  }
0x3d: {  	_ =	shalt  }
0x3e: {  	_ =	shalt  }
0x3f: {  	_ =	shalt  }
0x40: {  	_ =	shalt  }
0x41: {  	_ =	shalt  }
0x42: {  	_ =	shalt  }
0x43: {  	_ =	shalt  }
0x44: {  	_ =	shalt  }
0x45: {  	_ =	shalt  }
0x46: {  	_ =	shalt  }
0x47: {  	_ =	shalt  }
0x48: {  	_ =	shalt  }
0x49: {  	_ =	shalt  }
0x4a: {  	_ =	shalt  }
0x4b: {  	_ =	shalt  }
0x4c: {  	_ =	shalt  }
0x4d: {  	_ =	shalt  }
0x4e: {  	_ =	shalt  }
0x4f: {  	_ =	shalt  }
0x50: {  	_ =	shalt  }
0x51: {  	_ =	shalt  }
0x52: {  	_ =	shalt  }
0x53: {  	_ =	shalt  }
0x54: {  	_ =	shalt  }
0x55: {  	_ =	shalt  }
0x56: {  	_ =	shalt  }
0x57: {  	_ =	shalt  }
0x58: {  	_ =	shalt  }
0x59: {  	_ =	shalt  }
0x5a: {  	_ =	shalt  }
0x5b: {  	_ =	shalt  }
0x5c: {  	_ =	shalt  }
0x5d: {  	_ =	shalt  }
0x5e: {  	_ =	shalt  }
0x5f: {  	_ =	shalt  }
0x60: {  	_ =	shalt  }
0x61: {  	_ =	shalt  }
0x62: {  	_ =	shalt  }
0x63: {  	_ =	shalt  }
0x64: {  	_ =	shalt  }
0x65: {  	_ =	shalt  }
0x66: {  	_ =	shalt  }
0x67: {  	_ =	shalt  }
0x68: {  	_ =	shalt  }
0x69: {  	_ =	shalt  }
0x6a: {  	_ =	shalt  }
0x6b: {  	_ =	shalt  }
0x6c: {  	_ =	shalt  }
0x6d: {  	_ =	shalt  }
0x6e: {  	_ =	shalt  }
0x6f: {  	_ =	shalt  }
0x70: {  	_ =	shalt  }
0x71: {  	_ =	shalt  }
0x72: {  	_ =	shalt  }
0x73: {  	_ =	shalt  }
0x74: {  	_ =	shalt  }
0x75: {  	_ =	shalt  }
0x76: {  	_ =	shalt  }
0x77: {  	_ =	shalt  }
0x78: {  	_ =	shalt  }
0x79: {  	_ =	shalt  }
0x7a: {  	_ =	shalt  }
0x7b: {  	_ =	shalt  }
0x7c: {  	_ =	shalt  }
0x7d: {  	_ =	shalt  }
0x7e: {  	_ =	shalt  }
0x7f: {  	_ =	shalt  }
0x80: {  	_ =	shalt  }
0x81: {  	_ =	shalt  }
0x82: {  	_ =	shalt  }
0x83: {  	_ =	shalt  }
0x84: {  	_ =	shalt  }
0x85: {  	_ =	shalt  }
0x86: {  	_ =	shalt  }
0x87: {  	_ =	shalt  }
.Lfunc_end0:
.L_simem_size_0:
called_computation_lowered:
.L_overlay_start_0:
0x88: {  	s2 =	sld [smem:$0x3FD9]  }
0x89: {  	s3 =	sld [smem:$0x3FFE];
	_ =	sdelay $0x1  }
0x8a: {  	s1 =	srdreg.scid  }
0x8b: {  	s0 =	sand.u32 $0x1, s1  }
0x8c: {  	s18 =	sshll.u32 s0, $0xA;
	s2 =	sadd.s32 s3, s2  }
0x8d: {  	s2 =	sadd.s32 s2, s18  }
0x8e: {  	[smem:$0x3FC6] =	sst s2  }
0x8f: {  	_ = 	snop  }
0x90: {  	s2 =	sld [smem:$0x3FC9]  }
0x91: {  	s19 =	sld [smem:$0x3FC8]  }
0x92: {  	s4 =	sld [smem:$0x3FD0];
	(tm) =	ssettm $0x1  }
0x93: {  	s5 =	sld [smem:$0x3FFB];
	_ =	sdelay $0x3  }
0x94: {  	_ =	strace s5  }
0x95: {  	s5 =	sld [smem:$0x3FFC];
	_ =	sdelay $0x3  }
0x96: {  	_ =	strace s5  }
0x97: {  	s5 =	sld [smem:$0x3FFD];
	_ =	sdelay $0x3  }
0x98: {  	_ =	strace s5  }
0x99: {  	_ =	strace $0x8FFFFFFF  }
0x9a: {  	s20 =	sld [smem:$0x3FDB];
	_ =	sdelay $0x1  }
0x9b: {  	s6 =	simm.s32 $_scs_section_size  }
0x9c: {  	s7 =	simm.s32 $_size__tile_overlayer_lowered;
	s8 =	simm.s32 $_tile_overlayer_lowered  }
0x9d: {  	s23 =	simm.s32 $0x1BFF;
	s22 =	sshll.u32 s8, $0x1;
	s5 =	sadd.s32 s6, s20  }
0x9e: {  	s9 =	simm.s32 $0x0;
	s21 =	sshll.u32 s7, $0x1;
	s7 =	sadd.s32 s22, s5  }
0x9f: {  	[timem:s9], [sflag:s23] =	dma.local [hbm:s7], s21  }
0xa0: {  	_ =	swait.ge [sflag:s23], s21  }
0xa1: {  	s6 =	ssub.s32 $0x0, s21;
	[sflag:s23] =	ssyncset.done $0x0  }
0xa2: {  	[sflag:s23] =	ssyncadd.s32 s6;
	_ =	sdelay $0x1  }
0xa3: {  	s24 =	simm.s32 $0x1B8B  }
0xa4: {  	_ =	swait.ge [sflag:s24], $0x1  }
0xa5: {  	[sflag:s24] =	ssyncset.done $0x0  }
0xa6: {  	s25 =	simm.s32 $0x1B8E;
	[sflag:s24] =	ssyncadd.s32 $0xFFFFFFFF  }
0xa7: {  	s26 =	simm.s32 $execute0_lowered;
	[smem:$0x3FD2] =	sst s25  }
0xa8: {  	s6 =	sshll.u32 s26, $0x1;
	_ =	strace $0x80000046;
	[dreg:$0x1] =	wrdreg $0xFFFFFFFF  }
0xa9: {  	s28 =	simm.s32 $_size_execute0_lowered;
	s5 =	sadd.s32 s5, s6;
	[dreg:$0x0] =	wrdreg $0x0  }
0xaa: {  	s6 =	sshll.u32 s28, $0x1;
	[dreg:$0x2] =	wrdreg s5  }
0xab: {  	[dreg:$0x3] =	wrdreg s6  }
0xac: {  	[dreg:$0x4] =	wrdreg $0xC0  }
0xad: {  	_ =	task [dreg:s9], $0x5FFFF  }
0xae: {  	[dreg:$0x1] =	wrdreg $0xFFFFFFFF  }
0xaf: {  	[dreg:$0x0] =	wrdreg $0x60  }
0xb0: {  	[dreg:$0x2] =	wrdreg s2  }
0xb1: {  	[dreg:$0x3] =	wrdreg s19  }
0xb2: {  	[dreg:$0x4] =	wrdreg s4  }
0xb3: {  	[dreg:$0x5] =	wrdreg $0x9  }
0xb4: {  	_ =	task.clear_ibuf [dreg:s9], $0x6FFFF;
	_ =	strace $0x90000046  }
0xb5: {  	s29 =	simm.s32 $0x9;
	_ =	strace $0x80000048  }
0xb6: {  	_ =	swait.ge [sflag:s29], $0x1  }
0xb7: {  	[sflag:s29] =	ssyncadd.s32 $0xFFFFFFFF  }
0xb8: {  	_ =	strace $0x90000048  }
0xb9: {  	_ =	sfence  }
0xba: {  	s30 =	sld [smem:$0x0];
	_ =	sdelay $0x2  }
0xbb: {  	s31 =	sshll.u32 s1, $0xD;
	s1 =	sshrl.u32 s1, $0x2  }
0xbc: {  	s3 =	sand.u32 $0x4000, s31;
	s1 =	sadd.s32 s1, s30  }
0xbd: {  	s0 =	sor.u32 s3, s0;
	s1 =	sshll.u32 s1, $0x11  }
0xbe: {  	s0 =	sor.u32 s1, s0  }
0xbf: {  	s0 =	sadd.s32 $0x8F2B, s0  }
0xc0: {  	[sflag:s0] =	ssyncadd.remote.s32 $0x1  }
0xc1: {  	_ =	sfence.sel $0xFFFF  }
0xc2: {  	[dreg:$0x0] =	wrdreg $0xFFFFFFFF;
	(pc) =	sbr.abs _section_cstart, $3  }
0xc3: {  	[dreg:$0x1] =	wrdreg $0xFFFFFFFF  }
0xc4: {  	_ =	task.clear_ibuf [dreg:s9], $0x2FFFF;
	_ =	strace $0x9FFFFFFF  }
0xc5: {  	(tm) =	ssettm $0x7FFFFFFF  }
tec
execute0_lowered:
.L_overlay_start_1:
0x0: {  	(tag) =	ssettag $0x1  }
0x1: {  	s6 =	rddreg [dreg:$0x0]  }
0x2: {  	s18 =	rddreg [dreg:$0x2];
	s0 =	srdreg.scid;
	s5 =	simm.s32 $0x0  }
0x3: {  	s7 =	stileid.u32;
	s28 =	simm.s32 $0x18D00;
	s29 =	simm.s32 $0x18E00  }
0x4: {  	s30 =	simm.s32 $0x6;
	s31 =	simm.s32 $0xD2000;
	s9 =	simm.s32 $0x2  }
0x5: {  	s0 =	sand.u32 $0x1, s0;
	s1 =	sshrl.u32 s7, $0x2;
	s2 =	sshll.u32 s7, $0x8  }
0x6: {  	[smem:$0x7FF] =	sst s5;
	s14 =	sshll.u32 s7, $0xB;
	s15 =	sadd.s32 $0x2000, s6  }
0x7: {  	s17 =	sadd.s32 $0x4000, s6;
	s19 =	sadd.s32 $0x6000, s6;
	s22 =	sshll.u32 s7, $0x5  }
0x8: {  	p0 =	sgt.u32 s7, $0x2;
	_ =	strace $0x80000047;
	[dreg:$0x8] =	wrdreg s15  }
0x9: {  	s3 =	sshll.u32 s0, $0x7;
	s4 =	ssub.s32 $0x2, s0;
	[dreg:$0xa] =	wrdreg s17  }
0xa: {  	s1 =	smul.u32 $0xC3800, s1;
	[dreg:$0xb] =	wrdreg s19;
	s0 =	sshll.u32 s0, $0x4  }
0xb: {  	s19 =	simm.s32 $0x80;
	s17 =	simm.s32 $0x0;
	s2 =	sor.u32 s3, s2  }
0xc: {  	s11 =	sshrl.u32 s4, $0x1;
	s0 =	sor.u32 s0, s22;
	s22 =	simm.s32 $0x19C00  }
0xd: {  	s8 =	sand.u32 $0x380, s2;
	s3 =	ssub.s32 s4, s11;
	s16 =	sor.u32 s2, s14  }
0xe: {  	s21 =	sor.u32 $0xD0000, s2;
	s0 =	sadd.s32 $0x20, s0;
	s4 =	simm.s32 $0x18800  }
0xf: {  	s1 =	sor.u32 s8, s1;
	s12 =	sor.u32 $0x1A4000, s8;
	[dreg:$0x4] =	wrdreg s8  }
0x10: {  	s13 =	sor.u32 $0x2760000, s8;
	s20 =	smax.u32 s3, $0x1;
	[dreg:$0x5] =	wrdreg s1  }
0x11: {  	s23 =	sand.u32 $0x6380, s16;
	s0 =	sand.u32 $0x70, s0;
	[dreg:$0x6] =	wrdreg s12  }
0x12: {  	s8 =	simm.s32 $0x19800;
	s16 =	simm.s32 $0x3;
	[dreg:$0x7] =	wrdreg s13  }
0x13: {  	s3 =	simm.s32 $0x4;
	s1 =	sand.u32 $0x6000, s14;
	[dreg:$0xc] =	wrdreg s20  }
0x14: {  	s24 =	sor.u32 $0x348000, s23;
	s2 =	sadd.s32 $0x4EC000, s23;
	s10 =	sadd.s32 s0, s6  }
0x15: {  	s20 =	simm.s32 $0x8000;
	s23 =	simm.s32 $0x18900;
	s6 =	simm.s32 $0x19700  }
0x16: {  	s12 =	simm.s32 $0x19900;
	s13 =	simm.s32 $0x19A00;
	s14 =	simm.s32 $0x5  }
0x17: {  	[dreg:$0x9] =	wrdreg s1;
	s1 =	sshrl.u32 s21, $0x3;
	s26 =	sshrl.u32 s2, $0x3  }
.Ltmp0:
0x18: {  	s21 =	simm.s32 $0x19B00;
	s2 =	simm.s32 $0x0;
	(pc) =	sbr.rel .LBB2_1-.Ltmp0, $4  }
0x19: {  	[dreg:$0xe] =	wrdreg s10;
	s1 =	sadd.s32 s1, s18;
	s0 =	sadd.s32 s26, s18  }
0x1a: {  	s26 =	simm.s32 $0x18C00;
	[dreg:$0xd] =	wrdreg s1;
	s1 =	sshrl.u32 s24, $0x3  }
0x1b: {  	[dreg:$0x10] =	wrdreg s0;
	s24 =	simm.s32 $0x18A00;
	s25 =	sadd.s32 s1, s18  }
0x1c: {  	s1 =	simm.s32 $0x18700;
	[dreg:$0xf] =	wrdreg s25;
	s25 =	simm.s32 $0x18B00  }
.LBB2_10:
0x1d: {  	s2 =	rddreg [dreg:$0x11]  }
0x1e: {  	s0 =	rddreg [dreg:$0xc];
	s2 =	sadd.s32 $0x1, s2  }
0x1f: {  	p1 =	sne.s32 s2, s0  }
.Ltmp1:
0x20: {  	_ = 	snop;
	(pc) =	sbr.rel @!p1 .LBB2_11-.Ltmp1, $2  }
0x21: {  	_ =	sdelay $0x2  }
0x22: {  	s10 =	rddreg [dreg:$0xe]  }
.LBB2_1:
.Ltmp2:
0x23: {  	(pc) =	sbr.rel @p0 .LBB2_5-.Ltmp2, $2  }
0x24: {  	_ =	sdelay $0x2  }
0x25: {  	[dreg:$0x11] =	wrdreg s2  }
0x26: {  	s0 =	sadd.s32 $0xC00, s10  }
0x27: {  	[tilespmem:s1], [sflag:$0x6] =	stream.strided.gather [hbm4b:s0+s19], $0x100, s20, s19, $0x38;
	[tilespmem:$0x1A700] =	vst v63  }
0x28: {  	s2 =	sadd.s32 $0x80, s0  }
0x29: {  	[tilespmem:s4], [sflag:$0x6] =	stream.strided.gather [hbm4b:s2+s19], $0x100, s20, s19, $0x38;
	[tilespmem:$0x1A700] =	vst v63  }
0x2a: {  	s7 =	sadd.s32 $0x100, s0  }
0x2b: {  	[tilespmem:s23], [sflag:$0x6] =	stream.strided.gather [hbm4b:s7+s19], $0x100, s20, s19, $0x38;
	[tilespmem:$0x1A700] =	vst v63  }
0x2c: {  	s11 =	sadd.s32 $0x180, s0  }
0x2d: {  	[tilespmem:s24], [sflag:$0x6] =	stream.strided.gather [hbm4b:s11+s19], $0x100, s20, s19, $0x38;
	[tilespmem:$0x1A700] =	vst v63  }
0x2e: {  	s15 =	sadd.s32 $0x200, s0  }
0x2f: {  	[tilespmem:s25], [sflag:$0x6] =	stream.strided.gather [hbm4b:s15+s19], $0x100, s20, s19, $0x38;
	[tilespmem:$0x1A700] =	vst v63  }
0x30: {  	s7 =	sadd.s32 $0x280, s0  }
0x31: {  	[tilespmem:s26], [sflag:$0x6] =	stream.strided.gather [hbm4b:s7+s19], $0x100, s20, s19, $0x38;
	[tilespmem:$0x1A700] =	vst v63  }
0x32: {  	s11 =	sadd.s32 $0x300, s0  }
0x33: {  	[tilespmem:s28], [sflag:$0x6] =	stream.strided.gather [hbm4b:s11+s19], $0x100, s20, s19, $0x38;
	[tilespmem:$0x1A700] =	vst v63  }
0x34: {  	s0 =	sadd.s32 $0x380, s0  }
0x35: {  	[tilespmem:s29], [sflag:$0x6] =	stream.strided.gather [hbm4b:s0+s19], $0x100, s20, s19, $0x38;
	[tilespmem:$0x1A700] =	vst v63  }
0x36: {  	_ =	swait.ge [sflag:s30], $0x800  }
0x37: {  	[sflag:s30] =	ssyncset.done $0x0  }
0x38: {  	s2 =	rddreg [dreg:$0xd];
	[sflag:s30] =	ssyncadd.s32 $0xFFFFF800  }
0x39: {  	[hbm4b:s2+s19] =	stream.strided.scatter [tilespmem:s1], [sflag:$0x6], $0x100, s31, s19, $0x38;
	[tilespmem:$0x1A700] =	vst v63  }
0x3a: {  	s15 =	sadd.s32 $0x80, s2  }
0x3b: {  	[hbm4b:s15+s19] =	stream.strided.scatter [tilespmem:s4], [sflag:$0x6], $0x100, s31, s19, $0x38;
	[tilespmem:$0x1A700] =	vst v63  }
0x3c: {  	s7 =	sadd.s32 $0x100, s2  }
0x3d: {  	[hbm4b:s7+s19] =	stream.strided.scatter [tilespmem:s23], [sflag:$0x6], $0x100, s31, s19, $0x38;
	[tilespmem:$0x1A700] =	vst v63  }
0x3e: {  	s11 =	sadd.s32 $0x180, s2  }
0x3f: {  	[hbm4b:s11+s19] =	stream.strided.scatter [tilespmem:s24], [sflag:$0x6], $0x100, s31, s19, $0x38;
	[tilespmem:$0x1A700] =	vst v63  }
0x40: {  	s15 =	sadd.s32 $0x200, s2  }
0x41: {  	[hbm4b:s15+s19] =	stream.strided.scatter [tilespmem:s25], [sflag:$0x6], $0x100, s31, s19, $0x38;
	[tilespmem:$0x1A700] =	vst v63  }
0x42: {  	s7 =	sadd.s32 $0x280, s2  }
0x43: {  	[hbm4b:s7+s19] =	stream.strided.scatter [tilespmem:s26], [sflag:$0x6], $0x100, s31, s19, $0x38;
	[tilespmem:$0x1A700] =	vst v63  }
0x44: {  	s11 =	sadd.s32 $0x300, s2  }
0x45: {  	[hbm4b:s11+s19] =	stream.strided.scatter [tilespmem:s28], [sflag:$0x6], $0x100, s31, s19, $0x38;
	[tilespmem:$0x1A700] =	vst v63  }
0x46: {  	s15 =	sadd.s32 $0x380, s2  }
0x47: {  	[hbm4b:s15+s19] =	stream.strided.scatter [tilespmem:s29], [sflag:$0x6], $0x100, s31, s19, $0x38;
	[tilespmem:$0x1A700] =	vst v63  }
0x48: {  	_ =	swait.ge [sflag:s30], $0x800  }
0x49: {  	s0 =	simm.s32 $0x2C00;
	[sflag:s30] =	ssyncset.done $0x0  }
.LBB2_3:
0x4a: {  	p1 =	sne.s32 s0, $0x30C00;
	[sflag:s30] =	ssyncadd.s32 $0xFFFFF800;
	s2 =	sadd.s32 $0x34800, s2  }
0x4b: {  	s7 =	sadd.s32 s0, s10;
	s0 =	sadd.s32 $0x2000, s0  }
0x4c: {  	[tilespmem:s1], [sflag:$0x6] =	stream.strided.gather [hbm4b:s7+s19], $0x100, s20, s19, $0x38;
	[tilespmem:$0x1A700] =	vst v63  }
0x4d: {  	s15 =	sadd.s32 $0x80, s7  }
0x4e: {  	[tilespmem:s4], [sflag:$0x6] =	stream.strided.gather [hbm4b:s15+s19], $0x100, s20, s19, $0x38;
	[tilespmem:$0x1A700] =	vst v63  }
0x4f: {  	s15 =	sadd.s32 $0x100, s7  }
0x50: {  	[tilespmem:s23], [sflag:$0x6] =	stream.strided.gather [hbm4b:s15+s19], $0x100, s20, s19, $0x38;
	[tilespmem:$0x1A700] =	vst v63  }
0x51: {  	s15 =	sadd.s32 $0x180, s7  }
0x52: {  	[tilespmem:s24], [sflag:$0x6] =	stream.strided.gather [hbm4b:s15+s19], $0x100, s20, s19, $0x38;
	[tilespmem:$0x1A700] =	vst v63  }
0x53: {  	s15 =	sadd.s32 $0x200, s7  }
0x54: {  	[tilespmem:s25], [sflag:$0x6] =	stream.strided.gather [hbm4b:s15+s19], $0x100, s20, s19, $0x38;
	[tilespmem:$0x1A700] =	vst v63  }
0x55: {  	s15 =	sadd.s32 $0x280, s7  }
0x56: {  	[tilespmem:s26], [sflag:$0x6] =	stream.strided.gather [hbm4b:s15+s19], $0x100, s20, s19, $0x38;
	[tilespmem:$0x1A700] =	vst v63  }
0x57: {  	s15 =	sadd.s32 $0x300, s7  }
0x58: {  	[tilespmem:s28], [sflag:$0x6] =	stream.strided.gather [hbm4b:s15+s19], $0x100, s20, s19, $0x38;
	[tilespmem:$0x1A700] =	vst v63  }
0x59: {  	s7 =	sadd.s32 $0x380, s7  }
0x5a: {  	[tilespmem:s29], [sflag:$0x6] =	stream.strided.gather [hbm4b:s7+s19], $0x100, s20, s19, $0x38;
	[tilespmem:$0x1A700] =	vst v63  }
0x5b: {  	_ =	swait.ge [sflag:s30], $0x800  }
0x5c: {  	[sflag:s30] =	ssyncset.done $0x0  }
0x5d: {  	[sflag:s30] =	ssyncadd.s32 $0xFFFFF800  }
0x5e: {  	[hbm4b:s2+s19] =	stream.strided.scatter [tilespmem:s1], [sflag:$0x6], $0x100, s31, s19, $0x38;
	[tilespmem:$0x1A700] =	vst v63  }
0x5f: {  	s7 =	sadd.s32 $0x80, s2  }
0x60: {  	[hbm4b:s7+s19] =	stream.strided.scatter [tilespmem:s4], [sflag:$0x6], $0x100, s31, s19, $0x38;
	[tilespmem:$0x1A700] =	vst v63  }
0x61: {  	s7 =	sadd.s32 $0x100, s2  }
0x62: {  	[hbm4b:s7+s19] =	stream.strided.scatter [tilespmem:s23], [sflag:$0x6], $0x100, s31, s19, $0x38;
	[tilespmem:$0x1A700] =	vst v63  }
0x63: {  	s7 =	sadd.s32 $0x180, s2  }
0x64: {  	[hbm4b:s7+s19] =	stream.strided.scatter [tilespmem:s24], [sflag:$0x6], $0x100, s31, s19, $0x38;
	[tilespmem:$0x1A700] =	vst v63  }
0x65: {  	s7 =	sadd.s32 $0x200, s2  }
0x66: {  	[hbm4b:s7+s19] =	stream.strided.scatter [tilespmem:s25], [sflag:$0x6], $0x100, s31, s19, $0x38;
	[tilespmem:$0x1A700] =	vst v63  }
0x67: {  	s7 =	sadd.s32 $0x280, s2  }
0x68: {  	[hbm4b:s7+s19] =	stream.strided.scatter [tilespmem:s26], [sflag:$0x6], $0x100, s31, s19, $0x38;
	[tilespmem:$0x1A700] =	vst v63  }
0x69: {  	s7 =	sadd.s32 $0x300, s2  }
0x6a: {  	[hbm4b:s7+s19] =	stream.strided.scatter [tilespmem:s28], [sflag:$0x6], $0x100, s31, s19, $0x38;
	[tilespmem:$0x1A700] =	vst v63  }
.Ltmp3:
0x6b: {  	_ = 	snop;
	(pc) =	sbr.rel @p1 .LBB2_3-.Ltmp3, $4  }
0x6c: {  	s7 =	sadd.s32 $0x380, s2  }
0x6d: {  	[hbm4b:s7+s19] =	stream.strided.scatter [tilespmem:s29], [sflag:$0x6], $0x100, s31, s19, $0x38;
	[tilespmem:$0x1A700] =	vst v63  }
0x6e: {  	_ =	swait.ge [sflag:s30], $0x800  }
0x6f: {  	[sflag:s30] =	ssyncset.done $0x0  }
0x70: {  	[sflag:s30] =	ssyncadd.s32 $0xFFFFF800  }
.LBB2_5:
.Ltmp4:
0x71: {  	(pc) =	sbr.rel .LBB2_6-.Ltmp4, $4  }
0x72: {  	_ = 	snop  }
0x73: {  	s2 =	rddreg [dreg:$0x10]  }
0x74: {  	s0 =	rddreg [dreg:$0xf]  }
0x75: {  	s7 =	simm.s32 $0x0;
	s10 =	simm.s32 $0x0;
	s11 =	simm.s32 $0x0  }
.LBB2_9:
0x76: {  	_ =	swait.ge [sflag:s9], $0x800  }
0x77: {  	[sflag:s9] =	ssyncset.done $0x0  }
0x78: {  	[sflag:s9] =	ssyncadd.s32 $0xFFFFF800  }
0x79: {  	_ =	swait.ge [sflag:s3], $0x800  }
0x7a: {  	[sflag:s3] =	ssyncset.done $0x0  }
0x7b: {  	[sflag:s3] =	ssyncadd.s32 $0xFFFFF800  }
0x7c: {  	v0 =	vld [tilespmem:$0x18700];
	_ =	sdelay $0x4  }
0x7d: {  	v0 =	vtrunc.f32 v0  }
0x7e: {  	v1 =	vld [tilespmem:$0x18710];
	v0 =	vcvt.f32.s32 v0;
	_ =	sdelay $0x4  }
0x7f: {  	v2 =	vld [tilespmem:$0x18720];
	v1 =	vtrunc.f32 v1  }
0x80: {  	v1 =	vcvt.f32.s32 v1;
	v0 =	vld.idx.msk [tilespmem:v0+s5+$0x0], $0xffff;
	_ =	sdelay $0x4  }
0x81: {  	v54 =	vld [tilespmem:$0x18730];
	v53 =	vtrunc.f32 v2;
	[tilespmem:$0x19700] =	vst v0  }
0x82: {  	v0 =	vld.idx.msk [tilespmem:v1+s5+$0x0], $0xffff;
	v1 =	vcvt.f32.s32 v53;
	_ =	sdelay $0x4  }
0x83: {  	v56 =	vld [tilespmem:$0x18740];
	v55 =	vtrunc.f32 v54;
	[tilespmem:$0x19710] =	vst v0  }
0x84: {  	v0 =	vcvt.f32.s32 v55;
	v1 =	vld.idx.msk [tilespmem:v1+s5+$0x0], $0xffff;
	_ =	sdelay $0x4  }
0x85: {  	v58 =	vld [tilespmem:$0x18750];
	v57 =	vtrunc.f32 v56;
	[tilespmem:$0x19720] =	vst v1  }
0x86: {  	v1 =	vcvt.f32.s32 v57;
	v0 =	vld.idx.msk [tilespmem:v0+s5+$0x0], $0xffff;
	_ =	sdelay $0x4  }
0x87: {  	v60 =	vld [tilespmem:$0x18760];
	v59 =	vtrunc.f32 v58;
	[tilespmem:$0x19730] =	vst v0  }
0x88: {  	v0 =	vcvt.f32.s32 v59;
	v1 =	vld.idx.msk [tilespmem:v1+s5+$0x0], $0xffff;
	_ =	sdelay $0x4  }
0x89: {  	v62 =	vld [tilespmem:$0x18770];
	v61 =	vtrunc.f32 v60;
	[tilespmem:$0x19740] =	vst v1  }
0x8a: {  	v1 =	vcvt.f32.s32 v61;
	v0 =	vld.idx.msk [tilespmem:v0+s5+$0x0], $0xffff;
	_ =	sdelay $0x4  }
0x8b: {  	v4 =	vld [tilespmem:$0x18800];
	v63 =	vtrunc.f32 v62;
	[tilespmem:$0x19750] =	vst v0  }
0x8c: {  	v0 =	vcvt.f32.s32 v63;
	v1 =	vld.idx.msk [tilespmem:v1+s5+$0x0], $0xffff;
	_ =	sdelay $0x4  }
0x8d: {  	v6 =	vld [tilespmem:$0x18810];
	v5 =	vtrunc.f32 v4;
	[tilespmem:$0x19760] =	vst v1  }
0x8e: {  	v1 =	vcvt.f32.s32 v5;
	v0 =	vld.idx.msk [tilespmem:v0+s5+$0x0], $0xffff;
	_ =	sdelay $0x4  }
0x8f: {  	v8 =	vld [tilespmem:$0x18820];
	v7 =	vtrunc.f32 v6;
	[tilespmem:$0x19770] =	vst v0  }
0x90: {  	v0 =	vcvt.f32.s32 v7;
	v1 =	vld.idx.msk [tilespmem:v1+s5+$0x0], $0xffff;
	_ =	sdelay $0x4  }
0x91: {  	v10 =	vld [tilespmem:$0x18830];
	v9 =	vtrunc.f32 v8;
	[tilespmem:$0x19800] =	vst v1  }
0x92: {  	v1 =	vcvt.f32.s32 v9;
	v0 =	vld.idx.msk [tilespmem:v0+s5+$0x0], $0xffff;
	_ =	sdelay $0x4  }
0x93: {  	v12 =	vld [tilespmem:$0x18840];
	v11 =	vtrunc.f32 v10;
	[tilespmem:$0x19810] =	vst v0  }
0x94: {  	v0 =	vcvt.f32.s32 v11;
	v1 =	vld.idx.msk [tilespmem:v1+s5+$0x0], $0xffff;
	_ =	sdelay $0x4  }
0x95: {  	v14 =	vld [tilespmem:$0x18850];
	v13 =	vtrunc.f32 v12;
	[tilespmem:$0x19820] =	vst v1  }
0x96: {  	v1 =	vcvt.f32.s32 v13;
	v0 =	vld.idx.msk [tilespmem:v0+s5+$0x0], $0xffff;
	_ =	sdelay $0x4  }
0x97: {  	v16 =	vld [tilespmem:$0x18860];
	v15 =	vtrunc.f32 v14;
	[tilespmem:$0x19830] =	vst v0  }
0x98: {  	v0 =	vcvt.f32.s32 v15;
	v1 =	vld.idx.msk [tilespmem:v1+s5+$0x0], $0xffff;
	_ =	sdelay $0x4  }
0x99: {  	v18 =	vld [tilespmem:$0x18870];
	v17 =	vtrunc.f32 v16;
	[tilespmem:$0x19840] =	vst v1  }
0x9a: {  	v1 =	vcvt.f32.s32 v17;
	v0 =	vld.idx.msk [tilespmem:v0+s5+$0x0], $0xffff;
	_ =	sdelay $0x4  }
0x9b: {  	v20 =	vld [tilespmem:$0x18900];
	v19 =	vtrunc.f32 v18;
	[tilespmem:$0x19850] =	vst v0  }
0x9c: {  	v0 =	vcvt.f32.s32 v19;
	v1 =	vld.idx.msk [tilespmem:v1+s5+$0x0], $0xffff;
	_ =	sdelay $0x4  }
0x9d: {  	v22 =	vld [tilespmem:$0x18910];
	v21 =	vtrunc.f32 v20;
	[tilespmem:$0x19860] =	vst v1  }
0x9e: {  	v1 =	vcvt.f32.s32 v21;
	v0 =	vld.idx.msk [tilespmem:v0+s5+$0x0], $0xffff;
	_ =	sdelay $0x4  }
0x9f: {  	v24 =	vld [tilespmem:$0x18920];
	v23 =	vtrunc.f32 v22;
	[tilespmem:$0x19870] =	vst v0  }
0xa0: {  	v0 =	vcvt.f32.s32 v23;
	v1 =	vld.idx.msk [tilespmem:v1+s5+$0x0], $0xffff;
	_ =	sdelay $0x4  }
0xa1: {  	v26 =	vld [tilespmem:$0x18930];
	v25 =	vtrunc.f32 v24;
	[tilespmem:$0x19900] =	vst v1  }
0xa2: {  	v1 =	vcvt.f32.s32 v25;
	v0 =	vld.idx.msk [tilespmem:v0+s5+$0x0], $0xffff;
	_ =	sdelay $0x4  }
0xa3: {  	v28 =	vld [tilespmem:$0x18940];
	v27 =	vtrunc.f32 v26;
	[tilespmem:$0x19910] =	vst v0  }
0xa4: {  	v0 =	vcvt.f32.s32 v27;
	v1 =	vld.idx.msk [tilespmem:v1+s5+$0x0], $0xffff;
	_ =	sdelay $0x4  }
0xa5: {  	v30 =	vld [tilespmem:$0x18950];
	v29 =	vtrunc.f32 v28;
	[tilespmem:$0x19920] =	vst v1  }
0xa6: {  	v1 =	vcvt.f32.s32 v29;
	v0 =	vld.idx.msk [tilespmem:v0+s5+$0x0], $0xffff;
	_ =	sdelay $0x4  }
0xa7: {  	v32 =	vld [tilespmem:$0x18960];
	v31 =	vtrunc.f32 v30;
	[tilespmem:$0x19930] =	vst v0  }
0xa8: {  	v0 =	vcvt.f32.s32 v31;
	v1 =	vld.idx.msk [tilespmem:v1+s5+$0x0], $0xffff;
	_ =	sdelay $0x4  }
0xa9: {  	v34 =	vld [tilespmem:$0x18970];
	v33 =	vtrunc.f32 v32;
	[tilespmem:$0x19940] =	vst v1  }
0xaa: {  	v1 =	vcvt.f32.s32 v33;
	v0 =	vld.idx.msk [tilespmem:v0+s5+$0x0], $0xffff;
	_ =	sdelay $0x4  }
0xab: {  	v36 =	vld [tilespmem:$0x18A00];
	v35 =	vtrunc.f32 v34;
	[tilespmem:$0x19950] =	vst v0  }
0xac: {  	v0 =	vcvt.f32.s32 v35;
	v1 =	vld.idx.msk [tilespmem:v1+s5+$0x0], $0xffff;
	_ =	sdelay $0x4  }
0xad: {  	v38 =	vld [tilespmem:$0x18A10];
	v37 =	vtrunc.f32 v36;
	[tilespmem:$0x19960] =	vst v1  }
0xae: {  	v1 =	vcvt.f32.s32 v37;
	v0 =	vld.idx.msk [tilespmem:v0+s5+$0x0], $0xffff;
	_ =	sdelay $0x4  }
0xaf: {  	v40 =	vld [tilespmem:$0x18A20];
	v39 =	vtrunc.f32 v38;
	[tilespmem:$0x19970] =	vst v0  }
0xb0: {  	v0 =	vcvt.f32.s32 v39;
	v1 =	vld.idx.msk [tilespmem:v1+s5+$0x0], $0xffff;
	_ =	sdelay $0x4  }
0xb1: {  	v42 =	vld [tilespmem:$0x18A30];
	v41 =	vtrunc.f32 v40;
	[tilespmem:$0x19A00] =	vst v1  }
0xb2: {  	v1 =	vcvt.f32.s32 v41;
	v0 =	vld.idx.msk [tilespmem:v0+s5+$0x0], $0xffff;
	_ =	sdelay $0x4  }
0xb3: {  	v44 =	vld [tilespmem:$0x18A40];
	v43 =	vtrunc.f32 v42;
	[tilespmem:$0x19A10] =	vst v0  }
0xb4: {  	v0 =	vcvt.f32.s32 v43;
	v1 =	vld.idx.msk [tilespmem:v1+s5+$0x0], $0xffff;
	_ =	sdelay $0x4  }
0xb5: {  	v46 =	vld [tilespmem:$0x18A50];
	v45 =	vtrunc.f32 v44;
	[tilespmem:$0x19A20] =	vst v1  }
0xb6: {  	v1 =	vcvt.f32.s32 v45;
	v0 =	vld.idx.msk [tilespmem:v0+s5+$0x0], $0xffff;
	_ =	sdelay $0x4  }
0xb7: {  	v48 =	vld [tilespmem:$0x18A60];
	v47 =	vtrunc.f32 v46;
	[tilespmem:$0x19A30] =	vst v0  }
0xb8: {  	v0 =	vcvt.f32.s32 v47;
	v1 =	vld.idx.msk [tilespmem:v1+s5+$0x0], $0xffff;
	_ =	sdelay $0x4  }
0xb9: {  	v50 =	vld [tilespmem:$0x18A70];
	v49 =	vtrunc.f32 v48;
	[tilespmem:$0x19A40] =	vst v1  }
0xba: {  	v1 =	vcvt.f32.s32 v49;
	v0 =	vld.idx.msk [tilespmem:v0+s5+$0x0], $0xffff;
	_ =	sdelay $0x4  }
0xbb: {  	v52 =	vld [tilespmem:$0x18B00];
	v51 =	vtrunc.f32 v50;
	[tilespmem:$0x19A50] =	vst v0  }
0xbc: {  	v0 =	vcvt.f32.s32 v51;
	v1 =	vld.idx.msk [tilespmem:v1+s5+$0x0], $0xffff;
	_ =	sdelay $0x4  }
0xbd: {  	v54 =	vld [tilespmem:$0x18B10];
	v53 =	vtrunc.f32 v52;
	[tilespmem:$0x19A60] =	vst v1  }
0xbe: {  	v1 =	vcvt.f32.s32 v53;
	v0 =	vld.idx.msk [tilespmem:v0+s5+$0x0], $0xffff;
	_ =	sdelay $0x4  }
0xbf: {  	v56 =	vld [tilespmem:$0x18B20];
	v55 =	vtrunc.f32 v54;
	[tilespmem:$0x19A70] =	vst v0  }
0xc0: {  	v0 =	vcvt.f32.s32 v55;
	v1 =	vld.idx.msk [tilespmem:v1+s5+$0x0], $0xffff;
	_ =	sdelay $0x4  }
0xc1: {  	v58 =	vld [tilespmem:$0x18B30];
	v57 =	vtrunc.f32 v56;
	[tilespmem:$0x19B00] =	vst v1  }
0xc2: {  	v1 =	vcvt.f32.s32 v57;
	v0 =	vld.idx.msk [tilespmem:v0+s5+$0x0], $0xffff;
	_ =	sdelay $0x4  }
0xc3: {  	v60 =	vld [tilespmem:$0x18B40];
	v59 =	vtrunc.f32 v58;
	[tilespmem:$0x19B10] =	vst v0  }
0xc4: {  	v0 =	vcvt.f32.s32 v59;
	v1 =	vld.idx.msk [tilespmem:v1+s5+$0x0], $0xffff;
	_ =	sdelay $0x4  }
0xc5: {  	v62 =	vld [tilespmem:$0x18B50];
	v61 =	vtrunc.f32 v60;
	[tilespmem:$0x19B20] =	vst v1  }
0xc6: {  	v1 =	vcvt.f32.s32 v61;
	v0 =	vld.idx.msk [tilespmem:v0+s5+$0x0], $0xffff;
	_ =	sdelay $0x4  }
0xc7: {  	v4 =	vld [tilespmem:$0x18B60];
	v63 =	vtrunc.f32 v62;
	[tilespmem:$0x19B30] =	vst v0  }
0xc8: {  	v0 =	vcvt.f32.s32 v63;
	v1 =	vld.idx.msk [tilespmem:v1+s5+$0x0], $0xffff;
	_ =	sdelay $0x4  }
0xc9: {  	v6 =	vld [tilespmem:$0x18B70];
	v5 =	vtrunc.f32 v4;
	[tilespmem:$0x19B40] =	vst v1  }
0xca: {  	v1 =	vcvt.f32.s32 v5;
	v0 =	vld.idx.msk [tilespmem:v0+s5+$0x0], $0xffff;
	_ =	sdelay $0x4  }
0xcb: {  	v8 =	vld [tilespmem:$0x18C00];
	v7 =	vtrunc.f32 v6;
	[tilespmem:$0x19B50] =	vst v0  }
0xcc: {  	v0 =	vcvt.f32.s32 v7;
	v1 =	vld.idx.msk [tilespmem:v1+s5+$0x0], $0xffff;
	_ =	sdelay $0x4  }
0xcd: {  	v10 =	vld [tilespmem:$0x18C10];
	v9 =	vtrunc.f32 v8;
	[tilespmem:$0x19B60] =	vst v1  }
0xce: {  	v1 =	vcvt.f32.s32 v9;
	v0 =	vld.idx.msk [tilespmem:v0+s5+$0x0], $0xffff;
	_ =	sdelay $0x4  }
0xcf: {  	v12 =	vld [tilespmem:$0x18C20];
	v11 =	vtrunc.f32 v10;
	[tilespmem:$0x19B70] =	vst v0  }
0xd0: {  	v0 =	vcvt.f32.s32 v11;
	v1 =	vld.idx.msk [tilespmem:v1+s5+$0x0], $0xffff;
	_ =	sdelay $0x4  }
0xd1: {  	v14 =	vld [tilespmem:$0x18C30];
	v13 =	vtrunc.f32 v12;
	[tilespmem:$0x19C00] =	vst v1  }
0xd2: {  	v1 =	vcvt.f32.s32 v13;
	v0 =	vld.idx.msk [tilespmem:v0+s5+$0x0], $0xffff;
	_ =	sdelay $0x4  }
0xd3: {  	v16 =	vld [tilespmem:$0x18C40];
	v15 =	vtrunc.f32 v14;
	[tilespmem:$0x19C10] =	vst v0  }
0xd4: {  	v0 =	vcvt.f32.s32 v15;
	v1 =	vld.idx.msk [tilespmem:v1+s5+$0x0], $0xffff;
	_ =	sdelay $0x4  }
0xd5: {  	v18 =	vld [tilespmem:$0x18C50];
	v17 =	vtrunc.f32 v16;
	[tilespmem:$0x19C20] =	vst v1  }
0xd6: {  	v1 =	vcvt.f32.s32 v17;
	v0 =	vld.idx.msk [tilespmem:v0+s5+$0x0], $0xffff;
	_ =	sdelay $0x4  }
0xd7: {  	v20 =	vld [tilespmem:$0x18C60];
	v19 =	vtrunc.f32 v18;
	[tilespmem:$0x19C30] =	vst v0  }
0xd8: {  	v0 =	vcvt.f32.s32 v19;
	v1 =	vld.idx.msk [tilespmem:v1+s5+$0x0], $0xffff;
	_ =	sdelay $0x4  }
0xd9: {  	v22 =	vld [tilespmem:$0x18C70];
	v21 =	vtrunc.f32 v20;
	[tilespmem:$0x19C40] =	vst v1  }
0xda: {  	v1 =	vcvt.f32.s32 v21;
	v0 =	vld.idx.msk [tilespmem:v0+s5+$0x0], $0xffff;
	_ =	sdelay $0x4  }
0xdb: {  	v24 =	vld [tilespmem:$0x18D00];
	v23 =	vtrunc.f32 v22;
	[tilespmem:$0x19C50] =	vst v0  }
0xdc: {  	v0 =	vcvt.f32.s32 v23;
	v1 =	vld.idx.msk [tilespmem:v1+s5+$0x0], $0xffff;
	_ =	sdelay $0x4  }
0xdd: {  	v26 =	vld [tilespmem:$0x18D10];
	v25 =	vtrunc.f32 v24;
	[tilespmem:$0x19C60] =	vst v1  }
0xde: {  	v1 =	vcvt.f32.s32 v25;
	v0 =	vld.idx.msk [tilespmem:v0+s5+$0x0], $0xffff;
	_ =	sdelay $0x4  }
0xdf: {  	v28 =	vld [tilespmem:$0x18D20];
	v27 =	vtrunc.f32 v26;
	[tilespmem:$0x19C70] =	vst v0  }
0xe0: {  	v0 =	vcvt.f32.s32 v27;
	v1 =	vld.idx.msk [tilespmem:v1+s5+$0x0], $0xffff;
	_ =	sdelay $0x4  }
0xe1: {  	v30 =	vld [tilespmem:$0x18D30];
	v29 =	vtrunc.f32 v28;
	[tilespmem:$0x19D00] =	vst v1  }
0xe2: {  	v1 =	vcvt.f32.s32 v29;
	v0 =	vld.idx.msk [tilespmem:v0+s5+$0x0], $0xffff;
	_ =	sdelay $0x4  }
0xe3: {  	v32 =	vld [tilespmem:$0x18D40];
	v31 =	vtrunc.f32 v30;
	[tilespmem:$0x19D10] =	vst v0  }
0xe4: {  	v0 =	vcvt.f32.s32 v31;
	v1 =	vld.idx.msk [tilespmem:v1+s5+$0x0], $0xffff;
	_ =	sdelay $0x4  }
0xe5: {  	v34 =	vld [tilespmem:$0x18D50];
	v33 =	vtrunc.f32 v32;
	[tilespmem:$0x19D20] =	vst v1  }
0xe6: {  	v1 =	vcvt.f32.s32 v33;
	v0 =	vld.idx.msk [tilespmem:v0+s5+$0x0], $0xffff;
	_ =	sdelay $0x4  }
0xe7: {  	v36 =	vld [tilespmem:$0x18D60];
	v35 =	vtrunc.f32 v34;
	[tilespmem:$0x19D30] =	vst v0  }
0xe8: {  	v0 =	vcvt.f32.s32 v35;
	v1 =	vld.idx.msk [tilespmem:v1+s5+$0x0], $0xffff;
	_ =	sdelay $0x4  }
0xe9: {  	v38 =	vld [tilespmem:$0x18D70];
	v37 =	vtrunc.f32 v36;
	[tilespmem:$0x19D40] =	vst v1  }
0xea: {  	v1 =	vcvt.f32.s32 v37;
	v0 =	vld.idx.msk [tilespmem:v0+s5+$0x0], $0xffff;
	_ =	sdelay $0x4  }
0xeb: {  	v40 =	vld [tilespmem:$0x18E00];
	v39 =	vtrunc.f32 v38;
	[tilespmem:$0x19D50] =	vst v0  }
0xec: {  	v0 =	vcvt.f32.s32 v39;
	v1 =	vld.idx.msk [tilespmem:v1+s5+$0x0], $0xffff;
	_ =	sdelay $0x4  }
0xed: {  	v42 =	vld [tilespmem:$0x18E10];
	v41 =	vtrunc.f32 v40;
	[tilespmem:$0x19D60] =	vst v1  }
0xee: {  	v1 =	vcvt.f32.s32 v41;
	v0 =	vld.idx.msk [tilespmem:v0+s5+$0x0], $0xffff;
	_ =	sdelay $0x4  }
0xef: {  	v44 =	vld [tilespmem:$0x18E20];
	v43 =	vtrunc.f32 v42;
	[tilespmem:$0x19D70] =	vst v0  }
0xf0: {  	v0 =	vcvt.f32.s32 v43;
	v1 =	vld.idx.msk [tilespmem:v1+s5+$0x0], $0xffff;
	_ =	sdelay $0x4  }
0xf1: {  	v46 =	vld [tilespmem:$0x18E30];
	v45 =	vtrunc.f32 v44;
	[tilespmem:$0x19E00] =	vst v1  }
0xf2: {  	v1 =	vcvt.f32.s32 v45;
	v0 =	vld.idx.msk [tilespmem:v0+s5+$0x0], $0xffff;
	_ =	sdelay $0x4  }
0xf3: {  	v48 =	vld [tilespmem:$0x18E40];
	v47 =	vtrunc.f32 v46;
	[tilespmem:$0x19E10] =	vst v0  }
0xf4: {  	v0 =	vcvt.f32.s32 v47;
	v1 =	vld.idx.msk [tilespmem:v1+s5+$0x0], $0xffff;
	_ =	sdelay $0x4  }
0xf5: {  	v50 =	vld [tilespmem:$0x18E50];
	v49 =	vtrunc.f32 v48;
	[tilespmem:$0x19E20] =	vst v1  }
0xf6: {  	v1 =	vcvt.f32.s32 v49;
	v0 =	vld.idx.msk [tilespmem:v0+s5+$0x0], $0xffff;
	_ =	sdelay $0x4  }
0xf7: {  	v52 =	vld [tilespmem:$0x18E60];
	v51 =	vtrunc.f32 v50;
	[tilespmem:$0x19E30] =	vst v0  }
0xf8: {  	v0 =	vcvt.f32.s32 v51;
	v1 =	vld.idx.msk [tilespmem:v1+s5+$0x0], $0xffff;
	_ =	sdelay $0x4  }
0xf9: {  	v54 =	vld [tilespmem:$0x18E70];
	v53 =	vtrunc.f32 v52;
	[tilespmem:$0x19E40] =	vst v1  }
0xfa: {  	v1 =	vcvt.f32.s32 v53;
	v0 =	vld.idx.msk [tilespmem:v0+s5+$0x0], $0xffff;
	_ =	sdelay $0x4  }
0xfb: {  	v56 =	vld [tilespmem:$0x18780];
	v55 =	vtrunc.f32 v54;
	[tilespmem:$0x19E50] =	vst v0  }
0xfc: {  	v0 =	vcvt.f32.s32 v55;
	v1 =	vld.idx.msk [tilespmem:v1+s5+$0x0], $0xffff;
	_ =	sdelay $0x4  }
0xfd: {  	v58 =	vld [tilespmem:$0x18790];
	v57 =	vtrunc.f32 v56;
	[tilespmem:$0x19E60] =	vst v1  }
0xfe: {  	v1 =	vcvt.f32.s32 v57;
	v0 =	vld.idx.msk [tilespmem:v0+s5+$0x0], $0xffff;
	_ =	sdelay $0x4  }
0xff: {  	v60 =	vld [tilespmem:$0x187A0];
	v59 =	vtrunc.f32 v58;
	[tilespmem:$0x19E70] =	vst v0  }
0x100: {  	v0 =	vcvt.f32.s32 v59;
	v1 =	vld.idx.msk [tilespmem:v1+s5+$0x0], $0xffff;
	_ =	sdelay $0x4  }
0x101: {  	v62 =	vld [tilespmem:$0x187B0];
	v61 =	vtrunc.f32 v60;
	[tilespmem:$0x19780] =	vst v1  }
0x102: {  	v1 =	vcvt.f32.s32 v61;
	v0 =	vld.idx.msk [tilespmem:v0+s5+$0x0], $0xffff;
	_ =	sdelay $0x4  }
0x103: {  	v4 =	vld [tilespmem:$0x187C0];
	v63 =	vtrunc.f32 v62;
	[tilespmem:$0x19790] =	vst v0  }
0x104: {  	v0 =	vcvt.f32.s32 v63;
	v1 =	vld.idx.msk [tilespmem:v1+s5+$0x0], $0xffff;
	_ =	sdelay $0x4  }
0x105: {  	v6 =	vld [tilespmem:$0x187D0];
	v5 =	vtrunc.f32 v4;
	[tilespmem:$0x197A0] =	vst v1  }
0x106: {  	v1 =	vcvt.f32.s32 v5;
	v0 =	vld.idx.msk [tilespmem:v0+s5+$0x0], $0xffff;
	_ =	sdelay $0x4  }
0x107: {  	v8 =	vld [tilespmem:$0x187E0];
	v7 =	vtrunc.f32 v6;
	[tilespmem:$0x197B0] =	vst v0  }
0x108: {  	v0 =	vcvt.f32.s32 v7;
	v1 =	vld.idx.msk [tilespmem:v1+s5+$0x0], $0xffff;
	_ =	sdelay $0x4  }
0x109: {  	v10 =	vld [tilespmem:$0x187F0];
	v9 =	vtrunc.f32 v8;
	[tilespmem:$0x197C0] =	vst v1  }
0x10a: {  	v1 =	vcvt.f32.s32 v9;
	v0 =	vld.idx.msk [tilespmem:v0+s5+$0x0], $0xffff;
	_ =	sdelay $0x4  }
0x10b: {  	v12 =	vld [tilespmem:$0x18880];
	v11 =	vtrunc.f32 v10;
	[tilespmem:$0x197D0] =	vst v0  }
0x10c: {  	v0 =	vcvt.f32.s32 v11;
	v1 =	vld.idx.msk [tilespmem:v1+s5+$0x0], $0xffff;
	_ =	sdelay $0x4  }
0x10d: {  	v14 =	vld [tilespmem:$0x18890];
	v13 =	vtrunc.f32 v12;
	[tilespmem:$0x197E0] =	vst v1  }
0x10e: {  	v1 =	vcvt.f32.s32 v13;
	v0 =	vld.idx.msk [tilespmem:v0+s5+$0x0], $0xffff;
	_ =	sdelay $0x4  }
0x10f: {  	v16 =	vld [tilespmem:$0x188A0];
	v15 =	vtrunc.f32 v14;
	[tilespmem:$0x197F0] =	vst v0  }
0x110: {  	v0 =	vcvt.f32.s32 v15;
	v1 =	vld.idx.msk [tilespmem:v1+s5+$0x0], $0xffff;
	_ =	sdelay $0x4  }
0x111: {  	v18 =	vld [tilespmem:$0x188B0];
	v17 =	vtrunc.f32 v16;
	[tilespmem:$0x19880] =	vst v1  }
0x112: {  	v1 =	vcvt.f32.s32 v17;
	v0 =	vld.idx.msk [tilespmem:v0+s5+$0x0], $0xffff;
	_ =	sdelay $0x4  }
0x113: {  	v20 =	vld [tilespmem:$0x188C0];
	v19 =	vtrunc.f32 v18;
	[tilespmem:$0x19890] =	vst v0  }
0x114: {  	v0 =	vcvt.f32.s32 v19;
	v1 =	vld.idx.msk [tilespmem:v1+s5+$0x0], $0xffff;
	_ =	sdelay $0x4  }
0x115: {  	v22 =	vld [tilespmem:$0x188D0];
	v21 =	vtrunc.f32 v20;
	[tilespmem:$0x198A0] =	vst v1  }
0x116: {  	v1 =	vcvt.f32.s32 v21;
	v0 =	vld.idx.msk [tilespmem:v0+s5+$0x0], $0xffff;
	_ =	sdelay $0x4  }
0x117: {  	v24 =	vld [tilespmem:$0x188E0];
	v23 =	vtrunc.f32 v22;
	[tilespmem:$0x198B0] =	vst v0  }
0x118: {  	v0 =	vcvt.f32.s32 v23;
	v1 =	vld.idx.msk [tilespmem:v1+s5+$0x0], $0xffff;
	_ =	sdelay $0x4  }
0x119: {  	v26 =	vld [tilespmem:$0x188F0];
	v25 =	vtrunc.f32 v24;
	[tilespmem:$0x198C0] =	vst v1  }
0x11a: {  	v1 =	vcvt.f32.s32 v25;
	v0 =	vld.idx.msk [tilespmem:v0+s5+$0x0], $0xffff;
	_ =	sdelay $0x4  }
0x11b: {  	v28 =	vld [tilespmem:$0x18980];
	v27 =	vtrunc.f32 v26;
	[tilespmem:$0x198D0] =	vst v0  }
0x11c: {  	v0 =	vcvt.f32.s32 v27;
	v1 =	vld.idx.msk [tilespmem:v1+s5+$0x0], $0xffff;
	_ =	sdelay $0x4  }
0x11d: {  	v30 =	vld [tilespmem:$0x18990];
	v29 =	vtrunc.f32 v28;
	[tilespmem:$0x198E0] =	vst v1  }
0x11e: {  	v1 =	vcvt.f32.s32 v29;
	v0 =	vld.idx.msk [tilespmem:v0+s5+$0x0], $0xffff;
	_ =	sdelay $0x4  }
0x11f: {  	v32 =	vld [tilespmem:$0x189A0];
	v31 =	vtrunc.f32 v30;
	[tilespmem:$0x198F0] =	vst v0  }
0x120: {  	v0 =	vcvt.f32.s32 v31;
	v1 =	vld.idx.msk [tilespmem:v1+s5+$0x0], $0xffff;
	_ =	sdelay $0x4  }
0x121: {  	v34 =	vld [tilespmem:$0x189B0];
	v33 =	vtrunc.f32 v32;
	[tilespmem:$0x19980] =	vst v1  }
0x122: {  	v1 =	vcvt.f32.s32 v33;
	v0 =	vld.idx.msk [tilespmem:v0+s5+$0x0], $0xffff;
	_ =	sdelay $0x4  }
0x123: {  	v36 =	vld [tilespmem:$0x189C0];
	v35 =	vtrunc.f32 v34;
	[tilespmem:$0x19990] =	vst v0  }
0x124: {  	v0 =	vcvt.f32.s32 v35;
	v1 =	vld.idx.msk [tilespmem:v1+s5+$0x0], $0xffff;
	_ =	sdelay $0x4  }
0x125: {  	v38 =	vld [tilespmem:$0x189D0];
	v37 =	vtrunc.f32 v36;
	[tilespmem:$0x199A0] =	vst v1  }
0x126: {  	v1 =	vcvt.f32.s32 v37;
	v0 =	vld.idx.msk [tilespmem:v0+s5+$0x0], $0xffff;
	_ =	sdelay $0x4  }
0x127: {  	v40 =	vld [tilespmem:$0x189E0];
	v39 =	vtrunc.f32 v38;
	[tilespmem:$0x199B0] =	vst v0  }
0x128: {  	v0 =	vcvt.f32.s32 v39;
	v1 =	vld.idx.msk [tilespmem:v1+s5+$0x0], $0xffff;
	_ =	sdelay $0x4  }
0x129: {  	v42 =	vld [tilespmem:$0x189F0];
	v41 =	vtrunc.f32 v40;
	[tilespmem:$0x199C0] =	vst v1  }
0x12a: {  	v1 =	vcvt.f32.s32 v41;
	v0 =	vld.idx.msk [tilespmem:v0+s5+$0x0], $0xffff;
	_ =	sdelay $0x4  }
0x12b: {  	v44 =	vld [tilespmem:$0x18A80];
	v43 =	vtrunc.f32 v42;
	[tilespmem:$0x199D0] =	vst v0  }
0x12c: {  	v0 =	vcvt.f32.s32 v43;
	v1 =	vld.idx.msk [tilespmem:v1+s5+$0x0], $0xffff;
	_ =	sdelay $0x4  }
0x12d: {  	v46 =	vld [tilespmem:$0x18A90];
	v45 =	vtrunc.f32 v44;
	[tilespmem:$0x199E0] =	vst v1  }
0x12e: {  	v1 =	vcvt.f32.s32 v45;
	v0 =	vld.idx.msk [tilespmem:v0+s5+$0x0], $0xffff;
	_ =	sdelay $0x4  }
0x12f: {  	v48 =	vld [tilespmem:$0x18AA0];
	v47 =	vtrunc.f32 v46;
	[tilespmem:$0x199F0] =	vst v0  }
0x130: {  	v0 =	vcvt.f32.s32 v47;
	v1 =	vld.idx.msk [tilespmem:v1+s5+$0x0], $0xffff;
	_ =	sdelay $0x4  }
0x131: {  	v50 =	vld [tilespmem:$0x18AB0];
	v49 =	vtrunc.f32 v48;
	[tilespmem:$0x19A80] =	vst v1  }
0x132: {  	v1 =	vcvt.f32.s32 v49;
	v0 =	vld.idx.msk [tilespmem:v0+s5+$0x0], $0xffff;
	_ =	sdelay $0x4  }
0x133: {  	v52 =	vld [tilespmem:$0x18AC0];
	v51 =	vtrunc.f32 v50;
	[tilespmem:$0x19A90] =	vst v0  }
0x134: {  	v0 =	vcvt.f32.s32 v51;
	v1 =	vld.idx.msk [tilespmem:v1+s5+$0x0], $0xffff;
	_ =	sdelay $0x4  }
0x135: {  	v54 =	vld [tilespmem:$0x18AD0];
	v53 =	vtrunc.f32 v52;
	[tilespmem:$0x19AA0] =	vst v1  }
0x136: {  	v1 =	vcvt.f32.s32 v53;
	v0 =	vld.idx.msk [tilespmem:v0+s5+$0x0], $0xffff;
	_ =	sdelay $0x4  }
0x137: {  	v56 =	vld [tilespmem:$0x18AE0];
	v55 =	vtrunc.f32 v54;
	[tilespmem:$0x19AB0] =	vst v0  }
0x138: {  	v0 =	vcvt.f32.s32 v55;
	v1 =	vld.idx.msk [tilespmem:v1+s5+$0x0], $0xffff;
	_ =	sdelay $0x4  }
0x139: {  	v58 =	vld [tilespmem:$0x18AF0];
	v57 =	vtrunc.f32 v56;
	[tilespmem:$0x19AC0] =	vst v1  }
0x13a: {  	v1 =	vcvt.f32.s32 v57;
	v0 =	vld.idx.msk [tilespmem:v0+s5+$0x0], $0xffff;
	_ =	sdelay $0x4  }
0x13b: {  	v60 =	vld [tilespmem:$0x18B80];
	v59 =	vtrunc.f32 v58;
	[tilespmem:$0x19AD0] =	vst v0  }
0x13c: {  	v0 =	vcvt.f32.s32 v59;
	v1 =	vld.idx.msk [tilespmem:v1+s5+$0x0], $0xffff;
	_ =	sdelay $0x4  }
0x13d: {  	v62 =	vld [tilespmem:$0x18B90];
	v61 =	vtrunc.f32 v60;
	[tilespmem:$0x19AE0] =	vst v1  }
0x13e: {  	v1 =	vcvt.f32.s32 v61;
	v0 =	vld.idx.msk [tilespmem:v0+s5+$0x0], $0xffff;
	_ =	sdelay $0x4  }
0x13f: {  	v4 =	vld [tilespmem:$0x18BA0];
	v63 =	vtrunc.f32 v62;
	[tilespmem:$0x19AF0] =	vst v0  }
0x140: {  	v0 =	vcvt.f32.s32 v63;
	v1 =	vld.idx.msk [tilespmem:v1+s5+$0x0], $0xffff;
	_ =	sdelay $0x4  }
0x141: {  	v6 =	vld [tilespmem:$0x18BB0];
	v5 =	vtrunc.f32 v4;
	[tilespmem:$0x19B80] =	vst v1  }
0x142: {  	v1 =	vcvt.f32.s32 v5;
	v0 =	vld.idx.msk [tilespmem:v0+s5+$0x0], $0xffff;
	_ =	sdelay $0x4  }
0x143: {  	v8 =	vld [tilespmem:$0x18BC0];
	v7 =	vtrunc.f32 v6;
	[tilespmem:$0x19B90] =	vst v0  }
0x144: {  	v0 =	vcvt.f32.s32 v7;
	v1 =	vld.idx.msk [tilespmem:v1+s5+$0x0], $0xffff;
	_ =	sdelay $0x4  }
0x145: {  	v10 =	vld [tilespmem:$0x18BD0];
	v9 =	vtrunc.f32 v8;
	[tilespmem:$0x19BA0] =	vst v1  }
0x146: {  	v1 =	vcvt.f32.s32 v9;
	v0 =	vld.idx.msk [tilespmem:v0+s5+$0x0], $0xffff;
	_ =	sdelay $0x4  }
0x147: {  	v12 =	vld [tilespmem:$0x18BE0];
	v11 =	vtrunc.f32 v10;
	[tilespmem:$0x19BB0] =	vst v0  }
0x148: {  	v0 =	vcvt.f32.s32 v11;
	v1 =	vld.idx.msk [tilespmem:v1+s5+$0x0], $0xffff;
	_ =	sdelay $0x4  }
0x149: {  	v14 =	vld [tilespmem:$0x18BF0];
	v13 =	vtrunc.f32 v12;
	[tilespmem:$0x19BC0] =	vst v1  }
0x14a: {  	v1 =	vcvt.f32.s32 v13;
	v0 =	vld.idx.msk [tilespmem:v0+s5+$0x0], $0xffff;
	_ =	sdelay $0x4  }
0x14b: {  	v16 =	vld [tilespmem:$0x18C80];
	v15 =	vtrunc.f32 v14;
	[tilespmem:$0x19BD0] =	vst v0  }
0x14c: {  	v0 =	vcvt.f32.s32 v15;
	v1 =	vld.idx.msk [tilespmem:v1+s5+$0x0], $0xffff;
	_ =	sdelay $0x4  }
0x14d: {  	v18 =	vld [tilespmem:$0x18C90];
	v17 =	vtrunc.f32 v16;
	[tilespmem:$0x19BE0] =	vst v1  }
0x14e: {  	v1 =	vcvt.f32.s32 v17;
	v0 =	vld.idx.msk [tilespmem:v0+s5+$0x0], $0xffff;
	_ =	sdelay $0x4  }
0x14f: {  	v20 =	vld [tilespmem:$0x18CA0];
	v19 =	vtrunc.f32 v18;
	[tilespmem:$0x19BF0] =	vst v0  }
0x150: {  	v0 =	vcvt.f32.s32 v19;
	v1 =	vld.idx.msk [tilespmem:v1+s5+$0x0], $0xffff;
	_ =	sdelay $0x4  }
0x151: {  	v22 =	vld [tilespmem:$0x18CB0];
	v21 =	vtrunc.f32 v20;
	[tilespmem:$0x19C80] =	vst v1  }
0x152: {  	v1 =	vcvt.f32.s32 v21;
	v0 =	vld.idx.msk [tilespmem:v0+s5+$0x0], $0xffff;
	_ =	sdelay $0x4  }
0x153: {  	v24 =	vld [tilespmem:$0x18CC0];
	v23 =	vtrunc.f32 v22;
	[tilespmem:$0x19C90] =	vst v0  }
0x154: {  	v0 =	vcvt.f32.s32 v23;
	v1 =	vld.idx.msk [tilespmem:v1+s5+$0x0], $0xffff;
	_ =	sdelay $0x4  }
0x155: {  	v26 =	vld [tilespmem:$0x18CD0];
	v25 =	vtrunc.f32 v24;
	[tilespmem:$0x19CA0] =	vst v1  }
0x156: {  	v1 =	vcvt.f32.s32 v25;
	v0 =	vld.idx.msk [tilespmem:v0+s5+$0x0], $0xffff;
	_ =	sdelay $0x4  }
0x157: {  	v28 =	vld [tilespmem:$0x18CE0];
	v27 =	vtrunc.f32 v26;
	[tilespmem:$0x19CB0] =	vst v0  }
0x158: {  	v0 =	vcvt.f32.s32 v27;
	v1 =	vld.idx.msk [tilespmem:v1+s5+$0x0], $0xffff;
	_ =	sdelay $0x4  }
0x159: {  	v30 =	vld [tilespmem:$0x18CF0];
	v29 =	vtrunc.f32 v28;
	[tilespmem:$0x19CC0] =	vst v1  }
0x15a: {  	v1 =	vcvt.f32.s32 v29;
	v0 =	vld.idx.msk [tilespmem:v0+s5+$0x0], $0xffff;
	_ =	sdelay $0x4  }
0x15b: {  	v32 =	vld [tilespmem:$0x18D80];
	v31 =	vtrunc.f32 v30;
	[tilespmem:$0x19CD0] =	vst v0  }
0x15c: {  	v0 =	vcvt.f32.s32 v31;
	v1 =	vld.idx.msk [tilespmem:v1+s5+$0x0], $0xffff;
	_ =	sdelay $0x4  }
0x15d: {  	v34 =	vld [tilespmem:$0x18D90];
	v33 =	vtrunc.f32 v32;
	[tilespmem:$0x19CE0] =	vst v1  }
0x15e: {  	v1 =	vcvt.f32.s32 v33;
	v0 =	vld.idx.msk [tilespmem:v0+s5+$0x0], $0xffff;
	_ =	sdelay $0x4  }
0x15f: {  	v36 =	vld [tilespmem:$0x18DA0];
	v35 =	vtrunc.f32 v34;
	[tilespmem:$0x19CF0] =	vst v0  }
0x160: {  	v0 =	vcvt.f32.s32 v35;
	v1 =	vld.idx.msk [tilespmem:v1+s5+$0x0], $0xffff;
	_ =	sdelay $0x4  }
0x161: {  	v38 =	vld [tilespmem:$0x18DB0];
	v37 =	vtrunc.f32 v36;
	[tilespmem:$0x19D80] =	vst v1  }
0x162: {  	v1 =	vcvt.f32.s32 v37;
	v0 =	vld.idx.msk [tilespmem:v0+s5+$0x0], $0xffff;
	_ =	sdelay $0x4  }
0x163: {  	v40 =	vld [tilespmem:$0x18DC0];
	v39 =	vtrunc.f32 v38;
	[tilespmem:$0x19D90] =	vst v0  }
0x164: {  	v0 =	vcvt.f32.s32 v39;
	v1 =	vld.idx.msk [tilespmem:v1+s5+$0x0], $0xffff;
	_ =	sdelay $0x4  }
0x165: {  	v42 =	vld [tilespmem:$0x18DD0];
	v41 =	vtrunc.f32 v40;
	[tilespmem:$0x19DA0] =	vst v1  }
0x166: {  	v1 =	vcvt.f32.s32 v41;
	v0 =	vld.idx.msk [tilespmem:v0+s5+$0x0], $0xffff;
	_ =	sdelay $0x4  }
0x167: {  	v44 =	vld [tilespmem:$0x18DE0];
	v43 =	vtrunc.f32 v42;
	[tilespmem:$0x19DB0] =	vst v0  }
0x168: {  	v0 =	vcvt.f32.s32 v43;
	v1 =	vld.idx.msk [tilespmem:v1+s5+$0x0], $0xffff;
	_ =	sdelay $0x4  }
0x169: {  	v46 =	vld [tilespmem:$0x18DF0];
	v45 =	vtrunc.f32 v44;
	[tilespmem:$0x19DC0] =	vst v1  }
0x16a: {  	v1 =	vcvt.f32.s32 v45;
	v0 =	vld.idx.msk [tilespmem:v0+s5+$0x0], $0xffff;
	_ =	sdelay $0x4  }
0x16b: {  	v48 =	vld [tilespmem:$0x18E80];
	v47 =	vtrunc.f32 v46;
	[tilespmem:$0x19DD0] =	vst v0  }
0x16c: {  	v0 =	vcvt.f32.s32 v47;
	v1 =	vld.idx.msk [tilespmem:v1+s5+$0x0], $0xffff;
	_ =	sdelay $0x4  }
0x16d: {  	v50 =	vld [tilespmem:$0x18E90];
	v49 =	vtrunc.f32 v48;
	[tilespmem:$0x19DE0] =	vst v1  }
0x16e: {  	v1 =	vcvt.f32.s32 v49;
	v0 =	vld.idx.msk [tilespmem:v0+s5+$0x0], $0xffff;
	_ =	sdelay $0x4  }
0x16f: {  	v52 =	vld [tilespmem:$0x18EA0];
	v51 =	vtrunc.f32 v50;
	[tilespmem:$0x19DF0] =	vst v0  }
0x170: {  	v0 =	vcvt.f32.s32 v51;
	v1 =	vld.idx.msk [tilespmem:v1+s5+$0x0], $0xffff;
	_ =	sdelay $0x4  }
0x171: {  	v54 =	vld [tilespmem:$0x18EB0];
	v53 =	vtrunc.f32 v52;
	[tilespmem:$0x19E80] =	vst v1  }
0x172: {  	v1 =	vcvt.f32.s32 v53;
	v0 =	vld.idx.msk [tilespmem:v0+s5+$0x0], $0xffff;
	_ =	sdelay $0x4  }
0x173: {  	v56 =	vld [tilespmem:$0x18EC0];
	v55 =	vtrunc.f32 v54;
	[tilespmem:$0x19E90] =	vst v0  }
0x174: {  	v0 =	vcvt.f32.s32 v55;
	v1 =	vld.idx.msk [tilespmem:v1+s5+$0x0], $0xffff;
	_ =	sdelay $0x4  }
0x175: {  	v58 =	vld [tilespmem:$0x18ED0];
	v57 =	vtrunc.f32 v56;
	[tilespmem:$0x19EA0] =	vst v1  }
0x176: {  	v1 =	vcvt.f32.s32 v57;
	v0 =	vld.idx.msk [tilespmem:v0+s5+$0x0], $0xffff;
	_ =	sdelay $0x4  }
0x177: {  	v60 =	vld [tilespmem:$0x18EE0];
	v59 =	vtrunc.f32 v58;
	[tilespmem:$0x19EB0] =	vst v0  }
0x178: {  	v0 =	vcvt.f32.s32 v59;
	v1 =	vld.idx.msk [tilespmem:v1+s5+$0x0], $0xffff;
	_ =	sdelay $0x4  }
0x179: {  	v62 =	vld [tilespmem:$0x18EF0];
	v61 =	vtrunc.f32 v60;
	[tilespmem:$0x19EC0] =	vst v1  }
0x17a: {  	v1 =	vcvt.f32.s32 v61;
	v0 =	vld.idx.msk [tilespmem:v0+s5+$0x0], $0xffff;
	_ =	sdelay $0x4  }
0x17b: {  	v63 =	vtrunc.f32 v62;
	[tilespmem:$0x19ED0] =	vst v0  }
0x17c: {  	v0 =	vcvt.f32.s32 v63;
	v1 =	vld.idx.msk [tilespmem:v1+s5+$0x0], $0xffff;
	_ =	sdelay $0x4  }
0x17d: {  	[tilespmem:$0x19EE0] =	vst v1  }
0x17e: {  	v0 =	vld.idx.msk [tilespmem:v0+s5+$0x0], $0xffff  }
0x17f: {  	s0 =	rddreg [dreg:$0x7]  }
0x180: {  	s1 =	rddreg [dreg:$0x17]  }
0x181: {  	s0 =	sadd.s32 s0, s1  }
0x182: {  	s0 =	sshrl.u32 s0, $0x3;
	s18 =	rddreg [dreg:$0x2]  }
0x183: {  	s6 =	simm.s32 $0x19700;
	s0 =	sadd.s32 s18, s0;
	[tilespmem:$0x19EF0] =	vst v0  }
0x184: {  	[hbm4b:s0+s19] =	stream.strided.scatter [tilespmem:s6], [sflag:$0x4], $0x100, s31, s19, $0x38;
	[tilespmem:$0x1A700] =	vst v63  }
0x185: {  	s8 =	simm.s32 $0x19800;
	s2 =	sadd.s32 $0x80, s0  }
0x186: {  	[hbm4b:s2+s19] =	stream.strided.scatter [tilespmem:s8], [sflag:$0x4], $0x100, s31, s19, $0x38;
	[tilespmem:$0x1A700] =	vst v63  }
0x187: {  	s12 =	simm.s32 $0x19900;
	s1 =	sadd.s32 $0x100, s0  }
0x188: {  	[hbm4b:s1+s19] =	stream.strided.scatter [tilespmem:s12], [sflag:$0x4], $0x100, s31, s19, $0x38;
	[tilespmem:$0x1A700] =	vst v63  }
0x189: {  	s13 =	simm.s32 $0x19A00;
	s4 =	sadd.s32 $0x180, s0  }
0x18a: {  	[hbm4b:s4+s19] =	stream.strided.scatter [tilespmem:s13], [sflag:$0x4], $0x100, s31, s19, $0x38;
	[tilespmem:$0x1A700] =	vst v63  }
0x18b: {  	s21 =	simm.s32 $0x19B00;
	s7 =	sadd.s32 $0x200, s0  }
0x18c: {  	[hbm4b:s7+s19] =	stream.strided.scatter [tilespmem:s21], [sflag:$0x4], $0x100, s31, s19, $0x38;
	[tilespmem:$0x1A700] =	vst v63  }
0x18d: {  	s22 =	simm.s32 $0x19C00;
	s10 =	sadd.s32 $0x280, s0  }
0x18e: {  	[hbm4b:s10+s19] =	stream.strided.scatter [tilespmem:s22], [sflag:$0x4], $0x100, s31, s19, $0x38;
	[tilespmem:$0x1A700] =	vst v63  }
0x18f: {  	s15 =	simm.s32 $0x19D00;
	s11 =	sadd.s32 $0x300, s0  }
0x190: {  	[hbm4b:s11+s19] =	stream.strided.scatter [tilespmem:s15], [sflag:$0x4], $0x100, s31, s19, $0x38;
	[tilespmem:$0x1A700] =	vst v63  }
0x191: {  	s0 =	sadd.s32 $0x380, s0;
	s2 =	simm.s32 $0x19E00  }
0x192: {  	[hbm4b:s0+s19] =	stream.strided.scatter [tilespmem:s2], [sflag:$0x4], $0x100, s31, s19, $0x38;
	[tilespmem:$0x1A700] =	vst v63  }
0x193: {  	_ =	swait.ge [sflag:s3], $0x800  }
0x194: {  	[sflag:s3] =	ssyncset.done $0x0  }
0x195: {  	[sflag:s3] =	ssyncadd.s32 $0xFFFFF800  }
0x196: {  	_ =	swait.ge [sflag:s14], $0x800  }
0x197: {  	s11 =	rddreg [dreg:$0x16]  }
0x198: {  	s11 =	sadd.s32 $0x1, s11  }
0x199: {  	s10 =	rddreg [dreg:$0x15];
	p1 =	sne.s32 s11, $0x1A  }
.Ltmp5:
0x19a: {  	s7 =	rddreg [dreg:$0x14];
	(pc) =	sbr.rel @!p1 .LBB2_10-.Ltmp5, $4  }
0x19b: {  	s4 =	rddreg [dreg:$0x13]  }
0x19c: {  	s1 =	simm.s32 $0x18700;
	[sflag:s14] =	ssyncset.done $0x0;
	s15 =	rddreg [dreg:$0x12]  }
0x19d: {  	[sflag:s14] =	ssyncadd.s32 $0xFFFFF800;
	s10 =	sadd.s32 $0x400, s10;
	s7 =	sadd.s32 $0x1, s7  }
0x19e: {  	s0 =	sadd.s32 $0x1000, s4;
	s2 =	sadd.s32 $0x1000, s15;
	s4 =	simm.s32 $0x18800  }
.LBB2_6:
0x19f: {  	[dreg:$0x15] =	wrdreg s10;
	s10 =	smul.u32 $0x30E000, s11  }
0x1a0: {  	s15 =	rddreg [dreg:$0x5]  }
0x1a1: {  	[dreg:$0x13] =	wrdreg s0;
	s0 =	sadd.s32 s15, s10  }
0x1a2: {  	s10 =	rddreg [dreg:$0x1];
	s0 =	sshrl.u32 s0, $0x3  }
0x1a3: {  	s15 =	simm.s32 $0x400;
	s0 =	sadd.s32 s10, s0  }
0x1a4: {  	[tilespmem:s17], [sflag:$0x1] =	stream.strided.gather [hbm4b:s0+s19], $0x18700, s15, s19, $0x38;
	[tilespmem:$0x1A700] =	vst v63  }
0x1a5: {  	s10 =	sshll.u32 s11, $0xA;
	s15 =	sshll.u32 s11, $0x7  }
0x1a6: {  	[dreg:$0x12] =	wrdreg s2;
	s0 =	sand.u32 $0x6000, s10;
	s2 =	sand.u32 $0x380, s15  }
0x1a7: {  	s0 =	sor.u32 s2, s0  }
0x1a8: {  	s2 =	sshrl.u32 s0, $0x3;
	s0 =	rddreg [dreg:$0x0]  }
0x1a9: {  	s0 =	sadd.s32 s0, s2  }
0x1aa: {  	[tilespmem:s1], [sflag:$0x2] =	stream.strided.gather [hbm4b:s0+s19], $0x100, s20, s19, $0x38;
	[tilespmem:$0x1A700] =	vst v63  }
0x1ab: {  	s15 =	sadd.s32 $0x80, s0  }
0x1ac: {  	[tilespmem:s4], [sflag:$0x2] =	stream.strided.gather [hbm4b:s15+s19], $0x100, s20, s19, $0x38;
	[tilespmem:$0x1A700] =	vst v63  }
0x1ad: {  	s15 =	sadd.s32 $0x100, s0  }
0x1ae: {  	[tilespmem:s23], [sflag:$0x2] =	stream.strided.gather [hbm4b:s15+s19], $0x100, s20, s19, $0x38;
	[tilespmem:$0x1A700] =	vst v63  }
0x1af: {  	s15 =	sadd.s32 $0x180, s0  }
0x1b0: {  	[tilespmem:s24], [sflag:$0x2] =	stream.strided.gather [hbm4b:s15+s19], $0x100, s20, s19, $0x38;
	[tilespmem:$0x1A700] =	vst v63  }
0x1b1: {  	s15 =	sadd.s32 $0x200, s0  }
0x1b2: {  	[tilespmem:s25], [sflag:$0x2] =	stream.strided.gather [hbm4b:s15+s19], $0x100, s20, s19, $0x38;
	[tilespmem:$0x1A700] =	vst v63  }
0x1b3: {  	s15 =	sadd.s32 $0x280, s0  }
0x1b4: {  	[tilespmem:s26], [sflag:$0x2] =	stream.strided.gather [hbm4b:s15+s19], $0x100, s20, s19, $0x38;
	[tilespmem:$0x1A700] =	vst v63  }
0x1b5: {  	s15 =	sadd.s32 $0x300, s0  }
0x1b6: {  	[tilespmem:s28], [sflag:$0x2] =	stream.strided.gather [hbm4b:s15+s19], $0x100, s20, s19, $0x38;
	[tilespmem:$0x1A700] =	vst v63  }
0x1b7: {  	s10 =	smov.u32 s2;
	s2 =	rddreg [dreg:$0x8];
	s0 =	sadd.s32 $0x380, s0  }
0x1b8: {  	[tilespmem:s29], [sflag:$0x2] =	stream.strided.gather [hbm4b:s0+s19], $0x100, s20, s19, $0x38;
	[tilespmem:$0x1A700] =	vst v63  }
0x1b9: {  	s15 =	simm.s32 $0x18F00;
	s0 =	sadd.s32 s10, s2  }
0x1ba: {  	[tilespmem:s15], [sflag:$0x3] =	stream.strided.gather [hbm4b:s0+s19], $0x100, s20, s19, $0x38;
	[tilespmem:$0x1A700] =	vst v63  }
0x1bb: {  	s2 =	sadd.s32 $0x80, s0;
	s15 =	simm.s32 $0x19000  }
0x1bc: {  	[tilespmem:s15], [sflag:$0x3] =	stream.strided.gather [hbm4b:s2+s19], $0x100, s20, s19, $0x38;
	[tilespmem:$0x1A700] =	vst v63  }
0x1bd: {  	s2 =	sadd.s32 $0x100, s0;
	s15 =	simm.s32 $0x19100  }
0x1be: {  	[tilespmem:s15], [sflag:$0x3] =	stream.strided.gather [hbm4b:s2+s19], $0x100, s20, s19, $0x38;
	[tilespmem:$0x1A700] =	vst v63  }
0x1bf: {  	s2 =	sadd.s32 $0x180, s0;
	s15 =	simm.s32 $0x19200  }
0x1c0: {  	[tilespmem:s15], [sflag:$0x3] =	stream.strided.gather [hbm4b:s2+s19], $0x100, s20, s19, $0x38;
	[tilespmem:$0x1A700] =	vst v63  }
0x1c1: {  	s2 =	sadd.s32 $0x200, s0;
	s15 =	simm.s32 $0x19300  }
0x1c2: {  	[tilespmem:s15], [sflag:$0x3] =	stream.strided.gather [hbm4b:s2+s19], $0x100, s20, s19, $0x38;
	[tilespmem:$0x1A700] =	vst v63  }
0x1c3: {  	s2 =	sadd.s32 $0x280, s0;
	s15 =	simm.s32 $0x19400  }
0x1c4: {  	[tilespmem:s15], [sflag:$0x3] =	stream.strided.gather [hbm4b:s2+s19], $0x100, s20, s19, $0x38;
	[tilespmem:$0x1A700] =	vst v63  }
0x1c5: {  	s2 =	sadd.s32 $0x300, s0;
	s15 =	simm.s32 $0x19500  }
0x1c6: {  	[tilespmem:s15], [sflag:$0x3] =	stream.strided.gather [hbm4b:s2+s19], $0x100, s20, s19, $0x38;
	[tilespmem:$0x1A700] =	vst v63  }
0x1c7: {  	s0 =	sadd.s32 $0x380, s0;
	s15 =	simm.s32 $0x19600;
	s2 =	simm.s32 $0x1  }
0x1c8: {  	[tilespmem:s15], [sflag:$0x3] =	stream.strided.gather [hbm4b:s0+s19], $0x100, s20, s19, $0x38;
	[tilespmem:$0x1A700] =	vst v63  }
0x1c9: {  	_ =	swait.ge [sflag:s2], $0x18700  }
0x1ca: {  	[sflag:s2] =	ssyncset.done $0x0  }
0x1cb: {  	[sflag:s2] =	ssyncadd.s32 $0xFFFE7900  }
0x1cc: {  	_ =	swait.ge [sflag:s9], $0x800  }
0x1cd: {  	[sflag:s9] =	ssyncset.done $0x0  }
0x1ce: {  	[sflag:s9] =	ssyncadd.s32 $0xFFFFF800  }
0x1cf: {  	v0 =	vld [tilespmem:$0x18700];
	_ =	sdelay $0x4  }
0x1d0: {  	v0 =	vtrunc.f32 v0  }
0x1d1: {  	v1 =	vld [tilespmem:$0x18710];
	v0 =	vcvt.f32.s32 v0;
	_ =	sdelay $0x4  }
0x1d2: {  	v2 =	vld [tilespmem:$0x18720];
	v1 =	vtrunc.f32 v1  }
0x1d3: {  	v1 =	vcvt.f32.s32 v1;
	v0 =	vld.idx.msk [tilespmem:v0+s17+$0x0], $0xffff;
	_ =	sdelay $0x4  }
0x1d4: {  	v42 =	vld [tilespmem:$0x18730];
	v41 =	vtrunc.f32 v2;
	[tilespmem:$0x19700] =	vst v0  }
0x1d5: {  	v0 =	vcvt.f32.s32 v41;
	v1 =	vld.idx.msk [tilespmem:v1+s17+$0x0], $0xffff;
	_ =	sdelay $0x4  }
0x1d6: {  	v44 =	vld [tilespmem:$0x18740];
	v43 =	vtrunc.f32 v42;
	[tilespmem:$0x19710] =	vst v1  }
0x1d7: {  	v1 =	vcvt.f32.s32 v43;
	v0 =	vld.idx.msk [tilespmem:v0+s17+$0x0], $0xffff;
	_ =	sdelay $0x4  }
0x1d8: {  	v46 =	vld [tilespmem:$0x18750];
	v45 =	vtrunc.f32 v44;
	[tilespmem:$0x19720] =	vst v0  }
0x1d9: {  	v0 =	vcvt.f32.s32 v45;
	v1 =	vld.idx.msk [tilespmem:v1+s17+$0x0], $0xffff;
	_ =	sdelay $0x4  }
0x1da: {  	v48 =	vld [tilespmem:$0x18760];
	v47 =	vtrunc.f32 v46;
	[tilespmem:$0x19730] =	vst v1  }
0x1db: {  	v1 =	vcvt.f32.s32 v47;
	v0 =	vld.idx.msk [tilespmem:v0+s17+$0x0], $0xffff;
	_ =	sdelay $0x4  }
0x1dc: {  	v50 =	vld [tilespmem:$0x18770];
	v49 =	vtrunc.f32 v48;
	[tilespmem:$0x19740] =	vst v0  }
0x1dd: {  	v0 =	vcvt.f32.s32 v49;
	v1 =	vld.idx.msk [tilespmem:v1+s17+$0x0], $0xffff;
	_ =	sdelay $0x4  }
0x1de: {  	v52 =	vld [tilespmem:$0x18800];
	v51 =	vtrunc.f32 v50;
	[tilespmem:$0x19750] =	vst v1  }
0x1df: {  	v1 =	vcvt.f32.s32 v51;
	v0 =	vld.idx.msk [tilespmem:v0+s17+$0x0], $0xffff;
	_ =	sdelay $0x4  }
0x1e0: {  	v54 =	vld [tilespmem:$0x18810];
	v53 =	vtrunc.f32 v52;
	[tilespmem:$0x19760] =	vst v0  }
0x1e1: {  	v0 =	vcvt.f32.s32 v53;
	v1 =	vld.idx.msk [tilespmem:v1+s17+$0x0], $0xffff;
	_ =	sdelay $0x4  }
0x1e2: {  	v56 =	vld [tilespmem:$0x18820];
	v55 =	vtrunc.f32 v54;
	[tilespmem:$0x19770] =	vst v1  }
0x1e3: {  	v1 =	vcvt.f32.s32 v55;
	v0 =	vld.idx.msk [tilespmem:v0+s17+$0x0], $0xffff;
	_ =	sdelay $0x4  }
0x1e4: {  	v58 =	vld [tilespmem:$0x18830];
	v57 =	vtrunc.f32 v56;
	[tilespmem:$0x19800] =	vst v0  }
0x1e5: {  	v0 =	vcvt.f32.s32 v57;
	v1 =	vld.idx.msk [tilespmem:v1+s17+$0x0], $0xffff;
	_ =	sdelay $0x4  }
0x1e6: {  	v60 =	vld [tilespmem:$0x18840];
	v59 =	vtrunc.f32 v58;
	[tilespmem:$0x19810] =	vst v1  }
0x1e7: {  	v1 =	vcvt.f32.s32 v59;
	v0 =	vld.idx.msk [tilespmem:v0+s17+$0x0], $0xffff;
	_ =	sdelay $0x4  }
0x1e8: {  	v62 =	vld [tilespmem:$0x18850];
	v61 =	vtrunc.f32 v60;
	[tilespmem:$0x19820] =	vst v0  }
0x1e9: {  	v0 =	vcvt.f32.s32 v61;
	v1 =	vld.idx.msk [tilespmem:v1+s17+$0x0], $0xffff;
	_ =	sdelay $0x4  }
0x1ea: {  	v4 =	vld [tilespmem:$0x18860];
	v63 =	vtrunc.f32 v62;
	[tilespmem:$0x19830] =	vst v1  }
0x1eb: {  	v1 =	vcvt.f32.s32 v63;
	v0 =	vld.idx.msk [tilespmem:v0+s17+$0x0], $0xffff;
	_ =	sdelay $0x4  }
0x1ec: {  	v6 =	vld [tilespmem:$0x18870];
	v5 =	vtrunc.f32 v4;
	[tilespmem:$0x19840] =	vst v0  }
0x1ed: {  	v0 =	vcvt.f32.s32 v5;
	v1 =	vld.idx.msk [tilespmem:v1+s17+$0x0], $0xffff;
	_ =	sdelay $0x4  }
0x1ee: {  	v8 =	vld [tilespmem:$0x18900];
	v7 =	vtrunc.f32 v6;
	[tilespmem:$0x19850] =	vst v1  }
0x1ef: {  	v1 =	vcvt.f32.s32 v7;
	v0 =	vld.idx.msk [tilespmem:v0+s17+$0x0], $0xffff;
	_ =	sdelay $0x4  }
0x1f0: {  	v10 =	vld [tilespmem:$0x18910];
	v9 =	vtrunc.f32 v8;
	[tilespmem:$0x19860] =	vst v0  }
0x1f1: {  	v0 =	vcvt.f32.s32 v9;
	v1 =	vld.idx.msk [tilespmem:v1+s17+$0x0], $0xffff;
	_ =	sdelay $0x4  }
0x1f2: {  	v12 =	vld [tilespmem:$0x18920];
	v11 =	vtrunc.f32 v10;
	[tilespmem:$0x19870] =	vst v1  }
0x1f3: {  	v1 =	vcvt.f32.s32 v11;
	v0 =	vld.idx.msk [tilespmem:v0+s17+$0x0], $0xffff;
	_ =	sdelay $0x4  }
0x1f4: {  	v14 =	vld [tilespmem:$0x18930];
	v13 =	vtrunc.f32 v12;
	[tilespmem:$0x19900] =	vst v0  }
0x1f5: {  	v0 =	vcvt.f32.s32 v13;
	v1 =	vld.idx.msk [tilespmem:v1+s17+$0x0], $0xffff;
	_ =	sdelay $0x4  }
0x1f6: {  	v16 =	vld [tilespmem:$0x18940];
	v15 =	vtrunc.f32 v14;
	[tilespmem:$0x19910] =	vst v1  }
0x1f7: {  	v1 =	vcvt.f32.s32 v15;
	v0 =	vld.idx.msk [tilespmem:v0+s17+$0x0], $0xffff;
	_ =	sdelay $0x4  }
0x1f8: {  	v18 =	vld [tilespmem:$0x18950];
	v17 =	vtrunc.f32 v16;
	[tilespmem:$0x19920] =	vst v0  }
0x1f9: {  	v0 =	vcvt.f32.s32 v17;
	v1 =	vld.idx.msk [tilespmem:v1+s17+$0x0], $0xffff;
	_ =	sdelay $0x4  }
0x1fa: {  	v20 =	vld [tilespmem:$0x18960];
	v19 =	vtrunc.f32 v18;
	[tilespmem:$0x19930] =	vst v1  }
0x1fb: {  	v1 =	vcvt.f32.s32 v19;
	v0 =	vld.idx.msk [tilespmem:v0+s17+$0x0], $0xffff;
	_ =	sdelay $0x4  }
0x1fc: {  	v22 =	vld [tilespmem:$0x18970];
	v21 =	vtrunc.f32 v20;
	[tilespmem:$0x19940] =	vst v0  }
0x1fd: {  	v0 =	vcvt.f32.s32 v21;
	v1 =	vld.idx.msk [tilespmem:v1+s17+$0x0], $0xffff;
	_ =	sdelay $0x4  }
0x1fe: {  	v24 =	vld [tilespmem:$0x18A00];
	v23 =	vtrunc.f32 v22;
	[tilespmem:$0x19950] =	vst v1  }
0x1ff: {  	v1 =	vcvt.f32.s32 v23;
	v0 =	vld.idx.msk [tilespmem:v0+s17+$0x0], $0xffff;
	_ =	sdelay $0x4  }
0x200: {  	v26 =	vld [tilespmem:$0x18A10];
	v25 =	vtrunc.f32 v24;
	[tilespmem:$0x19960] =	vst v0  }
0x201: {  	v0 =	vcvt.f32.s32 v25;
	v1 =	vld.idx.msk [tilespmem:v1+s17+$0x0], $0xffff;
	_ =	sdelay $0x4  }
0x202: {  	v28 =	vld [tilespmem:$0x18A20];
	v27 =	vtrunc.f32 v26;
	[tilespmem:$0x19970] =	vst v1  }
0x203: {  	v1 =	vcvt.f32.s32 v27;
	v0 =	vld.idx.msk [tilespmem:v0+s17+$0x0], $0xffff;
	_ =	sdelay $0x4  }
0x204: {  	v30 =	vld [tilespmem:$0x18A30];
	v29 =	vtrunc.f32 v28;
	[tilespmem:$0x19A00] =	vst v0  }
0x205: {  	v0 =	vcvt.f32.s32 v29;
	v1 =	vld.idx.msk [tilespmem:v1+s17+$0x0], $0xffff;
	_ =	sdelay $0x4  }
0x206: {  	v32 =	vld [tilespmem:$0x18A40];
	v31 =	vtrunc.f32 v30;
	[tilespmem:$0x19A10] =	vst v1  }
0x207: {  	v1 =	vcvt.f32.s32 v31;
	v0 =	vld.idx.msk [tilespmem:v0+s17+$0x0], $0xffff;
	_ =	sdelay $0x4  }
0x208: {  	v34 =	vld [tilespmem:$0x18A50];
	v33 =	vtrunc.f32 v32;
	[tilespmem:$0x19A20] =	vst v0  }
0x209: {  	v0 =	vcvt.f32.s32 v33;
	v1 =	vld.idx.msk [tilespmem:v1+s17+$0x0], $0xffff;
	_ =	sdelay $0x4  }
0x20a: {  	v36 =	vld [tilespmem:$0x18A60];
	v35 =	vtrunc.f32 v34;
	[tilespmem:$0x19A30] =	vst v1  }
0x20b: {  	v1 =	vcvt.f32.s32 v35;
	v0 =	vld.idx.msk [tilespmem:v0+s17+$0x0], $0xffff;
	_ =	sdelay $0x4  }
0x20c: {  	v38 =	vld [tilespmem:$0x18A70];
	v37 =	vtrunc.f32 v36;
	[tilespmem:$0x19A40] =	vst v0  }
0x20d: {  	v0 =	vcvt.f32.s32 v37;
	v1 =	vld.idx.msk [tilespmem:v1+s17+$0x0], $0xffff;
	_ =	sdelay $0x4  }
0x20e: {  	v40 =	vld [tilespmem:$0x18B00];
	v39 =	vtrunc.f32 v38;
	[tilespmem:$0x19A50] =	vst v1  }
0x20f: {  	v1 =	vcvt.f32.s32 v39;
	v0 =	vld.idx.msk [tilespmem:v0+s17+$0x0], $0xffff;
	_ =	sdelay $0x4  }
0x210: {  	v42 =	vld [tilespmem:$0x18B10];
	v41 =	vtrunc.f32 v40;
	[tilespmem:$0x19A60] =	vst v0  }
0x211: {  	v0 =	vcvt.f32.s32 v41;
	v1 =	vld.idx.msk [tilespmem:v1+s17+$0x0], $0xffff;
	_ =	sdelay $0x4  }
0x212: {  	v44 =	vld [tilespmem:$0x18B20];
	v43 =	vtrunc.f32 v42;
	[tilespmem:$0x19A70] =	vst v1  }
0x213: {  	v1 =	vcvt.f32.s32 v43;
	v0 =	vld.idx.msk [tilespmem:v0+s17+$0x0], $0xffff;
	_ =	sdelay $0x4  }
0x214: {  	v46 =	vld [tilespmem:$0x18B30];
	v45 =	vtrunc.f32 v44;
	[tilespmem:$0x19B00] =	vst v0  }
0x215: {  	v0 =	vcvt.f32.s32 v45;
	v1 =	vld.idx.msk [tilespmem:v1+s17+$0x0], $0xffff;
	_ =	sdelay $0x4  }
0x216: {  	v48 =	vld [tilespmem:$0x18B40];
	v47 =	vtrunc.f32 v46;
	[tilespmem:$0x19B10] =	vst v1  }
0x217: {  	v1 =	vcvt.f32.s32 v47;
	v0 =	vld.idx.msk [tilespmem:v0+s17+$0x0], $0xffff;
	_ =	sdelay $0x4  }
0x218: {  	v50 =	vld [tilespmem:$0x18B50];
	v49 =	vtrunc.f32 v48;
	[tilespmem:$0x19B20] =	vst v0  }
0x219: {  	v0 =	vcvt.f32.s32 v49;
	v1 =	vld.idx.msk [tilespmem:v1+s17+$0x0], $0xffff;
	_ =	sdelay $0x4  }
0x21a: {  	v52 =	vld [tilespmem:$0x18B60];
	v51 =	vtrunc.f32 v50;
	[tilespmem:$0x19B30] =	vst v1  }
0x21b: {  	v1 =	vcvt.f32.s32 v51;
	v0 =	vld.idx.msk [tilespmem:v0+s17+$0x0], $0xffff;
	_ =	sdelay $0x4  }
0x21c: {  	v54 =	vld [tilespmem:$0x18B70];
	v53 =	vtrunc.f32 v52;
	[tilespmem:$0x19B40] =	vst v0  }
0x21d: {  	v0 =	vcvt.f32.s32 v53;
	v1 =	vld.idx.msk [tilespmem:v1+s17+$0x0], $0xffff;
	_ =	sdelay $0x4  }
0x21e: {  	v56 =	vld [tilespmem:$0x18C00];
	v55 =	vtrunc.f32 v54;
	[tilespmem:$0x19B50] =	vst v1  }
0x21f: {  	v1 =	vcvt.f32.s32 v55;
	v0 =	vld.idx.msk [tilespmem:v0+s17+$0x0], $0xffff;
	_ =	sdelay $0x4  }
0x220: {  	v58 =	vld [tilespmem:$0x18C10];
	v57 =	vtrunc.f32 v56;
	[tilespmem:$0x19B60] =	vst v0  }
0x221: {  	v0 =	vcvt.f32.s32 v57;
	v1 =	vld.idx.msk [tilespmem:v1+s17+$0x0], $0xffff;
	_ =	sdelay $0x4  }
0x222: {  	v60 =	vld [tilespmem:$0x18C20];
	v59 =	vtrunc.f32 v58;
	[tilespmem:$0x19B70] =	vst v1  }
0x223: {  	v1 =	vcvt.f32.s32 v59;
	v0 =	vld.idx.msk [tilespmem:v0+s17+$0x0], $0xffff;
	_ =	sdelay $0x4  }
0x224: {  	v62 =	vld [tilespmem:$0x18C30];
	v61 =	vtrunc.f32 v60;
	[tilespmem:$0x19C00] =	vst v0  }
0x225: {  	v0 =	vcvt.f32.s32 v61;
	v1 =	vld.idx.msk [tilespmem:v1+s17+$0x0], $0xffff;
	_ =	sdelay $0x4  }
0x226: {  	v4 =	vld [tilespmem:$0x18C40];
	v63 =	vtrunc.f32 v62;
	[tilespmem:$0x19C10] =	vst v1  }
0x227: {  	v1 =	vcvt.f32.s32 v63;
	v0 =	vld.idx.msk [tilespmem:v0+s17+$0x0], $0xffff;
	_ =	sdelay $0x4  }
0x228: {  	v6 =	vld [tilespmem:$0x18C50];
	v5 =	vtrunc.f32 v4;
	[tilespmem:$0x19C20] =	vst v0  }
0x229: {  	v0 =	vcvt.f32.s32 v5;
	v1 =	vld.idx.msk [tilespmem:v1+s17+$0x0], $0xffff;
	_ =	sdelay $0x4  }
0x22a: {  	v8 =	vld [tilespmem:$0x18C60];
	v7 =	vtrunc.f32 v6;
	[tilespmem:$0x19C30] =	vst v1  }
0x22b: {  	v1 =	vcvt.f32.s32 v7;
	v0 =	vld.idx.msk [tilespmem:v0+s17+$0x0], $0xffff;
	_ =	sdelay $0x4  }
0x22c: {  	v10 =	vld [tilespmem:$0x18C70];
	v9 =	vtrunc.f32 v8;
	[tilespmem:$0x19C40] =	vst v0  }
0x22d: {  	v0 =	vcvt.f32.s32 v9;
	v1 =	vld.idx.msk [tilespmem:v1+s17+$0x0], $0xffff;
	_ =	sdelay $0x4  }
0x22e: {  	v12 =	vld [tilespmem:$0x18D00];
	v11 =	vtrunc.f32 v10;
	[tilespmem:$0x19C50] =	vst v1  }
0x22f: {  	v1 =	vcvt.f32.s32 v11;
	v0 =	vld.idx.msk [tilespmem:v0+s17+$0x0], $0xffff;
	_ =	sdelay $0x4  }
0x230: {  	v14 =	vld [tilespmem:$0x18D10];
	v13 =	vtrunc.f32 v12;
	[tilespmem:$0x19C60] =	vst v0  }
0x231: {  	v0 =	vcvt.f32.s32 v13;
	v1 =	vld.idx.msk [tilespmem:v1+s17+$0x0], $0xffff;
	_ =	sdelay $0x4  }
0x232: {  	v16 =	vld [tilespmem:$0x18D20];
	v15 =	vtrunc.f32 v14;
	[tilespmem:$0x19C70] =	vst v1  }
0x233: {  	v1 =	vcvt.f32.s32 v15;
	v0 =	vld.idx.msk [tilespmem:v0+s17+$0x0], $0xffff;
	_ =	sdelay $0x4  }
0x234: {  	v18 =	vld [tilespmem:$0x18D30];
	v17 =	vtrunc.f32 v16;
	[tilespmem:$0x19D00] =	vst v0  }
0x235: {  	v0 =	vcvt.f32.s32 v17;
	v1 =	vld.idx.msk [tilespmem:v1+s17+$0x0], $0xffff;
	_ =	sdelay $0x4  }
0x236: {  	v20 =	vld [tilespmem:$0x18D40];
	v19 =	vtrunc.f32 v18;
	[tilespmem:$0x19D10] =	vst v1  }
0x237: {  	v1 =	vcvt.f32.s32 v19;
	v0 =	vld.idx.msk [tilespmem:v0+s17+$0x0], $0xffff;
	_ =	sdelay $0x4  }
0x238: {  	v22 =	vld [tilespmem:$0x18D50];
	v21 =	vtrunc.f32 v20;
	[tilespmem:$0x19D20] =	vst v0  }
0x239: {  	v0 =	vcvt.f32.s32 v21;
	v1 =	vld.idx.msk [tilespmem:v1+s17+$0x0], $0xffff;
	_ =	sdelay $0x4  }
0x23a: {  	v24 =	vld [tilespmem:$0x18D60];
	v23 =	vtrunc.f32 v22;
	[tilespmem:$0x19D30] =	vst v1  }
0x23b: {  	v1 =	vcvt.f32.s32 v23;
	v0 =	vld.idx.msk [tilespmem:v0+s17+$0x0], $0xffff;
	_ =	sdelay $0x4  }
0x23c: {  	v26 =	vld [tilespmem:$0x18D70];
	v25 =	vtrunc.f32 v24;
	[tilespmem:$0x19D40] =	vst v0  }
0x23d: {  	v0 =	vcvt.f32.s32 v25;
	v1 =	vld.idx.msk [tilespmem:v1+s17+$0x0], $0xffff;
	_ =	sdelay $0x4  }
0x23e: {  	v28 =	vld [tilespmem:$0x18E00];
	v27 =	vtrunc.f32 v26;
	[tilespmem:$0x19D50] =	vst v1  }
0x23f: {  	v1 =	vcvt.f32.s32 v27;
	v0 =	vld.idx.msk [tilespmem:v0+s17+$0x0], $0xffff;
	_ =	sdelay $0x4  }
0x240: {  	v30 =	vld [tilespmem:$0x18E10];
	v29 =	vtrunc.f32 v28;
	[tilespmem:$0x19D60] =	vst v0  }
0x241: {  	v0 =	vcvt.f32.s32 v29;
	v1 =	vld.idx.msk [tilespmem:v1+s17+$0x0], $0xffff;
	_ =	sdelay $0x4  }
0x242: {  	v32 =	vld [tilespmem:$0x18E20];
	v31 =	vtrunc.f32 v30;
	[tilespmem:$0x19D70] =	vst v1  }
0x243: {  	v1 =	vcvt.f32.s32 v31;
	v0 =	vld.idx.msk [tilespmem:v0+s17+$0x0], $0xffff;
	_ =	sdelay $0x4  }
0x244: {  	v34 =	vld [tilespmem:$0x18E30];
	v33 =	vtrunc.f32 v32;
	[tilespmem:$0x19E00] =	vst v0  }
0x245: {  	v0 =	vcvt.f32.s32 v33;
	v1 =	vld.idx.msk [tilespmem:v1+s17+$0x0], $0xffff;
	_ =	sdelay $0x4  }
0x246: {  	v36 =	vld [tilespmem:$0x18E40];
	v35 =	vtrunc.f32 v34;
	[tilespmem:$0x19E10] =	vst v1  }
0x247: {  	v1 =	vcvt.f32.s32 v35;
	v0 =	vld.idx.msk [tilespmem:v0+s17+$0x0], $0xffff;
	_ =	sdelay $0x4  }
0x248: {  	v38 =	vld [tilespmem:$0x18E50];
	v37 =	vtrunc.f32 v36;
	[tilespmem:$0x19E20] =	vst v0  }
0x249: {  	v0 =	vcvt.f32.s32 v37;
	v1 =	vld.idx.msk [tilespmem:v1+s17+$0x0], $0xffff;
	_ =	sdelay $0x4  }
0x24a: {  	v40 =	vld [tilespmem:$0x18E60];
	v39 =	vtrunc.f32 v38;
	[tilespmem:$0x19E30] =	vst v1  }
0x24b: {  	v1 =	vcvt.f32.s32 v39;
	v0 =	vld.idx.msk [tilespmem:v0+s17+$0x0], $0xffff;
	_ =	sdelay $0x4  }
0x24c: {  	v42 =	vld [tilespmem:$0x18E70];
	v41 =	vtrunc.f32 v40;
	[tilespmem:$0x19E40] =	vst v0  }
0x24d: {  	v0 =	vcvt.f32.s32 v41;
	v1 =	vld.idx.msk [tilespmem:v1+s17+$0x0], $0xffff;
	_ =	sdelay $0x4  }
0x24e: {  	v44 =	vld [tilespmem:$0x18780];
	v43 =	vtrunc.f32 v42;
	[tilespmem:$0x19E50] =	vst v1  }
0x24f: {  	v1 =	vcvt.f32.s32 v43;
	v0 =	vld.idx.msk [tilespmem:v0+s17+$0x0], $0xffff;
	_ =	sdelay $0x4  }
0x250: {  	v46 =	vld [tilespmem:$0x18790];
	v45 =	vtrunc.f32 v44;
	[tilespmem:$0x19E60] =	vst v0  }
0x251: {  	v0 =	vcvt.f32.s32 v45;
	v1 =	vld.idx.msk [tilespmem:v1+s17+$0x0], $0xffff;
	_ =	sdelay $0x4  }
0x252: {  	v48 =	vld [tilespmem:$0x187A0];
	v47 =	vtrunc.f32 v46;
	[tilespmem:$0x19E70] =	vst v1  }
0x253: {  	v1 =	vcvt.f32.s32 v47;
	v0 =	vld.idx.msk [tilespmem:v0+s17+$0x0], $0xffff;
	_ =	sdelay $0x4  }
0x254: {  	v50 =	vld [tilespmem:$0x187B0];
	v49 =	vtrunc.f32 v48;
	[tilespmem:$0x19780] =	vst v0  }
0x255: {  	v0 =	vcvt.f32.s32 v49;
	v1 =	vld.idx.msk [tilespmem:v1+s17+$0x0], $0xffff;
	_ =	sdelay $0x4  }
0x256: {  	v52 =	vld [tilespmem:$0x187C0];
	v51 =	vtrunc.f32 v50;
	[tilespmem:$0x19790] =	vst v1  }
0x257: {  	v1 =	vcvt.f32.s32 v51;
	v0 =	vld.idx.msk [tilespmem:v0+s17+$0x0], $0xffff;
	_ =	sdelay $0x4  }
0x258: {  	v54 =	vld [tilespmem:$0x187D0];
	v53 =	vtrunc.f32 v52;
	[tilespmem:$0x197A0] =	vst v0  }
0x259: {  	v0 =	vcvt.f32.s32 v53;
	v1 =	vld.idx.msk [tilespmem:v1+s17+$0x0], $0xffff;
	_ =	sdelay $0x4  }
0x25a: {  	v56 =	vld [tilespmem:$0x187E0];
	v55 =	vtrunc.f32 v54;
	[tilespmem:$0x197B0] =	vst v1  }
0x25b: {  	v1 =	vcvt.f32.s32 v55;
	v0 =	vld.idx.msk [tilespmem:v0+s17+$0x0], $0xffff;
	_ =	sdelay $0x4  }
0x25c: {  	v58 =	vld [tilespmem:$0x187F0];
	v57 =	vtrunc.f32 v56;
	[tilespmem:$0x197C0] =	vst v0  }
0x25d: {  	v0 =	vcvt.f32.s32 v57;
	v1 =	vld.idx.msk [tilespmem:v1+s17+$0x0], $0xffff;
	_ =	sdelay $0x4  }
0x25e: {  	v60 =	vld [tilespmem:$0x18880];
	v59 =	vtrunc.f32 v58;
	[tilespmem:$0x197D0] =	vst v1  }
0x25f: {  	v1 =	vcvt.f32.s32 v59;
	v0 =	vld.idx.msk [tilespmem:v0+s17+$0x0], $0xffff;
	_ =	sdelay $0x4  }
0x260: {  	v62 =	vld [tilespmem:$0x18890];
	v61 =	vtrunc.f32 v60;
	[tilespmem:$0x197E0] =	vst v0  }
0x261: {  	v0 =	vcvt.f32.s32 v61;
	v1 =	vld.idx.msk [tilespmem:v1+s17+$0x0], $0xffff;
	_ =	sdelay $0x4  }
0x262: {  	v4 =	vld [tilespmem:$0x188A0];
	v63 =	vtrunc.f32 v62;
	[tilespmem:$0x197F0] =	vst v1  }
0x263: {  	v1 =	vcvt.f32.s32 v63;
	v0 =	vld.idx.msk [tilespmem:v0+s17+$0x0], $0xffff;
	_ =	sdelay $0x4  }
0x264: {  	v6 =	vld [tilespmem:$0x188B0];
	v5 =	vtrunc.f32 v4;
	[tilespmem:$0x19880] =	vst v0  }
0x265: {  	v0 =	vcvt.f32.s32 v5;
	v1 =	vld.idx.msk [tilespmem:v1+s17+$0x0], $0xffff;
	_ =	sdelay $0x4  }
0x266: {  	v8 =	vld [tilespmem:$0x188C0];
	v7 =	vtrunc.f32 v6;
	[tilespmem:$0x19890] =	vst v1  }
0x267: {  	v1 =	vcvt.f32.s32 v7;
	v0 =	vld.idx.msk [tilespmem:v0+s17+$0x0], $0xffff;
	_ =	sdelay $0x4  }
0x268: {  	v10 =	vld [tilespmem:$0x188D0];
	v9 =	vtrunc.f32 v8;
	[tilespmem:$0x198A0] =	vst v0  }
0x269: {  	v0 =	vcvt.f32.s32 v9;
	v1 =	vld.idx.msk [tilespmem:v1+s17+$0x0], $0xffff;
	_ =	sdelay $0x4  }
0x26a: {  	v12 =	vld [tilespmem:$0x188E0];
	v11 =	vtrunc.f32 v10;
	[tilespmem:$0x198B0] =	vst v1  }
0x26b: {  	v1 =	vcvt.f32.s32 v11;
	v0 =	vld.idx.msk [tilespmem:v0+s17+$0x0], $0xffff;
	_ =	sdelay $0x4  }
0x26c: {  	v14 =	vld [tilespmem:$0x188F0];
	v13 =	vtrunc.f32 v12;
	[tilespmem:$0x198C0] =	vst v0  }
0x26d: {  	v0 =	vcvt.f32.s32 v13;
	v1 =	vld.idx.msk [tilespmem:v1+s17+$0x0], $0xffff;
	_ =	sdelay $0x4  }
0x26e: {  	v16 =	vld [tilespmem:$0x18980];
	v15 =	vtrunc.f32 v14;
	[tilespmem:$0x198D0] =	vst v1  }
0x26f: {  	v1 =	vcvt.f32.s32 v15;
	v0 =	vld.idx.msk [tilespmem:v0+s17+$0x0], $0xffff;
	_ =	sdelay $0x4  }
0x270: {  	v18 =	vld [tilespmem:$0x18990];
	v17 =	vtrunc.f32 v16;
	[tilespmem:$0x198E0] =	vst v0  }
0x271: {  	v0 =	vcvt.f32.s32 v17;
	v1 =	vld.idx.msk [tilespmem:v1+s17+$0x0], $0xffff;
	_ =	sdelay $0x4  }
0x272: {  	v20 =	vld [tilespmem:$0x189A0];
	v19 =	vtrunc.f32 v18;
	[tilespmem:$0x198F0] =	vst v1  }
0x273: {  	v1 =	vcvt.f32.s32 v19;
	v0 =	vld.idx.msk [tilespmem:v0+s17+$0x0], $0xffff;
	_ =	sdelay $0x4  }
0x274: {  	v22 =	vld [tilespmem:$0x189B0];
	v21 =	vtrunc.f32 v20;
	[tilespmem:$0x19980] =	vst v0  }
0x275: {  	v0 =	vcvt.f32.s32 v21;
	v1 =	vld.idx.msk [tilespmem:v1+s17+$0x0], $0xffff;
	_ =	sdelay $0x4  }
0x276: {  	v24 =	vld [tilespmem:$0x189C0];
	v23 =	vtrunc.f32 v22;
	[tilespmem:$0x19990] =	vst v1  }
0x277: {  	v1 =	vcvt.f32.s32 v23;
	v0 =	vld.idx.msk [tilespmem:v0+s17+$0x0], $0xffff;
	_ =	sdelay $0x4  }
0x278: {  	v26 =	vld [tilespmem:$0x189D0];
	v25 =	vtrunc.f32 v24;
	[tilespmem:$0x199A0] =	vst v0  }
0x279: {  	v0 =	vcvt.f32.s32 v25;
	v1 =	vld.idx.msk [tilespmem:v1+s17+$0x0], $0xffff;
	_ =	sdelay $0x4  }
0x27a: {  	v28 =	vld [tilespmem:$0x189E0];
	v27 =	vtrunc.f32 v26;
	[tilespmem:$0x199B0] =	vst v1  }
0x27b: {  	v1 =	vcvt.f32.s32 v27;
	v0 =	vld.idx.msk [tilespmem:v0+s17+$0x0], $0xffff;
	_ =	sdelay $0x4  }
0x27c: {  	v30 =	vld [tilespmem:$0x189F0];
	v29 =	vtrunc.f32 v28;
	[tilespmem:$0x199C0] =	vst v0  }
0x27d: {  	v0 =	vcvt.f32.s32 v29;
	v1 =	vld.idx.msk [tilespmem:v1+s17+$0x0], $0xffff;
	_ =	sdelay $0x4  }
0x27e: {  	v32 =	vld [tilespmem:$0x18A80];
	v31 =	vtrunc.f32 v30;
	[tilespmem:$0x199D0] =	vst v1  }
0x27f: {  	v1 =	vcvt.f32.s32 v31;
	v0 =	vld.idx.msk [tilespmem:v0+s17+$0x0], $0xffff;
	_ =	sdelay $0x4  }
0x280: {  	v34 =	vld [tilespmem:$0x18A90];
	v33 =	vtrunc.f32 v32;
	[tilespmem:$0x199E0] =	vst v0  }
0x281: {  	v0 =	vcvt.f32.s32 v33;
	v1 =	vld.idx.msk [tilespmem:v1+s17+$0x0], $0xffff;
	_ =	sdelay $0x4  }
0x282: {  	v36 =	vld [tilespmem:$0x18AA0];
	v35 =	vtrunc.f32 v34;
	[tilespmem:$0x199F0] =	vst v1  }
0x283: {  	v1 =	vcvt.f32.s32 v35;
	v0 =	vld.idx.msk [tilespmem:v0+s17+$0x0], $0xffff;
	_ =	sdelay $0x4  }
0x284: {  	v38 =	vld [tilespmem:$0x18AB0];
	v37 =	vtrunc.f32 v36;
	[tilespmem:$0x19A80] =	vst v0  }
0x285: {  	v0 =	vcvt.f32.s32 v37;
	v1 =	vld.idx.msk [tilespmem:v1+s17+$0x0], $0xffff;
	_ =	sdelay $0x4  }
0x286: {  	v40 =	vld [tilespmem:$0x18AC0];
	v39 =	vtrunc.f32 v38;
	[tilespmem:$0x19A90] =	vst v1  }
0x287: {  	v1 =	vcvt.f32.s32 v39;
	v0 =	vld.idx.msk [tilespmem:v0+s17+$0x0], $0xffff;
	_ =	sdelay $0x4  }
0x288: {  	v42 =	vld [tilespmem:$0x18AD0];
	v41 =	vtrunc.f32 v40;
	[tilespmem:$0x19AA0] =	vst v0  }
0x289: {  	v0 =	vcvt.f32.s32 v41;
	v1 =	vld.idx.msk [tilespmem:v1+s17+$0x0], $0xffff;
	_ =	sdelay $0x4  }
0x28a: {  	v44 =	vld [tilespmem:$0x18AE0];
	v43 =	vtrunc.f32 v42;
	[tilespmem:$0x19AB0] =	vst v1  }
0x28b: {  	v1 =	vcvt.f32.s32 v43;
	v0 =	vld.idx.msk [tilespmem:v0+s17+$0x0], $0xffff;
	_ =	sdelay $0x4  }
0x28c: {  	v46 =	vld [tilespmem:$0x18AF0];
	v45 =	vtrunc.f32 v44;
	[tilespmem:$0x19AC0] =	vst v0  }
0x28d: {  	v0 =	vcvt.f32.s32 v45;
	v1 =	vld.idx.msk [tilespmem:v1+s17+$0x0], $0xffff;
	_ =	sdelay $0x4  }
0x28e: {  	v48 =	vld [tilespmem:$0x18B80];
	v47 =	vtrunc.f32 v46;
	[tilespmem:$0x19AD0] =	vst v1  }
0x28f: {  	v1 =	vcvt.f32.s32 v47;
	v0 =	vld.idx.msk [tilespmem:v0+s17+$0x0], $0xffff;
	_ =	sdelay $0x4  }
0x290: {  	v50 =	vld [tilespmem:$0x18B90];
	v49 =	vtrunc.f32 v48;
	[tilespmem:$0x19AE0] =	vst v0  }
0x291: {  	v0 =	vcvt.f32.s32 v49;
	v1 =	vld.idx.msk [tilespmem:v1+s17+$0x0], $0xffff;
	_ =	sdelay $0x4  }
0x292: {  	v52 =	vld [tilespmem:$0x18BA0];
	v51 =	vtrunc.f32 v50;
	[tilespmem:$0x19AF0] =	vst v1  }
0x293: {  	v1 =	vcvt.f32.s32 v51;
	v0 =	vld.idx.msk [tilespmem:v0+s17+$0x0], $0xffff;
	_ =	sdelay $0x4  }
0x294: {  	v54 =	vld [tilespmem:$0x18BB0];
	v53 =	vtrunc.f32 v52;
	[tilespmem:$0x19B80] =	vst v0  }
0x295: {  	v0 =	vcvt.f32.s32 v53;
	v1 =	vld.idx.msk [tilespmem:v1+s17+$0x0], $0xffff;
	_ =	sdelay $0x4  }
0x296: {  	v56 =	vld [tilespmem:$0x18BC0];
	v55 =	vtrunc.f32 v54;
	[tilespmem:$0x19B90] =	vst v1  }
0x297: {  	v1 =	vcvt.f32.s32 v55;
	v0 =	vld.idx.msk [tilespmem:v0+s17+$0x0], $0xffff;
	_ =	sdelay $0x4  }
0x298: {  	v57 =	vtrunc.f32 v56;
	[tilespmem:$0x19BA0] =	vst v0  }
0x299: {  	v0 =	vcvt.f32.s32 v57;
	v1 =	vld.idx.msk [tilespmem:v1+s17+$0x0], $0xffff;
	_ =	sdelay $0x4  }
0x29a: {  	v58 =	vld [tilespmem:$0x18BD0];
	[tilespmem:$0x19BB0] =	vst v1  }
0x29b: {  	v0 =	vld.idx.msk [tilespmem:v0+s17+$0x0], $0xffff;
	_ =	sdelay $0x4  }
0x29c: {  	[tilespmem:$0x19BC0] =	vst v0;
	v0 =	vtrunc.f32 v58  }
0x29d: {  	v59 =	vld [tilespmem:$0x18BE0];
	v0 =	vcvt.f32.s32 v0;
	_ =	sdelay $0x4  }
0x29e: {  	v60 =	vld [tilespmem:$0x18BF0];
	v1 =	vtrunc.f32 v59  }
0x29f: {  	v1 =	vcvt.f32.s32 v1;
	v0 =	vld.idx.msk [tilespmem:v0+s17+$0x0], $0xffff;
	_ =	sdelay $0x4  }
0x2a0: {  	v62 =	vld [tilespmem:$0x18C80];
	v61 =	vtrunc.f32 v60;
	[tilespmem:$0x19BD0] =	vst v0  }
0x2a1: {  	v0 =	vcvt.f32.s32 v61;
	v1 =	vld.idx.msk [tilespmem:v1+s17+$0x0], $0xffff;
	_ =	sdelay $0x4  }
0x2a2: {  	v63 =	vtrunc.f32 v62;
	[tilespmem:$0x19BE0] =	vst v1  }
0x2a3: {  	v1 =	vcvt.f32.s32 v63;
	v0 =	vld.idx.msk [tilespmem:v0+s17+$0x0], $0xffff  }
0x2a4: {  	v4 =	vld [tilespmem:$0x18C90];
	_ =	sdelay $0x3  }
0x2a5: {  	[tilespmem:$0x19BF0] =	vst v0  }
0x2a6: {  	v5 =	vtrunc.f32 v4;
	v1 =	vld.idx.msk [tilespmem:v1+s17+$0x0], $0xffff  }
0x2a7: {  	v0 =	vcvt.f32.s32 v5;
	v6 =	vld [tilespmem:$0x18CA0];
	_ =	sdelay $0x4  }
0x2a8: {  	v8 =	vld [tilespmem:$0x18CB0];
	[tilespmem:$0x19C80] =	vst v1;
	v7 =	vtrunc.f32 v6  }
0x2a9: {  	v0 =	vld.idx.msk [tilespmem:v0+s17+$0x0], $0xffff;
	v1 =	vcvt.f32.s32 v7;
	_ =	sdelay $0x4  }
0x2aa: {  	v10 =	vld [tilespmem:$0x18CC0];
	v9 =	vtrunc.f32 v8;
	[tilespmem:$0x19C90] =	vst v0  }
0x2ab: {  	v0 =	vcvt.f32.s32 v9;
	v1 =	vld.idx.msk [tilespmem:v1+s17+$0x0], $0xffff;
	_ =	sdelay $0x4  }
0x2ac: {  	v12 =	vld [tilespmem:$0x18CD0];
	v11 =	vtrunc.f32 v10;
	[tilespmem:$0x19CA0] =	vst v1  }
0x2ad: {  	v1 =	vcvt.f32.s32 v11;
	v0 =	vld.idx.msk [tilespmem:v0+s17+$0x0], $0xffff;
	_ =	sdelay $0x4  }
0x2ae: {  	v14 =	vld [tilespmem:$0x18CE0];
	v13 =	vtrunc.f32 v12;
	[tilespmem:$0x19CB0] =	vst v0  }
0x2af: {  	v0 =	vcvt.f32.s32 v13;
	v1 =	vld.idx.msk [tilespmem:v1+s17+$0x0], $0xffff;
	_ =	sdelay $0x4  }
0x2b0: {  	v16 =	vld [tilespmem:$0x18CF0];
	v15 =	vtrunc.f32 v14;
	[tilespmem:$0x19CC0] =	vst v1  }
0x2b1: {  	v1 =	vcvt.f32.s32 v15;
	v0 =	vld.idx.msk [tilespmem:v0+s17+$0x0], $0xffff;
	_ =	sdelay $0x4  }
0x2b2: {  	v18 =	vld [tilespmem:$0x18D80];
	v17 =	vtrunc.f32 v16;
	[tilespmem:$0x19CD0] =	vst v0  }
0x2b3: {  	v0 =	vcvt.f32.s32 v17;
	v1 =	vld.idx.msk [tilespmem:v1+s17+$0x0], $0xffff;
	_ =	sdelay $0x4  }
0x2b4: {  	v20 =	vld [tilespmem:$0x18D90];
	v19 =	vtrunc.f32 v18;
	[tilespmem:$0x19CE0] =	vst v1  }
0x2b5: {  	v1 =	vcvt.f32.s32 v19;
	v0 =	vld.idx.msk [tilespmem:v0+s17+$0x0], $0xffff;
	_ =	sdelay $0x4  }
0x2b6: {  	v22 =	vld [tilespmem:$0x18DA0];
	v21 =	vtrunc.f32 v20;
	[tilespmem:$0x19CF0] =	vst v0  }
0x2b7: {  	v0 =	vcvt.f32.s32 v21;
	v1 =	vld.idx.msk [tilespmem:v1+s17+$0x0], $0xffff;
	_ =	sdelay $0x4  }
0x2b8: {  	v24 =	vld [tilespmem:$0x18DB0];
	v23 =	vtrunc.f32 v22;
	[tilespmem:$0x19D80] =	vst v1  }
0x2b9: {  	v1 =	vcvt.f32.s32 v23;
	v0 =	vld.idx.msk [tilespmem:v0+s17+$0x0], $0xffff;
	_ =	sdelay $0x4  }
0x2ba: {  	v26 =	vld [tilespmem:$0x18DC0];
	v25 =	vtrunc.f32 v24;
	[tilespmem:$0x19D90] =	vst v0  }
0x2bb: {  	v0 =	vcvt.f32.s32 v25;
	v1 =	vld.idx.msk [tilespmem:v1+s17+$0x0], $0xffff;
	_ =	sdelay $0x4  }
0x2bc: {  	v28 =	vld [tilespmem:$0x18DD0];
	v27 =	vtrunc.f32 v26;
	[tilespmem:$0x19DA0] =	vst v1  }
0x2bd: {  	v1 =	vcvt.f32.s32 v27;
	v0 =	vld.idx.msk [tilespmem:v0+s17+$0x0], $0xffff;
	_ =	sdelay $0x4  }
0x2be: {  	v30 =	vld [tilespmem:$0x18DE0];
	v29 =	vtrunc.f32 v28;
	[tilespmem:$0x19DB0] =	vst v0  }
0x2bf: {  	v0 =	vcvt.f32.s32 v29;
	v1 =	vld.idx.msk [tilespmem:v1+s17+$0x0], $0xffff;
	_ =	sdelay $0x4  }
0x2c0: {  	v32 =	vld [tilespmem:$0x18DF0];
	v31 =	vtrunc.f32 v30;
	[tilespmem:$0x19DC0] =	vst v1  }
0x2c1: {  	v1 =	vcvt.f32.s32 v31;
	v0 =	vld.idx.msk [tilespmem:v0+s17+$0x0], $0xffff;
	_ =	sdelay $0x4  }
0x2c2: {  	v34 =	vld [tilespmem:$0x18E80];
	v33 =	vtrunc.f32 v32;
	[tilespmem:$0x19DD0] =	vst v0  }
0x2c3: {  	v0 =	vcvt.f32.s32 v33;
	v1 =	vld.idx.msk [tilespmem:v1+s17+$0x0], $0xffff;
	_ =	sdelay $0x4  }
0x2c4: {  	v36 =	vld [tilespmem:$0x18E90];
	v35 =	vtrunc.f32 v34;
	[tilespmem:$0x19DE0] =	vst v1  }
0x2c5: {  	v1 =	vcvt.f32.s32 v35;
	v0 =	vld.idx.msk [tilespmem:v0+s17+$0x0], $0xffff;
	_ =	sdelay $0x4  }
0x2c6: {  	v38 =	vld [tilespmem:$0x18EA0];
	v37 =	vtrunc.f32 v36;
	[tilespmem:$0x19DF0] =	vst v0  }
0x2c7: {  	v0 =	vcvt.f32.s32 v37;
	v1 =	vld.idx.msk [tilespmem:v1+s17+$0x0], $0xffff;
	_ =	sdelay $0x4  }
0x2c8: {  	v40 =	vld [tilespmem:$0x18EB0];
	v39 =	vtrunc.f32 v38;
	[tilespmem:$0x19E80] =	vst v1  }
0x2c9: {  	v1 =	vcvt.f32.s32 v39;
	v0 =	vld.idx.msk [tilespmem:v0+s17+$0x0], $0xffff;
	_ =	sdelay $0x4  }
0x2ca: {  	v42 =	vld [tilespmem:$0x18EC0];
	v41 =	vtrunc.f32 v40;
	[tilespmem:$0x19E90] =	vst v0  }
0x2cb: {  	v0 =	vcvt.f32.s32 v41;
	v1 =	vld.idx.msk [tilespmem:v1+s17+$0x0], $0xffff;
	_ =	sdelay $0x4  }
0x2cc: {  	v44 =	vld [tilespmem:$0x18ED0];
	v43 =	vtrunc.f32 v42;
	[tilespmem:$0x19EA0] =	vst v1  }
0x2cd: {  	v1 =	vcvt.f32.s32 v43;
	v0 =	vld.idx.msk [tilespmem:v0+s17+$0x0], $0xffff;
	_ =	sdelay $0x4  }
0x2ce: {  	v46 =	vld [tilespmem:$0x18EE0];
	v45 =	vtrunc.f32 v44;
	[tilespmem:$0x19EB0] =	vst v0  }
0x2cf: {  	v0 =	vcvt.f32.s32 v45;
	v1 =	vld.idx.msk [tilespmem:v1+s17+$0x0], $0xffff;
	_ =	sdelay $0x4  }
0x2d0: {  	v48 =	vld [tilespmem:$0x18EF0];
	v47 =	vtrunc.f32 v46;
	[tilespmem:$0x19EC0] =	vst v1  }
0x2d1: {  	v1 =	vcvt.f32.s32 v47;
	v0 =	vld.idx.msk [tilespmem:v0+s17+$0x0], $0xffff;
	_ =	sdelay $0x4  }
0x2d2: {  	v49 =	vtrunc.f32 v48;
	[tilespmem:$0x19ED0] =	vst v0  }
0x2d3: {  	v0 =	vcvt.f32.s32 v49;
	v1 =	vld.idx.msk [tilespmem:v1+s17+$0x0], $0xffff;
	_ =	sdelay $0x4  }
0x2d4: {  	[tilespmem:$0x19EE0] =	vst v1  }
0x2d5: {  	[dreg:$0x16] =	wrdreg s11;
	v0 =	vld.idx.msk [tilespmem:v0+s17+$0x0], $0xffff  }
0x2d6: {  	s11 =	sshll.u32 s11, $0xF;
	s15 =	rddreg [dreg:$0x9]  }
0x2d7: {  	s2 =	rddreg [dreg:$0x4];
	s11 =	sor.u32 s15, s11  }
0x2d8: {  	s0 =	sor.u32 s2, s11  }
0x2d9: {  	s0 =	sshrl.u32 s0, $0x3  }
0x2da: {  	s0 =	sadd.s32 s18, s0;
	[tilespmem:$0x19EF0] =	vst v0  }
0x2db: {  	[hbm4b:s0+s19] =	stream.strided.scatter [tilespmem:s6], [sflag:$0x4], $0x100, s31, s19, $0x38;
	[tilespmem:$0x1A700] =	vst v63  }
0x2dc: {  	s6 =	sadd.s32 $0x80, s0  }
0x2dd: {  	[hbm4b:s6+s19] =	stream.strided.scatter [tilespmem:s8], [sflag:$0x4], $0x100, s31, s19, $0x38;
	[tilespmem:$0x1A700] =	vst v63  }
0x2de: {  	s8 =	sadd.s32 $0x100, s0  }
0x2df: {  	[hbm4b:s8+s19] =	stream.strided.scatter [tilespmem:s12], [sflag:$0x4], $0x100, s31, s19, $0x38;
	[tilespmem:$0x1A700] =	vst v63  }
0x2e0: {  	s12 =	sadd.s32 $0x180, s0  }
0x2e1: {  	[hbm4b:s12+s19] =	stream.strided.scatter [tilespmem:s13], [sflag:$0x4], $0x100, s31, s19, $0x38;
	[tilespmem:$0x1A700] =	vst v63  }
0x2e2: {  	s13 =	sadd.s32 $0x200, s0  }
0x2e3: {  	[hbm4b:s13+s19] =	stream.strided.scatter [tilespmem:s21], [sflag:$0x4], $0x100, s31, s19, $0x38;
	[tilespmem:$0x1A700] =	vst v63  }
0x2e4: {  	s15 =	sadd.s32 $0x280, s0  }
0x2e5: {  	[hbm4b:s15+s19] =	stream.strided.scatter [tilespmem:s22], [sflag:$0x4], $0x100, s31, s19, $0x38;
	[tilespmem:$0x1A700] =	vst v63  }
0x2e6: {  	s21 =	sadd.s32 $0x300, s0;
	s22 =	simm.s32 $0x19D00  }
0x2e7: {  	[hbm4b:s21+s19] =	stream.strided.scatter [tilespmem:s22], [sflag:$0x4], $0x100, s31, s19, $0x38;
	[tilespmem:$0x1A700] =	vst v63  }
0x2e8: {  	s8 =	simm.s32 $0x19E00;
	s12 =	rddreg [dreg:$0xa];
	s0 =	sadd.s32 $0x380, s0  }
0x2e9: {  	[hbm4b:s0+s19] =	stream.strided.scatter [tilespmem:s8], [sflag:$0x4], $0x100, s31, s19, $0x38;
	[tilespmem:$0x1A700] =	vst v63  }
0x2ea: {  	s0 =	sadd.s32 s10, s12  }
0x2eb: {  	[tilespmem:s1], [sflag:$0x2] =	stream.strided.gather [hbm4b:s0+s19], $0x100, s20, s19, $0x38;
	[tilespmem:$0x1A700] =	vst v63  }
0x2ec: {  	s13 =	sadd.s32 $0x80, s0  }
0x2ed: {  	[tilespmem:s4], [sflag:$0x2] =	stream.strided.gather [hbm4b:s13+s19], $0x100, s20, s19, $0x38;
	[tilespmem:$0x1A700] =	vst v63  }
0x2ee: {  	s15 =	sadd.s32 $0x100, s0  }
0x2ef: {  	[tilespmem:s23], [sflag:$0x2] =	stream.strided.gather [hbm4b:s15+s19], $0x100, s20, s19, $0x38;
	[tilespmem:$0x1A700] =	vst v63  }
0x2f0: {  	s21 =	sadd.s32 $0x180, s0  }
0x2f1: {  	[tilespmem:s24], [sflag:$0x2] =	stream.strided.gather [hbm4b:s21+s19], $0x100, s20, s19, $0x38;
	[tilespmem:$0x1A700] =	vst v63  }
0x2f2: {  	s22 =	sadd.s32 $0x200, s0  }
0x2f3: {  	[tilespmem:s25], [sflag:$0x2] =	stream.strided.gather [hbm4b:s22+s19], $0x100, s20, s19, $0x38;
	[tilespmem:$0x1A700] =	vst v63  }
0x2f4: {  	s23 =	sadd.s32 $0x280, s0  }
0x2f5: {  	[tilespmem:s26], [sflag:$0x2] =	stream.strided.gather [hbm4b:s23+s19], $0x100, s20, s19, $0x38;
	[tilespmem:$0x1A700] =	vst v63  }
0x2f6: {  	s1 =	sadd.s32 $0x300, s0  }
0x2f7: {  	[tilespmem:s28], [sflag:$0x2] =	stream.strided.gather [hbm4b:s1+s19], $0x100, s20, s19, $0x38;
	[tilespmem:$0x1A700] =	vst v63  }
0x2f8: {  	s0 =	sadd.s32 $0x380, s0  }
0x2f9: {  	[tilespmem:s29], [sflag:$0x2] =	stream.strided.gather [hbm4b:s0+s19], $0x100, s20, s19, $0x38;
	[tilespmem:$0x1A700] =	vst v63  }
0x2fa: {  	_ =	swait.ge [sflag:s16], $0x800  }
0x2fb: {  	[sflag:s16] =	ssyncset.done $0x0  }
0x2fc: {  	[sflag:s16] =	ssyncadd.s32 $0xFFFFF800  }
0x2fd: {  	v50 =	vld [tilespmem:$0x18F00];
	_ =	sdelay $0x4  }
0x2fe: {  	v0 =	vtrunc.f32 v50  }
0x2ff: {  	v51 =	vld [tilespmem:$0x18F10];
	v0 =	vcvt.f32.s32 v0;
	_ =	sdelay $0x4  }
0x300: {  	v52 =	vld [tilespmem:$0x18F20];
	v1 =	vtrunc.f32 v51  }
0x301: {  	v1 =	vcvt.f32.s32 v1;
	v0 =	vld.idx.msk [tilespmem:v0+s17+$0x0], $0xffff;
	_ =	sdelay $0x4  }
0x302: {  	v54 =	vld [tilespmem:$0x18F30];
	v53 =	vtrunc.f32 v52;
	[tilespmem:$0x19F00] =	vst v0  }
0x303: {  	v0 =	vld.idx.msk [tilespmem:v1+s17+$0x0], $0xffff;
	v1 =	vcvt.f32.s32 v53;
	_ =	sdelay $0x4  }
0x304: {  	v56 =	vld [tilespmem:$0x18F40];
	v55 =	vtrunc.f32 v54;
	[tilespmem:$0x19F10] =	vst v0  }
0x305: {  	v0 =	vcvt.f32.s32 v55;
	v1 =	vld.idx.msk [tilespmem:v1+s17+$0x0], $0xffff;
	_ =	sdelay $0x4  }
0x306: {  	v58 =	vld [tilespmem:$0x18F50];
	v57 =	vtrunc.f32 v56;
	[tilespmem:$0x19F20] =	vst v1  }
0x307: {  	v1 =	vcvt.f32.s32 v57;
	v0 =	vld.idx.msk [tilespmem:v0+s17+$0x0], $0xffff;
	_ =	sdelay $0x4  }
0x308: {  	v60 =	vld [tilespmem:$0x18F60];
	v59 =	vtrunc.f32 v58;
	[tilespmem:$0x19F30] =	vst v0  }
0x309: {  	v0 =	vcvt.f32.s32 v59;
	v1 =	vld.idx.msk [tilespmem:v1+s17+$0x0], $0xffff;
	_ =	sdelay $0x4  }
0x30a: {  	v62 =	vld [tilespmem:$0x18F70];
	v61 =	vtrunc.f32 v60;
	[tilespmem:$0x19F40] =	vst v1  }
0x30b: {  	v1 =	vcvt.f32.s32 v61;
	v0 =	vld.idx.msk [tilespmem:v0+s17+$0x0], $0xffff;
	_ =	sdelay $0x4  }
0x30c: {  	v4 =	vld [tilespmem:$0x19000];
	v63 =	vtrunc.f32 v62;
	[tilespmem:$0x19F50] =	vst v0  }
0x30d: {  	v0 =	vcvt.f32.s32 v63;
	v1 =	vld.idx.msk [tilespmem:v1+s17+$0x0], $0xffff;
	_ =	sdelay $0x4  }
0x30e: {  	v6 =	vld [tilespmem:$0x19010];
	v5 =	vtrunc.f32 v4;
	[tilespmem:$0x19F60] =	vst v1  }
0x30f: {  	v1 =	vcvt.f32.s32 v5;
	v0 =	vld.idx.msk [tilespmem:v0+s17+$0x0], $0xffff;
	_ =	sdelay $0x4  }
0x310: {  	v8 =	vld [tilespmem:$0x19020];
	v7 =	vtrunc.f32 v6;
	[tilespmem:$0x19F70] =	vst v0  }
0x311: {  	v0 =	vcvt.f32.s32 v7;
	v1 =	vld.idx.msk [tilespmem:v1+s17+$0x0], $0xffff;
	_ =	sdelay $0x4  }
0x312: {  	v10 =	vld [tilespmem:$0x19030];
	v9 =	vtrunc.f32 v8;
	[tilespmem:$0x1A000] =	vst v1  }
0x313: {  	v1 =	vcvt.f32.s32 v9;
	v0 =	vld.idx.msk [tilespmem:v0+s17+$0x0], $0xffff;
	_ =	sdelay $0x4  }
0x314: {  	v12 =	vld [tilespmem:$0x19040];
	v11 =	vtrunc.f32 v10;
	[tilespmem:$0x1A010] =	vst v0  }
0x315: {  	v0 =	vcvt.f32.s32 v11;
	v1 =	vld.idx.msk [tilespmem:v1+s17+$0x0], $0xffff;
	_ =	sdelay $0x4  }
0x316: {  	v14 =	vld [tilespmem:$0x19050];
	v13 =	vtrunc.f32 v12;
	[tilespmem:$0x1A020] =	vst v1  }
0x317: {  	v1 =	vcvt.f32.s32 v13;
	v0 =	vld.idx.msk [tilespmem:v0+s17+$0x0], $0xffff;
	_ =	sdelay $0x4  }
0x318: {  	v16 =	vld [tilespmem:$0x19060];
	v15 =	vtrunc.f32 v14;
	[tilespmem:$0x1A030] =	vst v0  }
0x319: {  	v0 =	vcvt.f32.s32 v15;
	v1 =	vld.idx.msk [tilespmem:v1+s17+$0x0], $0xffff;
	_ =	sdelay $0x4  }
0x31a: {  	v18 =	vld [tilespmem:$0x19070];
	v17 =	vtrunc.f32 v16;
	[tilespmem:$0x1A040] =	vst v1  }
0x31b: {  	v1 =	vcvt.f32.s32 v17;
	v0 =	vld.idx.msk [tilespmem:v0+s17+$0x0], $0xffff;
	_ =	sdelay $0x4  }
0x31c: {  	v20 =	vld [tilespmem:$0x19100];
	v19 =	vtrunc.f32 v18;
	[tilespmem:$0x1A050] =	vst v0  }
0x31d: {  	v0 =	vcvt.f32.s32 v19;
	v1 =	vld.idx.msk [tilespmem:v1+s17+$0x0], $0xffff;
	_ =	sdelay $0x4  }
0x31e: {  	v22 =	vld [tilespmem:$0x19110];
	v21 =	vtrunc.f32 v20;
	[tilespmem:$0x1A060] =	vst v1  }
0x31f: {  	v1 =	vcvt.f32.s32 v21;
	v0 =	vld.idx.msk [tilespmem:v0+s17+$0x0], $0xffff;
	_ =	sdelay $0x4  }
0x320: {  	v24 =	vld [tilespmem:$0x19120];
	v23 =	vtrunc.f32 v22;
	[tilespmem:$0x1A070] =	vst v0  }
0x321: {  	v0 =	vcvt.f32.s32 v23;
	v1 =	vld.idx.msk [tilespmem:v1+s17+$0x0], $0xffff;
	_ =	sdelay $0x4  }
0x322: {  	v26 =	vld [tilespmem:$0x19130];
	v25 =	vtrunc.f32 v24;
	[tilespmem:$0x1A100] =	vst v1  }
0x323: {  	v1 =	vcvt.f32.s32 v25;
	v0 =	vld.idx.msk [tilespmem:v0+s17+$0x0], $0xffff;
	_ =	sdelay $0x4  }
0x324: {  	v28 =	vld [tilespmem:$0x19140];
	v27 =	vtrunc.f32 v26;
	[tilespmem:$0x1A110] =	vst v0  }
0x325: {  	v0 =	vcvt.f32.s32 v27;
	v1 =	vld.idx.msk [tilespmem:v1+s17+$0x0], $0xffff;
	_ =	sdelay $0x4  }
0x326: {  	v30 =	vld [tilespmem:$0x19150];
	v29 =	vtrunc.f32 v28;
	[tilespmem:$0x1A120] =	vst v1  }
0x327: {  	v1 =	vcvt.f32.s32 v29;
	v0 =	vld.idx.msk [tilespmem:v0+s17+$0x0], $0xffff;
	_ =	sdelay $0x4  }
0x328: {  	v32 =	vld [tilespmem:$0x19160];
	v31 =	vtrunc.f32 v30;
	[tilespmem:$0x1A130] =	vst v0  }
0x329: {  	v0 =	vcvt.f32.s32 v31;
	v1 =	vld.idx.msk [tilespmem:v1+s17+$0x0], $0xffff;
	_ =	sdelay $0x4  }
0x32a: {  	v34 =	vld [tilespmem:$0x19170];
	v33 =	vtrunc.f32 v32;
	[tilespmem:$0x1A140] =	vst v1  }
0x32b: {  	v1 =	vcvt.f32.s32 v33;
	v0 =	vld.idx.msk [tilespmem:v0+s17+$0x0], $0xffff;
	_ =	sdelay $0x4  }
0x32c: {  	v36 =	vld [tilespmem:$0x19200];
	v35 =	vtrunc.f32 v34;
	[tilespmem:$0x1A150] =	vst v0  }
0x32d: {  	v0 =	vcvt.f32.s32 v35;
	v1 =	vld.idx.msk [tilespmem:v1+s17+$0x0], $0xffff;
	_ =	sdelay $0x4  }
0x32e: {  	v38 =	vld [tilespmem:$0x19210];
	v37 =	vtrunc.f32 v36;
	[tilespmem:$0x1A160] =	vst v1  }
0x32f: {  	v1 =	vcvt.f32.s32 v37;
	v0 =	vld.idx.msk [tilespmem:v0+s17+$0x0], $0xffff;
	_ =	sdelay $0x4  }
0x330: {  	v40 =	vld [tilespmem:$0x19220];
	v39 =	vtrunc.f32 v38;
	[tilespmem:$0x1A170] =	vst v0  }
0x331: {  	v0 =	vcvt.f32.s32 v39;
	v1 =	vld.idx.msk [tilespmem:v1+s17+$0x0], $0xffff;
	_ =	sdelay $0x4  }
0x332: {  	v42 =	vld [tilespmem:$0x19230];
	v41 =	vtrunc.f32 v40;
	[tilespmem:$0x1A200] =	vst v1  }
0x333: {  	v1 =	vcvt.f32.s32 v41;
	v0 =	vld.idx.msk [tilespmem:v0+s17+$0x0], $0xffff;
	_ =	sdelay $0x4  }
0x334: {  	v44 =	vld [tilespmem:$0x19240];
	v43 =	vtrunc.f32 v42;
	[tilespmem:$0x1A210] =	vst v0  }
0x335: {  	v0 =	vcvt.f32.s32 v43;
	v1 =	vld.idx.msk [tilespmem:v1+s17+$0x0], $0xffff;
	_ =	sdelay $0x4  }
0x336: {  	v46 =	vld [tilespmem:$0x19250];
	v45 =	vtrunc.f32 v44;
	[tilespmem:$0x1A220] =	vst v1  }
0x337: {  	v1 =	vcvt.f32.s32 v45;
	v0 =	vld.idx.msk [tilespmem:v0+s17+$0x0], $0xffff;
	_ =	sdelay $0x4  }
0x338: {  	v48 =	vld [tilespmem:$0x19260];
	v47 =	vtrunc.f32 v46;
	[tilespmem:$0x1A230] =	vst v0  }
0x339: {  	v0 =	vcvt.f32.s32 v47;
	v1 =	vld.idx.msk [tilespmem:v1+s17+$0x0], $0xffff;
	_ =	sdelay $0x4  }
0x33a: {  	v49 =	vtrunc.f32 v48;
	v50 =	vld [tilespmem:$0x19270];
	[tilespmem:$0x1A240] =	vst v1  }
0x33b: {  	v1 =	vcvt.f32.s32 v49;
	v0 =	vld.idx.msk [tilespmem:v0+s17+$0x0], $0xffff;
	_ =	sdelay $0x4  }
0x33c: {  	v52 =	vld [tilespmem:$0x19300];
	v51 =	vtrunc.f32 v50;
	[tilespmem:$0x1A250] =	vst v0  }
0x33d: {  	v0 =	vcvt.f32.s32 v51;
	v1 =	vld.idx.msk [tilespmem:v1+s17+$0x0], $0xffff;
	_ =	sdelay $0x4  }
0x33e: {  	v54 =	vld [tilespmem:$0x19310];
	v53 =	vtrunc.f32 v52;
	[tilespmem:$0x1A260] =	vst v1  }
0x33f: {  	v1 =	vcvt.f32.s32 v53;
	v0 =	vld.idx.msk [tilespmem:v0+s17+$0x0], $0xffff;
	_ =	sdelay $0x4  }
0x340: {  	v56 =	vld [tilespmem:$0x19320];
	v55 =	vtrunc.f32 v54;
	[tilespmem:$0x1A270] =	vst v0  }
0x341: {  	v0 =	vcvt.f32.s32 v55;
	v1 =	vld.idx.msk [tilespmem:v1+s17+$0x0], $0xffff;
	_ =	sdelay $0x4  }
0x342: {  	v58 =	vld [tilespmem:$0x19330];
	v57 =	vtrunc.f32 v56;
	[tilespmem:$0x1A300] =	vst v1  }
0x343: {  	v1 =	vcvt.f32.s32 v57;
	v0 =	vld.idx.msk [tilespmem:v0+s17+$0x0], $0xffff;
	_ =	sdelay $0x4  }
0x344: {  	v60 =	vld [tilespmem:$0x19340];
	v59 =	vtrunc.f32 v58;
	[tilespmem:$0x1A310] =	vst v0  }
0x345: {  	v0 =	vcvt.f32.s32 v59;
	v1 =	vld.idx.msk [tilespmem:v1+s17+$0x0], $0xffff;
	_ =	sdelay $0x4  }
0x346: {  	v62 =	vld [tilespmem:$0x19350];
	v61 =	vtrunc.f32 v60;
	[tilespmem:$0x1A320] =	vst v1  }
0x347: {  	v1 =	vcvt.f32.s32 v61;
	v0 =	vld.idx.msk [tilespmem:v0+s17+$0x0], $0xffff;
	_ =	sdelay $0x4  }
0x348: {  	v4 =	vld [tilespmem:$0x19360];
	v63 =	vtrunc.f32 v62;
	[tilespmem:$0x1A330] =	vst v0  }
0x349: {  	v0 =	vcvt.f32.s32 v63;
	v1 =	vld.idx.msk [tilespmem:v1+s17+$0x0], $0xffff;
	_ =	sdelay $0x4  }
0x34a: {  	v6 =	vld [tilespmem:$0x19370];
	v5 =	vtrunc.f32 v4;
	[tilespmem:$0x1A340] =	vst v1  }
0x34b: {  	v1 =	vcvt.f32.s32 v5;
	v0 =	vld.idx.msk [tilespmem:v0+s17+$0x0], $0xffff;
	_ =	sdelay $0x4  }
0x34c: {  	v8 =	vld [tilespmem:$0x19400];
	v7 =	vtrunc.f32 v6;
	[tilespmem:$0x1A350] =	vst v0  }
0x34d: {  	v0 =	vcvt.f32.s32 v7;
	v1 =	vld.idx.msk [tilespmem:v1+s17+$0x0], $0xffff;
	_ =	sdelay $0x4  }
0x34e: {  	v10 =	vld [tilespmem:$0x19410];
	v9 =	vtrunc.f32 v8;
	[tilespmem:$0x1A360] =	vst v1  }
0x34f: {  	v1 =	vcvt.f32.s32 v9;
	v0 =	vld.idx.msk [tilespmem:v0+s17+$0x0], $0xffff;
	_ =	sdelay $0x4  }
0x350: {  	v12 =	vld [tilespmem:$0x19420];
	v11 =	vtrunc.f32 v10;
	[tilespmem:$0x1A370] =	vst v0  }
0x351: {  	v0 =	vcvt.f32.s32 v11;
	v1 =	vld.idx.msk [tilespmem:v1+s17+$0x0], $0xffff;
	_ =	sdelay $0x4  }
0x352: {  	v14 =	vld [tilespmem:$0x19430];
	v13 =	vtrunc.f32 v12;
	[tilespmem:$0x1A400] =	vst v1  }
0x353: {  	v1 =	vcvt.f32.s32 v13;
	v0 =	vld.idx.msk [tilespmem:v0+s17+$0x0], $0xffff;
	_ =	sdelay $0x4  }
0x354: {  	v16 =	vld [tilespmem:$0x19440];
	v15 =	vtrunc.f32 v14;
	[tilespmem:$0x1A410] =	vst v0  }
0x355: {  	v0 =	vcvt.f32.s32 v15;
	v1 =	vld.idx.msk [tilespmem:v1+s17+$0x0], $0xffff;
	_ =	sdelay $0x4  }
0x356: {  	v18 =	vld [tilespmem:$0x19450];
	v17 =	vtrunc.f32 v16;
	[tilespmem:$0x1A420] =	vst v1  }
0x357: {  	v1 =	vcvt.f32.s32 v17;
	v0 =	vld.idx.msk [tilespmem:v0+s17+$0x0], $0xffff;
	_ =	sdelay $0x4  }
0x358: {  	v20 =	vld [tilespmem:$0x19460];
	v19 =	vtrunc.f32 v18;
	[tilespmem:$0x1A430] =	vst v0  }
0x359: {  	v0 =	vcvt.f32.s32 v19;
	v1 =	vld.idx.msk [tilespmem:v1+s17+$0x0], $0xffff;
	_ =	sdelay $0x4  }
0x35a: {  	v22 =	vld [tilespmem:$0x19470];
	v21 =	vtrunc.f32 v20;
	[tilespmem:$0x1A440] =	vst v1  }
0x35b: {  	v1 =	vcvt.f32.s32 v21;
	v0 =	vld.idx.msk [tilespmem:v0+s17+$0x0], $0xffff;
	_ =	sdelay $0x4  }
0x35c: {  	v24 =	vld [tilespmem:$0x19500];
	v23 =	vtrunc.f32 v22;
	[tilespmem:$0x1A450] =	vst v0  }
0x35d: {  	v0 =	vcvt.f32.s32 v23;
	v1 =	vld.idx.msk [tilespmem:v1+s17+$0x0], $0xffff;
	_ =	sdelay $0x4  }
0x35e: {  	v26 =	vld [tilespmem:$0x19510];
	v25 =	vtrunc.f32 v24;
	[tilespmem:$0x1A460] =	vst v1  }
0x35f: {  	v1 =	vcvt.f32.s32 v25;
	v0 =	vld.idx.msk [tilespmem:v0+s17+$0x0], $0xffff;
	_ =	sdelay $0x4  }
0x360: {  	v28 =	vld [tilespmem:$0x19520];
	v27 =	vtrunc.f32 v26;
	[tilespmem:$0x1A470] =	vst v0  }
0x361: {  	v0 =	vcvt.f32.s32 v27;
	v1 =	vld.idx.msk [tilespmem:v1+s17+$0x0], $0xffff;
	_ =	sdelay $0x4  }
0x362: {  	v30 =	vld [tilespmem:$0x19530];
	v29 =	vtrunc.f32 v28;
	[tilespmem:$0x1A500] =	vst v1  }
0x363: {  	v1 =	vcvt.f32.s32 v29;
	v0 =	vld.idx.msk [tilespmem:v0+s17+$0x0], $0xffff;
	_ =	sdelay $0x4  }
0x364: {  	v32 =	vld [tilespmem:$0x19540];
	v31 =	vtrunc.f32 v30;
	[tilespmem:$0x1A510] =	vst v0  }
0x365: {  	v0 =	vcvt.f32.s32 v31;
	v1 =	vld.idx.msk [tilespmem:v1+s17+$0x0], $0xffff;
	_ =	sdelay $0x4  }
0x366: {  	v34 =	vld [tilespmem:$0x19550];
	v33 =	vtrunc.f32 v32;
	[tilespmem:$0x1A520] =	vst v1  }
0x367: {  	v1 =	vcvt.f32.s32 v33;
	v0 =	vld.idx.msk [tilespmem:v0+s17+$0x0], $0xffff;
	_ =	sdelay $0x4  }
0x368: {  	v36 =	vld [tilespmem:$0x19560];
	v35 =	vtrunc.f32 v34;
	[tilespmem:$0x1A530] =	vst v0  }
0x369: {  	v0 =	vcvt.f32.s32 v35;
	v1 =	vld.idx.msk [tilespmem:v1+s17+$0x0], $0xffff;
	_ =	sdelay $0x4  }
0x36a: {  	v38 =	vld [tilespmem:$0x19570];
	v37 =	vtrunc.f32 v36;
	[tilespmem:$0x1A540] =	vst v1  }
0x36b: {  	v1 =	vcvt.f32.s32 v37;
	v0 =	vld.idx.msk [tilespmem:v0+s17+$0x0], $0xffff;
	_ =	sdelay $0x4  }
0x36c: {  	v40 =	vld [tilespmem:$0x19600];
	v39 =	vtrunc.f32 v38;
	[tilespmem:$0x1A550] =	vst v0  }
0x36d: {  	v0 =	vcvt.f32.s32 v39;
	v1 =	vld.idx.msk [tilespmem:v1+s17+$0x0], $0xffff;
	_ =	sdelay $0x4  }
0x36e: {  	v42 =	vld [tilespmem:$0x19610];
	v41 =	vtrunc.f32 v40;
	[tilespmem:$0x1A560] =	vst v1  }
0x36f: {  	v1 =	vcvt.f32.s32 v41;
	v0 =	vld.idx.msk [tilespmem:v0+s17+$0x0], $0xffff;
	_ =	sdelay $0x4  }
0x370: {  	v44 =	vld [tilespmem:$0x19620];
	v43 =	vtrunc.f32 v42;
	[tilespmem:$0x1A570] =	vst v0  }
0x371: {  	v0 =	vcvt.f32.s32 v43;
	v1 =	vld.idx.msk [tilespmem:v1+s17+$0x0], $0xffff;
	_ =	sdelay $0x4  }
0x372: {  	v46 =	vld [tilespmem:$0x19630];
	v45 =	vtrunc.f32 v44;
	[tilespmem:$0x1A600] =	vst v1  }
0x373: {  	v1 =	vcvt.f32.s32 v45;
	v0 =	vld.idx.msk [tilespmem:v0+s17+$0x0], $0xffff;
	_ =	sdelay $0x4  }
0x374: {  	v48 =	vld [tilespmem:$0x19640];
	v47 =	vtrunc.f32 v46;
	[tilespmem:$0x1A610] =	vst v0  }
0x375: {  	v0 =	vcvt.f32.s32 v47;
	v1 =	vld.idx.msk [tilespmem:v1+s17+$0x0], $0xffff;
	_ =	sdelay $0x4  }
0x376: {  	v50 =	vld [tilespmem:$0x19650];
	v49 =	vtrunc.f32 v48;
	[tilespmem:$0x1A620] =	vst v1  }
0x377: {  	v1 =	vcvt.f32.s32 v49;
	v0 =	vld.idx.msk [tilespmem:v0+s17+$0x0], $0xffff;
	_ =	sdelay $0x4  }
0x378: {  	v52 =	vld [tilespmem:$0x19660];
	v51 =	vtrunc.f32 v50;
	[tilespmem:$0x1A630] =	vst v0  }
0x379: {  	v0 =	vcvt.f32.s32 v51;
	v1 =	vld.idx.msk [tilespmem:v1+s17+$0x0], $0xffff;
	_ =	sdelay $0x4  }
0x37a: {  	v54 =	vld [tilespmem:$0x19670];
	v53 =	vtrunc.f32 v52;
	[tilespmem:$0x1A640] =	vst v1  }
0x37b: {  	v1 =	vcvt.f32.s32 v53;
	v0 =	vld.idx.msk [tilespmem:v0+s17+$0x0], $0xffff;
	_ =	sdelay $0x4  }
0x37c: {  	v56 =	vld [tilespmem:$0x18F80];
	v55 =	vtrunc.f32 v54;
	[tilespmem:$0x1A650] =	vst v0  }
0x37d: {  	v0 =	vcvt.f32.s32 v55;
	v1 =	vld.idx.msk [tilespmem:v1+s17+$0x0], $0xffff;
	_ =	sdelay $0x4  }
0x37e: {  	v58 =	vld [tilespmem:$0x18F90];
	v57 =	vtrunc.f32 v56;
	[tilespmem:$0x1A660] =	vst v1  }
0x37f: {  	v1 =	vcvt.f32.s32 v57;
	v0 =	vld.idx.msk [tilespmem:v0+s17+$0x0], $0xffff;
	_ =	sdelay $0x4  }
0x380: {  	v60 =	vld [tilespmem:$0x18FA0];
	v59 =	vtrunc.f32 v58;
	[tilespmem:$0x1A670] =	vst v0  }
0x381: {  	v0 =	vcvt.f32.s32 v59;
	v1 =	vld.idx.msk [tilespmem:v1+s17+$0x0], $0xffff;
	_ =	sdelay $0x4  }
0x382: {  	v62 =	vld [tilespmem:$0x18FB0];
	v61 =	vtrunc.f32 v60;
	[tilespmem:$0x19F80] =	vst v1  }
0x383: {  	v1 =	vcvt.f32.s32 v61;
	v0 =	vld.idx.msk [tilespmem:v0+s17+$0x0], $0xffff;
	_ =	sdelay $0x4  }
0x384: {  	v4 =	vld [tilespmem:$0x18FC0];
	v63 =	vtrunc.f32 v62;
	[tilespmem:$0x19F90] =	vst v0  }
0x385: {  	v0 =	vcvt.f32.s32 v63;
	v1 =	vld.idx.msk [tilespmem:v1+s17+$0x0], $0xffff;
	_ =	sdelay $0x4  }
0x386: {  	v6 =	vld [tilespmem:$0x18FD0];
	v5 =	vtrunc.f32 v4;
	[tilespmem:$0x19FA0] =	vst v1  }
0x387: {  	v1 =	vcvt.f32.s32 v5;
	v0 =	vld.idx.msk [tilespmem:v0+s17+$0x0], $0xffff;
	_ =	sdelay $0x4  }
0x388: {  	v8 =	vld [tilespmem:$0x18FE0];
	v7 =	vtrunc.f32 v6;
	[tilespmem:$0x19FB0] =	vst v0  }
0x389: {  	v0 =	vcvt.f32.s32 v7;
	v1 =	vld.idx.msk [tilespmem:v1+s17+$0x0], $0xffff;
	_ =	sdelay $0x4  }
0x38a: {  	v10 =	vld [tilespmem:$0x18FF0];
	v9 =	vtrunc.f32 v8;
	[tilespmem:$0x19FC0] =	vst v1  }
0x38b: {  	v1 =	vcvt.f32.s32 v9;
	v0 =	vld.idx.msk [tilespmem:v0+s17+$0x0], $0xffff;
	_ =	sdelay $0x4  }
0x38c: {  	v12 =	vld [tilespmem:$0x19080];
	v11 =	vtrunc.f32 v10;
	[tilespmem:$0x19FD0] =	vst v0  }
0x38d: {  	v0 =	vcvt.f32.s32 v11;
	v1 =	vld.idx.msk [tilespmem:v1+s17+$0x0], $0xffff;
	_ =	sdelay $0x4  }
0x38e: {  	v14 =	vld [tilespmem:$0x19090];
	v13 =	vtrunc.f32 v12;
	[tilespmem:$0x19FE0] =	vst v1  }
0x38f: {  	v1 =	vcvt.f32.s32 v13;
	v0 =	vld.idx.msk [tilespmem:v0+s17+$0x0], $0xffff;
	_ =	sdelay $0x4  }
0x390: {  	v16 =	vld [tilespmem:$0x190A0];
	v15 =	vtrunc.f32 v14;
	[tilespmem:$0x19FF0] =	vst v0  }
0x391: {  	v0 =	vcvt.f32.s32 v15;
	v1 =	vld.idx.msk [tilespmem:v1+s17+$0x0], $0xffff;
	_ =	sdelay $0x4  }
0x392: {  	v18 =	vld [tilespmem:$0x190B0];
	v17 =	vtrunc.f32 v16;
	[tilespmem:$0x1A080] =	vst v1  }
0x393: {  	v1 =	vcvt.f32.s32 v17;
	v0 =	vld.idx.msk [tilespmem:v0+s17+$0x0], $0xffff;
	_ =	sdelay $0x4  }
0x394: {  	v20 =	vld [tilespmem:$0x190C0];
	v19 =	vtrunc.f32 v18;
	[tilespmem:$0x1A090] =	vst v0  }
0x395: {  	v0 =	vcvt.f32.s32 v19;
	v1 =	vld.idx.msk [tilespmem:v1+s17+$0x0], $0xffff;
	_ =	sdelay $0x4  }
0x396: {  	v22 =	vld [tilespmem:$0x190D0];
	v21 =	vtrunc.f32 v20;
	[tilespmem:$0x1A0A0] =	vst v1  }
0x397: {  	v1 =	vcvt.f32.s32 v21;
	v0 =	vld.idx.msk [tilespmem:v0+s17+$0x0], $0xffff;
	_ =	sdelay $0x4  }
0x398: {  	v24 =	vld [tilespmem:$0x190E0];
	v23 =	vtrunc.f32 v22;
	[tilespmem:$0x1A0B0] =	vst v0  }
0x399: {  	v0 =	vcvt.f32.s32 v23;
	v1 =	vld.idx.msk [tilespmem:v1+s17+$0x0], $0xffff;
	_ =	sdelay $0x4  }
0x39a: {  	v26 =	vld [tilespmem:$0x190F0];
	v25 =	vtrunc.f32 v24;
	[tilespmem:$0x1A0C0] =	vst v1  }
0x39b: {  	v1 =	vcvt.f32.s32 v25;
	v0 =	vld.idx.msk [tilespmem:v0+s17+$0x0], $0xffff;
	_ =	sdelay $0x4  }
0x39c: {  	v28 =	vld [tilespmem:$0x19180];
	v27 =	vtrunc.f32 v26;
	[tilespmem:$0x1A0D0] =	vst v0  }
0x39d: {  	v0 =	vcvt.f32.s32 v27;
	v1 =	vld.idx.msk [tilespmem:v1+s17+$0x0], $0xffff;
	_ =	sdelay $0x4  }
0x39e: {  	v30 =	vld [tilespmem:$0x19190];
	v29 =	vtrunc.f32 v28;
	[tilespmem:$0x1A0E0] =	vst v1  }
0x39f: {  	v1 =	vcvt.f32.s32 v29;
	v0 =	vld.idx.msk [tilespmem:v0+s17+$0x0], $0xffff;
	_ =	sdelay $0x4  }
0x3a0: {  	v32 =	vld [tilespmem:$0x191A0];
	v31 =	vtrunc.f32 v30;
	[tilespmem:$0x1A0F0] =	vst v0  }
0x3a1: {  	v0 =	vcvt.f32.s32 v31;
	v1 =	vld.idx.msk [tilespmem:v1+s17+$0x0], $0xffff;
	_ =	sdelay $0x4  }
0x3a2: {  	v34 =	vld [tilespmem:$0x191B0];
	v33 =	vtrunc.f32 v32;
	[tilespmem:$0x1A180] =	vst v1  }
0x3a3: {  	v1 =	vcvt.f32.s32 v33;
	v0 =	vld.idx.msk [tilespmem:v0+s17+$0x0], $0xffff;
	_ =	sdelay $0x4  }
0x3a4: {  	v36 =	vld [tilespmem:$0x191C0];
	v35 =	vtrunc.f32 v34;
	[tilespmem:$0x1A190] =	vst v0  }
0x3a5: {  	v0 =	vcvt.f32.s32 v35;
	v1 =	vld.idx.msk [tilespmem:v1+s17+$0x0], $0xffff;
	_ =	sdelay $0x4  }
0x3a6: {  	v38 =	vld [tilespmem:$0x191D0];
	v37 =	vtrunc.f32 v36;
	[tilespmem:$0x1A1A0] =	vst v1  }
0x3a7: {  	v1 =	vcvt.f32.s32 v37;
	v0 =	vld.idx.msk [tilespmem:v0+s17+$0x0], $0xffff;
	_ =	sdelay $0x4  }
0x3a8: {  	v40 =	vld [tilespmem:$0x191E0];
	v39 =	vtrunc.f32 v38;
	[tilespmem:$0x1A1B0] =	vst v0  }
0x3a9: {  	v0 =	vcvt.f32.s32 v39;
	v1 =	vld.idx.msk [tilespmem:v1+s17+$0x0], $0xffff;
	_ =	sdelay $0x4  }
0x3aa: {  	v42 =	vld [tilespmem:$0x191F0];
	v41 =	vtrunc.f32 v40;
	[tilespmem:$0x1A1C0] =	vst v1  }
0x3ab: {  	v1 =	vcvt.f32.s32 v41;
	v0 =	vld.idx.msk [tilespmem:v0+s17+$0x0], $0xffff;
	_ =	sdelay $0x4  }
0x3ac: {  	v44 =	vld [tilespmem:$0x19280];
	v43 =	vtrunc.f32 v42;
	[tilespmem:$0x1A1D0] =	vst v0  }
0x3ad: {  	v0 =	vcvt.f32.s32 v43;
	v1 =	vld.idx.msk [tilespmem:v1+s17+$0x0], $0xffff;
	_ =	sdelay $0x4  }
0x3ae: {  	v46 =	vld [tilespmem:$0x19290];
	v45 =	vtrunc.f32 v44;
	[tilespmem:$0x1A1E0] =	vst v1  }
0x3af: {  	v1 =	vcvt.f32.s32 v45;
	v0 =	vld.idx.msk [tilespmem:v0+s17+$0x0], $0xffff;
	_ =	sdelay $0x4  }
0x3b0: {  	v48 =	vld [tilespmem:$0x192A0];
	v47 =	vtrunc.f32 v46;
	[tilespmem:$0x1A1F0] =	vst v0  }
0x3b1: {  	v0 =	vcvt.f32.s32 v47;
	v1 =	vld.idx.msk [tilespmem:v1+s17+$0x0], $0xffff;
	_ =	sdelay $0x4  }
0x3b2: {  	v50 =	vld [tilespmem:$0x192B0];
	v49 =	vtrunc.f32 v48;
	[tilespmem:$0x1A280] =	vst v1  }
0x3b3: {  	v1 =	vcvt.f32.s32 v49;
	v0 =	vld.idx.msk [tilespmem:v0+s17+$0x0], $0xffff;
	_ =	sdelay $0x4  }
0x3b4: {  	v52 =	vld [tilespmem:$0x192C0];
	v51 =	vtrunc.f32 v50;
	[tilespmem:$0x1A290] =	vst v0  }
0x3b5: {  	v0 =	vcvt.f32.s32 v51;
	v1 =	vld.idx.msk [tilespmem:v1+s17+$0x0], $0xffff;
	_ =	sdelay $0x4  }
0x3b6: {  	v54 =	vld [tilespmem:$0x192D0];
	v53 =	vtrunc.f32 v52;
	[tilespmem:$0x1A2A0] =	vst v1  }
0x3b7: {  	v1 =	vcvt.f32.s32 v53;
	v0 =	vld.idx.msk [tilespmem:v0+s17+$0x0], $0xffff;
	_ =	sdelay $0x4  }
0x3b8: {  	v56 =	vld [tilespmem:$0x192E0];
	v55 =	vtrunc.f32 v54;
	[tilespmem:$0x1A2B0] =	vst v0  }
0x3b9: {  	v0 =	vcvt.f32.s32 v55;
	v1 =	vld.idx.msk [tilespmem:v1+s17+$0x0], $0xffff;
	_ =	sdelay $0x4  }
0x3ba: {  	v58 =	vld [tilespmem:$0x192F0];
	v57 =	vtrunc.f32 v56;
	[tilespmem:$0x1A2C0] =	vst v1  }
0x3bb: {  	v1 =	vcvt.f32.s32 v57;
	v0 =	vld.idx.msk [tilespmem:v0+s17+$0x0], $0xffff;
	_ =	sdelay $0x4  }
0x3bc: {  	v60 =	vld [tilespmem:$0x19380];
	v59 =	vtrunc.f32 v58;
	[tilespmem:$0x1A2D0] =	vst v0  }
0x3bd: {  	v0 =	vcvt.f32.s32 v59;
	v1 =	vld.idx.msk [tilespmem:v1+s17+$0x0], $0xffff;
	_ =	sdelay $0x4  }
0x3be: {  	v62 =	vld [tilespmem:$0x19390];
	v61 =	vtrunc.f32 v60;
	[tilespmem:$0x1A2E0] =	vst v1  }
0x3bf: {  	v1 =	vcvt.f32.s32 v61;
	v0 =	vld.idx.msk [tilespmem:v0+s17+$0x0], $0xffff;
	_ =	sdelay $0x4  }
0x3c0: {  	v4 =	vld [tilespmem:$0x193A0];
	v63 =	vtrunc.f32 v62;
	[tilespmem:$0x1A2F0] =	vst v0  }
0x3c1: {  	v0 =	vcvt.f32.s32 v63;
	v1 =	vld.idx.msk [tilespmem:v1+s17+$0x0], $0xffff;
	_ =	sdelay $0x4  }
0x3c2: {  	v6 =	vld [tilespmem:$0x193B0];
	v5 =	vtrunc.f32 v4;
	[tilespmem:$0x1A380] =	vst v1  }
0x3c3: {  	v1 =	vcvt.f32.s32 v5;
	v0 =	vld.idx.msk [tilespmem:v0+s17+$0x0], $0xffff;
	_ =	sdelay $0x4  }
0x3c4: {  	v8 =	vld [tilespmem:$0x193C0];
	v7 =	vtrunc.f32 v6;
	[tilespmem:$0x1A390] =	vst v0  }
0x3c5: {  	v0 =	vcvt.f32.s32 v7;
	v1 =	vld.idx.msk [tilespmem:v1+s17+$0x0], $0xffff;
	_ =	sdelay $0x4  }
0x3c6: {  	v10 =	vld [tilespmem:$0x193D0];
	v9 =	vtrunc.f32 v8;
	[tilespmem:$0x1A3A0] =	vst v1  }
0x3c7: {  	v1 =	vcvt.f32.s32 v9;
	v0 =	vld.idx.msk [tilespmem:v0+s17+$0x0], $0xffff;
	_ =	sdelay $0x4  }
0x3c8: {  	v12 =	vld [tilespmem:$0x193E0];
	v11 =	vtrunc.f32 v10;
	[tilespmem:$0x1A3B0] =	vst v0  }
0x3c9: {  	v0 =	vcvt.f32.s32 v11;
	v1 =	vld.idx.msk [tilespmem:v1+s17+$0x0], $0xffff;
	_ =	sdelay $0x4  }
0x3ca: {  	v14 =	vld [tilespmem:$0x193F0];
	v13 =	vtrunc.f32 v12;
	[tilespmem:$0x1A3C0] =	vst v1  }
0x3cb: {  	v1 =	vcvt.f32.s32 v13;
	v0 =	vld.idx.msk [tilespmem:v0+s17+$0x0], $0xffff;
	_ =	sdelay $0x4  }
0x3cc: {  	v16 =	vld [tilespmem:$0x19480];
	v15 =	vtrunc.f32 v14;
	[tilespmem:$0x1A3D0] =	vst v0  }
0x3cd: {  	v0 =	vcvt.f32.s32 v15;
	v1 =	vld.idx.msk [tilespmem:v1+s17+$0x0], $0xffff;
	_ =	sdelay $0x4  }
0x3ce: {  	v18 =	vld [tilespmem:$0x19490];
	v17 =	vtrunc.f32 v16;
	[tilespmem:$0x1A3E0] =	vst v1  }
0x3cf: {  	v1 =	vcvt.f32.s32 v17;
	v0 =	vld.idx.msk [tilespmem:v0+s17+$0x0], $0xffff;
	_ =	sdelay $0x4  }
0x3d0: {  	v20 =	vld [tilespmem:$0x194A0];
	v19 =	vtrunc.f32 v18;
	[tilespmem:$0x1A3F0] =	vst v0  }
0x3d1: {  	v0 =	vcvt.f32.s32 v19;
	v1 =	vld.idx.msk [tilespmem:v1+s17+$0x0], $0xffff;
	_ =	sdelay $0x4  }
0x3d2: {  	v22 =	vld [tilespmem:$0x194B0];
	v21 =	vtrunc.f32 v20;
	[tilespmem:$0x1A480] =	vst v1  }
0x3d3: {  	v1 =	vcvt.f32.s32 v21;
	v0 =	vld.idx.msk [tilespmem:v0+s17+$0x0], $0xffff;
	_ =	sdelay $0x4  }
0x3d4: {  	v24 =	vld [tilespmem:$0x194C0];
	v23 =	vtrunc.f32 v22;
	[tilespmem:$0x1A490] =	vst v0  }
0x3d5: {  	v0 =	vcvt.f32.s32 v23;
	v1 =	vld.idx.msk [tilespmem:v1+s17+$0x0], $0xffff;
	_ =	sdelay $0x4  }
0x3d6: {  	v26 =	vld [tilespmem:$0x194D0];
	v25 =	vtrunc.f32 v24;
	[tilespmem:$0x1A4A0] =	vst v1  }
0x3d7: {  	v1 =	vcvt.f32.s32 v25;
	v0 =	vld.idx.msk [tilespmem:v0+s17+$0x0], $0xffff;
	_ =	sdelay $0x4  }
0x3d8: {  	v28 =	vld [tilespmem:$0x194E0];
	v27 =	vtrunc.f32 v26;
	[tilespmem:$0x1A4B0] =	vst v0  }
0x3d9: {  	v0 =	vcvt.f32.s32 v27;
	v1 =	vld.idx.msk [tilespmem:v1+s17+$0x0], $0xffff;
	_ =	sdelay $0x4  }
0x3da: {  	v30 =	vld [tilespmem:$0x194F0];
	v29 =	vtrunc.f32 v28;
	[tilespmem:$0x1A4C0] =	vst v1  }
0x3db: {  	v1 =	vcvt.f32.s32 v29;
	v0 =	vld.idx.msk [tilespmem:v0+s17+$0x0], $0xffff;
	_ =	sdelay $0x4  }
0x3dc: {  	v32 =	vld [tilespmem:$0x19580];
	v31 =	vtrunc.f32 v30;
	[tilespmem:$0x1A4D0] =	vst v0  }
0x3dd: {  	v0 =	vcvt.f32.s32 v31;
	v1 =	vld.idx.msk [tilespmem:v1+s17+$0x0], $0xffff;
	_ =	sdelay $0x4  }
0x3de: {  	v34 =	vld [tilespmem:$0x19590];
	v33 =	vtrunc.f32 v32;
	[tilespmem:$0x1A4E0] =	vst v1  }
0x3df: {  	v1 =	vcvt.f32.s32 v33;
	v0 =	vld.idx.msk [tilespmem:v0+s17+$0x0], $0xffff;
	_ =	sdelay $0x4  }
0x3e0: {  	v36 =	vld [tilespmem:$0x195A0];
	v35 =	vtrunc.f32 v34;
	[tilespmem:$0x1A4F0] =	vst v0  }
0x3e1: {  	v0 =	vcvt.f32.s32 v35;
	v1 =	vld.idx.msk [tilespmem:v1+s17+$0x0], $0xffff;
	_ =	sdelay $0x4  }
0x3e2: {  	v38 =	vld [tilespmem:$0x195B0];
	v37 =	vtrunc.f32 v36;
	[tilespmem:$0x1A580] =	vst v1  }
0x3e3: {  	v1 =	vcvt.f32.s32 v37;
	v0 =	vld.idx.msk [tilespmem:v0+s17+$0x0], $0xffff;
	_ =	sdelay $0x4  }
0x3e4: {  	v40 =	vld [tilespmem:$0x195C0];
	v39 =	vtrunc.f32 v38;
	[tilespmem:$0x1A590] =	vst v0  }
0x3e5: {  	v0 =	vcvt.f32.s32 v39;
	v1 =	vld.idx.msk [tilespmem:v1+s17+$0x0], $0xffff;
	_ =	sdelay $0x4  }
0x3e6: {  	v42 =	vld [tilespmem:$0x195D0];
	v41 =	vtrunc.f32 v40;
	[tilespmem:$0x1A5A0] =	vst v1  }
0x3e7: {  	v1 =	vcvt.f32.s32 v41;
	v0 =	vld.idx.msk [tilespmem:v0+s17+$0x0], $0xffff;
	_ =	sdelay $0x4  }
0x3e8: {  	v44 =	vld [tilespmem:$0x195E0];
	v43 =	vtrunc.f32 v42;
	[tilespmem:$0x1A5B0] =	vst v0  }
0x3e9: {  	v0 =	vcvt.f32.s32 v43;
	v1 =	vld.idx.msk [tilespmem:v1+s17+$0x0], $0xffff;
	_ =	sdelay $0x4  }
0x3ea: {  	v46 =	vld [tilespmem:$0x195F0];
	v45 =	vtrunc.f32 v44;
	[tilespmem:$0x1A5C0] =	vst v1  }
0x3eb: {  	v1 =	vcvt.f32.s32 v45;
	v0 =	vld.idx.msk [tilespmem:v0+s17+$0x0], $0xffff;
	_ =	sdelay $0x4  }
0x3ec: {  	v48 =	vld [tilespmem:$0x19680];
	v47 =	vtrunc.f32 v46;
	[tilespmem:$0x1A5D0] =	vst v0  }
0x3ed: {  	v0 =	vcvt.f32.s32 v47;
	v1 =	vld.idx.msk [tilespmem:v1+s17+$0x0], $0xffff;
	_ =	sdelay $0x4  }
0x3ee: {  	v50 =	vld [tilespmem:$0x19690];
	v49 =	vtrunc.f32 v48;
	[tilespmem:$0x1A5E0] =	vst v1  }
0x3ef: {  	v1 =	vcvt.f32.s32 v49;
	v0 =	vld.idx.msk [tilespmem:v0+s17+$0x0], $0xffff;
	_ =	sdelay $0x4  }
0x3f0: {  	v52 =	vld [tilespmem:$0x196A0];
	v51 =	vtrunc.f32 v50;
	[tilespmem:$0x1A5F0] =	vst v0  }
0x3f1: {  	v0 =	vcvt.f32.s32 v51;
	v1 =	vld.idx.msk [tilespmem:v1+s17+$0x0], $0xffff;
	_ =	sdelay $0x4  }
0x3f2: {  	v54 =	vld [tilespmem:$0x196B0];
	v53 =	vtrunc.f32 v52;
	[tilespmem:$0x1A680] =	vst v1  }
0x3f3: {  	v1 =	vcvt.f32.s32 v53;
	v0 =	vld.idx.msk [tilespmem:v0+s17+$0x0], $0xffff;
	_ =	sdelay $0x4  }
0x3f4: {  	v56 =	vld [tilespmem:$0x196C0];
	v55 =	vtrunc.f32 v54;
	[tilespmem:$0x1A690] =	vst v0  }
0x3f5: {  	v0 =	vcvt.f32.s32 v55;
	v1 =	vld.idx.msk [tilespmem:v1+s17+$0x0], $0xffff;
	_ =	sdelay $0x4  }
0x3f6: {  	v58 =	vld [tilespmem:$0x196D0];
	v57 =	vtrunc.f32 v56;
	[tilespmem:$0x1A6A0] =	vst v1  }
0x3f7: {  	v1 =	vcvt.f32.s32 v57;
	v0 =	vld.idx.msk [tilespmem:v0+s17+$0x0], $0xffff;
	_ =	sdelay $0x4  }
0x3f8: {  	v60 =	vld [tilespmem:$0x196E0];
	v59 =	vtrunc.f32 v58;
	[tilespmem:$0x1A6B0] =	vst v0  }
0x3f9: {  	v0 =	vcvt.f32.s32 v59;
	v1 =	vld.idx.msk [tilespmem:v1+s17+$0x0], $0xffff;
	_ =	sdelay $0x4  }
0x3fa: {  	v62 =	vld [tilespmem:$0x196F0];
	v61 =	vtrunc.f32 v60;
	[tilespmem:$0x1A6C0] =	vst v1  }
0x3fb: {  	v1 =	vcvt.f32.s32 v61;
	v0 =	vld.idx.msk [tilespmem:v0+s17+$0x0], $0xffff;
	_ =	sdelay $0x4  }
0x3fc: {  	v63 =	vtrunc.f32 v62;
	[tilespmem:$0x1A6D0] =	vst v0  }
0x3fd: {  	v0 =	vcvt.f32.s32 v63;
	v1 =	vld.idx.msk [tilespmem:v1+s17+$0x0], $0xffff;
	_ =	sdelay $0x4  }
0x3fe: {  	[tilespmem:$0x1A6E0] =	vst v1  }
0x3ff: {  	v0 =	vld.idx.msk [tilespmem:v0+s17+$0x0], $0xffff;
	_ =	sdelay $0x1  }
0x400: {  	s2 =	rddreg [dreg:$0x6]  }
0x401: {  	s0 =	sadd.s32 s2, s11  }
0x402: {  	s8 =	simm.s32 $0x1A000;
	s0 =	sshrl.u32 s0, $0x3  }
0x403: {  	s12 =	simm.s32 $0x1A100;
	s4 =	simm.s32 $0x19F00;
	s0 =	sadd.s32 s18, s0;
	[tilespmem:$0x1A6F0] =	vst v0  }
0x404: {  	[hbm4b:s0+s19] =	stream.strided.scatter [tilespmem:s4], [sflag:$0x5], $0x100, s31, s19, $0x38;
	[tilespmem:$0x1A700] =	vst v63  }
0x405: {  	s15 =	simm.s32 $0x1A200;
	s21 =	simm.s32 $0x1A300;
	s6 =	sadd.s32 $0x80, s0  }
0x406: {  	[hbm4b:s6+s19] =	stream.strided.scatter [tilespmem:s8], [sflag:$0x5], $0x100, s31, s19, $0x38;
	[tilespmem:$0x1A700] =	vst v63  }
0x407: {  	s23 =	simm.s32 $0x1A400;
	[dreg:$0x17] =	wrdreg s11;
	s11 =	sadd.s32 $0x100, s0  }
0x408: {  	[hbm4b:s11+s19] =	stream.strided.scatter [tilespmem:s12], [sflag:$0x5], $0x100, s31, s19, $0x38;
	[tilespmem:$0x1A700] =	vst v63  }
0x409: {  	[dreg:$0x14] =	wrdreg s7;
	s13 =	sadd.s32 $0x180, s0;
	s18 =	sadd.s32 $0x200, s0  }
0x40a: {  	[hbm4b:s13+s19] =	stream.strided.scatter [tilespmem:s15], [sflag:$0x5], $0x100, s31, s19, $0x38;
	[tilespmem:$0x1A700] =	vst v63  }
0x40b: {  	s22 =	sadd.s32 $0x280, s0;
	s1 =	sadd.s32 $0x300, s0;
	s4 =	simm.s32 $0x1A500  }
0x40c: {  	[hbm4b:s18+s19] =	stream.strided.scatter [tilespmem:s21], [sflag:$0x5], $0x100, s31, s19, $0x38;
	[tilespmem:$0x1A700] =	vst v63  }
0x40d: {  	s0 =	sadd.s32 $0x380, s0;
	s6 =	simm.s32 $0x1A600;
	s8 =	rddreg [dreg:$0xb]  }
0x40e: {  	[hbm4b:s22+s19] =	stream.strided.scatter [tilespmem:s23], [sflag:$0x5], $0x100, s31, s19, $0x38;
	[tilespmem:$0x1A700] =	vst v63  }
0x40f: {  	s12 =	simm.s32 $0x18F00;
	s13 =	simm.s32 $0x19000;
	s23 =	sand.u32 $0x7, s7  }
0x410: {  	s18 =	simm.s32 $0x19100;
	s22 =	simm.s32 $0x19200;
	s2 =	sshll.u32 s23, $0x7  }
0x411: {  	[hbm4b:s1+s19] =	stream.strided.scatter [tilespmem:s4], [sflag:$0x5], $0x100, s31, s19, $0x38;
	[tilespmem:$0x1A700] =	vst v63  }
0x412: {  	s23 =	simm.s32 $0x19500;
	s1 =	simm.s32 $0x19200;
	s4 =	simm.s32 $0x19300  }
0x413: {  	[hbm4b:s0+s19] =	stream.strided.scatter [tilespmem:s6], [sflag:$0x5], $0x100, s31, s19, $0x38;
	[tilespmem:$0x1A700] =	vst v63  }
0x414: {  	s0 =	sadd.s32 s10, s8;
	s10 =	simm.s32 $0x18F00;
	s6 =	simm.s32 $0x19000  }
0x415: {  	[tilespmem:s10], [sflag:$0x3] =	stream.strided.gather [hbm4b:s0+s19], $0x100, s20, s19, $0x38;
	[tilespmem:$0x1A700] =	vst v63  }
0x416: {  	s8 =	simm.s32 $0x19400;
	s11 =	sadd.s32 $0x80, s0;
	s15 =	sadd.s32 $0x100, s0  }
0x417: {  	[tilespmem:s13], [sflag:$0x3] =	stream.strided.gather [hbm4b:s11+s19], $0x100, s20, s19, $0x38;
	[tilespmem:$0x1A700] =	vst v63  }
0x418: {  	s21 =	sadd.s32 $0x180, s0;
	s10 =	sadd.s32 $0x200, s0;
	s13 =	simm.s32 $0x19100  }
0x419: {  	[tilespmem:s18], [sflag:$0x3] =	stream.strided.gather [hbm4b:s15+s19], $0x100, s20, s19, $0x38;
	[tilespmem:$0x1A700] =	vst v63  }
0x41a: {  	s11 =	simm.s32 $0x19300;
	s15 =	rddreg [dreg:$0x15];
	s18 =	sadd.s32 $0x280, s0  }
0x41b: {  	[tilespmem:s22], [sflag:$0x3] =	stream.strided.gather [hbm4b:s21+s19], $0x100, s20, s19, $0x38;
	[tilespmem:$0x1A700] =	vst v63  }
0x41c: {  	s7 =	sand.u32 $0xFFFFE000, s15;
	s15 =	simm.s32 $0x19600;
	s21 =	simm.s32 $0x19400  }
0x41d: {  	[tilespmem:s11], [sflag:$0x3] =	stream.strided.gather [hbm4b:s10+s19], $0x100, s20, s19, $0x38;
	[tilespmem:$0x1A700] =	vst v63  }
0x41e: {  	s2 =	sor.u32 s2, s7;
	s22 =	sadd.s32 $0x300, s0;
	s0 =	sadd.s32 $0x380, s0  }
0x41f: {  	[tilespmem:s21], [sflag:$0x3] =	stream.strided.gather [hbm4b:s18+s19], $0x100, s20, s19, $0x38;
	[tilespmem:$0x1A700] =	vst v63  }
0x420: {  	s7 =	simm.s32 $0x0;
	s11 =	sadd.s32 $0x50000, s2;
	s2 =	sadd.s32 $0x40000, s2  }
0x421: {  	[tilespmem:s23], [sflag:$0x3] =	stream.strided.gather [hbm4b:s22+s19], $0x100, s20, s19, $0x38;
	[tilespmem:$0x1A700] =	vst v63  }
0x422: {  	s2 =	sshrl.u32 s2, $0x3;
	s21 =	simm.s32 $0x19500;
	s23 =	rddreg [dreg:$0x0]  }
0x423: {  	[tilespmem:s15], [sflag:$0x3] =	stream.strided.gather [hbm4b:s0+s19], $0x100, s20, s19, $0x38;
	[tilespmem:$0x1A700] =	vst v63  }
0x424: {  	s18 =	sshrl.u32 s11, $0x3;
	s15 =	sadd.s32 s2, s23;
	s2 =	rddreg [dreg:$0x12]  }
0x425: {  	s22 =	simm.s32 $0x19600;
	s18 =	sadd.s32 s18, s23;
	s0 =	rddreg [dreg:$0x13]  }
.LBB2_7:
0x426: {  	_ =	swait.ge [sflag:s9], $0x800  }
0x427: {  	[sflag:s9] =	ssyncset.done $0x0  }
0x428: {  	[sflag:s9] =	ssyncadd.s32 $0xFFFFF800  }
0x429: {  	_ =	swait.ge [sflag:s3], $0x800  }
0x42a: {  	[sflag:s3] =	ssyncset.done $0x0  }
0x42b: {  	[sflag:s3] =	ssyncadd.s32 $0xFFFFF800  }
0x42c: {  	v0 =	vld [tilespmem:$0x18700];
	_ =	sdelay $0x4  }
0x42d: {  	v0 =	vtrunc.f32 v0  }
0x42e: {  	v1 =	vld [tilespmem:$0x18710];
	v0 =	vcvt.f32.s32 v0;
	_ =	sdelay $0x4  }
0x42f: {  	v2 =	vld [tilespmem:$0x18720];
	v1 =	vtrunc.f32 v1  }
0x430: {  	v1 =	vcvt.f32.s32 v1;
	v0 =	vld.idx.msk [tilespmem:v0+s5+$0x0], $0xffff;
	_ =	sdelay $0x4  }
0x431: {  	v43 =	vld [tilespmem:$0x18730];
	v42 =	vtrunc.f32 v2;
	[tilespmem:$0x19700] =	vst v0  }
0x432: {  	v0 =	vcvt.f32.s32 v42;
	v1 =	vld.idx.msk [tilespmem:v1+s5+$0x0], $0xffff;
	_ =	sdelay $0x4  }
0x433: {  	v45 =	vld [tilespmem:$0x18740];
	v44 =	vtrunc.f32 v43;
	[tilespmem:$0x19710] =	vst v1  }
0x434: {  	v1 =	vcvt.f32.s32 v44;
	v0 =	vld.idx.msk [tilespmem:v0+s5+$0x0], $0xffff;
	_ =	sdelay $0x4  }
0x435: {  	v47 =	vld [tilespmem:$0x18750];
	v46 =	vtrunc.f32 v45;
	[tilespmem:$0x19720] =	vst v0  }
0x436: {  	v0 =	vcvt.f32.s32 v46;
	v1 =	vld.idx.msk [tilespmem:v1+s5+$0x0], $0xffff;
	_ =	sdelay $0x4  }
0x437: {  	v49 =	vld [tilespmem:$0x18760];
	v48 =	vtrunc.f32 v47;
	[tilespmem:$0x19730] =	vst v1  }
0x438: {  	v1 =	vcvt.f32.s32 v48;
	v0 =	vld.idx.msk [tilespmem:v0+s5+$0x0], $0xffff;
	_ =	sdelay $0x4  }
0x439: {  	v51 =	vld [tilespmem:$0x18770];
	v50 =	vtrunc.f32 v49;
	[tilespmem:$0x19740] =	vst v0  }
0x43a: {  	v0 =	vcvt.f32.s32 v50;
	v1 =	vld.idx.msk [tilespmem:v1+s5+$0x0], $0xffff;
	_ =	sdelay $0x4  }
0x43b: {  	v53 =	vld [tilespmem:$0x18800];
	v52 =	vtrunc.f32 v51;
	[tilespmem:$0x19750] =	vst v1  }
0x43c: {  	v1 =	vcvt.f32.s32 v52;
	v0 =	vld.idx.msk [tilespmem:v0+s5+$0x0], $0xffff;
	_ =	sdelay $0x4  }
0x43d: {  	v55 =	vld [tilespmem:$0x18810];
	v54 =	vtrunc.f32 v53;
	[tilespmem:$0x19760] =	vst v0  }
0x43e: {  	v0 =	vcvt.f32.s32 v54;
	v1 =	vld.idx.msk [tilespmem:v1+s5+$0x0], $0xffff;
	_ =	sdelay $0x4  }
0x43f: {  	v57 =	vld [tilespmem:$0x18820];
	v56 =	vtrunc.f32 v55;
	[tilespmem:$0x19770] =	vst v1  }
0x440: {  	v1 =	vcvt.f32.s32 v56;
	v0 =	vld.idx.msk [tilespmem:v0+s5+$0x0], $0xffff;
	_ =	sdelay $0x4  }
0x441: {  	v59 =	vld [tilespmem:$0x18830];
	v58 =	vtrunc.f32 v57;
	[tilespmem:$0x19800] =	vst v0  }
0x442: {  	v0 =	vcvt.f32.s32 v58;
	v1 =	vld.idx.msk [tilespmem:v1+s5+$0x0], $0xffff;
	_ =	sdelay $0x4  }
0x443: {  	v61 =	vld [tilespmem:$0x18840];
	v60 =	vtrunc.f32 v59;
	[tilespmem:$0x19810] =	vst v1  }
0x444: {  	v1 =	vcvt.f32.s32 v60;
	v0 =	vld.idx.msk [tilespmem:v0+s5+$0x0], $0xffff;
	_ =	sdelay $0x4  }
0x445: {  	v63 =	vld [tilespmem:$0x18850];
	v62 =	vtrunc.f32 v61;
	[tilespmem:$0x19820] =	vst v0  }
0x446: {  	v0 =	vcvt.f32.s32 v62;
	v1 =	vld.idx.msk [tilespmem:v1+s5+$0x0], $0xffff;
	_ =	sdelay $0x4  }
0x447: {  	v5 =	vld [tilespmem:$0x18860];
	v4 =	vtrunc.f32 v63;
	[tilespmem:$0x19830] =	vst v1  }
0x448: {  	v1 =	vcvt.f32.s32 v4;
	v0 =	vld.idx.msk [tilespmem:v0+s5+$0x0], $0xffff;
	_ =	sdelay $0x4  }
0x449: {  	v7 =	vld [tilespmem:$0x18870];
	v6 =	vtrunc.f32 v5;
	[tilespmem:$0x19840] =	vst v0  }
0x44a: {  	v0 =	vcvt.f32.s32 v6;
	v1 =	vld.idx.msk [tilespmem:v1+s5+$0x0], $0xffff;
	_ =	sdelay $0x4  }
0x44b: {  	v9 =	vld [tilespmem:$0x18900];
	v8 =	vtrunc.f32 v7;
	[tilespmem:$0x19850] =	vst v1  }
0x44c: {  	v1 =	vcvt.f32.s32 v8;
	v0 =	vld.idx.msk [tilespmem:v0+s5+$0x0], $0xffff;
	_ =	sdelay $0x4  }
0x44d: {  	v11 =	vld [tilespmem:$0x18910];
	v10 =	vtrunc.f32 v9;
	[tilespmem:$0x19860] =	vst v0  }
0x44e: {  	v0 =	vcvt.f32.s32 v10;
	v1 =	vld.idx.msk [tilespmem:v1+s5+$0x0], $0xffff;
	_ =	sdelay $0x4  }
0x44f: {  	v13 =	vld [tilespmem:$0x18920];
	v12 =	vtrunc.f32 v11;
	[tilespmem:$0x19870] =	vst v1  }
0x450: {  	v1 =	vcvt.f32.s32 v12;
	v0 =	vld.idx.msk [tilespmem:v0+s5+$0x0], $0xffff;
	_ =	sdelay $0x4  }
0x451: {  	v15 =	vld [tilespmem:$0x18930];
	v14 =	vtrunc.f32 v13;
	[tilespmem:$0x19900] =	vst v0  }
0x452: {  	v0 =	vcvt.f32.s32 v14;
	v1 =	vld.idx.msk [tilespmem:v1+s5+$0x0], $0xffff;
	_ =	sdelay $0x4  }
0x453: {  	v17 =	vld [tilespmem:$0x18940];
	v16 =	vtrunc.f32 v15;
	[tilespmem:$0x19910] =	vst v1  }
0x454: {  	v1 =	vcvt.f32.s32 v16;
	v0 =	vld.idx.msk [tilespmem:v0+s5+$0x0], $0xffff;
	_ =	sdelay $0x4  }
0x455: {  	v19 =	vld [tilespmem:$0x18950];
	v18 =	vtrunc.f32 v17;
	[tilespmem:$0x19920] =	vst v0  }
0x456: {  	v0 =	vcvt.f32.s32 v18;
	v1 =	vld.idx.msk [tilespmem:v1+s5+$0x0], $0xffff;
	_ =	sdelay $0x4  }
0x457: {  	v21 =	vld [tilespmem:$0x18960];
	v20 =	vtrunc.f32 v19;
	[tilespmem:$0x19930] =	vst v1  }
0x458: {  	v1 =	vcvt.f32.s32 v20;
	v0 =	vld.idx.msk [tilespmem:v0+s5+$0x0], $0xffff;
	_ =	sdelay $0x4  }
0x459: {  	v23 =	vld [tilespmem:$0x18970];
	v22 =	vtrunc.f32 v21;
	[tilespmem:$0x19940] =	vst v0  }
0x45a: {  	v0 =	vcvt.f32.s32 v22;
	v1 =	vld.idx.msk [tilespmem:v1+s5+$0x0], $0xffff;
	_ =	sdelay $0x4  }
0x45b: {  	v25 =	vld [tilespmem:$0x18A00];
	v24 =	vtrunc.f32 v23;
	[tilespmem:$0x19950] =	vst v1  }
0x45c: {  	v1 =	vcvt.f32.s32 v24;
	v0 =	vld.idx.msk [tilespmem:v0+s5+$0x0], $0xffff;
	_ =	sdelay $0x4  }
0x45d: {  	v27 =	vld [tilespmem:$0x18A10];
	v26 =	vtrunc.f32 v25;
	[tilespmem:$0x19960] =	vst v0  }
0x45e: {  	v0 =	vcvt.f32.s32 v26;
	v1 =	vld.idx.msk [tilespmem:v1+s5+$0x0], $0xffff;
	_ =	sdelay $0x4  }
0x45f: {  	v29 =	vld [tilespmem:$0x18A20];
	v28 =	vtrunc.f32 v27;
	[tilespmem:$0x19970] =	vst v1  }
0x460: {  	v1 =	vcvt.f32.s32 v28;
	v0 =	vld.idx.msk [tilespmem:v0+s5+$0x0], $0xffff;
	_ =	sdelay $0x4  }
0x461: {  	v31 =	vld [tilespmem:$0x18A30];
	v30 =	vtrunc.f32 v29;
	[tilespmem:$0x19A00] =	vst v0  }
0x462: {  	v0 =	vcvt.f32.s32 v30;
	v1 =	vld.idx.msk [tilespmem:v1+s5+$0x0], $0xffff;
	_ =	sdelay $0x4  }
0x463: {  	v33 =	vld [tilespmem:$0x18A40];
	v32 =	vtrunc.f32 v31;
	[tilespmem:$0x19A10] =	vst v1  }
0x464: {  	v1 =	vcvt.f32.s32 v32;
	v0 =	vld.idx.msk [tilespmem:v0+s5+$0x0], $0xffff;
	_ =	sdelay $0x4  }
0x465: {  	v35 =	vld [tilespmem:$0x18A50];
	v34 =	vtrunc.f32 v33;
	[tilespmem:$0x19A20] =	vst v0  }
0x466: {  	v0 =	vcvt.f32.s32 v34;
	v1 =	vld.idx.msk [tilespmem:v1+s5+$0x0], $0xffff;
	_ =	sdelay $0x4  }
0x467: {  	v37 =	vld [tilespmem:$0x18A60];
	v36 =	vtrunc.f32 v35;
	[tilespmem:$0x19A30] =	vst v1  }
0x468: {  	v1 =	vcvt.f32.s32 v36;
	v0 =	vld.idx.msk [tilespmem:v0+s5+$0x0], $0xffff;
	_ =	sdelay $0x4  }
0x469: {  	v39 =	vld [tilespmem:$0x18A70];
	v38 =	vtrunc.f32 v37;
	[tilespmem:$0x19A40] =	vst v0  }
0x46a: {  	v0 =	vcvt.f32.s32 v38;
	v1 =	vld.idx.msk [tilespmem:v1+s5+$0x0], $0xffff;
	_ =	sdelay $0x4  }
0x46b: {  	v41 =	vld [tilespmem:$0x18B00];
	v40 =	vtrunc.f32 v39;
	[tilespmem:$0x19A50] =	vst v1  }
0x46c: {  	v1 =	vcvt.f32.s32 v40;
	v0 =	vld.idx.msk [tilespmem:v0+s5+$0x0], $0xffff;
	_ =	sdelay $0x4  }
0x46d: {  	v43 =	vld [tilespmem:$0x18B10];
	v42 =	vtrunc.f32 v41;
	[tilespmem:$0x19A60] =	vst v0  }
0x46e: {  	v0 =	vcvt.f32.s32 v42;
	v1 =	vld.idx.msk [tilespmem:v1+s5+$0x0], $0xffff;
	_ =	sdelay $0x4  }
0x46f: {  	v45 =	vld [tilespmem:$0x18B20];
	v44 =	vtrunc.f32 v43;
	[tilespmem:$0x19A70] =	vst v1  }
0x470: {  	v1 =	vcvt.f32.s32 v44;
	v0 =	vld.idx.msk [tilespmem:v0+s5+$0x0], $0xffff;
	_ =	sdelay $0x4  }
0x471: {  	v47 =	vld [tilespmem:$0x18B30];
	v46 =	vtrunc.f32 v45;
	[tilespmem:$0x19B00] =	vst v0  }
0x472: {  	v0 =	vcvt.f32.s32 v46;
	v1 =	vld.idx.msk [tilespmem:v1+s5+$0x0], $0xffff;
	_ =	sdelay $0x4  }
0x473: {  	v49 =	vld [tilespmem:$0x18B40];
	v48 =	vtrunc.f32 v47;
	[tilespmem:$0x19B10] =	vst v1  }
0x474: {  	v1 =	vcvt.f32.s32 v48;
	v0 =	vld.idx.msk [tilespmem:v0+s5+$0x0], $0xffff;
	_ =	sdelay $0x4  }
0x475: {  	v51 =	vld [tilespmem:$0x18B50];
	v50 =	vtrunc.f32 v49;
	[tilespmem:$0x19B20] =	vst v0  }
0x476: {  	v0 =	vcvt.f32.s32 v50;
	v1 =	vld.idx.msk [tilespmem:v1+s5+$0x0], $0xffff;
	_ =	sdelay $0x4  }
0x477: {  	v53 =	vld [tilespmem:$0x18B60];
	v52 =	vtrunc.f32 v51;
	[tilespmem:$0x19B30] =	vst v1  }
0x478: {  	v1 =	vcvt.f32.s32 v52;
	v0 =	vld.idx.msk [tilespmem:v0+s5+$0x0], $0xffff;
	_ =	sdelay $0x4  }
0x479: {  	v55 =	vld [tilespmem:$0x18B70];
	v54 =	vtrunc.f32 v53;
	[tilespmem:$0x19B40] =	vst v0  }
0x47a: {  	v0 =	vcvt.f32.s32 v54;
	v1 =	vld.idx.msk [tilespmem:v1+s5+$0x0], $0xffff;
	_ =	sdelay $0x4  }
0x47b: {  	v57 =	vld [tilespmem:$0x18C00];
	v56 =	vtrunc.f32 v55;
	[tilespmem:$0x19B50] =	vst v1  }
0x47c: {  	v1 =	vcvt.f32.s32 v56;
	v0 =	vld.idx.msk [tilespmem:v0+s5+$0x0], $0xffff;
	_ =	sdelay $0x4  }
0x47d: {  	v59 =	vld [tilespmem:$0x18C10];
	v58 =	vtrunc.f32 v57;
	[tilespmem:$0x19B60] =	vst v0  }
0x47e: {  	v0 =	vcvt.f32.s32 v58;
	v1 =	vld.idx.msk [tilespmem:v1+s5+$0x0], $0xffff;
	_ =	sdelay $0x4  }
0x47f: {  	v61 =	vld [tilespmem:$0x18C20];
	v60 =	vtrunc.f32 v59;
	[tilespmem:$0x19B70] =	vst v1  }
0x480: {  	v1 =	vcvt.f32.s32 v60;
	v0 =	vld.idx.msk [tilespmem:v0+s5+$0x0], $0xffff;
	_ =	sdelay $0x4  }
0x481: {  	v63 =	vld [tilespmem:$0x18C30];
	v62 =	vtrunc.f32 v61;
	[tilespmem:$0x19C00] =	vst v0  }
0x482: {  	v0 =	vcvt.f32.s32 v62;
	v1 =	vld.idx.msk [tilespmem:v1+s5+$0x0], $0xffff;
	_ =	sdelay $0x4  }
0x483: {  	v5 =	vld [tilespmem:$0x18C40];
	v4 =	vtrunc.f32 v63;
	[tilespmem:$0x19C10] =	vst v1  }
0x484: {  	v1 =	vcvt.f32.s32 v4;
	v0 =	vld.idx.msk [tilespmem:v0+s5+$0x0], $0xffff;
	_ =	sdelay $0x4  }
0x485: {  	v7 =	vld [tilespmem:$0x18C50];
	v6 =	vtrunc.f32 v5;
	[tilespmem:$0x19C20] =	vst v0  }
0x486: {  	v0 =	vcvt.f32.s32 v6;
	v1 =	vld.idx.msk [tilespmem:v1+s5+$0x0], $0xffff;
	_ =	sdelay $0x4  }
0x487: {  	v9 =	vld [tilespmem:$0x18C60];
	v8 =	vtrunc.f32 v7;
	[tilespmem:$0x19C30] =	vst v1  }
0x488: {  	v1 =	vcvt.f32.s32 v8;
	v0 =	vld.idx.msk [tilespmem:v0+s5+$0x0], $0xffff;
	_ =	sdelay $0x4  }
0x489: {  	v11 =	vld [tilespmem:$0x18C70];
	v10 =	vtrunc.f32 v9;
	[tilespmem:$0x19C40] =	vst v0  }
0x48a: {  	v0 =	vcvt.f32.s32 v10;
	v1 =	vld.idx.msk [tilespmem:v1+s5+$0x0], $0xffff;
	_ =	sdelay $0x4  }
0x48b: {  	v13 =	vld [tilespmem:$0x18D00];
	v12 =	vtrunc.f32 v11;
	[tilespmem:$0x19C50] =	vst v1  }
0x48c: {  	v1 =	vcvt.f32.s32 v12;
	v0 =	vld.idx.msk [tilespmem:v0+s5+$0x0], $0xffff;
	_ =	sdelay $0x4  }
0x48d: {  	v15 =	vld [tilespmem:$0x18D10];
	v14 =	vtrunc.f32 v13;
	[tilespmem:$0x19C60] =	vst v0  }
0x48e: {  	v0 =	vcvt.f32.s32 v14;
	v1 =	vld.idx.msk [tilespmem:v1+s5+$0x0], $0xffff;
	_ =	sdelay $0x4  }
0x48f: {  	v17 =	vld [tilespmem:$0x18D20];
	v16 =	vtrunc.f32 v15;
	[tilespmem:$0x19C70] =	vst v1  }
0x490: {  	v1 =	vcvt.f32.s32 v16;
	v0 =	vld.idx.msk [tilespmem:v0+s5+$0x0], $0xffff;
	_ =	sdelay $0x4  }
0x491: {  	v19 =	vld [tilespmem:$0x18D30];
	v18 =	vtrunc.f32 v17;
	[tilespmem:$0x19D00] =	vst v0  }
0x492: {  	v0 =	vcvt.f32.s32 v18;
	v1 =	vld.idx.msk [tilespmem:v1+s5+$0x0], $0xffff;
	_ =	sdelay $0x4  }
0x493: {  	v21 =	vld [tilespmem:$0x18D40];
	v20 =	vtrunc.f32 v19;
	[tilespmem:$0x19D10] =	vst v1  }
0x494: {  	v1 =	vcvt.f32.s32 v20;
	v0 =	vld.idx.msk [tilespmem:v0+s5+$0x0], $0xffff;
	_ =	sdelay $0x4  }
0x495: {  	v23 =	vld [tilespmem:$0x18D50];
	v22 =	vtrunc.f32 v21;
	[tilespmem:$0x19D20] =	vst v0  }
0x496: {  	v0 =	vcvt.f32.s32 v22;
	v1 =	vld.idx.msk [tilespmem:v1+s5+$0x0], $0xffff;
	_ =	sdelay $0x4  }
0x497: {  	v25 =	vld [tilespmem:$0x18D60];
	v24 =	vtrunc.f32 v23;
	[tilespmem:$0x19D30] =	vst v1  }
0x498: {  	v1 =	vcvt.f32.s32 v24;
	v0 =	vld.idx.msk [tilespmem:v0+s5+$0x0], $0xffff;
	_ =	sdelay $0x4  }
0x499: {  	v27 =	vld [tilespmem:$0x18D70];
	v26 =	vtrunc.f32 v25;
	[tilespmem:$0x19D40] =	vst v0  }
0x49a: {  	v0 =	vcvt.f32.s32 v26;
	v1 =	vld.idx.msk [tilespmem:v1+s5+$0x0], $0xffff;
	_ =	sdelay $0x4  }
0x49b: {  	v29 =	vld [tilespmem:$0x18E00];
	v28 =	vtrunc.f32 v27;
	[tilespmem:$0x19D50] =	vst v1  }
0x49c: {  	v1 =	vcvt.f32.s32 v28;
	v0 =	vld.idx.msk [tilespmem:v0+s5+$0x0], $0xffff;
	_ =	sdelay $0x4  }
0x49d: {  	v31 =	vld [tilespmem:$0x18E10];
	v30 =	vtrunc.f32 v29;
	[tilespmem:$0x19D60] =	vst v0  }
0x49e: {  	v0 =	vcvt.f32.s32 v30;
	v1 =	vld.idx.msk [tilespmem:v1+s5+$0x0], $0xffff;
	_ =	sdelay $0x4  }
0x49f: {  	v33 =	vld [tilespmem:$0x18E20];
	v32 =	vtrunc.f32 v31;
	[tilespmem:$0x19D70] =	vst v1  }
0x4a0: {  	v1 =	vcvt.f32.s32 v32;
	v0 =	vld.idx.msk [tilespmem:v0+s5+$0x0], $0xffff;
	_ =	sdelay $0x4  }
0x4a1: {  	v35 =	vld [tilespmem:$0x18E30];
	v34 =	vtrunc.f32 v33;
	[tilespmem:$0x19E00] =	vst v0  }
0x4a2: {  	v0 =	vcvt.f32.s32 v34;
	v1 =	vld.idx.msk [tilespmem:v1+s5+$0x0], $0xffff;
	_ =	sdelay $0x4  }
0x4a3: {  	v37 =	vld [tilespmem:$0x18E40];
	v36 =	vtrunc.f32 v35;
	[tilespmem:$0x19E10] =	vst v1  }
0x4a4: {  	v1 =	vcvt.f32.s32 v36;
	v0 =	vld.idx.msk [tilespmem:v0+s5+$0x0], $0xffff;
	_ =	sdelay $0x4  }
0x4a5: {  	v39 =	vld [tilespmem:$0x18E50];
	v38 =	vtrunc.f32 v37;
	[tilespmem:$0x19E20] =	vst v0  }
0x4a6: {  	v0 =	vcvt.f32.s32 v38;
	v1 =	vld.idx.msk [tilespmem:v1+s5+$0x0], $0xffff;
	_ =	sdelay $0x4  }
0x4a7: {  	v41 =	vld [tilespmem:$0x18E60];
	v40 =	vtrunc.f32 v39;
	[tilespmem:$0x19E30] =	vst v1  }
0x4a8: {  	v1 =	vcvt.f32.s32 v40;
	v0 =	vld.idx.msk [tilespmem:v0+s5+$0x0], $0xffff;
	_ =	sdelay $0x4  }
0x4a9: {  	v43 =	vld [tilespmem:$0x18E70];
	v42 =	vtrunc.f32 v41;
	[tilespmem:$0x19E40] =	vst v0  }
0x4aa: {  	v0 =	vcvt.f32.s32 v42;
	v1 =	vld.idx.msk [tilespmem:v1+s5+$0x0], $0xffff;
	_ =	sdelay $0x4  }
0x4ab: {  	v45 =	vld [tilespmem:$0x18780];
	v44 =	vtrunc.f32 v43;
	[tilespmem:$0x19E50] =	vst v1  }
0x4ac: {  	v1 =	vcvt.f32.s32 v44;
	v0 =	vld.idx.msk [tilespmem:v0+s5+$0x0], $0xffff;
	_ =	sdelay $0x4  }
0x4ad: {  	v47 =	vld [tilespmem:$0x18790];
	v46 =	vtrunc.f32 v45;
	[tilespmem:$0x19E60] =	vst v0  }
0x4ae: {  	v0 =	vcvt.f32.s32 v46;
	v1 =	vld.idx.msk [tilespmem:v1+s5+$0x0], $0xffff;
	_ =	sdelay $0x4  }
0x4af: {  	v49 =	vld [tilespmem:$0x187A0];
	v48 =	vtrunc.f32 v47;
	[tilespmem:$0x19E70] =	vst v1  }
0x4b0: {  	v1 =	vcvt.f32.s32 v48;
	v0 =	vld.idx.msk [tilespmem:v0+s5+$0x0], $0xffff;
	_ =	sdelay $0x4  }
0x4b1: {  	v51 =	vld [tilespmem:$0x187B0];
	v50 =	vtrunc.f32 v49;
	[tilespmem:$0x19780] =	vst v0  }
0x4b2: {  	v0 =	vcvt.f32.s32 v50;
	v1 =	vld.idx.msk [tilespmem:v1+s5+$0x0], $0xffff;
	_ =	sdelay $0x4  }
0x4b3: {  	v53 =	vld [tilespmem:$0x187C0];
	v52 =	vtrunc.f32 v51;
	[tilespmem:$0x19790] =	vst v1  }
0x4b4: {  	v1 =	vcvt.f32.s32 v52;
	v0 =	vld.idx.msk [tilespmem:v0+s5+$0x0], $0xffff;
	_ =	sdelay $0x4  }
0x4b5: {  	v55 =	vld [tilespmem:$0x187D0];
	v54 =	vtrunc.f32 v53;
	[tilespmem:$0x197A0] =	vst v0  }
0x4b6: {  	v0 =	vcvt.f32.s32 v54;
	v1 =	vld.idx.msk [tilespmem:v1+s5+$0x0], $0xffff;
	_ =	sdelay $0x4  }
0x4b7: {  	v57 =	vld [tilespmem:$0x187E0];
	v56 =	vtrunc.f32 v55;
	[tilespmem:$0x197B0] =	vst v1  }
0x4b8: {  	v1 =	vcvt.f32.s32 v56;
	v0 =	vld.idx.msk [tilespmem:v0+s5+$0x0], $0xffff;
	_ =	sdelay $0x4  }
0x4b9: {  	v59 =	vld [tilespmem:$0x187F0];
	v58 =	vtrunc.f32 v57;
	[tilespmem:$0x197C0] =	vst v0  }
0x4ba: {  	v0 =	vcvt.f32.s32 v58;
	v1 =	vld.idx.msk [tilespmem:v1+s5+$0x0], $0xffff;
	_ =	sdelay $0x4  }
0x4bb: {  	v61 =	vld [tilespmem:$0x18880];
	v60 =	vtrunc.f32 v59;
	[tilespmem:$0x197D0] =	vst v1  }
0x4bc: {  	v1 =	vcvt.f32.s32 v60;
	v0 =	vld.idx.msk [tilespmem:v0+s5+$0x0], $0xffff;
	_ =	sdelay $0x4  }
0x4bd: {  	v63 =	vld [tilespmem:$0x18890];
	v62 =	vtrunc.f32 v61;
	[tilespmem:$0x197E0] =	vst v0  }
0x4be: {  	v0 =	vcvt.f32.s32 v62;
	v1 =	vld.idx.msk [tilespmem:v1+s5+$0x0], $0xffff;
	_ =	sdelay $0x4  }
0x4bf: {  	v5 =	vld [tilespmem:$0x188A0];
	v4 =	vtrunc.f32 v63;
	[tilespmem:$0x197F0] =	vst v1  }
0x4c0: {  	v1 =	vcvt.f32.s32 v4;
	v0 =	vld.idx.msk [tilespmem:v0+s5+$0x0], $0xffff;
	_ =	sdelay $0x4  }
0x4c1: {  	v7 =	vld [tilespmem:$0x188B0];
	v6 =	vtrunc.f32 v5;
	[tilespmem:$0x19880] =	vst v0  }
0x4c2: {  	v0 =	vcvt.f32.s32 v6;
	v1 =	vld.idx.msk [tilespmem:v1+s5+$0x0], $0xffff;
	_ =	sdelay $0x4  }
0x4c3: {  	v9 =	vld [tilespmem:$0x188C0];
	v8 =	vtrunc.f32 v7;
	[tilespmem:$0x19890] =	vst v1  }
0x4c4: {  	v1 =	vcvt.f32.s32 v8;
	v0 =	vld.idx.msk [tilespmem:v0+s5+$0x0], $0xffff;
	_ =	sdelay $0x4  }
0x4c5: {  	v11 =	vld [tilespmem:$0x188D0];
	v10 =	vtrunc.f32 v9;
	[tilespmem:$0x198A0] =	vst v0  }
0x4c6: {  	v0 =	vcvt.f32.s32 v10;
	v1 =	vld.idx.msk [tilespmem:v1+s5+$0x0], $0xffff;
	_ =	sdelay $0x4  }
0x4c7: {  	v13 =	vld [tilespmem:$0x188E0];
	v12 =	vtrunc.f32 v11;
	[tilespmem:$0x198B0] =	vst v1  }
0x4c8: {  	v1 =	vcvt.f32.s32 v12;
	v0 =	vld.idx.msk [tilespmem:v0+s5+$0x0], $0xffff;
	_ =	sdelay $0x4  }
0x4c9: {  	v15 =	vld [tilespmem:$0x188F0];
	v14 =	vtrunc.f32 v13;
	[tilespmem:$0x198C0] =	vst v0  }
0x4ca: {  	v0 =	vcvt.f32.s32 v14;
	v1 =	vld.idx.msk [tilespmem:v1+s5+$0x0], $0xffff;
	_ =	sdelay $0x4  }
0x4cb: {  	v17 =	vld [tilespmem:$0x18980];
	v16 =	vtrunc.f32 v15;
	[tilespmem:$0x198D0] =	vst v1  }
0x4cc: {  	v1 =	vcvt.f32.s32 v16;
	v0 =	vld.idx.msk [tilespmem:v0+s5+$0x0], $0xffff;
	_ =	sdelay $0x4  }
0x4cd: {  	v19 =	vld [tilespmem:$0x18990];
	v18 =	vtrunc.f32 v17;
	[tilespmem:$0x198E0] =	vst v0  }
0x4ce: {  	v0 =	vcvt.f32.s32 v18;
	v1 =	vld.idx.msk [tilespmem:v1+s5+$0x0], $0xffff;
	_ =	sdelay $0x4  }
0x4cf: {  	v21 =	vld [tilespmem:$0x189A0];
	v20 =	vtrunc.f32 v19;
	[tilespmem:$0x198F0] =	vst v1  }
0x4d0: {  	v1 =	vcvt.f32.s32 v20;
	v0 =	vld.idx.msk [tilespmem:v0+s5+$0x0], $0xffff;
	_ =	sdelay $0x4  }
0x4d1: {  	v23 =	vld [tilespmem:$0x189B0];
	v22 =	vtrunc.f32 v21;
	[tilespmem:$0x19980] =	vst v0  }
0x4d2: {  	v0 =	vcvt.f32.s32 v22;
	v1 =	vld.idx.msk [tilespmem:v1+s5+$0x0], $0xffff;
	_ =	sdelay $0x4  }
0x4d3: {  	v25 =	vld [tilespmem:$0x189C0];
	v24 =	vtrunc.f32 v23;
	[tilespmem:$0x19990] =	vst v1  }
0x4d4: {  	v1 =	vcvt.f32.s32 v24;
	v0 =	vld.idx.msk [tilespmem:v0+s5+$0x0], $0xffff;
	_ =	sdelay $0x4  }
0x4d5: {  	v27 =	vld [tilespmem:$0x189D0];
	v26 =	vtrunc.f32 v25;
	[tilespmem:$0x199A0] =	vst v0  }
0x4d6: {  	v0 =	vcvt.f32.s32 v26;
	v1 =	vld.idx.msk [tilespmem:v1+s5+$0x0], $0xffff;
	_ =	sdelay $0x4  }
0x4d7: {  	v29 =	vld [tilespmem:$0x189E0];
	v28 =	vtrunc.f32 v27;
	[tilespmem:$0x199B0] =	vst v1  }
0x4d8: {  	v1 =	vcvt.f32.s32 v28;
	v0 =	vld.idx.msk [tilespmem:v0+s5+$0x0], $0xffff;
	_ =	sdelay $0x4  }
0x4d9: {  	v31 =	vld [tilespmem:$0x189F0];
	v30 =	vtrunc.f32 v29;
	[tilespmem:$0x199C0] =	vst v0  }
0x4da: {  	v0 =	vcvt.f32.s32 v30;
	v1 =	vld.idx.msk [tilespmem:v1+s5+$0x0], $0xffff;
	_ =	sdelay $0x4  }
0x4db: {  	v33 =	vld [tilespmem:$0x18A80];
	v32 =	vtrunc.f32 v31;
	[tilespmem:$0x199D0] =	vst v1  }
0x4dc: {  	v1 =	vcvt.f32.s32 v32;
	v0 =	vld.idx.msk [tilespmem:v0+s5+$0x0], $0xffff;
	_ =	sdelay $0x4  }
0x4dd: {  	v35 =	vld [tilespmem:$0x18A90];
	v34 =	vtrunc.f32 v33;
	[tilespmem:$0x199E0] =	vst v0  }
0x4de: {  	v0 =	vcvt.f32.s32 v34;
	v1 =	vld.idx.msk [tilespmem:v1+s5+$0x0], $0xffff;
	_ =	sdelay $0x4  }
0x4df: {  	v37 =	vld [tilespmem:$0x18AA0];
	v36 =	vtrunc.f32 v35;
	[tilespmem:$0x199F0] =	vst v1  }
0x4e0: {  	v1 =	vcvt.f32.s32 v36;
	v0 =	vld.idx.msk [tilespmem:v0+s5+$0x0], $0xffff;
	_ =	sdelay $0x4  }
0x4e1: {  	v39 =	vld [tilespmem:$0x18AB0];
	v38 =	vtrunc.f32 v37;
	[tilespmem:$0x19A80] =	vst v0  }
0x4e2: {  	v0 =	vcvt.f32.s32 v38;
	v1 =	vld.idx.msk [tilespmem:v1+s5+$0x0], $0xffff;
	_ =	sdelay $0x4  }
0x4e3: {  	v41 =	vld [tilespmem:$0x18AC0];
	v40 =	vtrunc.f32 v39;
	[tilespmem:$0x19A90] =	vst v1  }
0x4e4: {  	v1 =	vcvt.f32.s32 v40;
	v0 =	vld.idx.msk [tilespmem:v0+s5+$0x0], $0xffff;
	_ =	sdelay $0x4  }
0x4e5: {  	v43 =	vld [tilespmem:$0x18AD0];
	v42 =	vtrunc.f32 v41;
	[tilespmem:$0x19AA0] =	vst v0  }
0x4e6: {  	v0 =	vcvt.f32.s32 v42;
	v1 =	vld.idx.msk [tilespmem:v1+s5+$0x0], $0xffff;
	_ =	sdelay $0x4  }
0x4e7: {  	v45 =	vld [tilespmem:$0x18AE0];
	v44 =	vtrunc.f32 v43;
	[tilespmem:$0x19AB0] =	vst v1  }
0x4e8: {  	v1 =	vcvt.f32.s32 v44;
	v0 =	vld.idx.msk [tilespmem:v0+s5+$0x0], $0xffff;
	_ =	sdelay $0x4  }
0x4e9: {  	v47 =	vld [tilespmem:$0x18AF0];
	v46 =	vtrunc.f32 v45;
	[tilespmem:$0x19AC0] =	vst v0  }
0x4ea: {  	v0 =	vcvt.f32.s32 v46;
	v1 =	vld.idx.msk [tilespmem:v1+s5+$0x0], $0xffff;
	_ =	sdelay $0x4  }
0x4eb: {  	v49 =	vld [tilespmem:$0x18B80];
	v48 =	vtrunc.f32 v47;
	[tilespmem:$0x19AD0] =	vst v1  }
0x4ec: {  	v1 =	vcvt.f32.s32 v48;
	v0 =	vld.idx.msk [tilespmem:v0+s5+$0x0], $0xffff;
	_ =	sdelay $0x4  }
0x4ed: {  	v51 =	vld [tilespmem:$0x18B90];
	v50 =	vtrunc.f32 v49;
	[tilespmem:$0x19AE0] =	vst v0  }
0x4ee: {  	v0 =	vcvt.f32.s32 v50;
	v1 =	vld.idx.msk [tilespmem:v1+s5+$0x0], $0xffff;
	_ =	sdelay $0x4  }
0x4ef: {  	v53 =	vld [tilespmem:$0x18BA0];
	v52 =	vtrunc.f32 v51;
	[tilespmem:$0x19AF0] =	vst v1  }
0x4f0: {  	v1 =	vcvt.f32.s32 v52;
	v0 =	vld.idx.msk [tilespmem:v0+s5+$0x0], $0xffff;
	_ =	sdelay $0x4  }
0x4f1: {  	v54 =	vtrunc.f32 v53;
	[tilespmem:$0x19B80] =	vst v0  }
0x4f2: {  	v0 =	vcvt.f32.s32 v54;
	v1 =	vld.idx.msk [tilespmem:v1+s5+$0x0], $0xffff;
	_ =	sdelay $0x4  }
0x4f3: {  	[tilespmem:$0x19B90] =	vst v1  }
0x4f4: {  	v0 =	vld.idx.msk [tilespmem:v0+s5+$0x0], $0xffff;
	_ =	sdelay $0x4  }
0x4f5: {  	[tilespmem:$0x19BA0] =	vst v0  }
0x4f6: {  	v0 =	vld [tilespmem:$0x18BB0];
	_ =	sdelay $0x4  }
0x4f7: {  	v0 =	vtrunc.f32 v0  }
0x4f8: {  	v55 =	vld [tilespmem:$0x18BC0];
	v0 =	vcvt.f32.s32 v0;
	_ =	sdelay $0x4  }
0x4f9: {  	v56 =	vld [tilespmem:$0x18BD0];
	v1 =	vtrunc.f32 v55  }
0x4fa: {  	v1 =	vcvt.f32.s32 v1;
	v0 =	vld.idx.msk [tilespmem:v0+s5+$0x0], $0xffff;
	_ =	sdelay $0x4  }
0x4fb: {  	v58 =	vld [tilespmem:$0x18BE0];
	v57 =	vtrunc.f32 v56;
	[tilespmem:$0x19BB0] =	vst v0  }
0x4fc: {  	v0 =	vcvt.f32.s32 v57;
	v1 =	vld.idx.msk [tilespmem:v1+s5+$0x0], $0xffff;
	_ =	sdelay $0x4  }
0x4fd: {  	v60 =	vld [tilespmem:$0x18BF0];
	v59 =	vtrunc.f32 v58;
	[tilespmem:$0x19BC0] =	vst v1  }
0x4fe: {  	v1 =	vcvt.f32.s32 v59;
	v0 =	vld.idx.msk [tilespmem:v0+s5+$0x0], $0xffff;
	_ =	sdelay $0x4  }
0x4ff: {  	v62 =	vld [tilespmem:$0x18C80];
	v61 =	vtrunc.f32 v60;
	[tilespmem:$0x19BD0] =	vst v0  }
0x500: {  	v0 =	vcvt.f32.s32 v61;
	v1 =	vld.idx.msk [tilespmem:v1+s5+$0x0], $0xffff;
	_ =	sdelay $0x4  }
0x501: {  	v4 =	vld [tilespmem:$0x18C90];
	v63 =	vtrunc.f32 v62;
	[tilespmem:$0x19BE0] =	vst v1  }
0x502: {  	v1 =	vcvt.f32.s32 v63;
	v0 =	vld.idx.msk [tilespmem:v0+s5+$0x0], $0xffff;
	_ =	sdelay $0x4  }
0x503: {  	v6 =	vld [tilespmem:$0x18CA0];
	v5 =	vtrunc.f32 v4;
	[tilespmem:$0x19BF0] =	vst v0  }
0x504: {  	v0 =	vcvt.f32.s32 v5;
	v1 =	vld.idx.msk [tilespmem:v1+s5+$0x0], $0xffff;
	_ =	sdelay $0x4  }
0x505: {  	v8 =	vld [tilespmem:$0x18CB0];
	v7 =	vtrunc.f32 v6;
	[tilespmem:$0x19C80] =	vst v1  }
0x506: {  	v1 =	vcvt.f32.s32 v7;
	v0 =	vld.idx.msk [tilespmem:v0+s5+$0x0], $0xffff;
	_ =	sdelay $0x4  }
0x507: {  	v10 =	vld [tilespmem:$0x18CC0];
	v9 =	vtrunc.f32 v8;
	[tilespmem:$0x19C90] =	vst v0  }
0x508: {  	v0 =	vcvt.f32.s32 v9;
	v1 =	vld.idx.msk [tilespmem:v1+s5+$0x0], $0xffff;
	_ =	sdelay $0x4  }
0x509: {  	v12 =	vld [tilespmem:$0x18CD0];
	v11 =	vtrunc.f32 v10;
	[tilespmem:$0x19CA0] =	vst v1  }
0x50a: {  	v1 =	vcvt.f32.s32 v11;
	v0 =	vld.idx.msk [tilespmem:v0+s5+$0x0], $0xffff;
	_ =	sdelay $0x4  }
0x50b: {  	v14 =	vld [tilespmem:$0x18CE0];
	v13 =	vtrunc.f32 v12;
	[tilespmem:$0x19CB0] =	vst v0  }
0x50c: {  	v0 =	vcvt.f32.s32 v13;
	v1 =	vld.idx.msk [tilespmem:v1+s5+$0x0], $0xffff;
	_ =	sdelay $0x4  }
0x50d: {  	v16 =	vld [tilespmem:$0x18CF0];
	v15 =	vtrunc.f32 v14;
	[tilespmem:$0x19CC0] =	vst v1  }
0x50e: {  	v1 =	vcvt.f32.s32 v15;
	v0 =	vld.idx.msk [tilespmem:v0+s5+$0x0], $0xffff;
	_ =	sdelay $0x4  }
0x50f: {  	v18 =	vld [tilespmem:$0x18D80];
	v17 =	vtrunc.f32 v16;
	[tilespmem:$0x19CD0] =	vst v0  }
0x510: {  	v0 =	vcvt.f32.s32 v17;
	v1 =	vld.idx.msk [tilespmem:v1+s5+$0x0], $0xffff;
	_ =	sdelay $0x4  }
0x511: {  	v20 =	vld [tilespmem:$0x18D90];
	v19 =	vtrunc.f32 v18;
	[tilespmem:$0x19CE0] =	vst v1  }
0x512: {  	v1 =	vcvt.f32.s32 v19;
	v0 =	vld.idx.msk [tilespmem:v0+s5+$0x0], $0xffff;
	_ =	sdelay $0x4  }
0x513: {  	v22 =	vld [tilespmem:$0x18DA0];
	v21 =	vtrunc.f32 v20;
	[tilespmem:$0x19CF0] =	vst v0  }
0x514: {  	v0 =	vcvt.f32.s32 v21;
	v1 =	vld.idx.msk [tilespmem:v1+s5+$0x0], $0xffff;
	_ =	sdelay $0x4  }
0x515: {  	v24 =	vld [tilespmem:$0x18DB0];
	v23 =	vtrunc.f32 v22;
	[tilespmem:$0x19D80] =	vst v1  }
0x516: {  	v1 =	vcvt.f32.s32 v23;
	v0 =	vld.idx.msk [tilespmem:v0+s5+$0x0], $0xffff;
	_ =	sdelay $0x4  }
0x517: {  	v26 =	vld [tilespmem:$0x18DC0];
	v25 =	vtrunc.f32 v24;
	[tilespmem:$0x19D90] =	vst v0  }
0x518: {  	v0 =	vcvt.f32.s32 v25;
	v1 =	vld.idx.msk [tilespmem:v1+s5+$0x0], $0xffff;
	_ =	sdelay $0x4  }
0x519: {  	v28 =	vld [tilespmem:$0x18DD0];
	v27 =	vtrunc.f32 v26;
	[tilespmem:$0x19DA0] =	vst v1  }
0x51a: {  	v1 =	vcvt.f32.s32 v27;
	v0 =	vld.idx.msk [tilespmem:v0+s5+$0x0], $0xffff;
	_ =	sdelay $0x4  }
0x51b: {  	v30 =	vld [tilespmem:$0x18DE0];
	v29 =	vtrunc.f32 v28;
	[tilespmem:$0x19DB0] =	vst v0  }
0x51c: {  	v0 =	vcvt.f32.s32 v29;
	v1 =	vld.idx.msk [tilespmem:v1+s5+$0x0], $0xffff;
	_ =	sdelay $0x4  }
0x51d: {  	v32 =	vld [tilespmem:$0x18DF0];
	v31 =	vtrunc.f32 v30;
	[tilespmem:$0x19DC0] =	vst v1  }
0x51e: {  	v1 =	vcvt.f32.s32 v31;
	v0 =	vld.idx.msk [tilespmem:v0+s5+$0x0], $0xffff;
	_ =	sdelay $0x4  }
0x51f: {  	v34 =	vld [tilespmem:$0x18E80];
	v33 =	vtrunc.f32 v32;
	[tilespmem:$0x19DD0] =	vst v0  }
0x520: {  	v0 =	vcvt.f32.s32 v33;
	v1 =	vld.idx.msk [tilespmem:v1+s5+$0x0], $0xffff;
	_ =	sdelay $0x4  }
0x521: {  	v36 =	vld [tilespmem:$0x18E90];
	v35 =	vtrunc.f32 v34;
	[tilespmem:$0x19DE0] =	vst v1  }
0x522: {  	v1 =	vcvt.f32.s32 v35;
	v0 =	vld.idx.msk [tilespmem:v0+s5+$0x0], $0xffff;
	_ =	sdelay $0x4  }
0x523: {  	v38 =	vld [tilespmem:$0x18EA0];
	v37 =	vtrunc.f32 v36;
	[tilespmem:$0x19DF0] =	vst v0  }
0x524: {  	v0 =	vcvt.f32.s32 v37;
	v1 =	vld.idx.msk [tilespmem:v1+s5+$0x0], $0xffff;
	_ =	sdelay $0x4  }
0x525: {  	v40 =	vld [tilespmem:$0x18EB0];
	v39 =	vtrunc.f32 v38;
	[tilespmem:$0x19E80] =	vst v1  }
0x526: {  	v1 =	vcvt.f32.s32 v39;
	v0 =	vld.idx.msk [tilespmem:v0+s5+$0x0], $0xffff;
	_ =	sdelay $0x4  }
0x527: {  	v42 =	vld [tilespmem:$0x18EC0];
	v41 =	vtrunc.f32 v40;
	[tilespmem:$0x19E90] =	vst v0  }
0x528: {  	v0 =	vcvt.f32.s32 v41;
	v1 =	vld.idx.msk [tilespmem:v1+s5+$0x0], $0xffff;
	_ =	sdelay $0x4  }
0x529: {  	v44 =	vld [tilespmem:$0x18ED0];
	v43 =	vtrunc.f32 v42;
	[tilespmem:$0x19EA0] =	vst v1  }
0x52a: {  	v1 =	vcvt.f32.s32 v43;
	v0 =	vld.idx.msk [tilespmem:v0+s5+$0x0], $0xffff;
	_ =	sdelay $0x4  }
0x52b: {  	v46 =	vld [tilespmem:$0x18EE0];
	v45 =	vtrunc.f32 v44;
	[tilespmem:$0x19EB0] =	vst v0  }
0x52c: {  	v0 =	vcvt.f32.s32 v45;
	v1 =	vld.idx.msk [tilespmem:v1+s5+$0x0], $0xffff;
	_ =	sdelay $0x4  }
0x52d: {  	v48 =	vld [tilespmem:$0x18EF0];
	v47 =	vtrunc.f32 v46;
	[tilespmem:$0x19EC0] =	vst v1  }
0x52e: {  	v1 =	vcvt.f32.s32 v47;
	v0 =	vld.idx.msk [tilespmem:v0+s5+$0x0], $0xffff;
	_ =	sdelay $0x4  }
0x52f: {  	v49 =	vtrunc.f32 v48;
	[tilespmem:$0x19ED0] =	vst v0  }
0x530: {  	v0 =	vcvt.f32.s32 v49;
	v1 =	vld.idx.msk [tilespmem:v1+s5+$0x0], $0xffff;
	_ =	sdelay $0x4  }
0x531: {  	[tilespmem:$0x19EE0] =	vst v1  }
0x532: {  	v0 =	vld.idx.msk [tilespmem:v0+s5+$0x0], $0xffff;
	_ =	sdelay $0x4  }
0x533: {  	s10 =	simm.s32 $0x19700;
	[tilespmem:$0x19EF0] =	vst v0  }
0x534: {  	[hbm4b:s0+s19] =	stream.strided.scatter [tilespmem:s10], [sflag:$0x4], $0x100, s31, s19, $0x38;
	[tilespmem:$0x1A700] =	vst v63  }
0x535: {  	s23 =	sadd.s32 $0x80, s0;
	s11 =	simm.s32 $0x19800  }
0x536: {  	[hbm4b:s23+s19] =	stream.strided.scatter [tilespmem:s11], [sflag:$0x4], $0x100, s31, s19, $0x38;
	[tilespmem:$0x1A700] =	vst v63  }
0x537: {  	s11 =	sadd.s32 $0x100, s0;
	s23 =	simm.s32 $0x19900  }
0x538: {  	[hbm4b:s11+s19] =	stream.strided.scatter [tilespmem:s23], [sflag:$0x4], $0x100, s31, s19, $0x38;
	[tilespmem:$0x1A700] =	vst v63  }
0x539: {  	s11 =	sadd.s32 $0x180, s0;
	s23 =	simm.s32 $0x19A00  }
0x53a: {  	[hbm4b:s11+s19] =	stream.strided.scatter [tilespmem:s23], [sflag:$0x4], $0x100, s31, s19, $0x38;
	[tilespmem:$0x1A700] =	vst v63  }
0x53b: {  	s11 =	sadd.s32 $0x200, s0;
	s23 =	simm.s32 $0x19B00  }
0x53c: {  	[hbm4b:s11+s19] =	stream.strided.scatter [tilespmem:s23], [sflag:$0x4], $0x100, s31, s19, $0x38;
	[tilespmem:$0x1A700] =	vst v63  }
0x53d: {  	s11 =	sadd.s32 $0x280, s0;
	s23 =	simm.s32 $0x19C00  }
0x53e: {  	[hbm4b:s11+s19] =	stream.strided.scatter [tilespmem:s23], [sflag:$0x4], $0x100, s31, s19, $0x38;
	[tilespmem:$0x1A700] =	vst v63  }
0x53f: {  	s11 =	sadd.s32 $0x300, s0;
	s23 =	simm.s32 $0x19D00  }
0x540: {  	[hbm4b:s11+s19] =	stream.strided.scatter [tilespmem:s23], [sflag:$0x4], $0x100, s31, s19, $0x38;
	[tilespmem:$0x1A700] =	vst v63  }
0x541: {  	s11 =	sadd.s32 $0x380, s0;
	s23 =	simm.s32 $0x19E00  }
0x542: {  	[hbm4b:s11+s19] =	stream.strided.scatter [tilespmem:s23], [sflag:$0x4], $0x100, s31, s19, $0x38;
	[tilespmem:$0x1A700] =	vst v63  }
0x543: {  	s10 =	sadd.s32 s7, s15;
	s23 =	simm.s32 $0x18700  }
0x544: {  	[tilespmem:s23], [sflag:$0x2] =	stream.strided.gather [hbm4b:s10+s19], $0x100, s20, s19, $0x38;
	[tilespmem:$0x1A700] =	vst v63  }
0x545: {  	s11 =	sadd.s32 $0x80, s10;
	s23 =	simm.s32 $0x18800  }
0x546: {  	[tilespmem:s23], [sflag:$0x2] =	stream.strided.gather [hbm4b:s11+s19], $0x100, s20, s19, $0x38;
	[tilespmem:$0x1A700] =	vst v63  }
0x547: {  	s11 =	sadd.s32 $0x100, s10;
	s23 =	simm.s32 $0x18900  }
0x548: {  	[tilespmem:s23], [sflag:$0x2] =	stream.strided.gather [hbm4b:s11+s19], $0x100, s20, s19, $0x38;
	[tilespmem:$0x1A700] =	vst v63  }
0x549: {  	s11 =	sadd.s32 $0x180, s10  }
0x54a: {  	[tilespmem:s24], [sflag:$0x2] =	stream.strided.gather [hbm4b:s11+s19], $0x100, s20, s19, $0x38;
	[tilespmem:$0x1A700] =	vst v63  }
0x54b: {  	s11 =	sadd.s32 $0x200, s10  }
0x54c: {  	[tilespmem:s25], [sflag:$0x2] =	stream.strided.gather [hbm4b:s11+s19], $0x100, s20, s19, $0x38;
	[tilespmem:$0x1A700] =	vst v63  }
0x54d: {  	s11 =	sadd.s32 $0x280, s10  }
0x54e: {  	[tilespmem:s26], [sflag:$0x2] =	stream.strided.gather [hbm4b:s11+s19], $0x100, s20, s19, $0x38;
	[tilespmem:$0x1A700] =	vst v63  }
0x54f: {  	s11 =	sadd.s32 $0x300, s10  }
0x550: {  	[tilespmem:s28], [sflag:$0x2] =	stream.strided.gather [hbm4b:s11+s19], $0x100, s20, s19, $0x38;
	[tilespmem:$0x1A700] =	vst v63  }
0x551: {  	s10 =	sadd.s32 $0x380, s10  }
0x552: {  	[tilespmem:s29], [sflag:$0x2] =	stream.strided.gather [hbm4b:s10+s19], $0x100, s20, s19, $0x38;
	[tilespmem:$0x1A700] =	vst v63  }
0x553: {  	_ =	swait.ge [sflag:s16], $0x800  }
0x554: {  	[sflag:s16] =	ssyncset.done $0x0  }
0x555: {  	[sflag:s16] =	ssyncadd.s32 $0xFFFFF800  }
0x556: {  	_ =	swait.ge [sflag:s14], $0x800  }
0x557: {  	[sflag:s14] =	ssyncset.done $0x0  }
0x558: {  	[sflag:s14] =	ssyncadd.s32 $0xFFFFF800  }
0x559: {  	v50 =	vld [tilespmem:$0x18F00];
	_ =	sdelay $0x4  }
0x55a: {  	v0 =	vtrunc.f32 v50  }
0x55b: {  	v51 =	vld [tilespmem:$0x18F10];
	v0 =	vcvt.f32.s32 v0;
	_ =	sdelay $0x4  }
0x55c: {  	v52 =	vld [tilespmem:$0x18F20];
	v1 =	vtrunc.f32 v51  }
0x55d: {  	v1 =	vcvt.f32.s32 v1;
	v0 =	vld.idx.msk [tilespmem:v0+s5+$0x0], $0xffff;
	_ =	sdelay $0x4  }
0x55e: {  	v54 =	vld [tilespmem:$0x18F30];
	v53 =	vtrunc.f32 v52;
	[tilespmem:$0x19F00] =	vst v0  }
0x55f: {  	v0 =	vld.idx.msk [tilespmem:v1+s5+$0x0], $0xffff;
	v1 =	vcvt.f32.s32 v53;
	_ =	sdelay $0x4  }
0x560: {  	v56 =	vld [tilespmem:$0x18F40];
	v55 =	vtrunc.f32 v54;
	[tilespmem:$0x19F10] =	vst v0  }
0x561: {  	v0 =	vcvt.f32.s32 v55;
	v1 =	vld.idx.msk [tilespmem:v1+s5+$0x0], $0xffff;
	_ =	sdelay $0x4  }
0x562: {  	v58 =	vld [tilespmem:$0x18F50];
	v57 =	vtrunc.f32 v56;
	[tilespmem:$0x19F20] =	vst v1  }
0x563: {  	v1 =	vcvt.f32.s32 v57;
	v0 =	vld.idx.msk [tilespmem:v0+s5+$0x0], $0xffff;
	_ =	sdelay $0x4  }
0x564: {  	v60 =	vld [tilespmem:$0x18F60];
	v59 =	vtrunc.f32 v58;
	[tilespmem:$0x19F30] =	vst v0  }
0x565: {  	v0 =	vcvt.f32.s32 v59;
	v1 =	vld.idx.msk [tilespmem:v1+s5+$0x0], $0xffff;
	_ =	sdelay $0x4  }
0x566: {  	v62 =	vld [tilespmem:$0x18F70];
	v61 =	vtrunc.f32 v60;
	[tilespmem:$0x19F40] =	vst v1  }
0x567: {  	v1 =	vcvt.f32.s32 v61;
	v0 =	vld.idx.msk [tilespmem:v0+s5+$0x0], $0xffff;
	_ =	sdelay $0x4  }
0x568: {  	v4 =	vld [tilespmem:$0x19000];
	v63 =	vtrunc.f32 v62;
	[tilespmem:$0x19F50] =	vst v0  }
0x569: {  	v0 =	vcvt.f32.s32 v63;
	v1 =	vld.idx.msk [tilespmem:v1+s5+$0x0], $0xffff;
	_ =	sdelay $0x4  }
0x56a: {  	v6 =	vld [tilespmem:$0x19010];
	v5 =	vtrunc.f32 v4;
	[tilespmem:$0x19F60] =	vst v1  }
0x56b: {  	v1 =	vcvt.f32.s32 v5;
	v0 =	vld.idx.msk [tilespmem:v0+s5+$0x0], $0xffff;
	_ =	sdelay $0x4  }
0x56c: {  	v8 =	vld [tilespmem:$0x19020];
	v7 =	vtrunc.f32 v6;
	[tilespmem:$0x19F70] =	vst v0  }
0x56d: {  	v0 =	vcvt.f32.s32 v7;
	v1 =	vld.idx.msk [tilespmem:v1+s5+$0x0], $0xffff;
	_ =	sdelay $0x4  }
0x56e: {  	v10 =	vld [tilespmem:$0x19030];
	v9 =	vtrunc.f32 v8;
	[tilespmem:$0x1A000] =	vst v1  }
0x56f: {  	v1 =	vcvt.f32.s32 v9;
	v0 =	vld.idx.msk [tilespmem:v0+s5+$0x0], $0xffff;
	_ =	sdelay $0x4  }
0x570: {  	v12 =	vld [tilespmem:$0x19040];
	v11 =	vtrunc.f32 v10;
	[tilespmem:$0x1A010] =	vst v0  }
0x571: {  	v0 =	vcvt.f32.s32 v11;
	v1 =	vld.idx.msk [tilespmem:v1+s5+$0x0], $0xffff;
	_ =	sdelay $0x4  }
0x572: {  	v14 =	vld [tilespmem:$0x19050];
	v13 =	vtrunc.f32 v12;
	[tilespmem:$0x1A020] =	vst v1  }
0x573: {  	v1 =	vcvt.f32.s32 v13;
	v0 =	vld.idx.msk [tilespmem:v0+s5+$0x0], $0xffff;
	_ =	sdelay $0x4  }
0x574: {  	v16 =	vld [tilespmem:$0x19060];
	v15 =	vtrunc.f32 v14;
	[tilespmem:$0x1A030] =	vst v0  }
0x575: {  	v0 =	vcvt.f32.s32 v15;
	v1 =	vld.idx.msk [tilespmem:v1+s5+$0x0], $0xffff;
	_ =	sdelay $0x4  }
0x576: {  	v18 =	vld [tilespmem:$0x19070];
	v17 =	vtrunc.f32 v16;
	[tilespmem:$0x1A040] =	vst v1  }
0x577: {  	v1 =	vcvt.f32.s32 v17;
	v0 =	vld.idx.msk [tilespmem:v0+s5+$0x0], $0xffff;
	_ =	sdelay $0x4  }
0x578: {  	v20 =	vld [tilespmem:$0x19100];
	v19 =	vtrunc.f32 v18;
	[tilespmem:$0x1A050] =	vst v0  }
0x579: {  	v0 =	vcvt.f32.s32 v19;
	v1 =	vld.idx.msk [tilespmem:v1+s5+$0x0], $0xffff;
	_ =	sdelay $0x4  }
0x57a: {  	v22 =	vld [tilespmem:$0x19110];
	v21 =	vtrunc.f32 v20;
	[tilespmem:$0x1A060] =	vst v1  }
0x57b: {  	v1 =	vcvt.f32.s32 v21;
	v0 =	vld.idx.msk [tilespmem:v0+s5+$0x0], $0xffff;
	_ =	sdelay $0x4  }
0x57c: {  	v24 =	vld [tilespmem:$0x19120];
	v23 =	vtrunc.f32 v22;
	[tilespmem:$0x1A070] =	vst v0  }
0x57d: {  	v0 =	vcvt.f32.s32 v23;
	v1 =	vld.idx.msk [tilespmem:v1+s5+$0x0], $0xffff;
	_ =	sdelay $0x4  }
0x57e: {  	v26 =	vld [tilespmem:$0x19130];
	v25 =	vtrunc.f32 v24;
	[tilespmem:$0x1A100] =	vst v1  }
0x57f: {  	v1 =	vcvt.f32.s32 v25;
	v0 =	vld.idx.msk [tilespmem:v0+s5+$0x0], $0xffff;
	_ =	sdelay $0x4  }
0x580: {  	v28 =	vld [tilespmem:$0x19140];
	v27 =	vtrunc.f32 v26;
	[tilespmem:$0x1A110] =	vst v0  }
0x581: {  	v0 =	vcvt.f32.s32 v27;
	v1 =	vld.idx.msk [tilespmem:v1+s5+$0x0], $0xffff;
	_ =	sdelay $0x4  }
0x582: {  	v30 =	vld [tilespmem:$0x19150];
	v29 =	vtrunc.f32 v28;
	[tilespmem:$0x1A120] =	vst v1  }
0x583: {  	v1 =	vcvt.f32.s32 v29;
	v0 =	vld.idx.msk [tilespmem:v0+s5+$0x0], $0xffff;
	_ =	sdelay $0x4  }
0x584: {  	v32 =	vld [tilespmem:$0x19160];
	v31 =	vtrunc.f32 v30;
	[tilespmem:$0x1A130] =	vst v0  }
0x585: {  	v0 =	vcvt.f32.s32 v31;
	v1 =	vld.idx.msk [tilespmem:v1+s5+$0x0], $0xffff;
	_ =	sdelay $0x4  }
0x586: {  	v34 =	vld [tilespmem:$0x19170];
	v33 =	vtrunc.f32 v32;
	[tilespmem:$0x1A140] =	vst v1  }
0x587: {  	v1 =	vcvt.f32.s32 v33;
	v0 =	vld.idx.msk [tilespmem:v0+s5+$0x0], $0xffff;
	_ =	sdelay $0x4  }
0x588: {  	v36 =	vld [tilespmem:$0x19200];
	v35 =	vtrunc.f32 v34;
	[tilespmem:$0x1A150] =	vst v0  }
0x589: {  	v0 =	vcvt.f32.s32 v35;
	v1 =	vld.idx.msk [tilespmem:v1+s5+$0x0], $0xffff;
	_ =	sdelay $0x4  }
0x58a: {  	v38 =	vld [tilespmem:$0x19210];
	v37 =	vtrunc.f32 v36;
	[tilespmem:$0x1A160] =	vst v1  }
0x58b: {  	v1 =	vcvt.f32.s32 v37;
	v0 =	vld.idx.msk [tilespmem:v0+s5+$0x0], $0xffff;
	_ =	sdelay $0x4  }
0x58c: {  	v40 =	vld [tilespmem:$0x19220];
	v39 =	vtrunc.f32 v38;
	[tilespmem:$0x1A170] =	vst v0  }
0x58d: {  	v0 =	vcvt.f32.s32 v39;
	v1 =	vld.idx.msk [tilespmem:v1+s5+$0x0], $0xffff;
	_ =	sdelay $0x4  }
0x58e: {  	v42 =	vld [tilespmem:$0x19230];
	v41 =	vtrunc.f32 v40;
	[tilespmem:$0x1A200] =	vst v1  }
0x58f: {  	v1 =	vcvt.f32.s32 v41;
	v0 =	vld.idx.msk [tilespmem:v0+s5+$0x0], $0xffff;
	_ =	sdelay $0x4  }
0x590: {  	v44 =	vld [tilespmem:$0x19240];
	v43 =	vtrunc.f32 v42;
	[tilespmem:$0x1A210] =	vst v0  }
0x591: {  	v0 =	vcvt.f32.s32 v43;
	v1 =	vld.idx.msk [tilespmem:v1+s5+$0x0], $0xffff;
	_ =	sdelay $0x4  }
0x592: {  	v46 =	vld [tilespmem:$0x19250];
	v45 =	vtrunc.f32 v44;
	[tilespmem:$0x1A220] =	vst v1  }
0x593: {  	v1 =	vcvt.f32.s32 v45;
	v0 =	vld.idx.msk [tilespmem:v0+s5+$0x0], $0xffff;
	_ =	sdelay $0x4  }
0x594: {  	v48 =	vld [tilespmem:$0x19260];
	v47 =	vtrunc.f32 v46;
	[tilespmem:$0x1A230] =	vst v0  }
0x595: {  	v0 =	vcvt.f32.s32 v47;
	v1 =	vld.idx.msk [tilespmem:v1+s5+$0x0], $0xffff;
	_ =	sdelay $0x4  }
0x596: {  	v49 =	vtrunc.f32 v48;
	v50 =	vld [tilespmem:$0x19270];
	[tilespmem:$0x1A240] =	vst v1  }
0x597: {  	v1 =	vcvt.f32.s32 v49;
	v0 =	vld.idx.msk [tilespmem:v0+s5+$0x0], $0xffff;
	_ =	sdelay $0x4  }
0x598: {  	v52 =	vld [tilespmem:$0x19300];
	v51 =	vtrunc.f32 v50;
	[tilespmem:$0x1A250] =	vst v0  }
0x599: {  	v0 =	vcvt.f32.s32 v51;
	v1 =	vld.idx.msk [tilespmem:v1+s5+$0x0], $0xffff;
	_ =	sdelay $0x4  }
0x59a: {  	v54 =	vld [tilespmem:$0x19310];
	v53 =	vtrunc.f32 v52;
	[tilespmem:$0x1A260] =	vst v1  }
0x59b: {  	v1 =	vcvt.f32.s32 v53;
	v0 =	vld.idx.msk [tilespmem:v0+s5+$0x0], $0xffff;
	_ =	sdelay $0x4  }
0x59c: {  	v56 =	vld [tilespmem:$0x19320];
	v55 =	vtrunc.f32 v54;
	[tilespmem:$0x1A270] =	vst v0  }
0x59d: {  	v0 =	vcvt.f32.s32 v55;
	v1 =	vld.idx.msk [tilespmem:v1+s5+$0x0], $0xffff;
	_ =	sdelay $0x4  }
0x59e: {  	v58 =	vld [tilespmem:$0x19330];
	v57 =	vtrunc.f32 v56;
	[tilespmem:$0x1A300] =	vst v1  }
0x59f: {  	v1 =	vcvt.f32.s32 v57;
	v0 =	vld.idx.msk [tilespmem:v0+s5+$0x0], $0xffff;
	_ =	sdelay $0x4  }
0x5a0: {  	v60 =	vld [tilespmem:$0x19340];
	v59 =	vtrunc.f32 v58;
	[tilespmem:$0x1A310] =	vst v0  }
0x5a1: {  	v0 =	vcvt.f32.s32 v59;
	v1 =	vld.idx.msk [tilespmem:v1+s5+$0x0], $0xffff;
	_ =	sdelay $0x4  }
0x5a2: {  	v62 =	vld [tilespmem:$0x19350];
	v61 =	vtrunc.f32 v60;
	[tilespmem:$0x1A320] =	vst v1  }
0x5a3: {  	v1 =	vcvt.f32.s32 v61;
	v0 =	vld.idx.msk [tilespmem:v0+s5+$0x0], $0xffff;
	_ =	sdelay $0x4  }
0x5a4: {  	v4 =	vld [tilespmem:$0x19360];
	v63 =	vtrunc.f32 v62;
	[tilespmem:$0x1A330] =	vst v0  }
0x5a5: {  	v0 =	vcvt.f32.s32 v63;
	v1 =	vld.idx.msk [tilespmem:v1+s5+$0x0], $0xffff;
	_ =	sdelay $0x4  }
0x5a6: {  	v6 =	vld [tilespmem:$0x19370];
	v5 =	vtrunc.f32 v4;
	[tilespmem:$0x1A340] =	vst v1  }
0x5a7: {  	v1 =	vcvt.f32.s32 v5;
	v0 =	vld.idx.msk [tilespmem:v0+s5+$0x0], $0xffff;
	_ =	sdelay $0x4  }
0x5a8: {  	v8 =	vld [tilespmem:$0x19400];
	v7 =	vtrunc.f32 v6;
	[tilespmem:$0x1A350] =	vst v0  }
0x5a9: {  	v0 =	vcvt.f32.s32 v7;
	v1 =	vld.idx.msk [tilespmem:v1+s5+$0x0], $0xffff;
	_ =	sdelay $0x4  }
0x5aa: {  	v10 =	vld [tilespmem:$0x19410];
	v9 =	vtrunc.f32 v8;
	[tilespmem:$0x1A360] =	vst v1  }
0x5ab: {  	v1 =	vcvt.f32.s32 v9;
	v0 =	vld.idx.msk [tilespmem:v0+s5+$0x0], $0xffff;
	_ =	sdelay $0x4  }
0x5ac: {  	v12 =	vld [tilespmem:$0x19420];
	v11 =	vtrunc.f32 v10;
	[tilespmem:$0x1A370] =	vst v0  }
0x5ad: {  	v0 =	vcvt.f32.s32 v11;
	v1 =	vld.idx.msk [tilespmem:v1+s5+$0x0], $0xffff;
	_ =	sdelay $0x4  }
0x5ae: {  	v14 =	vld [tilespmem:$0x19430];
	v13 =	vtrunc.f32 v12;
	[tilespmem:$0x1A400] =	vst v1  }
0x5af: {  	v1 =	vcvt.f32.s32 v13;
	v0 =	vld.idx.msk [tilespmem:v0+s5+$0x0], $0xffff;
	_ =	sdelay $0x4  }
0x5b0: {  	v16 =	vld [tilespmem:$0x19440];
	v15 =	vtrunc.f32 v14;
	[tilespmem:$0x1A410] =	vst v0  }
0x5b1: {  	v0 =	vcvt.f32.s32 v15;
	v1 =	vld.idx.msk [tilespmem:v1+s5+$0x0], $0xffff;
	_ =	sdelay $0x4  }
0x5b2: {  	v18 =	vld [tilespmem:$0x19450];
	v17 =	vtrunc.f32 v16;
	[tilespmem:$0x1A420] =	vst v1  }
0x5b3: {  	v1 =	vcvt.f32.s32 v17;
	v0 =	vld.idx.msk [tilespmem:v0+s5+$0x0], $0xffff;
	_ =	sdelay $0x4  }
0x5b4: {  	v20 =	vld [tilespmem:$0x19460];
	v19 =	vtrunc.f32 v18;
	[tilespmem:$0x1A430] =	vst v0  }
0x5b5: {  	v0 =	vcvt.f32.s32 v19;
	v1 =	vld.idx.msk [tilespmem:v1+s5+$0x0], $0xffff;
	_ =	sdelay $0x4  }
0x5b6: {  	v22 =	vld [tilespmem:$0x19470];
	v21 =	vtrunc.f32 v20;
	[tilespmem:$0x1A440] =	vst v1  }
0x5b7: {  	v1 =	vcvt.f32.s32 v21;
	v0 =	vld.idx.msk [tilespmem:v0+s5+$0x0], $0xffff;
	_ =	sdelay $0x4  }
0x5b8: {  	v24 =	vld [tilespmem:$0x19500];
	v23 =	vtrunc.f32 v22;
	[tilespmem:$0x1A450] =	vst v0  }
0x5b9: {  	v0 =	vcvt.f32.s32 v23;
	v1 =	vld.idx.msk [tilespmem:v1+s5+$0x0], $0xffff;
	_ =	sdelay $0x4  }
0x5ba: {  	v26 =	vld [tilespmem:$0x19510];
	v25 =	vtrunc.f32 v24;
	[tilespmem:$0x1A460] =	vst v1  }
0x5bb: {  	v1 =	vcvt.f32.s32 v25;
	v0 =	vld.idx.msk [tilespmem:v0+s5+$0x0], $0xffff;
	_ =	sdelay $0x4  }
0x5bc: {  	v28 =	vld [tilespmem:$0x19520];
	v27 =	vtrunc.f32 v26;
	[tilespmem:$0x1A470] =	vst v0  }
0x5bd: {  	v0 =	vcvt.f32.s32 v27;
	v1 =	vld.idx.msk [tilespmem:v1+s5+$0x0], $0xffff;
	_ =	sdelay $0x4  }
0x5be: {  	v30 =	vld [tilespmem:$0x19530];
	v29 =	vtrunc.f32 v28;
	[tilespmem:$0x1A500] =	vst v1  }
0x5bf: {  	v1 =	vcvt.f32.s32 v29;
	v0 =	vld.idx.msk [tilespmem:v0+s5+$0x0], $0xffff;
	_ =	sdelay $0x4  }
0x5c0: {  	v32 =	vld [tilespmem:$0x19540];
	v31 =	vtrunc.f32 v30;
	[tilespmem:$0x1A510] =	vst v0  }
0x5c1: {  	v0 =	vcvt.f32.s32 v31;
	v1 =	vld.idx.msk [tilespmem:v1+s5+$0x0], $0xffff;
	_ =	sdelay $0x4  }
0x5c2: {  	v34 =	vld [tilespmem:$0x19550];
	v33 =	vtrunc.f32 v32;
	[tilespmem:$0x1A520] =	vst v1  }
0x5c3: {  	v1 =	vcvt.f32.s32 v33;
	v0 =	vld.idx.msk [tilespmem:v0+s5+$0x0], $0xffff;
	_ =	sdelay $0x4  }
0x5c4: {  	v36 =	vld [tilespmem:$0x19560];
	v35 =	vtrunc.f32 v34;
	[tilespmem:$0x1A530] =	vst v0  }
0x5c5: {  	v0 =	vcvt.f32.s32 v35;
	v1 =	vld.idx.msk [tilespmem:v1+s5+$0x0], $0xffff;
	_ =	sdelay $0x4  }
0x5c6: {  	v38 =	vld [tilespmem:$0x19570];
	v37 =	vtrunc.f32 v36;
	[tilespmem:$0x1A540] =	vst v1  }
0x5c7: {  	v1 =	vcvt.f32.s32 v37;
	v0 =	vld.idx.msk [tilespmem:v0+s5+$0x0], $0xffff;
	_ =	sdelay $0x4  }
0x5c8: {  	v40 =	vld [tilespmem:$0x19600];
	v39 =	vtrunc.f32 v38;
	[tilespmem:$0x1A550] =	vst v0  }
0x5c9: {  	v0 =	vcvt.f32.s32 v39;
	v1 =	vld.idx.msk [tilespmem:v1+s5+$0x0], $0xffff;
	_ =	sdelay $0x4  }
0x5ca: {  	v42 =	vld [tilespmem:$0x19610];
	v41 =	vtrunc.f32 v40;
	[tilespmem:$0x1A560] =	vst v1  }
0x5cb: {  	v1 =	vcvt.f32.s32 v41;
	v0 =	vld.idx.msk [tilespmem:v0+s5+$0x0], $0xffff;
	_ =	sdelay $0x4  }
0x5cc: {  	v44 =	vld [tilespmem:$0x19620];
	v43 =	vtrunc.f32 v42;
	[tilespmem:$0x1A570] =	vst v0  }
0x5cd: {  	v0 =	vcvt.f32.s32 v43;
	v1 =	vld.idx.msk [tilespmem:v1+s5+$0x0], $0xffff;
	_ =	sdelay $0x4  }
0x5ce: {  	v46 =	vld [tilespmem:$0x19630];
	v45 =	vtrunc.f32 v44;
	[tilespmem:$0x1A600] =	vst v1  }
0x5cf: {  	v1 =	vcvt.f32.s32 v45;
	v0 =	vld.idx.msk [tilespmem:v0+s5+$0x0], $0xffff;
	_ =	sdelay $0x4  }
0x5d0: {  	v48 =	vld [tilespmem:$0x19640];
	v47 =	vtrunc.f32 v46;
	[tilespmem:$0x1A610] =	vst v0  }
0x5d1: {  	v0 =	vcvt.f32.s32 v47;
	v1 =	vld.idx.msk [tilespmem:v1+s5+$0x0], $0xffff;
	_ =	sdelay $0x4  }
0x5d2: {  	v50 =	vld [tilespmem:$0x19650];
	v49 =	vtrunc.f32 v48;
	[tilespmem:$0x1A620] =	vst v1  }
0x5d3: {  	v1 =	vcvt.f32.s32 v49;
	v0 =	vld.idx.msk [tilespmem:v0+s5+$0x0], $0xffff;
	_ =	sdelay $0x4  }
0x5d4: {  	v52 =	vld [tilespmem:$0x19660];
	v51 =	vtrunc.f32 v50;
	[tilespmem:$0x1A630] =	vst v0  }
0x5d5: {  	v0 =	vcvt.f32.s32 v51;
	v1 =	vld.idx.msk [tilespmem:v1+s5+$0x0], $0xffff;
	_ =	sdelay $0x4  }
0x5d6: {  	v54 =	vld [tilespmem:$0x19670];
	v53 =	vtrunc.f32 v52;
	[tilespmem:$0x1A640] =	vst v1  }
0x5d7: {  	v1 =	vcvt.f32.s32 v53;
	v0 =	vld.idx.msk [tilespmem:v0+s5+$0x0], $0xffff;
	_ =	sdelay $0x4  }
0x5d8: {  	v56 =	vld [tilespmem:$0x18F80];
	v55 =	vtrunc.f32 v54;
	[tilespmem:$0x1A650] =	vst v0  }
0x5d9: {  	v0 =	vcvt.f32.s32 v55;
	v1 =	vld.idx.msk [tilespmem:v1+s5+$0x0], $0xffff;
	_ =	sdelay $0x4  }
0x5da: {  	v58 =	vld [tilespmem:$0x18F90];
	v57 =	vtrunc.f32 v56;
	[tilespmem:$0x1A660] =	vst v1  }
0x5db: {  	v1 =	vcvt.f32.s32 v57;
	v0 =	vld.idx.msk [tilespmem:v0+s5+$0x0], $0xffff;
	_ =	sdelay $0x4  }
0x5dc: {  	v60 =	vld [tilespmem:$0x18FA0];
	v59 =	vtrunc.f32 v58;
	[tilespmem:$0x1A670] =	vst v0  }
0x5dd: {  	v0 =	vcvt.f32.s32 v59;
	v1 =	vld.idx.msk [tilespmem:v1+s5+$0x0], $0xffff;
	_ =	sdelay $0x4  }
0x5de: {  	v62 =	vld [tilespmem:$0x18FB0];
	v61 =	vtrunc.f32 v60;
	[tilespmem:$0x19F80] =	vst v1  }
0x5df: {  	v1 =	vcvt.f32.s32 v61;
	v0 =	vld.idx.msk [tilespmem:v0+s5+$0x0], $0xffff;
	_ =	sdelay $0x4  }
0x5e0: {  	v4 =	vld [tilespmem:$0x18FC0];
	v63 =	vtrunc.f32 v62;
	[tilespmem:$0x19F90] =	vst v0  }
0x5e1: {  	v0 =	vcvt.f32.s32 v63;
	v1 =	vld.idx.msk [tilespmem:v1+s5+$0x0], $0xffff;
	_ =	sdelay $0x4  }
0x5e2: {  	v6 =	vld [tilespmem:$0x18FD0];
	v5 =	vtrunc.f32 v4;
	[tilespmem:$0x19FA0] =	vst v1  }
0x5e3: {  	v1 =	vcvt.f32.s32 v5;
	v0 =	vld.idx.msk [tilespmem:v0+s5+$0x0], $0xffff;
	_ =	sdelay $0x4  }
0x5e4: {  	v8 =	vld [tilespmem:$0x18FE0];
	v7 =	vtrunc.f32 v6;
	[tilespmem:$0x19FB0] =	vst v0  }
0x5e5: {  	v0 =	vcvt.f32.s32 v7;
	v1 =	vld.idx.msk [tilespmem:v1+s5+$0x0], $0xffff;
	_ =	sdelay $0x4  }
0x5e6: {  	v10 =	vld [tilespmem:$0x18FF0];
	v9 =	vtrunc.f32 v8;
	[tilespmem:$0x19FC0] =	vst v1  }
0x5e7: {  	v1 =	vcvt.f32.s32 v9;
	v0 =	vld.idx.msk [tilespmem:v0+s5+$0x0], $0xffff;
	_ =	sdelay $0x4  }
0x5e8: {  	v12 =	vld [tilespmem:$0x19080];
	v11 =	vtrunc.f32 v10;
	[tilespmem:$0x19FD0] =	vst v0  }
0x5e9: {  	v0 =	vcvt.f32.s32 v11;
	v1 =	vld.idx.msk [tilespmem:v1+s5+$0x0], $0xffff;
	_ =	sdelay $0x4  }
0x5ea: {  	v14 =	vld [tilespmem:$0x19090];
	v13 =	vtrunc.f32 v12;
	[tilespmem:$0x19FE0] =	vst v1  }
0x5eb: {  	v1 =	vcvt.f32.s32 v13;
	v0 =	vld.idx.msk [tilespmem:v0+s5+$0x0], $0xffff;
	_ =	sdelay $0x4  }
0x5ec: {  	v16 =	vld [tilespmem:$0x190A0];
	v15 =	vtrunc.f32 v14;
	[tilespmem:$0x19FF0] =	vst v0  }
0x5ed: {  	v0 =	vcvt.f32.s32 v15;
	v1 =	vld.idx.msk [tilespmem:v1+s5+$0x0], $0xffff;
	_ =	sdelay $0x4  }
0x5ee: {  	v18 =	vld [tilespmem:$0x190B0];
	v17 =	vtrunc.f32 v16;
	[tilespmem:$0x1A080] =	vst v1  }
0x5ef: {  	v1 =	vcvt.f32.s32 v17;
	v0 =	vld.idx.msk [tilespmem:v0+s5+$0x0], $0xffff;
	_ =	sdelay $0x4  }
0x5f0: {  	v20 =	vld [tilespmem:$0x190C0];
	v19 =	vtrunc.f32 v18;
	[tilespmem:$0x1A090] =	vst v0  }
0x5f1: {  	v0 =	vcvt.f32.s32 v19;
	v1 =	vld.idx.msk [tilespmem:v1+s5+$0x0], $0xffff;
	_ =	sdelay $0x4  }
0x5f2: {  	v22 =	vld [tilespmem:$0x190D0];
	v21 =	vtrunc.f32 v20;
	[tilespmem:$0x1A0A0] =	vst v1  }
0x5f3: {  	v1 =	vcvt.f32.s32 v21;
	v0 =	vld.idx.msk [tilespmem:v0+s5+$0x0], $0xffff;
	_ =	sdelay $0x4  }
0x5f4: {  	v24 =	vld [tilespmem:$0x190E0];
	v23 =	vtrunc.f32 v22;
	[tilespmem:$0x1A0B0] =	vst v0  }
0x5f5: {  	v0 =	vcvt.f32.s32 v23;
	v1 =	vld.idx.msk [tilespmem:v1+s5+$0x0], $0xffff;
	_ =	sdelay $0x4  }
0x5f6: {  	v26 =	vld [tilespmem:$0x190F0];
	v25 =	vtrunc.f32 v24;
	[tilespmem:$0x1A0C0] =	vst v1  }
0x5f7: {  	v1 =	vcvt.f32.s32 v25;
	v0 =	vld.idx.msk [tilespmem:v0+s5+$0x0], $0xffff;
	_ =	sdelay $0x4  }
0x5f8: {  	v28 =	vld [tilespmem:$0x19180];
	v27 =	vtrunc.f32 v26;
	[tilespmem:$0x1A0D0] =	vst v0  }
0x5f9: {  	v0 =	vcvt.f32.s32 v27;
	v1 =	vld.idx.msk [tilespmem:v1+s5+$0x0], $0xffff;
	_ =	sdelay $0x4  }
0x5fa: {  	v30 =	vld [tilespmem:$0x19190];
	v29 =	vtrunc.f32 v28;
	[tilespmem:$0x1A0E0] =	vst v1  }
0x5fb: {  	v1 =	vcvt.f32.s32 v29;
	v0 =	vld.idx.msk [tilespmem:v0+s5+$0x0], $0xffff;
	_ =	sdelay $0x4  }
0x5fc: {  	v32 =	vld [tilespmem:$0x191A0];
	v31 =	vtrunc.f32 v30;
	[tilespmem:$0x1A0F0] =	vst v0  }
0x5fd: {  	v0 =	vcvt.f32.s32 v31;
	v1 =	vld.idx.msk [tilespmem:v1+s5+$0x0], $0xffff;
	_ =	sdelay $0x4  }
0x5fe: {  	v34 =	vld [tilespmem:$0x191B0];
	v33 =	vtrunc.f32 v32;
	[tilespmem:$0x1A180] =	vst v1  }
0x5ff: {  	v1 =	vcvt.f32.s32 v33;
	v0 =	vld.idx.msk [tilespmem:v0+s5+$0x0], $0xffff;
	_ =	sdelay $0x4  }
0x600: {  	v36 =	vld [tilespmem:$0x191C0];
	v35 =	vtrunc.f32 v34;
	[tilespmem:$0x1A190] =	vst v0  }
0x601: {  	v0 =	vcvt.f32.s32 v35;
	v1 =	vld.idx.msk [tilespmem:v1+s5+$0x0], $0xffff;
	_ =	sdelay $0x4  }
0x602: {  	v38 =	vld [tilespmem:$0x191D0];
	v37 =	vtrunc.f32 v36;
	[tilespmem:$0x1A1A0] =	vst v1  }
0x603: {  	v1 =	vcvt.f32.s32 v37;
	v0 =	vld.idx.msk [tilespmem:v0+s5+$0x0], $0xffff;
	_ =	sdelay $0x4  }
0x604: {  	v40 =	vld [tilespmem:$0x191E0];
	v39 =	vtrunc.f32 v38;
	[tilespmem:$0x1A1B0] =	vst v0  }
0x605: {  	v0 =	vcvt.f32.s32 v39;
	v1 =	vld.idx.msk [tilespmem:v1+s5+$0x0], $0xffff;
	_ =	sdelay $0x4  }
0x606: {  	v42 =	vld [tilespmem:$0x191F0];
	v41 =	vtrunc.f32 v40;
	[tilespmem:$0x1A1C0] =	vst v1  }
0x607: {  	v1 =	vcvt.f32.s32 v41;
	v0 =	vld.idx.msk [tilespmem:v0+s5+$0x0], $0xffff;
	_ =	sdelay $0x4  }
0x608: {  	v44 =	vld [tilespmem:$0x19280];
	v43 =	vtrunc.f32 v42;
	[tilespmem:$0x1A1D0] =	vst v0  }
0x609: {  	v0 =	vcvt.f32.s32 v43;
	v1 =	vld.idx.msk [tilespmem:v1+s5+$0x0], $0xffff;
	_ =	sdelay $0x4  }
0x60a: {  	v46 =	vld [tilespmem:$0x19290];
	v45 =	vtrunc.f32 v44;
	[tilespmem:$0x1A1E0] =	vst v1  }
0x60b: {  	v1 =	vcvt.f32.s32 v45;
	v0 =	vld.idx.msk [tilespmem:v0+s5+$0x0], $0xffff;
	_ =	sdelay $0x4  }
0x60c: {  	v48 =	vld [tilespmem:$0x192A0];
	v47 =	vtrunc.f32 v46;
	[tilespmem:$0x1A1F0] =	vst v0  }
0x60d: {  	v0 =	vcvt.f32.s32 v47;
	v1 =	vld.idx.msk [tilespmem:v1+s5+$0x0], $0xffff;
	_ =	sdelay $0x4  }
0x60e: {  	v50 =	vld [tilespmem:$0x192B0];
	v49 =	vtrunc.f32 v48;
	[tilespmem:$0x1A280] =	vst v1  }
0x60f: {  	v1 =	vcvt.f32.s32 v49;
	v0 =	vld.idx.msk [tilespmem:v0+s5+$0x0], $0xffff;
	_ =	sdelay $0x4  }
0x610: {  	v52 =	vld [tilespmem:$0x192C0];
	v51 =	vtrunc.f32 v50;
	[tilespmem:$0x1A290] =	vst v0  }
0x611: {  	v0 =	vcvt.f32.s32 v51;
	v1 =	vld.idx.msk [tilespmem:v1+s5+$0x0], $0xffff;
	_ =	sdelay $0x4  }
0x612: {  	v54 =	vld [tilespmem:$0x192D0];
	v53 =	vtrunc.f32 v52;
	[tilespmem:$0x1A2A0] =	vst v1  }
0x613: {  	v1 =	vcvt.f32.s32 v53;
	v0 =	vld.idx.msk [tilespmem:v0+s5+$0x0], $0xffff;
	_ =	sdelay $0x4  }
0x614: {  	v56 =	vld [tilespmem:$0x192E0];
	v55 =	vtrunc.f32 v54;
	[tilespmem:$0x1A2B0] =	vst v0  }
0x615: {  	v0 =	vcvt.f32.s32 v55;
	v1 =	vld.idx.msk [tilespmem:v1+s5+$0x0], $0xffff;
	_ =	sdelay $0x4  }
0x616: {  	v58 =	vld [tilespmem:$0x192F0];
	v57 =	vtrunc.f32 v56;
	[tilespmem:$0x1A2C0] =	vst v1  }
0x617: {  	v1 =	vcvt.f32.s32 v57;
	v0 =	vld.idx.msk [tilespmem:v0+s5+$0x0], $0xffff;
	_ =	sdelay $0x4  }
0x618: {  	v60 =	vld [tilespmem:$0x19380];
	v59 =	vtrunc.f32 v58;
	[tilespmem:$0x1A2D0] =	vst v0  }
0x619: {  	v0 =	vcvt.f32.s32 v59;
	v1 =	vld.idx.msk [tilespmem:v1+s5+$0x0], $0xffff;
	_ =	sdelay $0x4  }
0x61a: {  	v62 =	vld [tilespmem:$0x19390];
	v61 =	vtrunc.f32 v60;
	[tilespmem:$0x1A2E0] =	vst v1  }
0x61b: {  	v1 =	vcvt.f32.s32 v61;
	v0 =	vld.idx.msk [tilespmem:v0+s5+$0x0], $0xffff;
	_ =	sdelay $0x4  }
0x61c: {  	v4 =	vld [tilespmem:$0x193A0];
	v63 =	vtrunc.f32 v62;
	[tilespmem:$0x1A2F0] =	vst v0  }
0x61d: {  	v0 =	vcvt.f32.s32 v63;
	v1 =	vld.idx.msk [tilespmem:v1+s5+$0x0], $0xffff;
	_ =	sdelay $0x4  }
0x61e: {  	v6 =	vld [tilespmem:$0x193B0];
	v5 =	vtrunc.f32 v4;
	[tilespmem:$0x1A380] =	vst v1  }
0x61f: {  	v1 =	vcvt.f32.s32 v5;
	v0 =	vld.idx.msk [tilespmem:v0+s5+$0x0], $0xffff;
	_ =	sdelay $0x4  }
0x620: {  	v8 =	vld [tilespmem:$0x193C0];
	v7 =	vtrunc.f32 v6;
	[tilespmem:$0x1A390] =	vst v0  }
0x621: {  	v0 =	vcvt.f32.s32 v7;
	v1 =	vld.idx.msk [tilespmem:v1+s5+$0x0], $0xffff;
	_ =	sdelay $0x4  }
0x622: {  	v10 =	vld [tilespmem:$0x193D0];
	v9 =	vtrunc.f32 v8;
	[tilespmem:$0x1A3A0] =	vst v1  }
0x623: {  	v1 =	vcvt.f32.s32 v9;
	v0 =	vld.idx.msk [tilespmem:v0+s5+$0x0], $0xffff;
	_ =	sdelay $0x4  }
0x624: {  	v12 =	vld [tilespmem:$0x193E0];
	v11 =	vtrunc.f32 v10;
	[tilespmem:$0x1A3B0] =	vst v0  }
0x625: {  	v0 =	vcvt.f32.s32 v11;
	v1 =	vld.idx.msk [tilespmem:v1+s5+$0x0], $0xffff;
	_ =	sdelay $0x4  }
0x626: {  	v14 =	vld [tilespmem:$0x193F0];
	v13 =	vtrunc.f32 v12;
	[tilespmem:$0x1A3C0] =	vst v1  }
0x627: {  	v1 =	vcvt.f32.s32 v13;
	v0 =	vld.idx.msk [tilespmem:v0+s5+$0x0], $0xffff;
	_ =	sdelay $0x4  }
0x628: {  	v16 =	vld [tilespmem:$0x19480];
	v15 =	vtrunc.f32 v14;
	[tilespmem:$0x1A3D0] =	vst v0  }
0x629: {  	v0 =	vcvt.f32.s32 v15;
	v1 =	vld.idx.msk [tilespmem:v1+s5+$0x0], $0xffff;
	_ =	sdelay $0x4  }
0x62a: {  	v18 =	vld [tilespmem:$0x19490];
	v17 =	vtrunc.f32 v16;
	[tilespmem:$0x1A3E0] =	vst v1  }
0x62b: {  	v1 =	vcvt.f32.s32 v17;
	v0 =	vld.idx.msk [tilespmem:v0+s5+$0x0], $0xffff;
	_ =	sdelay $0x4  }
0x62c: {  	v20 =	vld [tilespmem:$0x194A0];
	v19 =	vtrunc.f32 v18;
	[tilespmem:$0x1A3F0] =	vst v0  }
0x62d: {  	v0 =	vcvt.f32.s32 v19;
	v1 =	vld.idx.msk [tilespmem:v1+s5+$0x0], $0xffff;
	_ =	sdelay $0x4  }
0x62e: {  	v22 =	vld [tilespmem:$0x194B0];
	v21 =	vtrunc.f32 v20;
	[tilespmem:$0x1A480] =	vst v1  }
0x62f: {  	v1 =	vcvt.f32.s32 v21;
	v0 =	vld.idx.msk [tilespmem:v0+s5+$0x0], $0xffff;
	_ =	sdelay $0x4  }
0x630: {  	v24 =	vld [tilespmem:$0x194C0];
	v23 =	vtrunc.f32 v22;
	[tilespmem:$0x1A490] =	vst v0  }
0x631: {  	v0 =	vcvt.f32.s32 v23;
	v1 =	vld.idx.msk [tilespmem:v1+s5+$0x0], $0xffff;
	_ =	sdelay $0x4  }
0x632: {  	v26 =	vld [tilespmem:$0x194D0];
	v25 =	vtrunc.f32 v24;
	[tilespmem:$0x1A4A0] =	vst v1  }
0x633: {  	v1 =	vcvt.f32.s32 v25;
	v0 =	vld.idx.msk [tilespmem:v0+s5+$0x0], $0xffff;
	_ =	sdelay $0x4  }
0x634: {  	v28 =	vld [tilespmem:$0x194E0];
	v27 =	vtrunc.f32 v26;
	[tilespmem:$0x1A4B0] =	vst v0  }
0x635: {  	v0 =	vcvt.f32.s32 v27;
	v1 =	vld.idx.msk [tilespmem:v1+s5+$0x0], $0xffff;
	_ =	sdelay $0x4  }
0x636: {  	v30 =	vld [tilespmem:$0x194F0];
	v29 =	vtrunc.f32 v28;
	[tilespmem:$0x1A4C0] =	vst v1  }
0x637: {  	v1 =	vcvt.f32.s32 v29;
	v0 =	vld.idx.msk [tilespmem:v0+s5+$0x0], $0xffff;
	_ =	sdelay $0x4  }
0x638: {  	v32 =	vld [tilespmem:$0x19580];
	v31 =	vtrunc.f32 v30;
	[tilespmem:$0x1A4D0] =	vst v0  }
0x639: {  	v0 =	vcvt.f32.s32 v31;
	v1 =	vld.idx.msk [tilespmem:v1+s5+$0x0], $0xffff;
	_ =	sdelay $0x4  }
0x63a: {  	v34 =	vld [tilespmem:$0x19590];
	v33 =	vtrunc.f32 v32;
	[tilespmem:$0x1A4E0] =	vst v1  }
0x63b: {  	v1 =	vcvt.f32.s32 v33;
	v0 =	vld.idx.msk [tilespmem:v0+s5+$0x0], $0xffff;
	_ =	sdelay $0x4  }
0x63c: {  	v36 =	vld [tilespmem:$0x195A0];
	v35 =	vtrunc.f32 v34;
	[tilespmem:$0x1A4F0] =	vst v0  }
0x63d: {  	v0 =	vcvt.f32.s32 v35;
	v1 =	vld.idx.msk [tilespmem:v1+s5+$0x0], $0xffff;
	_ =	sdelay $0x4  }
0x63e: {  	v38 =	vld [tilespmem:$0x195B0];
	v37 =	vtrunc.f32 v36;
	[tilespmem:$0x1A580] =	vst v1  }
0x63f: {  	v1 =	vcvt.f32.s32 v37;
	v0 =	vld.idx.msk [tilespmem:v0+s5+$0x0], $0xffff;
	_ =	sdelay $0x4  }
0x640: {  	v40 =	vld [tilespmem:$0x195C0];
	v39 =	vtrunc.f32 v38;
	[tilespmem:$0x1A590] =	vst v0  }
0x641: {  	v0 =	vcvt.f32.s32 v39;
	v1 =	vld.idx.msk [tilespmem:v1+s5+$0x0], $0xffff;
	_ =	sdelay $0x4  }
0x642: {  	v42 =	vld [tilespmem:$0x195D0];
	v41 =	vtrunc.f32 v40;
	[tilespmem:$0x1A5A0] =	vst v1  }
0x643: {  	v1 =	vcvt.f32.s32 v41;
	v0 =	vld.idx.msk [tilespmem:v0+s5+$0x0], $0xffff;
	_ =	sdelay $0x4  }
0x644: {  	v44 =	vld [tilespmem:$0x195E0];
	v43 =	vtrunc.f32 v42;
	[tilespmem:$0x1A5B0] =	vst v0  }
0x645: {  	v0 =	vcvt.f32.s32 v43;
	v1 =	vld.idx.msk [tilespmem:v1+s5+$0x0], $0xffff;
	_ =	sdelay $0x4  }
0x646: {  	v46 =	vld [tilespmem:$0x195F0];
	v45 =	vtrunc.f32 v44;
	[tilespmem:$0x1A5C0] =	vst v1  }
0x647: {  	v1 =	vcvt.f32.s32 v45;
	v0 =	vld.idx.msk [tilespmem:v0+s5+$0x0], $0xffff;
	_ =	sdelay $0x4  }
0x648: {  	v48 =	vld [tilespmem:$0x19680];
	v47 =	vtrunc.f32 v46;
	[tilespmem:$0x1A5D0] =	vst v0  }
0x649: {  	v0 =	vcvt.f32.s32 v47;
	v1 =	vld.idx.msk [tilespmem:v1+s5+$0x0], $0xffff;
	_ =	sdelay $0x4  }
0x64a: {  	v50 =	vld [tilespmem:$0x19690];
	v49 =	vtrunc.f32 v48;
	[tilespmem:$0x1A5E0] =	vst v1  }
0x64b: {  	v1 =	vcvt.f32.s32 v49;
	v0 =	vld.idx.msk [tilespmem:v0+s5+$0x0], $0xffff;
	_ =	sdelay $0x4  }
0x64c: {  	v52 =	vld [tilespmem:$0x196A0];
	v51 =	vtrunc.f32 v50;
	[tilespmem:$0x1A5F0] =	vst v0  }
0x64d: {  	v0 =	vcvt.f32.s32 v51;
	v1 =	vld.idx.msk [tilespmem:v1+s5+$0x0], $0xffff;
	_ =	sdelay $0x4  }
0x64e: {  	v54 =	vld [tilespmem:$0x196B0];
	v53 =	vtrunc.f32 v52;
	[tilespmem:$0x1A680] =	vst v1  }
0x64f: {  	v1 =	vcvt.f32.s32 v53;
	v0 =	vld.idx.msk [tilespmem:v0+s5+$0x0], $0xffff;
	_ =	sdelay $0x4  }
0x650: {  	v56 =	vld [tilespmem:$0x196C0];
	v55 =	vtrunc.f32 v54;
	[tilespmem:$0x1A690] =	vst v0  }
0x651: {  	v0 =	vcvt.f32.s32 v55;
	v1 =	vld.idx.msk [tilespmem:v1+s5+$0x0], $0xffff;
	_ =	sdelay $0x4  }
0x652: {  	v58 =	vld [tilespmem:$0x196D0];
	v57 =	vtrunc.f32 v56;
	[tilespmem:$0x1A6A0] =	vst v1  }
0x653: {  	v1 =	vcvt.f32.s32 v57;
	v0 =	vld.idx.msk [tilespmem:v0+s5+$0x0], $0xffff;
	_ =	sdelay $0x4  }
0x654: {  	v60 =	vld [tilespmem:$0x196E0];
	v59 =	vtrunc.f32 v58;
	[tilespmem:$0x1A6B0] =	vst v0  }
0x655: {  	v0 =	vcvt.f32.s32 v59;
	v1 =	vld.idx.msk [tilespmem:v1+s5+$0x0], $0xffff;
	_ =	sdelay $0x4  }
0x656: {  	v62 =	vld [tilespmem:$0x196F0];
	v61 =	vtrunc.f32 v60;
	[tilespmem:$0x1A6C0] =	vst v1  }
0x657: {  	v1 =	vcvt.f32.s32 v61;
	v0 =	vld.idx.msk [tilespmem:v0+s5+$0x0], $0xffff;
	_ =	sdelay $0x4  }
0x658: {  	v63 =	vtrunc.f32 v62;
	[tilespmem:$0x1A6D0] =	vst v0  }
0x659: {  	v0 =	vcvt.f32.s32 v63;
	v1 =	vld.idx.msk [tilespmem:v1+s5+$0x0], $0xffff;
	_ =	sdelay $0x4  }
0x65a: {  	[tilespmem:$0x1A6E0] =	vst v1  }
0x65b: {  	v0 =	vld.idx.msk [tilespmem:v0+s5+$0x0], $0xffff;
	_ =	sdelay $0x4  }
0x65c: {  	s11 =	simm.s32 $0x19F00;
	[tilespmem:$0x1A6F0] =	vst v0  }
0x65d: {  	[hbm4b:s2+s19] =	stream.strided.scatter [tilespmem:s11], [sflag:$0x5], $0x100, s31, s19, $0x38;
	[tilespmem:$0x1A700] =	vst v63  }
0x65e: {  	s10 =	sadd.s32 $0x80, s2;
	s11 =	simm.s32 $0x1A000  }
0x65f: {  	[hbm4b:s10+s19] =	stream.strided.scatter [tilespmem:s11], [sflag:$0x5], $0x100, s31, s19, $0x38;
	[tilespmem:$0x1A700] =	vst v63  }
0x660: {  	s10 =	sadd.s32 $0x100, s2;
	s11 =	simm.s32 $0x1A100  }
0x661: {  	[hbm4b:s10+s19] =	stream.strided.scatter [tilespmem:s11], [sflag:$0x5], $0x100, s31, s19, $0x38;
	[tilespmem:$0x1A700] =	vst v63  }
0x662: {  	s10 =	sadd.s32 $0x180, s2;
	s11 =	simm.s32 $0x1A200  }
0x663: {  	[hbm4b:s10+s19] =	stream.strided.scatter [tilespmem:s11], [sflag:$0x5], $0x100, s31, s19, $0x38;
	[tilespmem:$0x1A700] =	vst v63  }
0x664: {  	s10 =	sadd.s32 $0x200, s2;
	s11 =	simm.s32 $0x1A300  }
0x665: {  	[hbm4b:s10+s19] =	stream.strided.scatter [tilespmem:s11], [sflag:$0x5], $0x100, s31, s19, $0x38;
	[tilespmem:$0x1A700] =	vst v63  }
0x666: {  	p1 =	seq.s32 s7, $0x28000;
	s10 =	sadd.s32 $0x280, s2;
	s11 =	simm.s32 $0x1A400  }
0x667: {  	[hbm4b:s10+s19] =	stream.strided.scatter [tilespmem:s11], [sflag:$0x5], $0x100, s31, s19, $0x38;
	[tilespmem:$0x1A700] =	vst v63  }
.Ltmp6:
0x668: {  	_ = 	snop;
	(pc) =	sbr.rel @p1 .LBB2_9-.Ltmp6, $4  }
0x669: {  	s10 =	sadd.s32 $0x300, s2;
	s11 =	simm.s32 $0x1A500  }
0x66a: {  	[hbm4b:s10+s19] =	stream.strided.scatter [tilespmem:s11], [sflag:$0x5], $0x100, s31, s19, $0x38;
	[tilespmem:$0x1A700] =	vst v63  }
0x66b: {  	s10 =	sadd.s32 $0x380, s2;
	s11 =	simm.s32 $0x1A600  }
0x66c: {  	[hbm4b:s10+s19] =	stream.strided.scatter [tilespmem:s11], [sflag:$0x5], $0x100, s31, s19, $0x38;
	[tilespmem:$0x1A700] =	vst v63  }
0x66d: {  	s10 =	sadd.s32 s7, s18  }
0x66e: {  	[tilespmem:s12], [sflag:$0x3] =	stream.strided.gather [hbm4b:s10+s19], $0x100, s20, s19, $0x38;
	[tilespmem:$0x1A700] =	vst v63  }
0x66f: {  	s11 =	sadd.s32 $0x80, s10  }
0x670: {  	[tilespmem:s6], [sflag:$0x3] =	stream.strided.gather [hbm4b:s11+s19], $0x100, s20, s19, $0x38;
	[tilespmem:$0x1A700] =	vst v63  }
0x671: {  	s23 =	sadd.s32 $0x100, s10  }
0x672: {  	[tilespmem:s13], [sflag:$0x3] =	stream.strided.gather [hbm4b:s23+s19], $0x100, s20, s19, $0x38;
	[tilespmem:$0x1A700] =	vst v63  }
0x673: {  	s23 =	sadd.s32 $0x180, s10  }
0x674: {  	[tilespmem:s1], [sflag:$0x3] =	stream.strided.gather [hbm4b:s23+s19], $0x100, s20, s19, $0x38;
	[tilespmem:$0x1A700] =	vst v63  }
0x675: {  	s23 =	sadd.s32 $0x200, s10  }
0x676: {  	[tilespmem:s4], [sflag:$0x3] =	stream.strided.gather [hbm4b:s23+s19], $0x100, s20, s19, $0x38;
	[tilespmem:$0x1A700] =	vst v63  }
0x677: {  	s23 =	sadd.s32 $0x280, s10  }
0x678: {  	[tilespmem:s8], [sflag:$0x3] =	stream.strided.gather [hbm4b:s23+s19], $0x100, s20, s19, $0x38;
	[tilespmem:$0x1A700] =	vst v63  }
.Ltmp7:
0x679: {  	_ = 	snop;
	(pc) =	sbr.rel .LBB2_7-.Ltmp7, $4  }
0x67a: {  	s7 =	sadd.s32 $0x4000, s7;
	s23 =	sadd.s32 $0x300, s10  }
0x67b: {  	[tilespmem:s21], [sflag:$0x3] =	stream.strided.gather [hbm4b:s23+s19], $0x100, s20, s19, $0x38;
	[tilespmem:$0x1A700] =	vst v63  }
0x67c: {  	s0 =	sadd.s32 $0x69000, s0;
	s2 =	sadd.s32 $0x69000, s2;
	s10 =	sadd.s32 $0x380, s10  }
0x67d: {  	[tilespmem:s22], [sflag:$0x3] =	stream.strided.gather [hbm4b:s10+s19], $0x100, s20, s19, $0x38;
	[tilespmem:$0x1A700] =	vst v63  }
.LBB2_11:
0x67e: {  	_ =	sfence.sel $0x180000  }
0x67f: {  	[bflag:$0x0] =	sbarrier.arrive $0xFFFF  }
0x680: {  	_ =	strace $0x90000047  }
0x681: {  	s0 =	stileid.u32;
	[bflag:$0x2] =	sbarrier.arrive $0xFFFF  }
0x682: {  	p0 =	sne.s32 s0, $0x0;
	s0 =	rddreg [dreg:$0x3]  }
0x683: {  	s0 =	sadd.s32 @!p0 $0x100000, s0  }
0x684: {  	[sflag:s0] =	ssyncadd.tile.s32 @!p0 $0x1;
	_ =	shalt  }
.Lfunc_end2:
_tile_overlayer_lowered:
.L_overlay_start_2:
0x685: {  	(tag) =	ssettag $0x2  }
0x686: {  	s0 =	rddreg [dreg:$0x0];
	s2 =	stileid.u32  }
0x687: {  	s1 =	rddreg [dreg:$0x1];
	p0 =	sne.s32 s2, $0x0  }
0x688: {  	s3 =	rddreg [dreg:$0x2];
	[bflag:$0x3] =	sbarrier.arrive $0xFFFF;
	s2 =	simm.s32 @!p0 $0x1C06  }
0x689: {  	[timem:s3], [sflag:s2] =	dma.local @!p0 [hbm:s0], s1  }
0x68a: {  	s0 =	simm.s32 @!p0 $0x6  }
0x68b: {  	_ =	swait.ge @!p0 [sflag:s0], s1  }
0x68c: {  	s1 =	ssub.s32 @!p0 $0x0, s1;
	[sflag:s0] =	ssyncset.done @!p0 $0x0  }
0x68d: {  	[sflag:s0] =	ssyncadd.s32 @!p0 s1  }
0x68e: {  	[bflag:$0x3] =	sbarrier.arrive $0xFFFF  }
0x68f: {  	_ =	shalt  }

</sc_bundles>
